<compile_context>
chip_gen: v7x
topology: tpu7x:2x2x1
jax: 0.10.2.dev20260603
libtpu: 0.0.44.dev20260713+nightly
codegen_flags: <defaults>
</compile_context>

<pallas_src>
import functools

import jax
import jax.numpy as jnp
from jax import lax
from jax.experimental import pallas as pl
from jax.experimental.pallas import tpu as pltpu
from jax.experimental.pallas import tpu_sc as plsc

B, S, D = 4, 4096, 1024
SC_S = 1024
TC_S = S - SC_S
NC, NS = 2, 16
NW = NC * NS
ROWS_PER_W = SC_S // NW
R = 16
CHUNKS = ROWS_PER_W // R
NBUF = 4
T = CHUNKS * B

_mesh = plsc.VectorSubcoreMesh(core_axis_name="c", subcore_axis_name="s")


@functools.partial(
    pl.kernel,
    out_type=jax.ShapeDtypeStruct((B, SC_S, D), jnp.float32),
    mesh=_mesh,
    scratch_types=[
        pltpu.VMEM((2, R, D), jnp.float32),
        pltpu.VMEM((NBUF, R, D), jnp.float32),
        pltpu.SemaphoreType.DMA((2,)),
        pltpu.SemaphoreType.DMA((NBUF,)),
        pltpu.SemaphoreType.DMA((NBUF,)),
    ],
)
def _sc_add(in_hbm, emb_hbm, out_hbm, emb_v, buf_v, emb_sem, in_sem, out_sem):
    wid = lax.axis_index("s") * NC + lax.axis_index("c")
    row_base = wid * ROWS_PER_W

    def emb_copy(c):
        return pltpu.make_async_copy(
            emb_hbm.at[pl.ds(TC_S + row_base + c * R, R)],
            emb_v.at[c % 2], emb_sem.at[c % 2])

    def in_copy(t):
        c, b = divmod(t, B)
        return pltpu.make_async_copy(
            in_hbm.at[b, pl.ds(TC_S + row_base + c * R, R)],
            buf_v.at[t % NBUF], in_sem.at[t % NBUF])

    def out_copy(t):
        c, b = divmod(t, B)
        return pltpu.make_async_copy(
            buf_v.at[t % NBUF],
            out_hbm.at[b, pl.ds(row_base + c * R, R)],
            out_sem.at[t % NBUF])

    emb_copy(0).start()
    in_copy(0).start()
    in_copy(1).start()

    for t in range(T):
        c, b = divmod(t, B)
        if b == 0:
            emb_copy(c).wait()
            if c + 1 < CHUNKS:
                emb_copy(c + 1).start()
        in_copy(t).wait()
        if t + 2 < T:
            if t - 2 >= 0:
                out_copy(t - 2).wait()
            in_copy(t + 2).start()

        buf = buf_v.at[t % NBUF]
        emb = emb_v.at[c % 2]

        @plsc.parallel_loop(0, D, step=16)
        def add_body(o):
            for r in range(R):
                plsc.addupdate(buf.at[r, pl.ds(o, 16)], emb[r, pl.ds(o, 16)])

        out_copy(t).start()

    out_copy(T - 2).wait()
    out_copy(T - 1).wait()


BLK = 256

def _tc_body(in_ref, emb_ref, out_ref):
    out_ref[...] = in_ref[...] + emb_ref[None]


_tc_add = pl.pallas_call(
    _tc_body,
    out_shape=jax.ShapeDtypeStruct((B, TC_S, D), jnp.float32),
    grid=(TC_S // BLK,),
    in_specs=[
        pl.BlockSpec((B, BLK, D), lambda s: (0, s, 0)),
        pl.BlockSpec((BLK, D), lambda s: (s, 0)),
    ],
    out_specs=pl.BlockSpec((B, BLK, D), lambda s: (0, s, 0)),
)


def kernel(inputs, embedding):
    sc = _sc_add(inputs, embedding)
    tc = _tc_add(inputs, embedding)
    return tc, sc

# --- scband reference (transcript-rebuilt; emitter-appended) ---
"""Pipeline reference for scband-position-embedding-87780541595794 (READ-ONLY COPY).

The authoritative reference and input builder live on the scoring server;
editing this copy changes nothing except your own understanding.
"""

import jax, jax.numpy as jnp
import numpy as np

INPUT_DIM = 4096
OUTPUT_DIM = 1024

def setup_inputs(seed: int = 0) -> dict:
    key = jax.random.key(seed)
    k1, k2 = jax.random.split(key)
    inputs = jax.random.normal(k1, (4, 4096, 1024), dtype=jnp.float32)
    # learned position embedding table; original default init is zeros, but use
    # small random values so the op is numerically non-trivial
    embedding = jax.random.normal(k2, (INPUT_DIM, OUTPUT_DIM), dtype=jnp.float32) * 0.02
    return {"inputs": inputs, "embedding": embedding}

def reference(inputs, embedding):
    seq_len = inputs.shape[1]
    pos_embeddings = embedding[:seq_len]            # slice (gather of first seq_len rows)
    pos_embeddings = jnp.expand_dims(pos_embeddings, 0)  # [1, S, D]
    return inputs + pos_embeddings                  # broadcast add over batch

if __name__ == "__main__":
    import jax
    _d = setup_inputs()
    print(jax.jit(kernel)(*tuple(_d.values())))

</pallas_src>

<mosaic_0001>
#map = affine_map<(d0, d1) -> (0, 0, 0)>
#map1 = affine_map<(d0, d1) -> (0, 0)>
module attributes {stable_mosaic.version = 14 : i64} {
  func.func @_sc_add(%arg0: i32, %arg1: i32, %arg2: memref<4x4096x1024xf32, #tpu.memory_space<hbm>>, %arg3: memref<4096x1024xf32, #tpu.memory_space<hbm>>, %arg4: memref<4x1024x1024xf32, #tpu.memory_space<hbm>>, %arg5: memref<2x16x1024xf32, #tpu.memory_space<vmem>>, %arg6: memref<4x16x1024xf32, #tpu.memory_space<vmem>>, %arg7: memref<2x!tpu.dma_semaphore, #tpu.memory_space<semaphore_mem>>, %arg8: memref<4x!tpu.dma_semaphore, #tpu.memory_space<semaphore_mem>>, %arg9: memref<4x!tpu.dma_semaphore, #tpu.memory_space<semaphore_mem>>) attributes {dimension_semantics = [#tpu.dimension_semantics<core_parallel>, #tpu.dimension_semantics<subcore_parallel>], iteration_bounds = array<i64: 2, 16>, scalar_prefetch = 0 : i64, scratch_operands = 5 : i64, tpu.core_type = #tpu.core_type<sc_vector_subcore>, window_params = [{transform_indices = #map}, {transform_indices = #map1}, {transform_indices = #map}]} {
    %mul3A = arith.constant 2 : i32
    %mul3A_0 = arith.muli %arg1, %mul3A : i32
    %add3A = arith.addi %mul3A_0, %arg0 : i32
    %mul3A_1 = arith.constant 32 : i32
    %mul3A_2 = arith.muli %add3A, %mul3A_1 : i32
    %add3A_3 = arith.constant 3072 : i32
    %add3A_4 = arith.addi %add3A_3, %mul3A_2 : i32
    %add3A_5 = arith.constant 0 : i32
    %add3A_6 = arith.addi %add3A_4, %add3A_5 : i32
    %dma_start3A = arith.constant 0 : i32
    %dma_start3A_7 = arith.constant 0 : i32
    %dma_start3A_8 = arith.constant 0 : i32
    %dma_start3A_9 = arith.constant 0 : i32
    %dma_start3A_10 = tpu.memref_slice %arg5[%dma_start3A, %dma_start3A_8, %dma_start3A_9] : memref<2x16x1024xf32, #tpu.memory_space<vmem>> -> memref<1x16x1024xf32, #tpu.memory_space<vmem>>
    %dma_start3A_11 = tpu.memref_squeeze %dma_start3A_10 : memref<1x16x1024xf32, #tpu.memory_space<vmem>> -> memref<16x1024xf32, #tpu.memory_space<vmem>>
    %dma_start3A_12 = arith.constant 0 : i32
    %dma_start3A_13 = tpu.memref_slice %arg3[%add3A_6, %dma_start3A_12] : memref<4096x1024xf32, #tpu.memory_space<hbm>> -> memref<16x1024xf32, #tpu.memory_space<hbm>>
    %dma_start3A_14 = tpu.memref_slice %arg7[%dma_start3A_7] : memref<2x!tpu.dma_semaphore, #tpu.memory_space<semaphore_mem>> -> memref<1x!tpu.dma_semaphore, #tpu.memory_space<semaphore_mem>>
    %dma_start3A_15 = tpu.memref_squeeze %dma_start3A_14 : memref<1x!tpu.dma_semaphore, #tpu.memory_space<semaphore_mem>> -> memref<!tpu.dma_semaphore, #tpu.memory_space<semaphore_mem>>
    %dma_start3A_16 = arith.constant 0 : i32
    %dma_start3A_17 = arith.constant 0 : i32
    %dma_start3A_18 = tpu.memref_slice %arg5[%dma_start3A, %dma_start3A_16, %dma_start3A_17] : memref<2x16x1024xf32, #tpu.memory_space<vmem>> -> memref<1x16x1024xf32, #tpu.memory_space<vmem>>
    %dma_start3A_19 = tpu.memref_squeeze %dma_start3A_18 : memref<1x16x1024xf32, #tpu.memory_space<vmem>> -> memref<16x1024xf32, #tpu.memory_space<vmem>>
    %dma_start3A_20 = arith.constant 0 : i32
    %dma_start3A_21 = tpu.memref_slice %arg3[%add3A_6, %dma_start3A_20] : memref<4096x1024xf32, #tpu.memory_space<hbm>> -> memref<16x1024xf32, #tpu.memory_space<hbm>>
    tpu.enqueue_dma source(%dma_start3A_21 : memref<16x1024xf32, #tpu.memory_space<hbm>>) target(%dma_start3A_19 : memref<16x1024xf32, #tpu.memory_space<vmem>>) target_semaphore(%dma_start3A_15 : memref<!tpu.dma_semaphore, #tpu.memory_space<semaphore_mem>>)
    %add3A_22 = arith.constant 3072 : i32
    %add3A_23 = arith.addi %add3A_22, %mul3A_2 : i32
    %add3A_24 = arith.constant 0 : i32
    %add3A_25 = arith.addi %add3A_23, %add3A_24 : i32
    %dma_start3A_26 = arith.constant 0 : i32
    %dma_start3A_27 = arith.constant 0 : i32
    %dma_start3A_28 = arith.constant 0 : i32
    %dma_start3A_29 = arith.constant 0 : i32
    %dma_start3A_30 = arith.constant 0 : i32
    %dma_start3A_31 = tpu.memref_slice %arg6[%dma_start3A_27, %dma_start3A_29, %dma_start3A_30] : memref<4x16x1024xf32, #tpu.memory_space<vmem>> -> memref<1x16x1024xf32, #tpu.memory_space<vmem>>
    %dma_start3A_32 = tpu.memref_squeeze %dma_start3A_31 : memref<1x16x1024xf32, #tpu.memory_space<vmem>> -> memref<16x1024xf32, #tpu.memory_space<vmem>>
    %dma_start3A_33 = arith.constant 0 : i32
    %dma_start3A_34 = tpu.memref_slice %arg2[%dma_start3A_26, %add3A_25, %dma_start3A_33] : memref<4x4096x1024xf32, #tpu.memory_space<hbm>> -> memref<1x16x1024xf32, #tpu.memory_space<hbm>>
    %dma_start3A_35 = tpu.memref_squeeze %dma_start3A_34 : memref<1x16x1024xf32, #tpu.memory_space<hbm>> -> memref<16x1024xf32, #tpu.memory_space<hbm>>
    %dma_start3A_36 = tpu.memref_slice %arg8[%dma_start3A_28] : memref<4x!tpu.dma_semaphore, #tpu.memory_space<semaphore_mem>> -> memref<1x!tpu.dma_semaphore, #tpu.memory_space<semaphore_mem>>
    %dma_start3A_37 = tpu.memref_squeeze %dma_start3A_36 : memref<1x!tpu.dma_semaphore, #tpu.memory_space<semaphore_mem>> -> memref<!tpu.dma_semaphore, #tpu.memory_space<semaphore_mem>>
    %dma_start3A_38 = arith.constant 0 : i32
    %dma_start3A_39 = arith.constant 0 : i32
    %dma_start3A_40 = tpu.memref_slice %arg6[%dma_start3A_27, %dma_start3A_38, %dma_start3A_39] : memref<4x16x1024xf32, #tpu.memory_space<vmem>> -> memref<1x16x1024xf32, #tpu.memory_space<vmem>>
    %dma_start3A_41 = tpu.memref_squeeze %dma_start3A_40 : memref<1x16x1024xf32, #tpu.memory_space<vmem>> -> memref<16x1024xf32, #tpu.memory_space<vmem>>
    %dma_start3A_42 = arith.constant 0 : i32
    %dma_start3A_43 = tpu.memref_slice %arg2[%dma_start3A_26, %add3A_25, %dma_start3A_42] : memref<4x4096x1024xf32, #tpu.memory_space<hbm>> -> memref<1x16x1024xf32, #tpu.memory_space<hbm>>
    %dma_start3A_44 = tpu.memref_squeeze %dma_start3A_43 : memref<1x16x1024xf32, #tpu.memory_space<hbm>> -> memref<16x1024xf32, #tpu.memory_space<hbm>>
    tpu.enqueue_dma source(%dma_start3A_44 : memref<16x1024xf32, #tpu.memory_space<hbm>>) target(%dma_start3A_41 : memref<16x1024xf32, #tpu.memory_space<vmem>>) target_semaphore(%dma_start3A_37 : memref<!tpu.dma_semaphore, #tpu.memory_space<semaphore_mem>>)
    %add3A_45 = arith.constant 3072 : i32
    %add3A_46 = arith.addi %add3A_45, %mul3A_2 : i32
    %add3A_47 = arith.constant 0 : i32
    %add3A_48 = arith.addi %add3A_46, %add3A_47 : i32
    %dma_start3A_49 = arith.constant 1 : i32
    %dma_start3A_50 = arith.constant 1 : i32
    %dma_start3A_51 = arith.constant 1 : i32
    %dma_start3A_52 = arith.constant 0 : i32
    %dma_start3A_53 = arith.constant 0 : i32
    %dma_start3A_54 = tpu.memref_slice %arg6[%dma_start3A_50, %dma_start3A_52, %dma_start3A_53] : memref<4x16x1024xf32, #tpu.memory_space<vmem>> -> memref<1x16x1024xf32, #tpu.memory_space<vmem>>
    %dma_start3A_55 = tpu.memref_squeeze %dma_start3A_54 : memref<1x16x1024xf32, #tpu.memory_space<vmem>> -> memref<16x1024xf32, #tpu.memory_space<vmem>>
    %dma_start3A_56 = arith.constant 0 : i32
    %dma_start3A_57 = tpu.memref_slice %arg2[%dma_start3A_49, %add3A_48, %dma_start3A_56] : memref<4x4096x1024xf32, #tpu.memory_space<hbm>> -> memref<1x16x1024xf32, #tpu.memory_space<hbm>>
    %dma_start3A_58 = tpu.memref_squeeze %dma_start3A_57 : memref<1x16x1024xf32, #tpu.memory_space<hbm>> -> memref<16x1024xf32, #tpu.memory_space<hbm>>
    %dma_start3A_59 = tpu.memref_slice %arg8[%dma_start3A_51] : memref<4x!tpu.dma_semaphore, #tpu.memory_space<semaphore_mem>> -> memref<1x!tpu.dma_semaphore, #tpu.memory_space<semaphore_mem>>
    %dma_start3A_60 = tpu.memref_squeeze %dma_start3A_59 : memref<1x!tpu.dma_semaphore, #tpu.memory_space<semaphore_mem>> -> memref<!tpu.dma_semaphore, #tpu.memory_space<semaphore_mem>>
    %dma_start3A_61 = arith.constant 0 : i32
    %dma_start3A_62 = arith.constant 0 : i32
    %dma_start3A_63 = tpu.memref_slice %arg6[%dma_start3A_50, %dma_start3A_61, %dma_start3A_62] : memref<4x16x1024xf32, #tpu.memory_space<vmem>> -> memref<1x16x1024xf32, #tpu.memory_space<vmem>>
    %dma_start3A_64 = tpu.memref_squeeze %dma_start3A_63 : memref<1x16x1024xf32, #tpu.memory_space<vmem>> -> memref<16x1024xf32, #tpu.memory_space<vmem>>
    %dma_start3A_65 = arith.constant 0 : i32
    %dma_start3A_66 = tpu.memref_slice %arg2[%dma_start3A_49, %add3A_48, %dma_start3A_65] : memref<4x4096x1024xf32, #tpu.memory_space<hbm>> -> memref<1x16x1024xf32, #tpu.memory_space<hbm>>
    %dma_start3A_67 = tpu.memref_squeeze %dma_start3A_66 : memref<1x16x1024xf32, #tpu.memory_space<hbm>> -> memref<16x1024xf32, #tpu.memory_space<hbm>>
    tpu.enqueue_dma source(%dma_start3A_67 : memref<16x1024xf32, #tpu.memory_space<hbm>>) target(%dma_start3A_64 : memref<16x1024xf32, #tpu.memory_space<vmem>>) target_semaphore(%dma_start3A_60 : memref<!tpu.dma_semaphore, #tpu.memory_space<semaphore_mem>>)
    %add3A_68 = arith.constant 3072 : i32
    %add3A_69 = arith.addi %add3A_68, %mul3A_2 : i32
    %add3A_70 = arith.constant 0 : i32
    %add3A_71 = arith.addi %add3A_69, %add3A_70 : i32
    %dma_wait3A = arith.constant 0 : i32
    %dma_wait3A_72 = arith.constant 0 : i32
    %dma_wait3A_73 = arith.constant 0 : i32
    %dma_wait3A_74 = arith.constant 0 : i32
    %dma_wait3A_75 = tpu.memref_slice %arg5[%dma_wait3A, %dma_wait3A_73, %dma_wait3A_74] : memref<2x16x1024xf32, #tpu.memory_space<vmem>> -> memref<1x16x1024xf32, #tpu.memory_space<vmem>>
    %dma_wait3A_76 = tpu.memref_squeeze %dma_wait3A_75 : memref<1x16x1024xf32, #tpu.memory_space<vmem>> -> memref<16x1024xf32, #tpu.memory_space<vmem>>
    %dma_wait3A_77 = arith.constant 0 : i32
    %dma_wait3A_78 = tpu.memref_slice %arg3[%add3A_71, %dma_wait3A_77] : memref<4096x1024xf32, #tpu.memory_space<hbm>> -> memref<16x1024xf32, #tpu.memory_space<hbm>>
    %dma_wait3A_79 = tpu.memref_slice %arg7[%dma_wait3A_72] : memref<2x!tpu.dma_semaphore, #tpu.memory_space<semaphore_mem>> -> memref<1x!tpu.dma_semaphore, #tpu.memory_space<semaphore_mem>>
    %dma_wait3A_80 = tpu.memref_squeeze %dma_wait3A_79 : memref<1x!tpu.dma_semaphore, #tpu.memory_space<semaphore_mem>> -> memref<!tpu.dma_semaphore, #tpu.memory_space<semaphore_mem>>
    %dma_wait3A_81 = arith.constant 0 : i32
    %dma_wait3A_82 = arith.constant 0 : i32
    %dma_wait3A_83 = tpu.memref_slice %arg5[%dma_wait3A, %dma_wait3A_81, %dma_wait3A_82] : memref<2x16x1024xf32, #tpu.memory_space<vmem>> -> memref<1x16x1024xf32, #tpu.memory_space<vmem>>
    %dma_wait3A_84 = tpu.memref_squeeze %dma_wait3A_83 : memref<1x16x1024xf32, #tpu.memory_space<vmem>> -> memref<16x1024xf32, #tpu.memory_space<vmem>>
    %dma_wait3A_85 = arith.constant 0 : i32
    %dma_wait3A_86 = tpu.memref_slice %arg3[%add3A_71, %dma_wait3A_85] : memref<4096x1024xf32, #tpu.memory_space<hbm>> -> memref<16x1024xf32, #tpu.memory_space<hbm>>
    tpu.wait_dma2 semaphore(%dma_wait3A_80 : memref<!tpu.dma_semaphore, #tpu.memory_space<semaphore_mem>>) src(%dma_wait3A_86 : memref<16x1024xf32, #tpu.memory_space<hbm>>) dst(%dma_wait3A_84 : memref<16x1024xf32, #tpu.memory_space<vmem>>)
    %add3A_87 = arith.constant 3072 : i32
    %add3A_88 = arith.addi %add3A_87, %mul3A_2 : i32
    %add3A_89 = arith.constant 16 : i32
    %add3A_90 = arith.addi %add3A_88, %add3A_89 : i32
    %dma_start3A_91 = arith.constant 1 : i32
    %dma_start3A_92 = arith.constant 1 : i32
    %dma_start3A_93 = arith.constant 0 : i32
    %dma_start3A_94 = arith.constant 0 : i32
    %dma_start3A_95 = tpu.memref_slice %arg5[%dma_start3A_91, %dma_start3A_93, %dma_start3A_94] : memref<2x16x1024xf32, #tpu.memory_space<vmem>> -> memref<1x16x1024xf32, #tpu.memory_space<vmem>>
    %dma_start3A_96 = tpu.memref_squeeze %dma_start3A_95 : memref<1x16x1024xf32, #tpu.memory_space<vmem>> -> memref<16x1024xf32, #tpu.memory_space<vmem>>
    %dma_start3A_97 = arith.constant 0 : i32
    %dma_start3A_98 = tpu.memref_slice %arg3[%add3A_90, %dma_start3A_97] : memref<4096x1024xf32, #tpu.memory_space<hbm>> -> memref<16x1024xf32, #tpu.memory_space<hbm>>
    %dma_start3A_99 = tpu.memref_slice %arg7[%dma_start3A_92] : memref<2x!tpu.dma_semaphore, #tpu.memory_space<semaphore_mem>> -> memref<1x!tpu.dma_semaphore, #tpu.memory_space<semaphore_mem>>
    %dma_start3A_100 = tpu.memref_squeeze %dma_start3A_99 : memref<1x!tpu.dma_semaphore, #tpu.memory_space<semaphore_mem>> -> memref<!tpu.dma_semaphore, #tpu.memory_space<semaphore_mem>>
    %dma_start3A_101 = arith.constant 0 : i32
    %dma_start3A_102 = arith.constant 0 : i32
    %dma_start3A_103 = tpu.memref_slice %arg5[%dma_start3A_91, %dma_start3A_101, %dma_start3A_102] : memref<2x16x1024xf32, #tpu.memory_space<vmem>> -> memref<1x16x1024xf32, #tpu.memory_space<vmem>>
    %dma_start3A_104 = tpu.memref_squeeze %dma_start3A_103 : memref<1x16x1024xf32, #tpu.memory_space<vmem>> -> memref<16x1024xf32, #tpu.memory_space<vmem>>
    %dma_start3A_105 = arith.constant 0 : i32
    %dma_start3A_106 = tpu.memref_slice %arg3[%add3A_90, %dma_start3A_105] : memref<4096x1024xf32, #tpu.memory_space<hbm>> -> memref<16x1024xf32, #tpu.memory_space<hbm>>
    tpu.enqueue_dma source(%dma_start3A_106 : memref<16x1024xf32, #tpu.memory_space<hbm>>) target(%dma_start3A_104 : memref<16x1024xf32, #tpu.memory_space<vmem>>) target_semaphore(%dma_start3A_100 : memref<!tpu.dma_semaphore, #tpu.memory_space<semaphore_mem>>)
    %add3A_107 = arith.constant 3072 : i32
    %add3A_108 = arith.addi %add3A_107, %mul3A_2 : i32
    %add3A_109 = arith.constant 0 : i32
    %add3A_110 = arith.addi %add3A_108, %add3A_109 : i32
    %dma_wait3A_111 = arith.constant 0 : i32
    %dma_wait3A_112 = arith.constant 0 : i32
    %dma_wait3A_113 = arith.constant 0 : i32
    %dma_wait3A_114 = arith.constant 0 : i32
    %dma_wait3A_115 = arith.constant 0 : i32
    %dma_wait3A_116 = tpu.memref_slice %arg6[%dma_wait3A_112, %dma_wait3A_114, %dma_wait3A_115] : memref<4x16x1024xf32, #tpu.memory_space<vmem>> -> memref<1x16x1024xf32, #tpu.memory_space<vmem>>
    %dma_wait3A_117 = tpu.memref_squeeze %dma_wait3A_116 : memref<1x16x1024xf32, #tpu.memory_space<vmem>> -> memref<16x1024xf32, #tpu.memory_space<vmem>>
    %dma_wait3A_118 = arith.constant 0 : i32
    %dma_wait3A_119 = tpu.memref_slice %arg2[%dma_wait3A_111, %add3A_110, %dma_wait3A_118] : memref<4x4096x1024xf32, #tpu.memory_space<hbm>> -> memref<1x16x1024xf32, #tpu.memory_space<hbm>>
    %dma_wait3A_120 = tpu.memref_squeeze %dma_wait3A_119 : memref<1x16x1024xf32, #tpu.memory_space<hbm>> -> memref<16x1024xf32, #tpu.memory_space<hbm>>
    %dma_wait3A_121 = tpu.memref_slice %arg8[%dma_wait3A_113] : memref<4x!tpu.dma_semaphore, #tpu.memory_space<semaphore_mem>> -> memref<1x!tpu.dma_semaphore, #tpu.memory_space<semaphore_mem>>
    %dma_wait3A_122 = tpu.memref_squeeze %dma_wait3A_121 : memref<1x!tpu.dma_semaphore, #tpu.memory_space<semaphore_mem>> -> memref<!tpu.dma_semaphore, #tpu.memory_space<semaphore_mem>>
    %dma_wait3A_123 = arith.constant 0 : i32
    %dma_wait3A_124 = arith.constant 0 : i32
    %dma_wait3A_125 = tpu.memref_slice %arg6[%dma_wait3A_112, %dma_wait3A_123, %dma_wait3A_124] : memref<4x16x1024xf32, #tpu.memory_space<vmem>> -> memref<1x16x1024xf32, #tpu.memory_space<vmem>>
    %dma_wait3A_126 = tpu.memref_squeeze %dma_wait3A_125 : memref<1x16x1024xf32, #tpu.memory_space<vmem>> -> memref<16x1024xf32, #tpu.memory_space<vmem>>
    %dma_wait3A_127 = arith.constant 0 : i32
    %dma_wait3A_128 = tpu.memref_slice %arg2[%dma_wait3A_111, %add3A_110, %dma_wait3A_127] : memref<4x4096x1024xf32, #tpu.memory_space<hbm>> -> memref<1x16x1024xf32, #tpu.memory_space<hbm>>
    %dma_wait3A_129 = tpu.memref_squeeze %dma_wait3A_128 : memref<1x16x1024xf32, #tpu.memory_space<hbm>> -> memref<16x1024xf32, #tpu.memory_space<hbm>>
    tpu.wait_dma2 semaphore(%dma_wait3A_122 : memref<!tpu.dma_semaphore, #tpu.memory_space<semaphore_mem>>) src(%dma_wait3A_129 : memref<16x1024xf32, #tpu.memory_space<hbm>>) dst(%dma_wait3A_126 : memref<16x1024xf32, #tpu.memory_space<vmem>>)
    %add3A_130 = arith.constant 3072 : i32
    %add3A_131 = arith.addi %add3A_130, %mul3A_2 : i32
    %add3A_132 = arith.constant 0 : i32
    %add3A_133 = arith.addi %add3A_131, %add3A_132 : i32
    %dma_start3A_134 = arith.constant 2 : i32
    %dma_start3A_135 = arith.constant 2 : i32
    %dma_start3A_136 = arith.constant 2 : i32
    %dma_start3A_137 = arith.constant 0 : i32
    %dma_start3A_138 = arith.constant 0 : i32
    %dma_start3A_139 = tpu.memref_slice %arg6[%dma_start3A_135, %dma_start3A_137, %dma_start3A_138] : memref<4x16x1024xf32, #tpu.memory_space<vmem>> -> memref<1x16x1024xf32, #tpu.memory_space<vmem>>
    %dma_start3A_140 = tpu.memref_squeeze %dma_start3A_139 : memref<1x16x1024xf32, #tpu.memory_space<vmem>> -> memref<16x1024xf32, #tpu.memory_space<vmem>>
    %dma_start3A_141 = arith.constant 0 : i32
    %dma_start3A_142 = tpu.memref_slice %arg2[%dma_start3A_134, %add3A_133, %dma_start3A_141] : memref<4x4096x1024xf32, #tpu.memory_space<hbm>> -> memref<1x16x1024xf32, #tpu.memory_space<hbm>>
    %dma_start3A_143 = tpu.memref_squeeze %dma_start3A_142 : memref<1x16x1024xf32, #tpu.memory_space<hbm>> -> memref<16x1024xf32, #tpu.memory_space<hbm>>
    %dma_start3A_144 = tpu.memref_slice %arg8[%dma_start3A_136] : memref<4x!tpu.dma_semaphore, #tpu.memory_space<semaphore_mem>> -> memref<1x!tpu.dma_semaphore, #tpu.memory_space<semaphore_mem>>
    %dma_start3A_145 = tpu.memref_squeeze %dma_start3A_144 : memref<1x!tpu.dma_semaphore, #tpu.memory_space<semaphore_mem>> -> memref<!tpu.dma_semaphore, #tpu.memory_space<semaphore_mem>>
    %dma_start3A_146 = arith.constant 0 : i32
    %dma_start3A_147 = arith.constant 0 : i32
    %dma_start3A_148 = tpu.memref_slice %arg6[%dma_start3A_135, %dma_start3A_146, %dma_start3A_147] : memref<4x16x1024xf32, #tpu.memory_space<vmem>> -> memref<1x16x1024xf32, #tpu.memory_space<vmem>>
    %dma_start3A_149 = tpu.memref_squeeze %dma_start3A_148 : memref<1x16x1024xf32, #tpu.memory_space<vmem>> -> memref<16x1024xf32, #tpu.memory_space<vmem>>
    %dma_start3A_150 = arith.constant 0 : i32
    %dma_start3A_151 = tpu.memref_slice %arg2[%dma_start3A_134, %add3A_133, %dma_start3A_150] : memref<4x4096x1024xf32, #tpu.memory_space<hbm>> -> memref<1x16x1024xf32, #tpu.memory_space<hbm>>
    %dma_start3A_152 = tpu.memref_squeeze %dma_start3A_151 : memref<1x16x1024xf32, #tpu.memory_space<hbm>> -> memref<16x1024xf32, #tpu.memory_space<hbm>>
    tpu.enqueue_dma source(%dma_start3A_152 : memref<16x1024xf32, #tpu.memory_space<hbm>>) target(%dma_start3A_149 : memref<16x1024xf32, #tpu.memory_space<vmem>>) target_semaphore(%dma_start3A_145 : memref<!tpu.dma_semaphore, #tpu.memory_space<semaphore_mem>>)
    %parallel_loop3A = arith.constant 0 : i32
    %parallel_loop3A_153 = arith.constant 1024 : i32
    %parallel_loop3A_154 = arith.constant 16 : i32
    %parallel_loop3A_155 = arith.constant 0 : i32
    %parallel_loop3A_156 = arith.constant 0 : i32
    scf.for %parallel_loop3A_782 = %parallel_loop3A to %parallel_loop3A_153 step %parallel_loop3A_154  : i32 {
      %parallel_loop3A_783 = arith.constant 0 : i32
      %parallel_loop3A_784 = arith.constant 0 : i32
      %parallel_loop3A_785 = arith.constant 0 : i32
      %parallel_loop3A_786 = tpu.memref_slice %arg5[%parallel_loop3A_155, %parallel_loop3A_784, %parallel_loop3A_785] : memref<2x16x1024xf32, #tpu.memory_space<vmem>> -> memref<1x16x1024xf32, #tpu.memory_space<vmem>>
      %parallel_loop3A_787 = tpu.memref_squeeze %parallel_loop3A_786 : memref<1x16x1024xf32, #tpu.memory_space<vmem>> -> memref<16x1024xf32, #tpu.memory_space<vmem>>
      %parallel_loop3A_788 = arith.index_cast %parallel_loop3A_783 : i32 to index
      %parallel_loop3A_789 = arith.index_cast %parallel_loop3A_782 : i32 to index
      %parallel_loop3A_790 = tpu.vector_load %parallel_loop3A_787[%parallel_loop3A_788, %parallel_loop3A_789] {strides = array<i32>} : memref<16x1024xf32, #tpu.memory_space<vmem>>, vector<1x16xf32>,
      %parallel_loop3A_791 = vector.shape_cast %parallel_loop3A_790 : vector<1x16xf32> to vector<16xf32>
      %parallel_loop3A_792 = arith.constant 0 : i32
      %parallel_loop3A_793 = arith.constant 0 : i32
      %parallel_loop3A_794 = arith.constant 0 : i32
      %parallel_loop3A_795 = tpu.memref_slice %arg6[%parallel_loop3A_156, %parallel_loop3A_793, %parallel_loop3A_794] : memref<4x16x1024xf32, #tpu.memory_space<vmem>> -> memref<1x16x1024xf32, #tpu.memory_space<vmem>>
      %parallel_loop3A_796 = tpu.memref_squeeze %parallel_loop3A_795 : memref<1x16x1024xf32, #tpu.memory_space<vmem>> -> memref<16x1024xf32, #tpu.memory_space<vmem>>
      %parallel_loop3A_797 = arith.index_cast %parallel_loop3A_792 : i32 to index
      %parallel_loop3A_798 = arith.index_cast %parallel_loop3A_782 : i32 to index
      %parallel_loop3A_799 = tpu.vector_load %parallel_loop3A_796[%parallel_loop3A_797, %parallel_loop3A_798] {strides = array<i32>} : memref<16x1024xf32, #tpu.memory_space<vmem>>, vector<1x16xf32>,
      %parallel_loop3A_800 = vector.shape_cast %parallel_loop3A_799 : vector<1x16xf32> to vector<16xf32>
      %parallel_loop3A_801 = vector.shape_cast %parallel_loop3A_791 : vector<16xf32> to vector<1x16xf32>
      tpu.vector_store %parallel_loop3A_796[%parallel_loop3A_797, %parallel_loop3A_798], %parallel_loop3A_801 {add = true, strides = array<i32>} : memref<16x1024xf32, #tpu.memory_space<vmem>>, vector<1x16xf32>,
      %parallel_loop3A_802 = arith.constant 1 : i32
      %parallel_loop3A_803 = arith.constant 0 : i32
      %parallel_loop3A_804 = arith.constant 0 : i32
      %parallel_loop3A_805 = tpu.memref_slice %arg5[%parallel_loop3A_155, %parallel_loop3A_803, %parallel_loop3A_804] : memref<2x16x1024xf32, #tpu.memory_space<vmem>> -> memref<1x16x1024xf32, #tpu.memory_space<vmem>>
      %parallel_loop3A_806 = tpu.memref_squeeze %parallel_loop3A_805 : memref<1x16x1024xf32, #tpu.memory_space<vmem>> -> memref<16x1024xf32, #tpu.memory_space<vmem>>
      %parallel_loop3A_807 = arith.index_cast %parallel_loop3A_802 : i32 to index
      %parallel_loop3A_808 = arith.index_cast %parallel_loop3A_782 : i32 to index
      %parallel_loop3A_809 = tpu.vector_load %parallel_loop3A_806[%parallel_loop3A_807, %parallel_loop3A_808] {strides = array<i32>} : memref<16x1024xf32, #tpu.memory_space<vmem>>, vector<1x16xf32>,
      %parallel_loop3A_810 = vector.shape_cast %parallel_loop3A_809 : vector<1x16xf32> to vector<16xf32>
      %parallel_loop3A_811 = arith.constant 1 : i32
      %parallel_loop3A_812 = arith.constant 0 : i32
      %parallel_loop3A_813 = arith.constant 0 : i32
      %parallel_loop3A_814 = tpu.memref_slice %arg6[%parallel_loop3A_156, %parallel_loop3A_812, %parallel_loop3A_813] : memref<4x16x1024xf32, #tpu.memory_space<vmem>> -> memref<1x16x1024xf32, #tpu.memory_space<vmem>>
      %parallel_loop3A_815 = tpu.memref_squeeze %parallel_loop3A_814 : memref<1x16x1024xf32, #tpu.memory_space<vmem>> -> memref<16x1024xf32, #tpu.memory_space<vmem>>
      %parallel_loop3A_816 = arith.index_cast %parallel_loop3A_811 : i32 to index
      %parallel_loop3A_817 = arith.index_cast %parallel_loop3A_782 : i32 to index
      %parallel_loop3A_818 = tpu.vector_load %parallel_loop3A_815[%parallel_loop3A_816, %parallel_loop3A_817] {strides = array<i32>} : memref<16x1024xf32, #tpu.memory_space<vmem>>, vector<1x16xf32>,
      %parallel_loop3A_819 = vector.shape_cast %parallel_loop3A_818 : vector<1x16xf32> to vector<16xf32>
      %parallel_loop3A_820 = vector.shape_cast %parallel_loop3A_810 : vector<16xf32> to vector<1x16xf32>
      tpu.vector_store %parallel_loop3A_815[%parallel_loop3A_816, %parallel_loop3A_817], %parallel_loop3A_820 {add = true, strides = array<i32>} : memref<16x1024xf32, #tpu.memory_space<vmem>>, vector<1x16xf32>,
      %parallel_loop3A_821 = arith.constant 2 : i32
      %parallel_loop3A_822 = arith.constant 0 : i32
      %parallel_loop3A_823 = arith.constant 0 : i32
      %parallel_loop3A_824 = tpu.memref_slice %arg5[%parallel_loop3A_155, %parallel_loop3A_822, %parallel_loop3A_823] : memref<2x16x1024xf32, #tpu.memory_space<vmem>> -> memref<1x16x1024xf32, #tpu.memory_space<vmem>>
      %parallel_loop3A_825 = tpu.memref_squeeze %parallel_loop3A_824 : memref<1x16x1024xf32, #tpu.memory_space<vmem>> -> memref<16x1024xf32, #tpu.memory_space<vmem>>
      %parallel_loop3A_826 = arith.index_cast %parallel_loop3A_821 : i32 to index
      %parallel_loop3A_827 = arith.index_cast %parallel_loop3A_782 : i32 to index
      %parallel_loop3A_828 = tpu.vector_load %parallel_loop3A_825[%parallel_loop3A_826, %parallel_loop3A_827] {strides = array<i32>} : memref<16x1024xf32, #tpu.memory_space<vmem>>, vector<1x16xf32>,
      %parallel_loop3A_829 = vector.shape_cast %parallel_loop3A_828 : vector<1x16xf32> to vector<16xf32>
      %parallel_loop3A_830 = arith.constant 2 : i32
      %parallel_loop3A_831 = arith.constant 0 : i32
      %parallel_loop3A_832 = arith.constant 0 : i32
      %parallel_loop3A_833 = tpu.memref_slice %arg6[%parallel_loop3A_156, %parallel_loop3A_831, %parallel_loop3A_832] : memref<4x16x1024xf32, #tpu.memory_space<vmem>> -> memref<1x16x1024xf32, #tpu.memory_space<vmem>>
      %parallel_loop3A_834 = tpu.memref_squeeze %parallel_loop3A_833 : memref<1x16x1024xf32, #tpu.memory_space<vmem>> -> memref<16x1024xf32, #tpu.memory_space<vmem>>
      %parallel_loop3A_835 = arith.index_cast %parallel_loop3A_830 : i32 to index
      %parallel_loop3A_836 = arith.index_cast %parallel_loop3A_782 : i32 to index
      %parallel_loop3A_837 = tpu.vector_load %parallel_loop3A_834[%parallel_loop3A_835, %parallel_loop3A_836] {strides = array<i32>} : memref<16x1024xf32, #tpu.memory_space<vmem>>, vector<1x16xf32>,
      %parallel_loop3A_838 = vector.shape_cast %parallel_loop3A_837 : vector<1x16xf32> to vector<16xf32>
      %parallel_loop3A_839 = vector.shape_cast %parallel_loop3A_829 : vector<16xf32> to vector<1x16xf32>
      tpu.vector_store %parallel_loop3A_834[%parallel_loop3A_835, %parallel_loop3A_836], %parallel_loop3A_839 {add = true, strides = array<i32>} : memref<16x1024xf32, #tpu.memory_space<vmem>>, vector<1x16xf32>,
      %parallel_loop3A_840 = arith.constant 3 : i32
      %parallel_loop3A_841 = arith.constant 0 : i32
      %parallel_loop3A_842 = arith.constant 0 : i32
      %parallel_loop3A_843 = tpu.memref_slice %arg5[%parallel_loop3A_155, %parallel_loop3A_841, %parallel_loop3A_842] : memref<2x16x1024xf32, #tpu.memory_space<vmem>> -> memref<1x16x1024xf32, #tpu.memory_space<vmem>>
      %parallel_loop3A_844 = tpu.memref_squeeze %parallel_loop3A_843 : memref<1x16x1024xf32, #tpu.memory_space<vmem>> -> memref<16x1024xf32, #tpu.memory_space<vmem>>
      %parallel_loop3A_845 = arith.index_cast %parallel_loop3A_840 : i32 to index
      %parallel_loop3A_846 = arith.index_cast %parallel_loop3A_782 : i32 to index
      %parallel_loop3A_847 = tpu.vector_load %parallel_loop3A_844[%parallel_loop3A_845, %parallel_loop3A_846] {strides = array<i32>} : memref<16x1024xf32, #tpu.memory_space<vmem>>, vector<1x16xf32>,
      %parallel_loop3A_848 = vector.shape_cast %parallel_loop3A_847 : vector<1x16xf32> to vector<16xf32>
      %parallel_loop3A_849 = arith.constant 3 : i32
      %parallel_loop3A_850 = arith.constant 0 : i32
      %parallel_loop3A_851 = arith.constant 0 : i32
      %parallel_loop3A_852 = tpu.memref_slice %arg6[%parallel_loop3A_156, %parallel_loop3A_850, %parallel_loop3A_851] : memref<4x16x1024xf32, #tpu.memory_space<vmem>> -> memref<1x16x1024xf32, #tpu.memory_space<vmem>>
      %parallel_loop3A_853 = tpu.memref_squeeze %parallel_loop3A_852 : memref<1x16x1024xf32, #tpu.memory_space<vmem>> -> memref<16x1024xf32, #tpu.memory_space<vmem>>
      %parallel_loop3A_854 = arith.index_cast %parallel_loop3A_849 : i32 to index
      %parallel_loop3A_855 = arith.index_cast %parallel_loop3A_782 : i32 to index
      %parallel_loop3A_856 = tpu.vector_load %parallel_loop3A_853[%parallel_loop3A_854, %parallel_loop3A_855] {strides = array<i32>} : memref<16x1024xf32, #tpu.memory_space<vmem>>, vector<1x16xf32>,
      %parallel_loop3A_857 = vector.shape_cast %parallel_loop3A_856 : vector<1x16xf32> to vector<16xf32>
      %parallel_loop3A_858 = vector.shape_cast %parallel_loop3A_848 : vector<16xf32> to vector<1x16xf32>
      tpu.vector_store %parallel_loop3A_853[%parallel_loop3A_854, %parallel_loop3A_855], %parallel_loop3A_858 {add = true, strides = array<i32>} : memref<16x1024xf32, #tpu.memory_space<vmem>>, vector<1x16xf32>,
      %parallel_loop3A_859 = arith.constant 4 : i32
      %parallel_loop3A_860 = arith.constant 0 : i32
      %parallel_loop3A_861 = arith.constant 0 : i32
      %parallel_loop3A_862 = tpu.memref_slice %arg5[%parallel_loop3A_155, %parallel_loop3A_860, %parallel_loop3A_861] : memref<2x16x1024xf32, #tpu.memory_space<vmem>> -> memref<1x16x1024xf32, #tpu.memory_space<vmem>>
      %parallel_loop3A_863 = tpu.memref_squeeze %parallel_loop3A_862 : memref<1x16x1024xf32, #tpu.memory_space<vmem>> -> memref<16x1024xf32, #tpu.memory_space<vmem>>
      %parallel_loop3A_864 = arith.index_cast %parallel_loop3A_859 : i32 to index
      %parallel_loop3A_865 = arith.index_cast %parallel_loop3A_782 : i32 to index
      %parallel_loop3A_866 = tpu.vector_load %parallel_loop3A_863[%parallel_loop3A_864, %parallel_loop3A_865] {strides = array<i32>} : memref<16x1024xf32, #tpu.memory_space<vmem>>, vector<1x16xf32>,
      %parallel_loop3A_867 = vector.shape_cast %parallel_loop3A_866 : vector<1x16xf32> to vector<16xf32>
      %parallel_loop3A_868 = arith.constant 4 : i32
      %parallel_loop3A_869 = arith.constant 0 : i32
      %parallel_loop3A_870 = arith.constant 0 : i32
      %parallel_loop3A_871 = tpu.memref_slice %arg6[%parallel_loop3A_156, %parallel_loop3A_869, %parallel_loop3A_870] : memref<4x16x1024xf32, #tpu.memory_space<vmem>> -> memref<1x16x1024xf32, #tpu.memory_space<vmem>>
      %parallel_loop3A_872 = tpu.memref_squeeze %parallel_loop3A_871 : memref<1x16x1024xf32, #tpu.memory_space<vmem>> -> memref<16x1024xf32, #tpu.memory_space<vmem>>
      %parallel_loop3A_873 = arith.index_cast %parallel_loop3A_868 : i32 to index
      %parallel_loop3A_874 = arith.index_cast %parallel_loop3A_782 : i32 to index
      %parallel_loop3A_875 = tpu.vector_load %parallel_loop3A_872[%parallel_loop3A_873, %parallel_loop3A_874] {strides = array<i32>} : memref<16x1024xf32, #tpu.memory_space<vmem>>, vector<1x16xf32>,
      %parallel_loop3A_876 = vector.shape_cast %parallel_loop3A_875 : vector<1x16xf32> to vector<16xf32>
      %parallel_loop3A_877 = vector.shape_cast %parallel_loop3A_867 : vector<16xf32> to vector<1x16xf32>
      tpu.vector_store %parallel_loop3A_872[%parallel_loop3A_873, %parallel_loop3A_874], %parallel_loop3A_877 {add = true, strides = array<i32>} : memref<16x1024xf32, #tpu.memory_space<vmem>>, vector<1x16xf32>,
      %parallel_loop3A_878 = arith.constant 5 : i32
      %parallel_loop3A_879 = arith.constant 0 : i32
      %parallel_loop3A_880 = arith.constant 0 : i32
      %parallel_loop3A_881 = tpu.memref_slice %arg5[%parallel_loop3A_155, %parallel_loop3A_879, %parallel_loop3A_880] : memref<2x16x1024xf32, #tpu.memory_space<vmem>> -> memref<1x16x1024xf32, #tpu.memory_space<vmem>>
      %parallel_loop3A_882 = tpu.memref_squeeze %parallel_loop3A_881 : memref<1x16x1024xf32, #tpu.memory_space<vmem>> -> memref<16x1024xf32, #tpu.memory_space<vmem>>
      %parallel_loop3A_883 = arith.index_cast %parallel_loop3A_878 : i32 to index
      %parallel_loop3A_884 = arith.index_cast %parallel_loop3A_782 : i32 to index
      %parallel_loop3A_885 = tpu.vector_load %parallel_loop3A_882[%parallel_loop3A_883, %parallel_loop3A_884] {strides = array<i32>} : memref<16x1024xf32, #tpu.memory_space<vmem>>, vector<1x16xf32>,
      %parallel_loop3A_886 = vector.shape_cast %parallel_loop3A_885 : vector<1x16xf32> to vector<16xf32>
      %parallel_loop3A_887 = arith.constant 5 : i32
      %parallel_loop3A_888 = arith.constant 0 : i32
      %parallel_loop3A_889 = arith.constant 0 : i32
      %parallel_loop3A_890 = tpu.memref_slice %arg6[%parallel_loop3A_156, %parallel_loop3A_888, %parallel_loop3A_889] : memref<4x16x1024xf32, #tpu.memory_space<vmem>> -> memref<1x16x1024xf32, #tpu.memory_space<vmem>>
      %parallel_loop3A_891 = tpu.memref_squeeze %parallel_loop3A_890 : memref<1x16x1024xf32, #tpu.memory_space<vmem>> -> memref<16x1024xf32, #tpu.memory_space<vmem>>
      %parallel_loop3A_892 = arith.index_cast %parallel_loop3A_887 : i32 to index
      %parallel_loop3A_893 = arith.index_cast %parallel_loop3A_782 : i32 to index
      %parallel_loop3A_894 = tpu.vector_load %parallel_loop3A_891[%parallel_loop3A_892, %parallel_loop3A_893] {strides = array<i32>} : memref<16x1024xf32, #tpu.memory_space<vmem>>, vector<1x16xf32>,
      %parallel_loop3A_895 = vector.shape_cast %parallel_loop3A_894 : vector<1x16xf32> to vector<16xf32>
      %parallel_loop3A_896 = vector.shape_cast %parallel_loop3A_886 : vector<16xf32> to vector<1x16xf32>
      tpu.vector_store %parallel_loop3A_891[%parallel_loop3A_892, %parallel_loop3A_893], %parallel_loop3A_896 {add = true, strides = array<i32>} : memref<16x1024xf32, #tpu.memory_space<vmem>>, vector<1x16xf32>,
      %parallel_loop3A_897 = arith.constant 6 : i32
      %parallel_loop3A_898 = arith.constant 0 : i32
      %parallel_loop3A_899 = arith.constant 0 : i32
      %parallel_loop3A_900 = tpu.memref_slice %arg5[%parallel_loop3A_155, %parallel_loop3A_898, %parallel_loop3A_899] : memref<2x16x1024xf32, #tpu.memory_space<vmem>> -> memref<1x16x1024xf32, #tpu.memory_space<vmem>>
      %parallel_loop3A_901 = tpu.memref_squeeze %parallel_loop3A_900 : memref<1x16x1024xf32, #tpu.memory_space<vmem>> -> memref<16x1024xf32, #tpu.memory_space<vmem>>
      %parallel_loop3A_902 = arith.index_cast %parallel_loop3A_897 : i32 to index
      %parallel_loop3A_903 = arith.index_cast %parallel_loop3A_782 : i32 to index
      %parallel_loop3A_904 = tpu.vector_load %parallel_loop3A_901[%parallel_loop3A_902, %parallel_loop3A_903] {strides = array<i32>} : memref<16x1024xf32, #tpu.memory_space<vmem>>, vector<1x16xf32>,
      %parallel_loop3A_905 = vector.shape_cast %parallel_loop3A_904 : vector<1x16xf32> to vector<16xf32>
      %parallel_loop3A_906 = arith.constant 6 : i32
      %parallel_loop3A_907 = arith.constant 0 : i32
      %parallel_loop3A_908 = arith.constant 0 : i32
      %parallel_loop3A_909 = tpu.memref_slice %arg6[%parallel_loop3A_156, %parallel_loop3A_907, %parallel_loop3A_908] : memref<4x16x1024xf32, #tpu.memory_space<vmem>> -> memref<1x16x1024xf32, #tpu.memory_space<vmem>>
      %parallel_loop3A_910 = tpu.memref_squeeze %parallel_loop3A_909 : memref<1x16x1024xf32, #tpu.memory_space<vmem>> -> memref<16x1024xf32, #tpu.memory_space<vmem>>
      %parallel_loop3A_911 = arith.index_cast %parallel_loop3A_906 : i32 to index
      %parallel_loop3A_912 = arith.index_cast %parallel_loop3A_782 : i32 to index
      %parallel_loop3A_913 = tpu.vector_load %parallel_loop3A_910[%parallel_loop3A_911, %parallel_loop3A_912] {strides = array<i32>} : memref<16x1024xf32, #tpu.memory_space<vmem>>, vector<1x16xf32>,
      %parallel_loop3A_914 = vector.shape_cast %parallel_loop3A_913 : vector<1x16xf32> to vector<16xf32>
      %parallel_loop3A_915 = vector.shape_cast %parallel_loop3A_905 : vector<16xf32> to vector<1x16xf32>
      tpu.vector_store %parallel_loop3A_910[%parallel_loop3A_911, %parallel_loop3A_912], %parallel_loop3A_915 {add = true, strides = array<i32>} : memref<16x1024xf32, #tpu.memory_space<vmem>>, vector<1x16xf32>,
      %parallel_loop3A_916 = arith.constant 7 : i32
      %parallel_loop3A_917 = arith.constant 0 : i32
      %parallel_loop3A_918 = arith.constant 0 : i32
      %parallel_loop3A_919 = tpu.memref_slice %arg5[%parallel_loop3A_155, %parallel_loop3A_917, %parallel_loop3A_918] : memref<2x16x1024xf32, #tpu.memory_space<vmem>> -> memref<1x16x1024xf32, #tpu.memory_space<vmem>>
      %parallel_loop3A_920 = tpu.memref_squeeze %parallel_loop3A_919 : memref<1x16x1024xf32, #tpu.memory_space<vmem>> -> memref<16x1024xf32, #tpu.memory_space<vmem>>
      %parallel_loop3A_921 = arith.index_cast %parallel_loop3A_916 : i32 to index
      %parallel_loop3A_922 = arith.index_cast %parallel_loop3A_782 : i32 to index
      %parallel_loop3A_923 = tpu.vector_load %parallel_loop3A_920[%parallel_loop3A_921, %parallel_loop3A_922] {strides = array<i32>} : memref<16x1024xf32, #tpu.memory_space<vmem>>, vector<1x16xf32>,
      %parallel_loop3A_924 = vector.shape_cast %parallel_loop3A_923 : vector<1x16xf32> to vector<16xf32>
      %parallel_loop3A_925 = arith.constant 7 : i32
      %parallel_loop3A_926 = arith.constant 0 : i32
      %parallel_loop3A_927 = arith.constant 0 : i32
      %parallel_loop3A_928 = tpu.memref_slice %arg6[%parallel_loop3A_156, %parallel_loop3A_926, %parallel_loop3A_927] : memref<4x16x1024xf32, #tpu.memory_space<vmem>> -> memref<1x16x1024xf32, #tpu.memory_space<vmem>>
      %parallel_loop3A_929 = tpu.memref_squeeze %parallel_loop3A_928 : memref<1x16x1024xf32, #tpu.memory_space<vmem>> -> memref<16x1024xf32, #tpu.memory_space<vmem>>
      %parallel_loop3A_930 = arith.index_cast %parallel_loop3A_925 : i32 to index
      %parallel_loop3A_931 = arith.index_cast %parallel_loop3A_782 : i32 to index
      %parallel_loop3A_932 = tpu.vector_load %parallel_loop3A_929[%parallel_loop3A_930, %parallel_loop3A_931] {strides = array<i32>} : memref<16x1024xf32, #tpu.memory_space<vmem>>, vector<1x16xf32>,
      %parallel_loop3A_933 = vector.shape_cast %parallel_loop3A_932 : vector<1x16xf32> to vector<16xf32>
      %parallel_loop3A_934 = vector.shape_cast %parallel_loop3A_924 : vector<16xf32> to vector<1x16xf32>
      tpu.vector_store %parallel_loop3A_929[%parallel_loop3A_930, %parallel_loop3A_931], %parallel_loop3A_934 {add = true, strides = array<i32>} : memref<16x1024xf32, #tpu.memory_space<vmem>>, vector<1x16xf32>,
      %parallel_loop3A_935 = arith.constant 8 : i32
      %parallel_loop3A_936 = arith.constant 0 : i32
      %parallel_loop3A_937 = arith.constant 0 : i32
      %parallel_loop3A_938 = tpu.memref_slice %arg5[%parallel_loop3A_155, %parallel_loop3A_936, %parallel_loop3A_937] : memref<2x16x1024xf32, #tpu.memory_space<vmem>> -> memref<1x16x1024xf32, #tpu.memory_space<vmem>>
      %parallel_loop3A_939 = tpu.memref_squeeze %parallel_loop3A_938 : memref<1x16x1024xf32, #tpu.memory_space<vmem>> -> memref<16x1024xf32, #tpu.memory_space<vmem>>
      %parallel_loop3A_940 = arith.index_cast %parallel_loop3A_935 : i32 to index
      %parallel_loop3A_941 = arith.index_cast %parallel_loop3A_782 : i32 to index
      %parallel_loop3A_942 = tpu.vector_load %parallel_loop3A_939[%parallel_loop3A_940, %parallel_loop3A_941] {strides = array<i32>} : memref<16x1024xf32, #tpu.memory_space<vmem>>, vector<1x16xf32>,
      %parallel_loop3A_943 = vector.shape_cast %parallel_loop3A_942 : vector<1x16xf32> to vector<16xf32>
      %parallel_loop3A_944 = arith.constant 8 : i32
      %parallel_loop3A_945 = arith.constant 0 : i32
      %parallel_loop3A_946 = arith.constant 0 : i32
      %parallel_loop3A_947 = tpu.memref_slice %arg6[%parallel_loop3A_156, %parallel_loop3A_945, %parallel_loop3A_946] : memref<4x16x1024xf32, #tpu.memory_space<vmem>> -> memref<1x16x1024xf32, #tpu.memory_space<vmem>>
      %parallel_loop3A_948 = tpu.memref_squeeze %parallel_loop3A_947 : memref<1x16x1024xf32, #tpu.memory_space<vmem>> -> memref<16x1024xf32, #tpu.memory_space<vmem>>
      %parallel_loop3A_949 = arith.index_cast %parallel_loop3A_944 : i32 to index
      %parallel_loop3A_950 = arith.index_cast %parallel_loop3A_782 : i32 to index
      %parallel_loop3A_951 = tpu.vector_load %parallel_loop3A_948[%parallel_loop3A_949, %parallel_loop3A_950] {strides = array<i32>} : memref<16x1024xf32, #tpu.memory_space<vmem>>, vector<1x16xf32>,
      %parallel_loop3A_952 = vector.shape_cast %parallel_loop3A_951 : vector<1x16xf32> to vector<16xf32>
      %parallel_loop3A_953 = vector.shape_cast %parallel_loop3A_943 : vector<16xf32> to vector<1x16xf32>
      tpu.vector_store %parallel_loop3A_948[%parallel_loop3A_949, %parallel_loop3A_950], %parallel_loop3A_953 {add = true, strides = array<i32>} : memref<16x1024xf32, #tpu.memory_space<vmem>>, vector<1x16xf32>,
      %parallel_loop3A_954 = arith.constant 9 : i32
      %parallel_loop3A_955 = arith.constant 0 : i32
      %parallel_loop3A_956 = arith.constant 0 : i32
      %parallel_loop3A_957 = tpu.memref_slice %arg5[%parallel_loop3A_155, %parallel_loop3A_955, %parallel_loop3A_956] : memref<2x16x1024xf32, #tpu.memory_space<vmem>> -> memref<1x16x1024xf32, #tpu.memory_space<vmem>>
      %parallel_loop3A_958 = tpu.memref_squeeze %parallel_loop3A_957 : memref<1x16x1024xf32, #tpu.memory_space<vmem>> -> memref<16x1024xf32, #tpu.memory_space<vmem>>
      %parallel_loop3A_959 = arith.index_cast %parallel_loop3A_954 : i32 to index
      %parallel_loop3A_960 = arith.index_cast %parallel_loop3A_782 : i32 to index
      %parallel_loop3A_961 = tpu.vector_load %parallel_loop3A_958[%parallel_loop3A_959, %parallel_loop3A_960] {strides = array<i32>} : memref<16x1024xf32, #tpu.memory_space<vmem>>, vector<1x16xf32>,
      %parallel_loop3A_962 = vector.shape_cast %parallel_loop3A_961 : vector<1x16xf32> to vector<16xf32>
      %parallel_loop3A_963 = arith.constant 9 : i32
      %parallel_loop3A_964 = arith.constant 0 : i32
      %parallel_loop3A_965 = arith.constant 0 : i32
      %parallel_loop3A_966 = tpu.memref_slice %arg6[%parallel_loop3A_156, %parallel_loop3A_964, %parallel_loop3A_965] : memref<4x16x1024xf32, #tpu.memory_space<vmem>> -> memref<1x16x1024xf32, #tpu.memory_space<vmem>>
      %parallel_loop3A_967 = tpu.memref_squeeze %parallel_loop3A_966 : memref<1x16x1024xf32, #tpu.memory_space<vmem>> -> memref<16x1024xf32, #tpu.memory_space<vmem>>
      %parallel_loop3A_968 = arith.index_cast %parallel_loop3A_963 : i32 to index
      %parallel_loop3A_969 = arith.index_cast %parallel_loop3A_782 : i32 to index
      %parallel_loop3A_970 = tpu.vector_load %parallel_loop3A_967[%parallel_loop3A_968, %parallel_loop3A_969] {strides = array<i32>} : memref<16x1024xf32, #tpu.memory_space<vmem>>, vector<1x16xf32>,
      %parallel_loop3A_971 = vector.shape_cast %parallel_loop3A_970 : vector<1x16xf32> to vector<16xf32>
      %parallel_loop3A_972 = vector.shape_cast %parallel_loop3A_962 : vector<16xf32> to vector<1x16xf32>
      tpu.vector_store %parallel_loop3A_967[%parallel_loop3A_968, %parallel_loop3A_969], %parallel_loop3A_972 {add = true, strides = array<i32>} : memref<16x1024xf32, #tpu.memory_space<vmem>>, vector<1x16xf32>,
      %parallel_loop3A_973 = arith.constant 10 : i32
      %parallel_loop3A_974 = arith.constant 0 : i32
      %parallel_loop3A_975 = arith.constant 0 : i32
      %parallel_loop3A_976 = tpu.memref_slice %arg5[%parallel_loop3A_155, %parallel_loop3A_974, %parallel_loop3A_975] : memref<2x16x1024xf32, #tpu.memory_space<vmem>> -> memref<1x16x1024xf32, #tpu.memory_space<vmem>>
      %parallel_loop3A_977 = tpu.memref_squeeze %parallel_loop3A_976 : memref<1x16x1024xf32, #tpu.memory_space<vmem>> -> memref<16x1024xf32, #tpu.memory_space<vmem>>
      %parallel_loop3A_978 = arith.index_cast %parallel_loop3A_973 : i32 to index
      %parallel_loop3A_979 = arith.index_cast %parallel_loop3A_782 : i32 to index
      %parallel_loop3A_980 = tpu.vector_load %parallel_loop3A_977[%parallel_loop3A_978, %parallel_loop3A_979] {strides = array<i32>} : memref<16x1024xf32, #tpu.memory_space<vmem>>, vector<1x16xf32>,
      %parallel_loop3A_981 = vector.shape_cast %parallel_loop3A_980 : vector<1x16xf32> to vector<16xf32>
      %parallel_loop3A_982 = arith.constant 10 : i32
      %parallel_loop3A_983 = arith.constant 0 : i32
      %parallel_loop3A_984 = arith.constant 0 : i32
      %parallel_loop3A_985 = tpu.memref_slice %arg6[%parallel_loop3A_156, %parallel_loop3A_983, %parallel_loop3A_984] : memref<4x16x1024xf32, #tpu.memory_space<vmem>> -> memref<1x16x1024xf32, #tpu.memory_space<vmem>>
      %parallel_loop3A_986 = tpu.memref_squeeze %parallel_loop3A_985 : memref<1x16x1024xf32, #tpu.memory_space<vmem>> -> memref<16x1024xf32, #tpu.memory_space<vmem>>
      %parallel_loop3A_987 = arith.index_cast %parallel_loop3A_982 : i32 to index
      %parallel_loop3A_988 = arith.index_cast %parallel_loop3A_782 : i32 to index
      %parallel_loop3A_989 = tpu.vector_load %parallel_loop3A_986[%parallel_loop3A_987, %parallel_loop3A_988] {strides = array<i32>} : memref<16x1024xf32, #tpu.memory_space<vmem>>, vector<1x16xf32>,
      %parallel_loop3A_990 = vector.shape_cast %parallel_loop3A_989 : vector<1x16xf32> to vector<16xf32>
      %parallel_loop3A_991 = vector.shape_cast %parallel_loop3A_981 : vector<16xf32> to vector<1x16xf32>
      tpu.vector_store %parallel_loop3A_986[%parallel_loop3A_987, %parallel_loop3A_988], %parallel_loop3A_991 {add = true, strides = array<i32>} : memref<16x1024xf32, #tpu.memory_space<vmem>>, vector<1x16xf32>,
      %parallel_loop3A_992 = arith.constant 11 : i32
      %parallel_loop3A_993 = arith.constant 0 : i32
      %parallel_loop3A_994 = arith.constant 0 : i32
      %parallel_loop3A_995 = tpu.memref_slice %arg5[%parallel_loop3A_155, %parallel_loop3A_993, %parallel_loop3A_994] : memref<2x16x1024xf32, #tpu.memory_space<vmem>> -> memref<1x16x1024xf32, #tpu.memory_space<vmem>>
      %parallel_loop3A_996 = tpu.memref_squeeze %parallel_loop3A_995 : memref<1x16x1024xf32, #tpu.memory_space<vmem>> -> memref<16x1024xf32, #tpu.memory_space<vmem>>
      %parallel_loop3A_997 = arith.index_cast %parallel_loop3A_992 : i32 to index
      %parallel_loop3A_998 = arith.index_cast %parallel_loop3A_782 : i32 to index
      %parallel_loop3A_999 = tpu.vector_load %parallel_loop3A_996[%parallel_loop3A_997, %parallel_loop3A_998] {strides = array<i32>} : memref<16x1024xf32, #tpu.memory_space<vmem>>, vector<1x16xf32>,
      %parallel_loop3A_1000 = vector.shape_cast %parallel_loop3A_999 : vector<1x16xf32> to vector<16xf32>
      %parallel_loop3A_1001 = arith.constant 11 : i32
      %parallel_loop3A_1002 = arith.constant 0 : i32
      %parallel_loop3A_1003 = arith.constant 0 : i32
      %parallel_loop3A_1004 = tpu.memref_slice %arg6[%parallel_loop3A_156, %parallel_loop3A_1002, %parallel_loop3A_1003] : memref<4x16x1024xf32, #tpu.memory_space<vmem>> -> memref<1x16x1024xf32, #tpu.memory_space<vmem>>
      %parallel_loop3A_1005 = tpu.memref_squeeze %parallel_loop3A_1004 : memref<1x16x1024xf32, #tpu.memory_space<vmem>> -> memref<16x1024xf32, #tpu.memory_space<vmem>>
      %parallel_loop3A_1006 = arith.index_cast %parallel_loop3A_1001 : i32 to index
      %parallel_loop3A_1007 = arith.index_cast %parallel_loop3A_782 : i32 to index
      %parallel_loop3A_1008 = tpu.vector_load %parallel_loop3A_1005[%parallel_loop3A_1006, %parallel_loop3A_1007] {strides = array<i32>} : memref<16x1024xf32, #tpu.memory_space<vmem>>, vector<1x16xf32>,
      %parallel_loop3A_1009 = vector.shape_cast %parallel_loop3A_1008 : vector<1x16xf32> to vector<16xf32>
      %parallel_loop3A_1010 = vector.shape_cast %parallel_loop3A_1000 : vector<16xf32> to vector<1x16xf32>
      tpu.vector_store %parallel_loop3A_1005[%parallel_loop3A_1006, %parallel_loop3A_1007], %parallel_loop3A_1010 {add = true, strides = array<i32>} : memref<16x1024xf32, #tpu.memory_space<vmem>>, vector<1x16xf32>,
      %parallel_loop3A_1011 = arith.constant 12 : i32
      %parallel_loop3A_1012 = arith.constant 0 : i32
      %parallel_loop3A_1013 = arith.constant 0 : i32
      %parallel_loop3A_1014 = tpu.memref_slice %arg5[%parallel_loop3A_155, %parallel_loop3A_1012, %parallel_loop3A_1013] : memref<2x16x1024xf32, #tpu.memory_space<vmem>> -> memref<1x16x1024xf32, #tpu.memory_space<vmem>>
      %parallel_loop3A_1015 = tpu.memref_squeeze %parallel_loop3A_1014 : memref<1x16x1024xf32, #tpu.memory_space<vmem>> -> memref<16x1024xf32, #tpu.memory_space<vmem>>
      %parallel_loop3A_1016 = arith.index_cast %parallel_loop3A_1011 : i32 to index
      %parallel_loop3A_1017 = arith.index_cast %parallel_loop3A_782 : i32 to index
      %parallel_loop3A_1018 = tpu.vector_load %parallel_loop3A_1015[%parallel_loop3A_1016, %parallel_loop3A_1017] {strides = array<i32>} : memref<16x1024xf32, #tpu.memory_space<vmem>>, vector<1x16xf32>,
      %parallel_loop3A_1019 = vector.shape_cast %parallel_loop3A_1018 : vector<1x16xf32> to vector<16xf32>
      %parallel_loop3A_1020 = arith.constant 12 : i32
      %parallel_loop3A_1021 = arith.constant 0 : i32
      %parallel_loop3A_1022 = arith.constant 0 : i32
      %parallel_loop3A_1023 = tpu.memref_slice %arg6[%parallel_loop3A_156, %parallel_loop3A_1021, %parallel_loop3A_1022] : memref<4x16x1024xf32, #tpu.memory_space<vmem>> -> memref<1x16x1024xf32, #tpu.memory_space<vmem>>
      %parallel_loop3A_1024 = tpu.memref_squeeze %parallel_loop3A_1023 : memref<1x16x1024xf32, #tpu.memory_space<vmem>> -> memref<16x1024xf32, #tpu.memory_space<vmem>>
      %parallel_loop3A_1025 = arith.index_cast %parallel_loop3A_1020 : i32 to index
      %parallel_loop3A_1026 = arith.index_cast %parallel_loop3A_782 : i32 to index
      %parallel_loop3A_1027 = tpu.vector_load %parallel_loop3A_1024[%parallel_loop3A_1025, %parallel_loop3A_1026] {strides = array<i32>} : memref<16x1024xf32, #tpu.memory_space<vmem>>, vector<1x16xf32>,
      %parallel_loop3A_1028 = vector.shape_cast %parallel_loop3A_1027 : vector<1x16xf32> to vector<16xf32>
      %parallel_loop3A_1029 = vector.shape_cast %parallel_loop3A_1019 : vector<16xf32> to vector<1x16xf32>
      tpu.vector_store %parallel_loop3A_1024[%parallel_loop3A_1025, %parallel_loop3A_1026], %parallel_loop3A_1029 {add = true, strides = array<i32>} : memref<16x1024xf32, #tpu.memory_space<vmem>>, vector<1x16xf32>,
      %parallel_loop3A_1030 = arith.constant 13 : i32
      %parallel_loop3A_1031 = arith.constant 0 : i32
      %parallel_loop3A_1032 = arith.constant 0 : i32
      %parallel_loop3A_1033 = tpu.memref_slice %arg5[%parallel_loop3A_155, %parallel_loop3A_1031, %parallel_loop3A_1032] : memref<2x16x1024xf32, #tpu.memory_space<vmem>> -> memref<1x16x1024xf32, #tpu.memory_space<vmem>>
      %parallel_loop3A_1034 = tpu.memref_squeeze %parallel_loop3A_1033 : memref<1x16x1024xf32, #tpu.memory_space<vmem>> -> memref<16x1024xf32, #tpu.memory_space<vmem>>
      %parallel_loop3A_1035 = arith.index_cast %parallel_loop3A_1030 : i32 to index
      %parallel_loop3A_1036 = arith.index_cast %parallel_loop3A_782 : i32 to index
      %parallel_loop3A_1037 = tpu.vector_load %parallel_loop3A_1034[%parallel_loop3A_1035, %parallel_loop3A_1036] {strides = array<i32>} : memref<16x1024xf32, #tpu.memory_space<vmem>>, vector<1x16xf32>,
      %parallel_loop3A_1038 = vector.shape_cast %parallel_loop3A_1037 : vector<1x16xf32> to vector<16xf32>
      %parallel_loop3A_1039 = arith.constant 13 : i32
      %parallel_loop3A_1040 = arith.constant 0 : i32
      %parallel_loop3A_1041 = arith.constant 0 : i32
      %parallel_loop3A_1042 = tpu.memref_slice %arg6[%parallel_loop3A_156, %parallel_loop3A_1040, %parallel_loop3A_1041] : memref<4x16x1024xf32, #tpu.memory_space<vmem>> -> memref<1x16x1024xf32, #tpu.memory_space<vmem>>
      %parallel_loop3A_1043 = tpu.memref_squeeze %parallel_loop3A_1042 : memref<1x16x1024xf32, #tpu.memory_space<vmem>> -> memref<16x1024xf32, #tpu.memory_space<vmem>>
      %parallel_loop3A_1044 = arith.index_cast %parallel_loop3A_1039 : i32 to index
      %parallel_loop3A_1045 = arith.index_cast %parallel_loop3A_782 : i32 to index
      %parallel_loop3A_1046 = tpu.vector_load %parallel_loop3A_1043[%parallel_loop3A_1044, %parallel_loop3A_1045] {strides = array<i32>} : memref<16x1024xf32, #tpu.memory_space<vmem>>, vector<1x16xf32>,
      %parallel_loop3A_1047 = vector.shape_cast %parallel_loop3A_1046 : vector<1x16xf32> to vector<16xf32>
      %parallel_loop3A_1048 = vector.shape_cast %parallel_loop3A_1038 : vector<16xf32> to vector<1x16xf32>
      tpu.vector_store %parallel_loop3A_1043[%parallel_loop3A_1044, %parallel_loop3A_1045], %parallel_loop3A_1048 {add = true, strides = array<i32>} : memref<16x1024xf32, #tpu.memory_space<vmem>>, vector<1x16xf32>,
      %parallel_loop3A_1049 = arith.constant 14 : i32
      %parallel_loop3A_1050 = arith.constant 0 : i32
      %parallel_loop3A_1051 = arith.constant 0 : i32
      %parallel_loop3A_1052 = tpu.memref_slice %arg5[%parallel_loop3A_155, %parallel_loop3A_1050, %parallel_loop3A_1051] : memref<2x16x1024xf32, #tpu.memory_space<vmem>> -> memref<1x16x1024xf32, #tpu.memory_space<vmem>>
      %parallel_loop3A_1053 = tpu.memref_squeeze %parallel_loop3A_1052 : memref<1x16x1024xf32, #tpu.memory_space<vmem>> -> memref<16x1024xf32, #tpu.memory_space<vmem>>
      %parallel_loop3A_1054 = arith.index_cast %parallel_loop3A_1049 : i32 to index
      %parallel_loop3A_1055 = arith.index_cast %parallel_loop3A_782 : i32 to index
      %parallel_loop3A_1056 = tpu.vector_load %parallel_loop3A_1053[%parallel_loop3A_1054, %parallel_loop3A_1055] {strides = array<i32>} : memref<16x1024xf32, #tpu.memory_space<vmem>>, vector<1x16xf32>,
      %parallel_loop3A_1057 = vector.shape_cast %parallel_loop3A_1056 : vector<1x16xf32> to vector<16xf32>
      %parallel_loop3A_1058 = arith.constant 14 : i32
      %parallel_loop3A_1059 = arith.constant 0 : i32
      %parallel_loop3A_1060 = arith.constant 0 : i32
      %parallel_loop3A_1061 = tpu.memref_slice %arg6[%parallel_loop3A_156, %parallel_loop3A_1059, %parallel_loop3A_1060] : memref<4x16x1024xf32, #tpu.memory_space<vmem>> -> memref<1x16x1024xf32, #tpu.memory_space<vmem>>
      %parallel_loop3A_1062 = tpu.memref_squeeze %parallel_loop3A_1061 : memref<1x16x1024xf32, #tpu.memory_space<vmem>> -> memref<16x1024xf32, #tpu.memory_space<vmem>>
      %parallel_loop3A_1063 = arith.index_cast %parallel_loop3A_1058 : i32 to index
      %parallel_loop3A_1064 = arith.index_cast %parallel_loop3A_782 : i32 to index
      %parallel_loop3A_1065 = tpu.vector_load %parallel_loop3A_1062[%parallel_loop3A_1063, %parallel_loop3A_1064] {strides = array<i32>} : memref<16x1024xf32, #tpu.memory_space<vmem>>, vector<1x16xf32>,
      %parallel_loop3A_1066 = vector.shape_cast %parallel_loop3A_1065 : vector<1x16xf32> to vector<16xf32>
      %parallel_loop3A_1067 = vector.shape_cast %parallel_loop3A_1057 : vector<16xf32> to vector<1x16xf32>
      tpu.vector_store %parallel_loop3A_1062[%parallel_loop3A_1063, %parallel_loop3A_1064], %parallel_loop3A_1067 {add = true, strides = array<i32>} : memref<16x1024xf32, #tpu.memory_space<vmem>>, vector<1x16xf32>,
      %parallel_loop3A_1068 = arith.constant 15 : i32
      %parallel_loop3A_1069 = arith.constant 0 : i32
      %parallel_loop3A_1070 = arith.constant 0 : i32
      %parallel_loop3A_1071 = tpu.memref_slice %arg5[%parallel_loop3A_155, %parallel_loop3A_1069, %parallel_loop3A_1070] : memref<2x16x1024xf32, #tpu.memory_space<vmem>> -> memref<1x16x1024xf32, #tpu.memory_space<vmem>>
      %parallel_loop3A_1072 = tpu.memref_squeeze %parallel_loop3A_1071 : memref<1x16x1024xf32, #tpu.memory_space<vmem>> -> memref<16x1024xf32, #tpu.memory_space<vmem>>
      %parallel_loop3A_1073 = arith.index_cast %parallel_loop3A_1068 : i32 to index
      %parallel_loop3A_1074 = arith.index_cast %parallel_loop3A_782 : i32 to index
      %parallel_loop3A_1075 = tpu.vector_load %parallel_loop3A_1072[%parallel_loop3A_1073, %parallel_loop3A_1074] {strides = array<i32>} : memref<16x1024xf32, #tpu.memory_space<vmem>>, vector<1x16xf32>,
      %parallel_loop3A_1076 = vector.shape_cast %parallel_loop3A_1075 : vector<1x16xf32> to vector<16xf32>
      %parallel_loop3A_1077 = arith.constant 15 : i32
      %parallel_loop3A_1078 = arith.constant 0 : i32
      %parallel_loop3A_1079 = arith.constant 0 : i32
      %parallel_loop3A_1080 = tpu.memref_slice %arg6[%parallel_loop3A_156, %parallel_loop3A_1078, %parallel_loop3A_1079] : memref<4x16x1024xf32, #tpu.memory_space<vmem>> -> memref<1x16x1024xf32, #tpu.memory_space<vmem>>
      %parallel_loop3A_1081 = tpu.memref_squeeze %parallel_loop3A_1080 : memref<1x16x1024xf32, #tpu.memory_space<vmem>> -> memref<16x1024xf32, #tpu.memory_space<vmem>>
      %parallel_loop3A_1082 = arith.index_cast %parallel_loop3A_1077 : i32 to index
      %parallel_loop3A_1083 = arith.index_cast %parallel_loop3A_782 : i32 to index
      %parallel_loop3A_1084 = tpu.vector_load %parallel_loop3A_1081[%parallel_loop3A_1082, %parallel_loop3A_1083] {strides = array<i32>} : memref<16x1024xf32, #tpu.memory_space<vmem>>, vector<1x16xf32>,
      %parallel_loop3A_1085 = vector.shape_cast %parallel_loop3A_1084 : vector<1x16xf32> to vector<16xf32>
      %parallel_loop3A_1086 = vector.shape_cast %parallel_loop3A_1076 : vector<16xf32> to vector<1x16xf32>
      tpu.vector_store %parallel_loop3A_1081[%parallel_loop3A_1082, %parallel_loop3A_1083], %parallel_loop3A_1086 {add = true, strides = array<i32>} : memref<16x1024xf32, #tpu.memory_space<vmem>>, vector<1x16xf32>,
    } {sc.loop_unroll_factor = 1 : i64, sc.parallel_access}
    %add3A_157 = arith.constant 0 : i32
    %add3A_158 = arith.addi %mul3A_2, %add3A_157 : i32
    %dma_start3A_159 = arith.constant 0 : i32
    %dma_start3A_160 = arith.constant 0 : i32
    %dma_start3A_161 = arith.constant 0 : i32
    %dma_start3A_162 = arith.constant 0 : i32
    %dma_start3A_163 = arith.constant 0 : i32
    %dma_start3A_164 = tpu.memref_slice %arg6[%dma_start3A_159, %dma_start3A_162, %dma_start3A_163] : memref<4x16x1024xf32, #tpu.memory_space<vmem>> -> memref<1x16x1024xf32, #tpu.memory_space<vmem>>
    %dma_start3A_165 = tpu.memref_squeeze %dma_start3A_164 : memref<1x16x1024xf32, #tpu.memory_space<vmem>> -> memref<16x1024xf32, #tpu.memory_space<vmem>>
    %dma_start3A_166 = arith.constant 0 : i32
    %dma_start3A_167 = tpu.memref_slice %arg4[%dma_start3A_160, %add3A_158, %dma_start3A_166] : memref<4x1024x1024xf32, #tpu.memory_space<hbm>> -> memref<1x16x1024xf32, #tpu.memory_space<hbm>>
    %dma_start3A_168 = tpu.memref_squeeze %dma_start3A_167 : memref<1x16x1024xf32, #tpu.memory_space<hbm>> -> memref<16x1024xf32, #tpu.memory_space<hbm>>
    %dma_start3A_169 = tpu.memref_slice %arg9[%dma_start3A_161] : memref<4x!tpu.dma_semaphore, #tpu.memory_space<semaphore_mem>> -> memref<1x!tpu.dma_semaphore, #tpu.memory_space<semaphore_mem>>
    %dma_start3A_170 = tpu.memref_squeeze %dma_start3A_169 : memref<1x!tpu.dma_semaphore, #tpu.memory_space<semaphore_mem>> -> memref<!tpu.dma_semaphore, #tpu.memory_space<semaphore_mem>>
    %dma_start3A_171 = arith.constant 0 : i32
    %dma_start3A_172 = tpu.memref_slice %arg4[%dma_start3A_160, %add3A_158, %dma_start3A_171] : memref<4x1024x1024xf32, #tpu.memory_space<hbm>> -> memref<1x16x1024xf32, #tpu.memory_space<hbm>>
    %dma_start3A_173 = tpu.memref_squeeze %dma_start3A_172 : memref<1x16x1024xf32, #tpu.memory_space<hbm>> -> memref<16x1024xf32, #tpu.memory_space<hbm>>
    %dma_start3A_174 = arith.constant 0 : i32
    %dma_start3A_175 = arith.constant 0 : i32
    %dma_start3A_176 = tpu.memref_slice %arg6[%dma_start3A_159, %dma_start3A_174, %dma_start3A_175] : memref<4x16x1024xf32, #tpu.memory_space<vmem>> -> memref<1x16x1024xf32, #tpu.memory_space<vmem>>
    %dma_start3A_177 = tpu.memref_squeeze %dma_start3A_176 : memref<1x16x1024xf32, #tpu.memory_space<vmem>> -> memref<16x1024xf32, #tpu.memory_space<vmem>>
    tpu.enqueue_dma source(%dma_start3A_177 : memref<16x1024xf32, #tpu.memory_space<vmem>>) target(%dma_start3A_173 : memref<16x1024xf32, #tpu.memory_space<hbm>>) target_semaphore(%dma_start3A_170 : memref<!tpu.dma_semaphore, #tpu.memory_space<semaphore_mem>>)
    %add3A_178 = arith.constant 3072 : i32
    %add3A_179 = arith.addi %add3A_178, %mul3A_2 : i32
    %add3A_180 = arith.constant 0 : i32
    %add3A_181 = arith.addi %add3A_179, %add3A_180 : i32
    %dma_wait3A_182 = arith.constant 1 : i32
    %dma_wait3A_183 = arith.constant 1 : i32
    %dma_wait3A_184 = arith.constant 1 : i32
    %dma_wait3A_185 = arith.constant 0 : i32
    %dma_wait3A_186 = arith.constant 0 : i32
    %dma_wait3A_187 = tpu.memref_slice %arg6[%dma_wait3A_183, %dma_wait3A_185, %dma_wait3A_186] : memref<4x16x1024xf32, #tpu.memory_space<vmem>> -> memref<1x16x1024xf32, #tpu.memory_space<vmem>>
    %dma_wait3A_188 = tpu.memref_squeeze %dma_wait3A_187 : memref<1x16x1024xf32, #tpu.memory_space<vmem>> -> memref<16x1024xf32, #tpu.memory_space<vmem>>
    %dma_wait3A_189 = arith.constant 0 : i32
    %dma_wait3A_190 = tpu.memref_slice %arg2[%dma_wait3A_182, %add3A_181, %dma_wait3A_189] : memref<4x4096x1024xf32, #tpu.memory_space<hbm>> -> memref<1x16x1024xf32, #tpu.memory_space<hbm>>
    %dma_wait3A_191 = tpu.memref_squeeze %dma_wait3A_190 : memref<1x16x1024xf32, #tpu.memory_space<hbm>> -> memref<16x1024xf32, #tpu.memory_space<hbm>>
    %dma_wait3A_192 = tpu.memref_slice %arg8[%dma_wait3A_184] : memref<4x!tpu.dma_semaphore, #tpu.memory_space<semaphore_mem>> -> memref<1x!tpu.dma_semaphore, #tpu.memory_space<semaphore_mem>>
    %dma_wait3A_193 = tpu.memref_squeeze %dma_wait3A_192 : memref<1x!tpu.dma_semaphore, #tpu.memory_space<semaphore_mem>> -> memref<!tpu.dma_semaphore, #tpu.memory_space<semaphore_mem>>
    %dma_wait3A_194 = arith.constant 0 : i32
    %dma_wait3A_195 = arith.constant 0 : i32
    %dma_wait3A_196 = tpu.memref_slice %arg6[%dma_wait3A_183, %dma_wait3A_194, %dma_wait3A_195] : memref<4x16x1024xf32, #tpu.memory_space<vmem>> -> memref<1x16x1024xf32, #tpu.memory_space<vmem>>
    %dma_wait3A_197 = tpu.memref_squeeze %dma_wait3A_196 : memref<1x16x1024xf32, #tpu.memory_space<vmem>> -> memref<16x1024xf32, #tpu.memory_space<vmem>>
    %dma_wait3A_198 = arith.constant 0 : i32
    %dma_wait3A_199 = tpu.memref_slice %arg2[%dma_wait3A_182, %add3A_181, %dma_wait3A_198] : memref<4x4096x1024xf32, #tpu.memory_space<hbm>> -> memref<1x16x1024xf32, #tpu.memory_space<hbm>>
    %dma_wait3A_200 = tpu.memref_squeeze %dma_wait3A_199 : memref<1x16x1024xf32, #tpu.memory_space<hbm>> -> memref<16x1024xf32, #tpu.memory_space<hbm>>
    tpu.wait_dma2 semaphore(%dma_wait3A_193 : memref<!tpu.dma_semaphore, #tpu.memory_space<semaphore_mem>>) src(%dma_wait3A_200 : memref<16x1024xf32, #tpu.memory_space<hbm>>) dst(%dma_wait3A_197 : memref<16x1024xf32, #tpu.memory_space<vmem>>)
    %add3A_201 = arith.constant 3072 : i32
    %add3A_202 = arith.addi %add3A_201, %mul3A_2 : i32
    %add3A_203 = arith.constant 0 : i32
    %add3A_204 = arith.addi %add3A_202, %add3A_203 : i32
    %dma_start3A_205 = arith.constant 3 : i32
    %dma_start3A_206 = arith.constant 3 : i32
    %dma_start3A_207 = arith.constant 3 : i32
    %dma_start3A_208 = arith.constant 0 : i32
    %dma_start3A_209 = arith.constant 0 : i32
    %dma_start3A_210 = tpu.memref_slice %arg6[%dma_start3A_206, %dma_start3A_208, %dma_start3A_209] : memref<4x16x1024xf32, #tpu.memory_space<vmem>> -> memref<1x16x1024xf32, #tpu.memory_space<vmem>>
    %dma_start3A_211 = tpu.memref_squeeze %dma_start3A_210 : memref<1x16x1024xf32, #tpu.memory_space<vmem>> -> memref<16x1024xf32, #tpu.memory_space<vmem>>
    %dma_start3A_212 = arith.constant 0 : i32
    %dma_start3A_213 = tpu.memref_slice %arg2[%dma_start3A_205, %add3A_204, %dma_start3A_212] : memref<4x4096x1024xf32, #tpu.memory_space<hbm>> -> memref<1x16x1024xf32, #tpu.memory_space<hbm>>
    %dma_start3A_214 = tpu.memref_squeeze %dma_start3A_213 : memref<1x16x1024xf32, #tpu.memory_space<hbm>> -> memref<16x1024xf32, #tpu.memory_space<hbm>>
    %dma_start3A_215 = tpu.memref_slice %arg8[%dma_start3A_207] : memref<4x!tpu.dma_semaphore, #tpu.memory_space<semaphore_mem>> -> memref<1x!tpu.dma_semaphore, #tpu.memory_space<semaphore_mem>>
    %dma_start3A_216 = tpu.memref_squeeze %dma_start3A_215 : memref<1x!tpu.dma_semaphore, #tpu.memory_space<semaphore_mem>> -> memref<!tpu.dma_semaphore, #tpu.memory_space<semaphore_mem>>
    %dma_start3A_217 = arith.constant 0 : i32
    %dma_start3A_218 = arith.constant 0 : i32
    %dma_start3A_219 = tpu.memref_slice %arg6[%dma_start3A_206, %dma_start3A_217, %dma_start3A_218] : memref<4x16x1024xf32, #tpu.memory_space<vmem>> -> memref<1x16x1024xf32, #tpu.memory_space<vmem>>
    %dma_start3A_220 = tpu.memref_squeeze %dma_start3A_219 : memref<1x16x1024xf32, #tpu.memory_space<vmem>> -> memref<16x1024xf32, #tpu.memory_space<vmem>>
    %dma_start3A_221 = arith.constant 0 : i32
    %dma_start3A_222 = tpu.memref_slice %arg2[%dma_start3A_205, %add3A_204, %dma_start3A_221] : memref<4x4096x1024xf32, #tpu.memory_space<hbm>> -> memref<1x16x1024xf32, #tpu.memory_space<hbm>>
    %dma_start3A_223 = tpu.memref_squeeze %dma_start3A_222 : memref<1x16x1024xf32, #tpu.memory_space<hbm>> -> memref<16x1024xf32, #tpu.memory_space<hbm>>
    tpu.enqueue_dma source(%dma_start3A_223 : memref<16x1024xf32, #tpu.memory_space<hbm>>) target(%dma_start3A_220 : memref<16x1024xf32, #tpu.memory_space<vmem>>) target_semaphore(%dma_start3A_216 : memref<!tpu.dma_semaphore, #tpu.memory_space<semaphore_mem>>)
    %parallel_loop3A_224 = arith.constant 0 : i32
    %parallel_loop3A_225 = arith.constant 1024 : i32
    %parallel_loop3A_226 = arith.constant 16 : i32
    %parallel_loop3A_227 = arith.constant 0 : i32
    %parallel_loop3A_228 = arith.constant 1 : i32
    scf.for %parallel_loop3A_782 = %parallel_loop3A_224 to %parallel_loop3A_225 step %parallel_loop3A_226  : i32 {
      %parallel_loop3A_783 = arith.constant 0 : i32
      %parallel_loop3A_784 = arith.constant 0 : i32
      %parallel_loop3A_785 = arith.constant 0 : i32
      %parallel_loop3A_786 = tpu.memref_slice %arg5[%parallel_loop3A_227, %parallel_loop3A_784, %parallel_loop3A_785] : memref<2x16x1024xf32, #tpu.memory_space<vmem>> -> memref<1x16x1024xf32, #tpu.memory_space<vmem>>
      %parallel_loop3A_787 = tpu.memref_squeeze %parallel_loop3A_786 : memref<1x16x1024xf32, #tpu.memory_space<vmem>> -> memref<16x1024xf32, #tpu.memory_space<vmem>>
      %parallel_loop3A_788 = arith.index_cast %parallel_loop3A_783 : i32 to index
      %parallel_loop3A_789 = arith.index_cast %parallel_loop3A_782 : i32 to index
      %parallel_loop3A_790 = tpu.vector_load %parallel_loop3A_787[%parallel_loop3A_788, %parallel_loop3A_789] {strides = array<i32>} : memref<16x1024xf32, #tpu.memory_space<vmem>>, vector<1x16xf32>,
      %parallel_loop3A_791 = vector.shape_cast %parallel_loop3A_790 : vector<1x16xf32> to vector<16xf32>
      %parallel_loop3A_792 = arith.constant 0 : i32
      %parallel_loop3A_793 = arith.constant 0 : i32
      %parallel_loop3A_794 = arith.constant 0 : i32
      %parallel_loop3A_795 = tpu.memref_slice %arg6[%parallel_loop3A_228, %parallel_loop3A_793, %parallel_loop3A_794] : memref<4x16x1024xf32, #tpu.memory_space<vmem>> -> memref<1x16x1024xf32, #tpu.memory_space<vmem>>
      %parallel_loop3A_796 = tpu.memref_squeeze %parallel_loop3A_795 : memref<1x16x1024xf32, #tpu.memory_space<vmem>> -> memref<16x1024xf32, #tpu.memory_space<vmem>>
      %parallel_loop3A_797 = arith.index_cast %parallel_loop3A_792 : i32 to index
      %parallel_loop3A_798 = arith.index_cast %parallel_loop3A_782 : i32 to index
      %parallel_loop3A_799 = tpu.vector_load %parallel_loop3A_796[%parallel_loop3A_797, %parallel_loop3A_798] {strides = array<i32>} : memref<16x1024xf32, #tpu.memory_space<vmem>>, vector<1x16xf32>,
      %parallel_loop3A_800 = vector.shape_cast %parallel_loop3A_799 : vector<1x16xf32> to vector<16xf32>
      %parallel_loop3A_801 = vector.shape_cast %parallel_loop3A_791 : vector<16xf32> to vector<1x16xf32>
      tpu.vector_store %parallel_loop3A_796[%parallel_loop3A_797, %parallel_loop3A_798], %parallel_loop3A_801 {add = true, strides = array<i32>} : memref<16x1024xf32, #tpu.memory_space<vmem>>, vector<1x16xf32>,
      %parallel_loop3A_802 = arith.constant 1 : i32
      %parallel_loop3A_803 = arith.constant 0 : i32
      %parallel_loop3A_804 = arith.constant 0 : i32
      %parallel_loop3A_805 = tpu.memref_slice %arg5[%parallel_loop3A_227, %parallel_loop3A_803, %parallel_loop3A_804] : memref<2x16x1024xf32, #tpu.memory_space<vmem>> -> memref<1x16x1024xf32, #tpu.memory_space<vmem>>
      %parallel_loop3A_806 = tpu.memref_squeeze %parallel_loop3A_805 : memref<1x16x1024xf32, #tpu.memory_space<vmem>> -> memref<16x1024xf32, #tpu.memory_space<vmem>>
      %parallel_loop3A_807 = arith.index_cast %parallel_loop3A_802 : i32 to index
      %parallel_loop3A_808 = arith.index_cast %parallel_loop3A_782 : i32 to index
      %parallel_loop3A_809 = tpu.vector_load %parallel_loop3A_806[%parallel_loop3A_807, %parallel_loop3A_808] {strides = array<i32>} : memref<16x1024xf32, #tpu.memory_space<vmem>>, vector<1x16xf32>,
      %parallel_loop3A_810 = vector.shape_cast %parallel_loop3A_809 : vector<1x16xf32> to vector<16xf32>
      %parallel_loop3A_811 = arith.constant 1 : i32
      %parallel_loop3A_812 = arith.constant 0 : i32
      %parallel_loop3A_813 = arith.constant 0 : i32
      %parallel_loop3A_814 = tpu.memref_slice %arg6[%parallel_loop3A_228, %parallel_loop3A_812, %parallel_loop3A_813] : memref<4x16x1024xf32, #tpu.memory_space<vmem>> -> memref<1x16x1024xf32, #tpu.memory_space<vmem>>
      %parallel_loop3A_815 = tpu.memref_squeeze %parallel_loop3A_814 : memref<1x16x1024xf32, #tpu.memory_space<vmem>> -> memref<16x1024xf32, #tpu.memory_space<vmem>>
      %parallel_loop3A_816 = arith.index_cast %parallel_loop3A_811 : i32 to index
      %parallel_loop3A_817 = arith.index_cast %parallel_loop3A_782 : i32 to index
      %parallel_loop3A_818 = tpu.vector_load %parallel_loop3A_815[%parallel_loop3A_816, %parallel_loop3A_817] {strides = array<i32>} : memref<16x1024xf32, #tpu.memory_space<vmem>>, vector<1x16xf32>,
      %parallel_loop3A_819 = vector.shape_cast %parallel_loop3A_818 : vector<1x16xf32> to vector<16xf32>
      %parallel_loop3A_820 = vector.shape_cast %parallel_loop3A_810 : vector<16xf32> to vector<1x16xf32>
      tpu.vector_store %parallel_loop3A_815[%parallel_loop3A_816, %parallel_loop3A_817], %parallel_loop3A_820 {add = true, strides = array<i32>} : memref<16x1024xf32, #tpu.memory_space<vmem>>, vector<1x16xf32>,
      %parallel_loop3A_821 = arith.constant 2 : i32
      %parallel_loop3A_822 = arith.constant 0 : i32
      %parallel_loop3A_823 = arith.constant 0 : i32
      %parallel_loop3A_824 = tpu.memref_slice %arg5[%parallel_loop3A_227, %parallel_loop3A_822, %parallel_loop3A_823] : memref<2x16x1024xf32, #tpu.memory_space<vmem>> -> memref<1x16x1024xf32, #tpu.memory_space<vmem>>
      %parallel_loop3A_825 = tpu.memref_squeeze %parallel_loop3A_824 : memref<1x16x1024xf32, #tpu.memory_space<vmem>> -> memref<16x1024xf32, #tpu.memory_space<vmem>>
      %parallel_loop3A_826 = arith.index_cast %parallel_loop3A_821 : i32 to index
      %parallel_loop3A_827 = arith.index_cast %parallel_loop3A_782 : i32 to index
      %parallel_loop3A_828 = tpu.vector_load %parallel_loop3A_825[%parallel_loop3A_826, %parallel_loop3A_827] {strides = array<i32>} : memref<16x1024xf32, #tpu.memory_space<vmem>>, vector<1x16xf32>,
      %parallel_loop3A_829 = vector.shape_cast %parallel_loop3A_828 : vector<1x16xf32> to vector<16xf32>
      %parallel_loop3A_830 = arith.constant 2 : i32
      %parallel_loop3A_831 = arith.constant 0 : i32
      %parallel_loop3A_832 = arith.constant 0 : i32
      %parallel_loop3A_833 = tpu.memref_slice %arg6[%parallel_loop3A_228, %parallel_loop3A_831, %parallel_loop3A_832] : memref<4x16x1024xf32, #tpu.memory_space<vmem>> -> memref<1x16x1024xf32, #tpu.memory_space<vmem>>
      %parallel_loop3A_834 = tpu.memref_squeeze %parallel_loop3A_833 : memref<1x16x1024xf32, #tpu.memory_space<vmem>> -> memref<16x1024xf32, #tpu.memory_space<vmem>>
      %parallel_loop3A_835 = arith.index_cast %parallel_loop3A_830 : i32 to index
      %parallel_loop3A_836 = arith.index_cast %parallel_loop3A_782 : i32 to index
      %parallel_loop3A_837 = tpu.vector_load %parallel_loop3A_834[%parallel_loop3A_835, %parallel_loop3A_836] {strides = array<i32>} : memref<16x1024xf32, #tpu.memory_space<vmem>>, vector<1x16xf32>,
      %parallel_loop3A_838 = vector.shape_cast %parallel_loop3A_837 : vector<1x16xf32> to vector<16xf32>
      %parallel_loop3A_839 = vector.shape_cast %parallel_loop3A_829 : vector<16xf32> to vector<1x16xf32>
      tpu.vector_store %parallel_loop3A_834[%parallel_loop3A_835, %parallel_loop3A_836], %parallel_loop3A_839 {add = true, strides = array<i32>} : memref<16x1024xf32, #tpu.memory_space<vmem>>, vector<1x16xf32>,
      %parallel_loop3A_840 = arith.constant 3 : i32
      %parallel_loop3A_841 = arith.constant 0 : i32
      %parallel_loop3A_842 = arith.constant 0 : i32
      %parallel_loop3A_843 = tpu.memref_slice %arg5[%parallel_loop3A_227, %parallel_loop3A_841, %parallel_loop3A_842] : memref<2x16x1024xf32, #tpu.memory_space<vmem>> -> memref<1x16x1024xf32, #tpu.memory_space<vmem>>
      %parallel_loop3A_844 = tpu.memref_squeeze %parallel_loop3A_843 : memref<1x16x1024xf32, #tpu.memory_space<vmem>> -> memref<16x1024xf32, #tpu.memory_space<vmem>>
      %parallel_loop3A_845 = arith.index_cast %parallel_loop3A_840 : i32 to index
      %parallel_loop3A_846 = arith.index_cast %parallel_loop3A_782 : i32 to index
      %parallel_loop3A_847 = tpu.vector_load %parallel_loop3A_844[%parallel_loop3A_845, %parallel_loop3A_846] {strides = array<i32>} : memref<16x1024xf32, #tpu.memory_space<vmem>>, vector<1x16xf32>,
      %parallel_loop3A_848 = vector.shape_cast %parallel_loop3A_847 : vector<1x16xf32> to vector<16xf32>
      %parallel_loop3A_849 = arith.constant 3 : i32
      %parallel_loop3A_850 = arith.constant 0 : i32
      %parallel_loop3A_851 = arith.constant 0 : i32
      %parallel_loop3A_852 = tpu.memref_slice %arg6[%parallel_loop3A_228, %parallel_loop3A_850, %parallel_loop3A_851] : memref<4x16x1024xf32, #tpu.memory_space<vmem>> -> memref<1x16x1024xf32, #tpu.memory_space<vmem>>
      %parallel_loop3A_853 = tpu.memref_squeeze %parallel_loop3A_852 : memref<1x16x1024xf32, #tpu.memory_space<vmem>> -> memref<16x1024xf32, #tpu.memory_space<vmem>>
      %parallel_loop3A_854 = arith.index_cast %parallel_loop3A_849 : i32 to index
      %parallel_loop3A_855 = arith.index_cast %parallel_loop3A_782 : i32 to index
      %parallel_loop3A_856 = tpu.vector_load %parallel_loop3A_853[%parallel_loop3A_854, %parallel_loop3A_855] {strides = array<i32>} : memref<16x1024xf32, #tpu.memory_space<vmem>>, vector<1x16xf32>,
      %parallel_loop3A_857 = vector.shape_cast %parallel_loop3A_856 : vector<1x16xf32> to vector<16xf32>
      %parallel_loop3A_858 = vector.shape_cast %parallel_loop3A_848 : vector<16xf32> to vector<1x16xf32>
      tpu.vector_store %parallel_loop3A_853[%parallel_loop3A_854, %parallel_loop3A_855], %parallel_loop3A_858 {add = true, strides = array<i32>} : memref<16x1024xf32, #tpu.memory_space<vmem>>, vector<1x16xf32>,
      %parallel_loop3A_859 = arith.constant 4 : i32
      %parallel_loop3A_860 = arith.constant 0 : i32
      %parallel_loop3A_861 = arith.constant 0 : i32
      %parallel_loop3A_862 = tpu.memref_slice %arg5[%parallel_loop3A_227, %parallel_loop3A_860, %parallel_loop3A_861] : memref<2x16x1024xf32, #tpu.memory_space<vmem>> -> memref<1x16x1024xf32, #tpu.memory_space<vmem>>
      %parallel_loop3A_863 = tpu.memref_squeeze %parallel_loop3A_862 : memref<1x16x1024xf32, #tpu.memory_space<vmem>> -> memref<16x1024xf32, #tpu.memory_space<vmem>>
      %parallel_loop3A_864 = arith.index_cast %parallel_loop3A_859 : i32 to index
      %parallel_loop3A_865 = arith.index_cast %parallel_loop3A_782 : i32 to index
      %parallel_loop3A_866 = tpu.vector_load %parallel_loop3A_863[%parallel_loop3A_864, %parallel_loop3A_865] {strides = array<i32>} : memref<16x1024xf32, #tpu.memory_space<vmem>>, vector<1x16xf32>,
      %parallel_loop3A_867 = vector.shape_cast %parallel_loop3A_866 : vector<1x16xf32> to vector<16xf32>
      %parallel_loop3A_868 = arith.constant 4 : i32
      %parallel_loop3A_869 = arith.constant 0 : i32
      %parallel_loop3A_870 = arith.constant 0 : i32
      %parallel_loop3A_871 = tpu.memref_slice %arg6[%parallel_loop3A_228, %parallel_loop3A_869, %parallel_loop3A_870] : memref<4x16x1024xf32, #tpu.memory_space<vmem>> -> memref<1x16x1024xf32, #tpu.memory_space<vmem>>
      %parallel_loop3A_872 = tpu.memref_squeeze %parallel_loop3A_871 : memref<1x16x1024xf32, #tpu.memory_space<vmem>> -> memref<16x1024xf32, #tpu.memory_space<vmem>>
      %parallel_loop3A_873 = arith.index_cast %parallel_loop3A_868 : i32 to index
      %parallel_loop3A_874 = arith.index_cast %parallel_loop3A_782 : i32 to index
      %parallel_loop3A_875 = tpu.vector_load %parallel_loop3A_872[%parallel_loop3A_873, %parallel_loop3A_874] {strides = array<i32>} : memref<16x1024xf32, #tpu.memory_space<vmem>>, vector<1x16xf32>,
      %parallel_loop3A_876 = vector.shape_cast %parallel_loop3A_875 : vector<1x16xf32> to vector<16xf32>
      %parallel_loop3A_877 = vector.shape_cast %parallel_loop3A_867 : vector<16xf32> to vector<1x16xf32>
      tpu.vector_store %parallel_loop3A_872[%parallel_loop3A_873, %parallel_loop3A_874], %parallel_loop3A_877 {add = true, strides = array<i32>} : memref<16x1024xf32, #tpu.memory_space<vmem>>, vector<1x16xf32>,
      %parallel_loop3A_878 = arith.constant 5 : i32
      %parallel_loop3A_879 = arith.constant 0 : i32
      %parallel_loop3A_880 = arith.constant 0 : i32
      %parallel_loop3A_881 = tpu.memref_slice %arg5[%parallel_loop3A_227, %parallel_loop3A_879, %parallel_loop3A_880] : memref<2x16x1024xf32, #tpu.memory_space<vmem>> -> memref<1x16x1024xf32, #tpu.memory_space<vmem>>
      %parallel_loop3A_882 = tpu.memref_squeeze %parallel_loop3A_881 : memref<1x16x1024xf32, #tpu.memory_space<vmem>> -> memref<16x1024xf32, #tpu.memory_space<vmem>>
      %parallel_loop3A_883 = arith.index_cast %parallel_loop3A_878 : i32 to index
      %parallel_loop3A_884 = arith.index_cast %parallel_loop3A_782 : i32 to index
      %parallel_loop3A_885 = tpu.vector_load %parallel_loop3A_882[%parallel_loop3A_883, %parallel_loop3A_884] {strides = array<i32>} : memref<16x1024xf32, #tpu.memory_space<vmem>>, vector<1x16xf32>,
      %parallel_loop3A_886 = vector.shape_cast %parallel_loop3A_885 : vector<1x16xf32> to vector<16xf32>
      %parallel_loop3A_887 = arith.constant 5 : i32
      %parallel_loop3A_888 = arith.constant 0 : i32
      %parallel_loop3A_889 = arith.constant 0 : i32
      %parallel_loop3A_890 = tpu.memref_slice %arg6[%parallel_loop3A_228, %parallel_loop3A_888, %parallel_loop3A_889] : memref<4x16x1024xf32, #tpu.memory_space<vmem>> -> memref<1x16x1024xf32, #tpu.memory_space<vmem>>
      %parallel_loop3A_891 = tpu.memref_squeeze %parallel_loop3A_890 : memref<1x16x1024xf32, #tpu.memory_space<vmem>> -> memref<16x1024xf32, #tpu.memory_space<vmem>>
      %parallel_loop3A_892 = arith.index_cast %parallel_loop3A_887 : i32 to index
      %parallel_loop3A_893 = arith.index_cast %parallel_loop3A_782 : i32 to index
      %parallel_loop3A_894 = tpu.vector_load %parallel_loop3A_891[%parallel_loop3A_892, %parallel_loop3A_893] {strides = array<i32>} : memref<16x1024xf32, #tpu.memory_space<vmem>>, vector<1x16xf32>,
      %parallel_loop3A_895 = vector.shape_cast %parallel_loop3A_894 : vector<1x16xf32> to vector<16xf32>
      %parallel_loop3A_896 = vector.shape_cast %parallel_loop3A_886 : vector<16xf32> to vector<1x16xf32>
      tpu.vector_store %parallel_loop3A_891[%parallel_loop3A_892, %parallel_loop3A_893], %parallel_loop3A_896 {add = true, strides = array<i32>} : memref<16x1024xf32, #tpu.memory_space<vmem>>, vector<1x16xf32>,
      %parallel_loop3A_897 = arith.constant 6 : i32
      %parallel_loop3A_898 = arith.constant 0 : i32
      %parallel_loop3A_899 = arith.constant 0 : i32
      %parallel_loop3A_900 = tpu.memref_slice %arg5[%parallel_loop3A_227, %parallel_loop3A_898, %parallel_loop3A_899] : memref<2x16x1024xf32, #tpu.memory_space<vmem>> -> memref<1x16x1024xf32, #tpu.memory_space<vmem>>
      %parallel_loop3A_901 = tpu.memref_squeeze %parallel_loop3A_900 : memref<1x16x1024xf32, #tpu.memory_space<vmem>> -> memref<16x1024xf32, #tpu.memory_space<vmem>>
      %parallel_loop3A_902 = arith.index_cast %parallel_loop3A_897 : i32 to index
      %parallel_loop3A_903 = arith.index_cast %parallel_loop3A_782 : i32 to index
      %parallel_loop3A_904 = tpu.vector_load %parallel_loop3A_901[%parallel_loop3A_902, %parallel_loop3A_903] {strides = array<i32>} : memref<16x1024xf32, #tpu.memory_space<vmem>>, vector<1x16xf32>,
      %parallel_loop3A_905 = vector.shape_cast %parallel_loop3A_904 : vector<1x16xf32> to vector<16xf32>
      %parallel_loop3A_906 = arith.constant 6 : i32
      %parallel_loop3A_907 = arith.constant 0 : i32
      %parallel_loop3A_908 = arith.constant 0 : i32
      %parallel_loop3A_909 = tpu.memref_slice %arg6[%parallel_loop3A_228, %parallel_loop3A_907, %parallel_loop3A_908] : memref<4x16x1024xf32, #tpu.memory_space<vmem>> -> memref<1x16x1024xf32, #tpu.memory_space<vmem>>
      %parallel_loop3A_910 = tpu.memref_squeeze %parallel_loop3A_909 : memref<1x16x1024xf32, #tpu.memory_space<vmem>> -> memref<16x1024xf32, #tpu.memory_space<vmem>>
      %parallel_loop3A_911 = arith.index_cast %parallel_loop3A_906 : i32 to index
      %parallel_loop3A_912 = arith.index_cast %parallel_loop3A_782 : i32 to index
      %parallel_loop3A_913 = tpu.vector_load %parallel_loop3A_910[%parallel_loop3A_911, %parallel_loop3A_912] {strides = array<i32>} : memref<16x1024xf32, #tpu.memory_space<vmem>>, vector<1x16xf32>,
      %parallel_loop3A_914 = vector.shape_cast %parallel_loop3A_913 : vector<1x16xf32> to vector<16xf32>
      %parallel_loop3A_915 = vector.shape_cast %parallel_loop3A_905 : vector<16xf32> to vector<1x16xf32>
      tpu.vector_store %parallel_loop3A_910[%parallel_loop3A_911, %parallel_loop3A_912], %parallel_loop3A_915 {add = true, strides = array<i32>} : memref<16x1024xf32, #tpu.memory_space<vmem>>, vector<1x16xf32>,
      %parallel_loop3A_916 = arith.constant 7 : i32
      %parallel_loop3A_917 = arith.constant 0 : i32
      %parallel_loop3A_918 = arith.constant 0 : i32
      %parallel_loop3A_919 = tpu.memref_slice %arg5[%parallel_loop3A_227, %parallel_loop3A_917, %parallel_loop3A_918] : memref<2x16x1024xf32, #tpu.memory_space<vmem>> -> memref<1x16x1024xf32, #tpu.memory_space<vmem>>
      %parallel_loop3A_920 = tpu.memref_squeeze %parallel_loop3A_919 : memref<1x16x1024xf32, #tpu.memory_space<vmem>> -> memref<16x1024xf32, #tpu.memory_space<vmem>>
      %parallel_loop3A_921 = arith.index_cast %parallel_loop3A_916 : i32 to index
      %parallel_loop3A_922 = arith.index_cast %parallel_loop3A_782 : i32 to index
      %parallel_loop3A_923 = tpu.vector_load %parallel_loop3A_920[%parallel_loop3A_921, %parallel_loop3A_922] {strides = array<i32>} : memref<16x1024xf32, #tpu.memory_space<vmem>>, vector<1x16xf32>,
      %parallel_loop3A_924 = vector.shape_cast %parallel_loop3A_923 : vector<1x16xf32> to vector<16xf32>
      %parallel_loop3A_925 = arith.constant 7 : i32
      %parallel_loop3A_926 = arith.constant 0 : i32
      %parallel_loop3A_927 = arith.constant 0 : i32
      %parallel_loop3A_928 = tpu.memref_slice %arg6[%parallel_loop3A_228, %parallel_loop3A_926, %parallel_loop3A_927] : memref<4x16x1024xf32, #tpu.memory_space<vmem>> -> memref<1x16x1024xf32, #tpu.memory_space<vmem>>
      %parallel_loop3A_929 = tpu.memref_squeeze %parallel_loop3A_928 : memref<1x16x1024xf32, #tpu.memory_space<vmem>> -> memref<16x1024xf32, #tpu.memory_space<vmem>>
      %parallel_loop3A_930 = arith.index_cast %parallel_loop3A_925 : i32 to index
      %parallel_loop3A_931 = arith.index_cast %parallel_loop3A_782 : i32 to index
      %parallel_loop3A_932 = tpu.vector_load %parallel_loop3A_929[%parallel_loop3A_930, %parallel_loop3A_931] {strides = array<i32>} : memref<16x1024xf32, #tpu.memory_space<vmem>>, vector<1x16xf32>,
      %parallel_loop3A_933 = vector.shape_cast %parallel_loop3A_932 : vector<1x16xf32> to vector<16xf32>
      %parallel_loop3A_934 = vector.shape_cast %parallel_loop3A_924 : vector<16xf32> to vector<1x16xf32>
      tpu.vector_store %parallel_loop3A_929[%parallel_loop3A_930, %parallel_loop3A_931], %parallel_loop3A_934 {add = true, strides = array<i32>} : memref<16x1024xf32, #tpu.memory_space<vmem>>, vector<1x16xf32>,
      %parallel_loop3A_935 = arith.constant 8 : i32
      %parallel_loop3A_936 = arith.constant 0 : i32
      %parallel_loop3A_937 = arith.constant 0 : i32
      %parallel_loop3A_938 = tpu.memref_slice %arg5[%parallel_loop3A_227, %parallel_loop3A_936, %parallel_loop3A_937] : memref<2x16x1024xf32, #tpu.memory_space<vmem>> -> memref<1x16x1024xf32, #tpu.memory_space<vmem>>
      %parallel_loop3A_939 = tpu.memref_squeeze %parallel_loop3A_938 : memref<1x16x1024xf32, #tpu.memory_space<vmem>> -> memref<16x1024xf32, #tpu.memory_space<vmem>>
      %parallel_loop3A_940 = arith.index_cast %parallel_loop3A_935 : i32 to index
      %parallel_loop3A_941 = arith.index_cast %parallel_loop3A_782 : i32 to index
      %parallel_loop3A_942 = tpu.vector_load %parallel_loop3A_939[%parallel_loop3A_940, %parallel_loop3A_941] {strides = array<i32>} : memref<16x1024xf32, #tpu.memory_space<vmem>>, vector<1x16xf32>,
      %parallel_loop3A_943 = vector.shape_cast %parallel_loop3A_942 : vector<1x16xf32> to vector<16xf32>
      %parallel_loop3A_944 = arith.constant 8 : i32
      %parallel_loop3A_945 = arith.constant 0 : i32
      %parallel_loop3A_946 = arith.constant 0 : i32
      %parallel_loop3A_947 = tpu.memref_slice %arg6[%parallel_loop3A_228, %parallel_loop3A_945, %parallel_loop3A_946] : memref<4x16x1024xf32, #tpu.memory_space<vmem>> -> memref<1x16x1024xf32, #tpu.memory_space<vmem>>
      %parallel_loop3A_948 = tpu.memref_squeeze %parallel_loop3A_947 : memref<1x16x1024xf32, #tpu.memory_space<vmem>> -> memref<16x1024xf32, #tpu.memory_space<vmem>>
      %parallel_loop3A_949 = arith.index_cast %parallel_loop3A_944 : i32 to index
      %parallel_loop3A_950 = arith.index_cast %parallel_loop3A_782 : i32 to index
      %parallel_loop3A_951 = tpu.vector_load %parallel_loop3A_948[%parallel_loop3A_949, %parallel_loop3A_950] {strides = array<i32>} : memref<16x1024xf32, #tpu.memory_space<vmem>>, vector<1x16xf32>,
      %parallel_loop3A_952 = vector.shape_cast %parallel_loop3A_951 : vector<1x16xf32> to vector<16xf32>
      %parallel_loop3A_953 = vector.shape_cast %parallel_loop3A_943 : vector<16xf32> to vector<1x16xf32>
      tpu.vector_store %parallel_loop3A_948[%parallel_loop3A_949, %parallel_loop3A_950], %parallel_loop3A_953 {add = true, strides = array<i32>} : memref<16x1024xf32, #tpu.memory_space<vmem>>, vector<1x16xf32>,
      %parallel_loop3A_954 = arith.constant 9 : i32
      %parallel_loop3A_955 = arith.constant 0 : i32
      %parallel_loop3A_956 = arith.constant 0 : i32
      %parallel_loop3A_957 = tpu.memref_slice %arg5[%parallel_loop3A_227, %parallel_loop3A_955, %parallel_loop3A_956] : memref<2x16x1024xf32, #tpu.memory_space<vmem>> -> memref<1x16x1024xf32, #tpu.memory_space<vmem>>
      %parallel_loop3A_958 = tpu.memref_squeeze %parallel_loop3A_957 : memref<1x16x1024xf32, #tpu.memory_space<vmem>> -> memref<16x1024xf32, #tpu.memory_space<vmem>>
      %parallel_loop3A_959 = arith.index_cast %parallel_loop3A_954 : i32 to index
      %parallel_loop3A_960 = arith.index_cast %parallel_loop3A_782 : i32 to index
      %parallel_loop3A_961 = tpu.vector_load %parallel_loop3A_958[%parallel_loop3A_959, %parallel_loop3A_960] {strides = array<i32>} : memref<16x1024xf32, #tpu.memory_space<vmem>>, vector<1x16xf32>,
      %parallel_loop3A_962 = vector.shape_cast %parallel_loop3A_961 : vector<1x16xf32> to vector<16xf32>
      %parallel_loop3A_963 = arith.constant 9 : i32
      %parallel_loop3A_964 = arith.constant 0 : i32
      %parallel_loop3A_965 = arith.constant 0 : i32
      %parallel_loop3A_966 = tpu.memref_slice %arg6[%parallel_loop3A_228, %parallel_loop3A_964, %parallel_loop3A_965] : memref<4x16x1024xf32, #tpu.memory_space<vmem>> -> memref<1x16x1024xf32, #tpu.memory_space<vmem>>
      %parallel_loop3A_967 = tpu.memref_squeeze %parallel_loop3A_966 : memref<1x16x1024xf32, #tpu.memory_space<vmem>> -> memref<16x1024xf32, #tpu.memory_space<vmem>>
      %parallel_loop3A_968 = arith.index_cast %parallel_loop3A_963 : i32 to index
      %parallel_loop3A_969 = arith.index_cast %parallel_loop3A_782 : i32 to index
      %parallel_loop3A_970 = tpu.vector_load %parallel_loop3A_967[%parallel_loop3A_968, %parallel_loop3A_969] {strides = array<i32>} : memref<16x1024xf32, #tpu.memory_space<vmem>>, vector<1x16xf32>,
      %parallel_loop3A_971 = vector.shape_cast %parallel_loop3A_970 : vector<1x16xf32> to vector<16xf32>
      %parallel_loop3A_972 = vector.shape_cast %parallel_loop3A_962 : vector<16xf32> to vector<1x16xf32>
      tpu.vector_store %parallel_loop3A_967[%parallel_loop3A_968, %parallel_loop3A_969], %parallel_loop3A_972 {add = true, strides = array<i32>} : memref<16x1024xf32, #tpu.memory_space<vmem>>, vector<1x16xf32>,
      %parallel_loop3A_973 = arith.constant 10 : i32
      %parallel_loop3A_974 = arith.constant 0 : i32
      %parallel_loop3A_975 = arith.constant 0 : i32
      %parallel_loop3A_976 = tpu.memref_slice %arg5[%parallel_loop3A_227, %parallel_loop3A_974, %parallel_loop3A_975] : memref<2x16x1024xf32, #tpu.memory_space<vmem>> -> memref<1x16x1024xf32, #tpu.memory_space<vmem>>
      %parallel_loop3A_977 = tpu.memref_squeeze %parallel_loop3A_976 : memref<1x16x1024xf32, #tpu.memory_space<vmem>> -> memref<16x1024xf32, #tpu.memory_space<vmem>>
      %parallel_loop3A_978 = arith.index_cast %parallel_loop3A_973 : i32 to index
      %parallel_loop3A_979 = arith.index_cast %parallel_loop3A_782 : i32 to index
      %parallel_loop3A_980 = tpu.vector_load %parallel_loop3A_977[%parallel_loop3A_978, %parallel_loop3A_979] {strides = array<i32>} : memref<16x1024xf32, #tpu.memory_space<vmem>>, vector<1x16xf32>,
      %parallel_loop3A_981 = vector.shape_cast %parallel_loop3A_980 : vector<1x16xf32> to vector<16xf32>
      %parallel_loop3A_982 = arith.constant 10 : i32
      %parallel_loop3A_983 = arith.constant 0 : i32
      %parallel_loop3A_984 = arith.constant 0 : i32
      %parallel_loop3A_985 = tpu.memref_slice %arg6[%parallel_loop3A_228, %parallel_loop3A_983, %parallel_loop3A_984] : memref<4x16x1024xf32, #tpu.memory_space<vmem>> -> memref<1x16x1024xf32, #tpu.memory_space<vmem>>
      %parallel_loop3A_986 = tpu.memref_squeeze %parallel_loop3A_985 : memref<1x16x1024xf32, #tpu.memory_space<vmem>> -> memref<16x1024xf32, #tpu.memory_space<vmem>>
      %parallel_loop3A_987 = arith.index_cast %parallel_loop3A_982 : i32 to index
      %parallel_loop3A_988 = arith.index_cast %parallel_loop3A_782 : i32 to index
      %parallel_loop3A_989 = tpu.vector_load %parallel_loop3A_986[%parallel_loop3A_987, %parallel_loop3A_988] {strides = array<i32>} : memref<16x1024xf32, #tpu.memory_space<vmem>>, vector<1x16xf32>,
      %parallel_loop3A_990 = vector.shape_cast %parallel_loop3A_989 : vector<1x16xf32> to vector<16xf32>
      %parallel_loop3A_991 = vector.shape_cast %parallel_loop3A_981 : vector<16xf32> to vector<1x16xf32>
      tpu.vector_store %parallel_loop3A_986[%parallel_loop3A_987, %parallel_loop3A_988], %parallel_loop3A_991 {add = true, strides = array<i32>} : memref<16x1024xf32, #tpu.memory_space<vmem>>, vector<1x16xf32>,
      %parallel_loop3A_992 = arith.constant 11 : i32
      %parallel_loop3A_993 = arith.constant 0 : i32
      %parallel_loop3A_994 = arith.constant 0 : i32
      %parallel_loop3A_995 = tpu.memref_slice %arg5[%parallel_loop3A_227, %parallel_loop3A_993, %parallel_loop3A_994] : memref<2x16x1024xf32, #tpu.memory_space<vmem>> -> memref<1x16x1024xf32, #tpu.memory_space<vmem>>
      %parallel_loop3A_996 = tpu.memref_squeeze %parallel_loop3A_995 : memref<1x16x1024xf32, #tpu.memory_space<vmem>> -> memref<16x1024xf32, #tpu.memory_space<vmem>>
      %parallel_loop3A_997 = arith.index_cast %parallel_loop3A_992 : i32 to index
      %parallel_loop3A_998 = arith.index_cast %parallel_loop3A_782 : i32 to index
      %parallel_loop3A_999 = tpu.vector_load %parallel_loop3A_996[%parallel_loop3A_997, %parallel_loop3A_998] {strides = array<i32>} : memref<16x1024xf32, #tpu.memory_space<vmem>>, vector<1x16xf32>,
      %parallel_loop3A_1000 = vector.shape_cast %parallel_loop3A_999 : vector<1x16xf32> to vector<16xf32>
      %parallel_loop3A_1001 = arith.constant 11 : i32
      %parallel_loop3A_1002 = arith.constant 0 : i32
      %parallel_loop3A_1003 = arith.constant 0 : i32
      %parallel_loop3A_1004 = tpu.memref_slice %arg6[%parallel_loop3A_228, %parallel_loop3A_1002, %parallel_loop3A_1003] : memref<4x16x1024xf32, #tpu.memory_space<vmem>> -> memref<1x16x1024xf32, #tpu.memory_space<vmem>>
      %parallel_loop3A_1005 = tpu.memref_squeeze %parallel_loop3A_1004 : memref<1x16x1024xf32, #tpu.memory_space<vmem>> -> memref<16x1024xf32, #tpu.memory_space<vmem>>
      %parallel_loop3A_1006 = arith.index_cast %parallel_loop3A_1001 : i32 to index
      %parallel_loop3A_1007 = arith.index_cast %parallel_loop3A_782 : i32 to index
      %parallel_loop3A_1008 = tpu.vector_load %parallel_loop3A_1005[%parallel_loop3A_1006, %parallel_loop3A_1007] {strides = array<i32>} : memref<16x1024xf32, #tpu.memory_space<vmem>>, vector<1x16xf32>,
      %parallel_loop3A_1009 = vector.shape_cast %parallel_loop3A_1008 : vector<1x16xf32> to vector<16xf32>
      %parallel_loop3A_1010 = vector.shape_cast %parallel_loop3A_1000 : vector<16xf32> to vector<1x16xf32>
      tpu.vector_store %parallel_loop3A_1005[%parallel_loop3A_1006, %parallel_loop3A_1007], %parallel_loop3A_1010 {add = true, strides = array<i32>} : memref<16x1024xf32, #tpu.memory_space<vmem>>, vector<1x16xf32>,
      %parallel_loop3A_1011 = arith.constant 12 : i32
      %parallel_loop3A_1012 = arith.constant 0 : i32
      %parallel_loop3A_1013 = arith.constant 0 : i32
      %parallel_loop3A_1014 = tpu.memref_slice %arg5[%parallel_loop3A_227, %parallel_loop3A_1012, %parallel_loop3A_1013] : memref<2x16x1024xf32, #tpu.memory_space<vmem>> -> memref<1x16x1024xf32, #tpu.memory_space<vmem>>
      %parallel_loop3A_1015 = tpu.memref_squeeze %parallel_loop3A_1014 : memref<1x16x1024xf32, #tpu.memory_space<vmem>> -> memref<16x1024xf32, #tpu.memory_space<vmem>>
      %parallel_loop3A_1016 = arith.index_cast %parallel_loop3A_1011 : i32 to index
      %parallel_loop3A_1017 = arith.index_cast %parallel_loop3A_782 : i32 to index
      %parallel_loop3A_1018 = tpu.vector_load %parallel_loop3A_1015[%parallel_loop3A_1016, %parallel_loop3A_1017] {strides = array<i32>} : memref<16x1024xf32, #tpu.memory_space<vmem>>, vector<1x16xf32>,
      %parallel_loop3A_1019 = vector.shape_cast %parallel_loop3A_1018 : vector<1x16xf32> to vector<16xf32>
      %parallel_loop3A_1020 = arith.constant 12 : i32
      %parallel_loop3A_1021 = arith.constant 0 : i32
      %parallel_loop3A_1022 = arith.constant 0 : i32
      %parallel_loop3A_1023 = tpu.memref_slice %arg6[%parallel_loop3A_228, %parallel_loop3A_1021, %parallel_loop3A_1022] : memref<4x16x1024xf32, #tpu.memory_space<vmem>> -> memref<1x16x1024xf32, #tpu.memory_space<vmem>>
      %parallel_loop3A_1024 = tpu.memref_squeeze %parallel_loop3A_1023 : memref<1x16x1024xf32, #tpu.memory_space<vmem>> -> memref<16x1024xf32, #tpu.memory_space<vmem>>
      %parallel_loop3A_1025 = arith.index_cast %parallel_loop3A_1020 : i32 to index
      %parallel_loop3A_1026 = arith.index_cast %parallel_loop3A_782 : i32 to index
      %parallel_loop3A_1027 = tpu.vector_load %parallel_loop3A_1024[%parallel_loop3A_1025, %parallel_loop3A_1026] {strides = array<i32>} : memref<16x1024xf32, #tpu.memory_space<vmem>>, vector<1x16xf32>,
      %parallel_loop3A_1028 = vector.shape_cast %parallel_loop3A_1027 : vector<1x16xf32> to vector<16xf32>
      %parallel_loop3A_1029 = vector.shape_cast %parallel_loop3A_1019 : vector<16xf32> to vector<1x16xf32>
      tpu.vector_store %parallel_loop3A_1024[%parallel_loop3A_1025, %parallel_loop3A_1026], %parallel_loop3A_1029 {add = true, strides = array<i32>} : memref<16x1024xf32, #tpu.memory_space<vmem>>, vector<1x16xf32>,
      %parallel_loop3A_1030 = arith.constant 13 : i32
      %parallel_loop3A_1031 = arith.constant 0 : i32
      %parallel_loop3A_1032 = arith.constant 0 : i32
      %parallel_loop3A_1033 = tpu.memref_slice %arg5[%parallel_loop3A_227, %parallel_loop3A_1031, %parallel_loop3A_1032] : memref<2x16x1024xf32, #tpu.memory_space<vmem>> -> memref<1x16x1024xf32, #tpu.memory_space<vmem>>
      %parallel_loop3A_1034 = tpu.memref_squeeze %parallel_loop3A_1033 : memref<1x16x1024xf32, #tpu.memory_space<vmem>> -> memref<16x1024xf32, #tpu.memory_space<vmem>>
      %parallel_loop3A_1035 = arith.index_cast %parallel_loop3A_1030 : i32 to index
      %parallel_loop3A_1036 = arith.index_cast %parallel_loop3A_782 : i32 to index
      %parallel_loop3A_1037 = tpu.vector_load %parallel_loop3A_1034[%parallel_loop3A_1035, %parallel_loop3A_1036] {strides = array<i32>} : memref<16x1024xf32, #tpu.memory_space<vmem>>, vector<1x16xf32>,
      %parallel_loop3A_1038 = vector.shape_cast %parallel_loop3A_1037 : vector<1x16xf32> to vector<16xf32>
      %parallel_loop3A_1039 = arith.constant 13 : i32
      %parallel_loop3A_1040 = arith.constant 0 : i32
      %parallel_loop3A_1041 = arith.constant 0 : i32
      %parallel_loop3A_1042 = tpu.memref_slice %arg6[%parallel_loop3A_228, %parallel_loop3A_1040, %parallel_loop3A_1041] : memref<4x16x1024xf32, #tpu.memory_space<vmem>> -> memref<1x16x1024xf32, #tpu.memory_space<vmem>>
      %parallel_loop3A_1043 = tpu.memref_squeeze %parallel_loop3A_1042 : memref<1x16x1024xf32, #tpu.memory_space<vmem>> -> memref<16x1024xf32, #tpu.memory_space<vmem>>
      %parallel_loop3A_1044 = arith.index_cast %parallel_loop3A_1039 : i32 to index
      %parallel_loop3A_1045 = arith.index_cast %parallel_loop3A_782 : i32 to index
      %parallel_loop3A_1046 = tpu.vector_load %parallel_loop3A_1043[%parallel_loop3A_1044, %parallel_loop3A_1045] {strides = array<i32>} : memref<16x1024xf32, #tpu.memory_space<vmem>>, vector<1x16xf32>,
      %parallel_loop3A_1047 = vector.shape_cast %parallel_loop3A_1046 : vector<1x16xf32> to vector<16xf32>
      %parallel_loop3A_1048 = vector.shape_cast %parallel_loop3A_1038 : vector<16xf32> to vector<1x16xf32>
      tpu.vector_store %parallel_loop3A_1043[%parallel_loop3A_1044, %parallel_loop3A_1045], %parallel_loop3A_1048 {add = true, strides = array<i32>} : memref<16x1024xf32, #tpu.memory_space<vmem>>, vector<1x16xf32>,
      %parallel_loop3A_1049 = arith.constant 14 : i32
      %parallel_loop3A_1050 = arith.constant 0 : i32
      %parallel_loop3A_1051 = arith.constant 0 : i32
      %parallel_loop3A_1052 = tpu.memref_slice %arg5[%parallel_loop3A_227, %parallel_loop3A_1050, %parallel_loop3A_1051] : memref<2x16x1024xf32, #tpu.memory_space<vmem>> -> memref<1x16x1024xf32, #tpu.memory_space<vmem>>
      %parallel_loop3A_1053 = tpu.memref_squeeze %parallel_loop3A_1052 : memref<1x16x1024xf32, #tpu.memory_space<vmem>> -> memref<16x1024xf32, #tpu.memory_space<vmem>>
      %parallel_loop3A_1054 = arith.index_cast %parallel_loop3A_1049 : i32 to index
      %parallel_loop3A_1055 = arith.index_cast %parallel_loop3A_782 : i32 to index
      %parallel_loop3A_1056 = tpu.vector_load %parallel_loop3A_1053[%parallel_loop3A_1054, %parallel_loop3A_1055] {strides = array<i32>} : memref<16x1024xf32, #tpu.memory_space<vmem>>, vector<1x16xf32>,
      %parallel_loop3A_1057 = vector.shape_cast %parallel_loop3A_1056 : vector<1x16xf32> to vector<16xf32>
      %parallel_loop3A_1058 = arith.constant 14 : i32
      %parallel_loop3A_1059 = arith.constant 0 : i32
      %parallel_loop3A_1060 = arith.constant 0 : i32
      %parallel_loop3A_1061 = tpu.memref_slice %arg6[%parallel_loop3A_228, %parallel_loop3A_1059, %parallel_loop3A_1060] : memref<4x16x1024xf32, #tpu.memory_space<vmem>> -> memref<1x16x1024xf32, #tpu.memory_space<vmem>>
      %parallel_loop3A_1062 = tpu.memref_squeeze %parallel_loop3A_1061 : memref<1x16x1024xf32, #tpu.memory_space<vmem>> -> memref<16x1024xf32, #tpu.memory_space<vmem>>
      %parallel_loop3A_1063 = arith.index_cast %parallel_loop3A_1058 : i32 to index
      %parallel_loop3A_1064 = arith.index_cast %parallel_loop3A_782 : i32 to index
      %parallel_loop3A_1065 = tpu.vector_load %parallel_loop3A_1062[%parallel_loop3A_1063, %parallel_loop3A_1064] {strides = array<i32>} : memref<16x1024xf32, #tpu.memory_space<vmem>>, vector<1x16xf32>,
      %parallel_loop3A_1066 = vector.shape_cast %parallel_loop3A_1065 : vector<1x16xf32> to vector<16xf32>
      %parallel_loop3A_1067 = vector.shape_cast %parallel_loop3A_1057 : vector<16xf32> to vector<1x16xf32>
      tpu.vector_store %parallel_loop3A_1062[%parallel_loop3A_1063, %parallel_loop3A_1064], %parallel_loop3A_1067 {add = true, strides = array<i32>} : memref<16x1024xf32, #tpu.memory_space<vmem>>, vector<1x16xf32>,
      %parallel_loop3A_1068 = arith.constant 15 : i32
      %parallel_loop3A_1069 = arith.constant 0 : i32
      %parallel_loop3A_1070 = arith.constant 0 : i32
      %parallel_loop3A_1071 = tpu.memref_slice %arg5[%parallel_loop3A_227, %parallel_loop3A_1069, %parallel_loop3A_1070] : memref<2x16x1024xf32, #tpu.memory_space<vmem>> -> memref<1x16x1024xf32, #tpu.memory_space<vmem>>
      %parallel_loop3A_1072 = tpu.memref_squeeze %parallel_loop3A_1071 : memref<1x16x1024xf32, #tpu.memory_space<vmem>> -> memref<16x1024xf32, #tpu.memory_space<vmem>>
      %parallel_loop3A_1073 = arith.index_cast %parallel_loop3A_1068 : i32 to index
      %parallel_loop3A_1074 = arith.index_cast %parallel_loop3A_782 : i32 to index
      %parallel_loop3A_1075 = tpu.vector_load %parallel_loop3A_1072[%parallel_loop3A_1073, %parallel_loop3A_1074] {strides = array<i32>} : memref<16x1024xf32, #tpu.memory_space<vmem>>, vector<1x16xf32>,
      %parallel_loop3A_1076 = vector.shape_cast %parallel_loop3A_1075 : vector<1x16xf32> to vector<16xf32>
      %parallel_loop3A_1077 = arith.constant 15 : i32
      %parallel_loop3A_1078 = arith.constant 0 : i32
      %parallel_loop3A_1079 = arith.constant 0 : i32
      %parallel_loop3A_1080 = tpu.memref_slice %arg6[%parallel_loop3A_228, %parallel_loop3A_1078, %parallel_loop3A_1079] : memref<4x16x1024xf32, #tpu.memory_space<vmem>> -> memref<1x16x1024xf32, #tpu.memory_space<vmem>>
      %parallel_loop3A_1081 = tpu.memref_squeeze %parallel_loop3A_1080 : memref<1x16x1024xf32, #tpu.memory_space<vmem>> -> memref<16x1024xf32, #tpu.memory_space<vmem>>
      %parallel_loop3A_1082 = arith.index_cast %parallel_loop3A_1077 : i32 to index
      %parallel_loop3A_1083 = arith.index_cast %parallel_loop3A_782 : i32 to index
      %parallel_loop3A_1084 = tpu.vector_load %parallel_loop3A_1081[%parallel_loop3A_1082, %parallel_loop3A_1083] {strides = array<i32>} : memref<16x1024xf32, #tpu.memory_space<vmem>>, vector<1x16xf32>,
      %parallel_loop3A_1085 = vector.shape_cast %parallel_loop3A_1084 : vector<1x16xf32> to vector<16xf32>
      %parallel_loop3A_1086 = vector.shape_cast %parallel_loop3A_1076 : vector<16xf32> to vector<1x16xf32>
      tpu.vector_store %parallel_loop3A_1081[%parallel_loop3A_1082, %parallel_loop3A_1083], %parallel_loop3A_1086 {add = true, strides = array<i32>} : memref<16x1024xf32, #tpu.memory_space<vmem>>, vector<1x16xf32>,
    } {sc.loop_unroll_factor = 1 : i64, sc.parallel_access}
    %add3A_229 = arith.constant 0 : i32
    %add3A_230 = arith.addi %mul3A_2, %add3A_229 : i32
    %dma_start3A_231 = arith.constant 1 : i32
    %dma_start3A_232 = arith.constant 1 : i32
    %dma_start3A_233 = arith.constant 1 : i32
    %dma_start3A_234 = arith.constant 0 : i32
    %dma_start3A_235 = arith.constant 0 : i32
    %dma_start3A_236 = tpu.memref_slice %arg6[%dma_start3A_231, %dma_start3A_234, %dma_start3A_235] : memref<4x16x1024xf32, #tpu.memory_space<vmem>> -> memref<1x16x1024xf32, #tpu.memory_space<vmem>>
    %dma_start3A_237 = tpu.memref_squeeze %dma_start3A_236 : memref<1x16x1024xf32, #tpu.memory_space<vmem>> -> memref<16x1024xf32, #tpu.memory_space<vmem>>
    %dma_start3A_238 = arith.constant 0 : i32
    %dma_start3A_239 = tpu.memref_slice %arg4[%dma_start3A_232, %add3A_230, %dma_start3A_238] : memref<4x1024x1024xf32, #tpu.memory_space<hbm>> -> memref<1x16x1024xf32, #tpu.memory_space<hbm>>
    %dma_start3A_240 = tpu.memref_squeeze %dma_start3A_239 : memref<1x16x1024xf32, #tpu.memory_space<hbm>> -> memref<16x1024xf32, #tpu.memory_space<hbm>>
    %dma_start3A_241 = tpu.memref_slice %arg9[%dma_start3A_233] : memref<4x!tpu.dma_semaphore, #tpu.memory_space<semaphore_mem>> -> memref<1x!tpu.dma_semaphore, #tpu.memory_space<semaphore_mem>>
    %dma_start3A_242 = tpu.memref_squeeze %dma_start3A_241 : memref<1x!tpu.dma_semaphore, #tpu.memory_space<semaphore_mem>> -> memref<!tpu.dma_semaphore, #tpu.memory_space<semaphore_mem>>
    %dma_start3A_243 = arith.constant 0 : i32
    %dma_start3A_244 = tpu.memref_slice %arg4[%dma_start3A_232, %add3A_230, %dma_start3A_243] : memref<4x1024x1024xf32, #tpu.memory_space<hbm>> -> memref<1x16x1024xf32, #tpu.memory_space<hbm>>
    %dma_start3A_245 = tpu.memref_squeeze %dma_start3A_244 : memref<1x16x1024xf32, #tpu.memory_space<hbm>> -> memref<16x1024xf32, #tpu.memory_space<hbm>>
    %dma_start3A_246 = arith.constant 0 : i32
    %dma_start3A_247 = arith.constant 0 : i32
    %dma_start3A_248 = tpu.memref_slice %arg6[%dma_start3A_231, %dma_start3A_246, %dma_start3A_247] : memref<4x16x1024xf32, #tpu.memory_space<vmem>> -> memref<1x16x1024xf32, #tpu.memory_space<vmem>>
    %dma_start3A_249 = tpu.memref_squeeze %dma_start3A_248 : memref<1x16x1024xf32, #tpu.memory_space<vmem>> -> memref<16x1024xf32, #tpu.memory_space<vmem>>
    tpu.enqueue_dma source(%dma_start3A_249 : memref<16x1024xf32, #tpu.memory_space<vmem>>) target(%dma_start3A_245 : memref<16x1024xf32, #tpu.memory_space<hbm>>) target_semaphore(%dma_start3A_242 : memref<!tpu.dma_semaphore, #tpu.memory_space<semaphore_mem>>)
    %add3A_250 = arith.constant 3072 : i32
    %add3A_251 = arith.addi %add3A_250, %mul3A_2 : i32
    %add3A_252 = arith.constant 0 : i32
    %add3A_253 = arith.addi %add3A_251, %add3A_252 : i32
    %dma_wait3A_254 = arith.constant 2 : i32
    %dma_wait3A_255 = arith.constant 2 : i32
    %dma_wait3A_256 = arith.constant 2 : i32
    %dma_wait3A_257 = arith.constant 0 : i32
    %dma_wait3A_258 = arith.constant 0 : i32
    %dma_wait3A_259 = tpu.memref_slice %arg6[%dma_wait3A_255, %dma_wait3A_257, %dma_wait3A_258] : memref<4x16x1024xf32, #tpu.memory_space<vmem>> -> memref<1x16x1024xf32, #tpu.memory_space<vmem>>
    %dma_wait3A_260 = tpu.memref_squeeze %dma_wait3A_259 : memref<1x16x1024xf32, #tpu.memory_space<vmem>> -> memref<16x1024xf32, #tpu.memory_space<vmem>>
    %dma_wait3A_261 = arith.constant 0 : i32
    %dma_wait3A_262 = tpu.memref_slice %arg2[%dma_wait3A_254, %add3A_253, %dma_wait3A_261] : memref<4x4096x1024xf32, #tpu.memory_space<hbm>> -> memref<1x16x1024xf32, #tpu.memory_space<hbm>>
    %dma_wait3A_263 = tpu.memref_squeeze %dma_wait3A_262 : memref<1x16x1024xf32, #tpu.memory_space<hbm>> -> memref<16x1024xf32, #tpu.memory_space<hbm>>
    %dma_wait3A_264 = tpu.memref_slice %arg8[%dma_wait3A_256] : memref<4x!tpu.dma_semaphore, #tpu.memory_space<semaphore_mem>> -> memref<1x!tpu.dma_semaphore, #tpu.memory_space<semaphore_mem>>
    %dma_wait3A_265 = tpu.memref_squeeze %dma_wait3A_264 : memref<1x!tpu.dma_semaphore, #tpu.memory_space<semaphore_mem>> -> memref<!tpu.dma_semaphore, #tpu.memory_space<semaphore_mem>>
    %dma_wait3A_266 = arith.constant 0 : i32
    %dma_wait3A_267 = arith.constant 0 : i32
    %dma_wait3A_268 = tpu.memref_slice %arg6[%dma_wait3A_255, %dma_wait3A_266, %dma_wait3A_267] : memref<4x16x1024xf32, #tpu.memory_space<vmem>> -> memref<1x16x1024xf32, #tpu.memory_space<vmem>>
    %dma_wait3A_269 = tpu.memref_squeeze %dma_wait3A_268 : memref<1x16x1024xf32, #tpu.memory_space<vmem>> -> memref<16x1024xf32, #tpu.memory_space<vmem>>
    %dma_wait3A_270 = arith.constant 0 : i32
    %dma_wait3A_271 = tpu.memref_slice %arg2[%dma_wait3A_254, %add3A_253, %dma_wait3A_270] : memref<4x4096x1024xf32, #tpu.memory_space<hbm>> -> memref<1x16x1024xf32, #tpu.memory_space<hbm>>
    %dma_wait3A_272 = tpu.memref_squeeze %dma_wait3A_271 : memref<1x16x1024xf32, #tpu.memory_space<hbm>> -> memref<16x1024xf32, #tpu.memory_space<hbm>>
    tpu.wait_dma2 semaphore(%dma_wait3A_265 : memref<!tpu.dma_semaphore, #tpu.memory_space<semaphore_mem>>) src(%dma_wait3A_272 : memref<16x1024xf32, #tpu.memory_space<hbm>>) dst(%dma_wait3A_269 : memref<16x1024xf32, #tpu.memory_space<vmem>>)
    %add3A_273 = arith.constant 0 : i32
    %add3A_274 = arith.addi %mul3A_2, %add3A_273 : i32
    %dma_wait3A_275 = arith.constant 0 : i32
    %dma_wait3A_276 = arith.constant 0 : i32
    %dma_wait3A_277 = arith.constant 0 : i32
    %dma_wait3A_278 = arith.constant 0 : i32
    %dma_wait3A_279 = arith.constant 0 : i32
    %dma_wait3A_280 = tpu.memref_slice %arg6[%dma_wait3A_275, %dma_wait3A_278, %dma_wait3A_279] : memref<4x16x1024xf32, #tpu.memory_space<vmem>> -> memref<1x16x1024xf32, #tpu.memory_space<vmem>>
    %dma_wait3A_281 = tpu.memref_squeeze %dma_wait3A_280 : memref<1x16x1024xf32, #tpu.memory_space<vmem>> -> memref<16x1024xf32, #tpu.memory_space<vmem>>
    %dma_wait3A_282 = arith.constant 0 : i32
    %dma_wait3A_283 = tpu.memref_slice %arg4[%dma_wait3A_276, %add3A_274, %dma_wait3A_282] : memref<4x1024x1024xf32, #tpu.memory_space<hbm>> -> memref<1x16x1024xf32, #tpu.memory_space<hbm>>
    %dma_wait3A_284 = tpu.memref_squeeze %dma_wait3A_283 : memref<1x16x1024xf32, #tpu.memory_space<hbm>> -> memref<16x1024xf32, #tpu.memory_space<hbm>>
    %dma_wait3A_285 = tpu.memref_slice %arg9[%dma_wait3A_277] : memref<4x!tpu.dma_semaphore, #tpu.memory_space<semaphore_mem>> -> memref<1x!tpu.dma_semaphore, #tpu.memory_space<semaphore_mem>>
    %dma_wait3A_286 = tpu.memref_squeeze %dma_wait3A_285 : memref<1x!tpu.dma_semaphore, #tpu.memory_space<semaphore_mem>> -> memref<!tpu.dma_semaphore, #tpu.memory_space<semaphore_mem>>
    %dma_wait3A_287 = arith.constant 0 : i32
    %dma_wait3A_288 = tpu.memref_slice %arg4[%dma_wait3A_276, %add3A_274, %dma_wait3A_287] : memref<4x1024x1024xf32, #tpu.memory_space<hbm>> -> memref<1x16x1024xf32, #tpu.memory_space<hbm>>
    %dma_wait3A_289 = tpu.memref_squeeze %dma_wait3A_288 : memref<1x16x1024xf32, #tpu.memory_space<hbm>> -> memref<16x1024xf32, #tpu.memory_space<hbm>>
    %dma_wait3A_290 = arith.constant 0 : i32
    %dma_wait3A_291 = arith.constant 0 : i32
    %dma_wait3A_292 = tpu.memref_slice %arg6[%dma_wait3A_275, %dma_wait3A_290, %dma_wait3A_291] : memref<4x16x1024xf32, #tpu.memory_space<vmem>> -> memref<1x16x1024xf32, #tpu.memory_space<vmem>>
    %dma_wait3A_293 = tpu.memref_squeeze %dma_wait3A_292 : memref<1x16x1024xf32, #tpu.memory_space<vmem>> -> memref<16x1024xf32, #tpu.memory_space<vmem>>
    tpu.wait_dma2 semaphore(%dma_wait3A_286 : memref<!tpu.dma_semaphore, #tpu.memory_space<semaphore_mem>>) src(%dma_wait3A_293 : memref<16x1024xf32, #tpu.memory_space<vmem>>) dst(%dma_wait3A_289 : memref<16x1024xf32, #tpu.memory_space<hbm>>)
    %add3A_294 = arith.constant 3072 : i32
    %add3A_295 = arith.addi %add3A_294, %mul3A_2 : i32
    %add3A_296 = arith.constant 16 : i32
    %add3A_297 = arith.addi %add3A_295, %add3A_296 : i32
    %dma_start3A_298 = arith.constant 0 : i32
    %dma_start3A_299 = arith.constant 0 : i32
    %dma_start3A_300 = arith.constant 0 : i32
    %dma_start3A_301 = arith.constant 0 : i32
    %dma_start3A_302 = arith.constant 0 : i32
    %dma_start3A_303 = tpu.memref_slice %arg6[%dma_start3A_299, %dma_start3A_301, %dma_start3A_302] : memref<4x16x1024xf32, #tpu.memory_space<vmem>> -> memref<1x16x1024xf32, #tpu.memory_space<vmem>>
    %dma_start3A_304 = tpu.memref_squeeze %dma_start3A_303 : memref<1x16x1024xf32, #tpu.memory_space<vmem>> -> memref<16x1024xf32, #tpu.memory_space<vmem>>
    %dma_start3A_305 = arith.constant 0 : i32
    %dma_start3A_306 = tpu.memref_slice %arg2[%dma_start3A_298, %add3A_297, %dma_start3A_305] : memref<4x4096x1024xf32, #tpu.memory_space<hbm>> -> memref<1x16x1024xf32, #tpu.memory_space<hbm>>
    %dma_start3A_307 = tpu.memref_squeeze %dma_start3A_306 : memref<1x16x1024xf32, #tpu.memory_space<hbm>> -> memref<16x1024xf32, #tpu.memory_space<hbm>>
    %dma_start3A_308 = tpu.memref_slice %arg8[%dma_start3A_300] : memref<4x!tpu.dma_semaphore, #tpu.memory_space<semaphore_mem>> -> memref<1x!tpu.dma_semaphore, #tpu.memory_space<semaphore_mem>>
    %dma_start3A_309 = tpu.memref_squeeze %dma_start3A_308 : memref<1x!tpu.dma_semaphore, #tpu.memory_space<semaphore_mem>> -> memref<!tpu.dma_semaphore, #tpu.memory_space<semaphore_mem>>
    %dma_start3A_310 = arith.constant 0 : i32
    %dma_start3A_311 = arith.constant 0 : i32
    %dma_start3A_312 = tpu.memref_slice %arg6[%dma_start3A_299, %dma_start3A_310, %dma_start3A_311] : memref<4x16x1024xf32, #tpu.memory_space<vmem>> -> memref<1x16x1024xf32, #tpu.memory_space<vmem>>
    %dma_start3A_313 = tpu.memref_squeeze %dma_start3A_312 : memref<1x16x1024xf32, #tpu.memory_space<vmem>> -> memref<16x1024xf32, #tpu.memory_space<vmem>>
    %dma_start3A_314 = arith.constant 0 : i32
    %dma_start3A_315 = tpu.memref_slice %arg2[%dma_start3A_298, %add3A_297, %dma_start3A_314] : memref<4x4096x1024xf32, #tpu.memory_space<hbm>> -> memref<1x16x1024xf32, #tpu.memory_space<hbm>>
    %dma_start3A_316 = tpu.memref_squeeze %dma_start3A_315 : memref<1x16x1024xf32, #tpu.memory_space<hbm>> -> memref<16x1024xf32, #tpu.memory_space<hbm>>
    tpu.enqueue_dma source(%dma_start3A_316 : memref<16x1024xf32, #tpu.memory_space<hbm>>) target(%dma_start3A_313 : memref<16x1024xf32, #tpu.memory_space<vmem>>) target_semaphore(%dma_start3A_309 : memref<!tpu.dma_semaphore, #tpu.memory_space<semaphore_mem>>)
    %parallel_loop3A_317 = arith.constant 0 : i32
    %parallel_loop3A_318 = arith.constant 1024 : i32
    %parallel_loop3A_319 = arith.constant 16 : i32
    %parallel_loop3A_320 = arith.constant 0 : i32
    %parallel_loop3A_321 = arith.constant 2 : i32
    scf.for %parallel_loop3A_782 = %parallel_loop3A_317 to %parallel_loop3A_318 step %parallel_loop3A_319  : i32 {
      %parallel_loop3A_783 = arith.constant 0 : i32
      %parallel_loop3A_784 = arith.constant 0 : i32
      %parallel_loop3A_785 = arith.constant 0 : i32
      %parallel_loop3A_786 = tpu.memref_slice %arg5[%parallel_loop3A_320, %parallel_loop3A_784, %parallel_loop3A_785] : memref<2x16x1024xf32, #tpu.memory_space<vmem>> -> memref<1x16x1024xf32, #tpu.memory_space<vmem>>
      %parallel_loop3A_787 = tpu.memref_squeeze %parallel_loop3A_786 : memref<1x16x1024xf32, #tpu.memory_space<vmem>> -> memref<16x1024xf32, #tpu.memory_space<vmem>>
      %parallel_loop3A_788 = arith.index_cast %parallel_loop3A_783 : i32 to index
      %parallel_loop3A_789 = arith.index_cast %parallel_loop3A_782 : i32 to index
      %parallel_loop3A_790 = tpu.vector_load %parallel_loop3A_787[%parallel_loop3A_788, %parallel_loop3A_789] {strides = array<i32>} : memref<16x1024xf32, #tpu.memory_space<vmem>>, vector<1x16xf32>,
      %parallel_loop3A_791 = vector.shape_cast %parallel_loop3A_790 : vector<1x16xf32> to vector<16xf32>
      %parallel_loop3A_792 = arith.constant 0 : i32
      %parallel_loop3A_793 = arith.constant 0 : i32
      %parallel_loop3A_794 = arith.constant 0 : i32
      %parallel_loop3A_795 = tpu.memref_slice %arg6[%parallel_loop3A_321, %parallel_loop3A_793, %parallel_loop3A_794] : memref<4x16x1024xf32, #tpu.memory_space<vmem>> -> memref<1x16x1024xf32, #tpu.memory_space<vmem>>
      %parallel_loop3A_796 = tpu.memref_squeeze %parallel_loop3A_795 : memref<1x16x1024xf32, #tpu.memory_space<vmem>> -> memref<16x1024xf32, #tpu.memory_space<vmem>>
      %parallel_loop3A_797 = arith.index_cast %parallel_loop3A_792 : i32 to index
      %parallel_loop3A_798 = arith.index_cast %parallel_loop3A_782 : i32 to index
      %parallel_loop3A_799 = tpu.vector_load %parallel_loop3A_796[%parallel_loop3A_797, %parallel_loop3A_798] {strides = array<i32>} : memref<16x1024xf32, #tpu.memory_space<vmem>>, vector<1x16xf32>,
      %parallel_loop3A_800 = vector.shape_cast %parallel_loop3A_799 : vector<1x16xf32> to vector<16xf32>
      %parallel_loop3A_801 = vector.shape_cast %parallel_loop3A_791 : vector<16xf32> to vector<1x16xf32>
      tpu.vector_store %parallel_loop3A_796[%parallel_loop3A_797, %parallel_loop3A_798], %parallel_loop3A_801 {add = true, strides = array<i32>} : memref<16x1024xf32, #tpu.memory_space<vmem>>, vector<1x16xf32>,
      %parallel_loop3A_802 = arith.constant 1 : i32
      %parallel_loop3A_803 = arith.constant 0 : i32
      %parallel_loop3A_804 = arith.constant 0 : i32
      %parallel_loop3A_805 = tpu.memref_slice %arg5[%parallel_loop3A_320, %parallel_loop3A_803, %parallel_loop3A_804] : memref<2x16x1024xf32, #tpu.memory_space<vmem>> -> memref<1x16x1024xf32, #tpu.memory_space<vmem>>
      %parallel_loop3A_806 = tpu.memref_squeeze %parallel_loop3A_805 : memref<1x16x1024xf32, #tpu.memory_space<vmem>> -> memref<16x1024xf32, #tpu.memory_space<vmem>>
      %parallel_loop3A_807 = arith.index_cast %parallel_loop3A_802 : i32 to index
      %parallel_loop3A_808 = arith.index_cast %parallel_loop3A_782 : i32 to index
      %parallel_loop3A_809 = tpu.vector_load %parallel_loop3A_806[%parallel_loop3A_807, %parallel_loop3A_808] {strides = array<i32>} : memref<16x1024xf32, #tpu.memory_space<vmem>>, vector<1x16xf32>,
      %parallel_loop3A_810 = vector.shape_cast %parallel_loop3A_809 : vector<1x16xf32> to vector<16xf32>
      %parallel_loop3A_811 = arith.constant 1 : i32
      %parallel_loop3A_812 = arith.constant 0 : i32
      %parallel_loop3A_813 = arith.constant 0 : i32
      %parallel_loop3A_814 = tpu.memref_slice %arg6[%parallel_loop3A_321, %parallel_loop3A_812, %parallel_loop3A_813] : memref<4x16x1024xf32, #tpu.memory_space<vmem>> -> memref<1x16x1024xf32, #tpu.memory_space<vmem>>
      %parallel_loop3A_815 = tpu.memref_squeeze %parallel_loop3A_814 : memref<1x16x1024xf32, #tpu.memory_space<vmem>> -> memref<16x1024xf32, #tpu.memory_space<vmem>>
      %parallel_loop3A_816 = arith.index_cast %parallel_loop3A_811 : i32 to index
      %parallel_loop3A_817 = arith.index_cast %parallel_loop3A_782 : i32 to index
      %parallel_loop3A_818 = tpu.vector_load %parallel_loop3A_815[%parallel_loop3A_816, %parallel_loop3A_817] {strides = array<i32>} : memref<16x1024xf32, #tpu.memory_space<vmem>>, vector<1x16xf32>,
      %parallel_loop3A_819 = vector.shape_cast %parallel_loop3A_818 : vector<1x16xf32> to vector<16xf32>
      %parallel_loop3A_820 = vector.shape_cast %parallel_loop3A_810 : vector<16xf32> to vector<1x16xf32>
      tpu.vector_store %parallel_loop3A_815[%parallel_loop3A_816, %parallel_loop3A_817], %parallel_loop3A_820 {add = true, strides = array<i32>} : memref<16x1024xf32, #tpu.memory_space<vmem>>, vector<1x16xf32>,
      %parallel_loop3A_821 = arith.constant 2 : i32
      %parallel_loop3A_822 = arith.constant 0 : i32
      %parallel_loop3A_823 = arith.constant 0 : i32
      %parallel_loop3A_824 = tpu.memref_slice %arg5[%parallel_loop3A_320, %parallel_loop3A_822, %parallel_loop3A_823] : memref<2x16x1024xf32, #tpu.memory_space<vmem>> -> memref<1x16x1024xf32, #tpu.memory_space<vmem>>
      %parallel_loop3A_825 = tpu.memref_squeeze %parallel_loop3A_824 : memref<1x16x1024xf32, #tpu.memory_space<vmem>> -> memref<16x1024xf32, #tpu.memory_space<vmem>>
      %parallel_loop3A_826 = arith.index_cast %parallel_loop3A_821 : i32 to index
      %parallel_loop3A_827 = arith.index_cast %parallel_loop3A_782 : i32 to index
      %parallel_loop3A_828 = tpu.vector_load %parallel_loop3A_825[%parallel_loop3A_826, %parallel_loop3A_827] {strides = array<i32>} : memref<16x1024xf32, #tpu.memory_space<vmem>>, vector<1x16xf32>,
      %parallel_loop3A_829 = vector.shape_cast %parallel_loop3A_828 : vector<1x16xf32> to vector<16xf32>
      %parallel_loop3A_830 = arith.constant 2 : i32
      %parallel_loop3A_831 = arith.constant 0 : i32
      %parallel_loop3A_832 = arith.constant 0 : i32
      %parallel_loop3A_833 = tpu.memref_slice %arg6[%parallel_loop3A_321, %parallel_loop3A_831, %parallel_loop3A_832] : memref<4x16x1024xf32, #tpu.memory_space<vmem>> -> memref<1x16x1024xf32, #tpu.memory_space<vmem>>
      %parallel_loop3A_834 = tpu.memref_squeeze %parallel_loop3A_833 : memref<1x16x1024xf32, #tpu.memory_space<vmem>> -> memref<16x1024xf32, #tpu.memory_space<vmem>>
      %parallel_loop3A_835 = arith.index_cast %parallel_loop3A_830 : i32 to index
      %parallel_loop3A_836 = arith.index_cast %parallel_loop3A_782 : i32 to index
      %parallel_loop3A_837 = tpu.vector_load %parallel_loop3A_834[%parallel_loop3A_835, %parallel_loop3A_836] {strides = array<i32>} : memref<16x1024xf32, #tpu.memory_space<vmem>>, vector<1x16xf32>,
      %parallel_loop3A_838 = vector.shape_cast %parallel_loop3A_837 : vector<1x16xf32> to vector<16xf32>
      %parallel_loop3A_839 = vector.shape_cast %parallel_loop3A_829 : vector<16xf32> to vector<1x16xf32>
      tpu.vector_store %parallel_loop3A_834[%parallel_loop3A_835, %parallel_loop3A_836], %parallel_loop3A_839 {add = true, strides = array<i32>} : memref<16x1024xf32, #tpu.memory_space<vmem>>, vector<1x16xf32>,
      %parallel_loop3A_840 = arith.constant 3 : i32
      %parallel_loop3A_841 = arith.constant 0 : i32
      %parallel_loop3A_842 = arith.constant 0 : i32
      %parallel_loop3A_843 = tpu.memref_slice %arg5[%parallel_loop3A_320, %parallel_loop3A_841, %parallel_loop3A_842] : memref<2x16x1024xf32, #tpu.memory_space<vmem>> -> memref<1x16x1024xf32, #tpu.memory_space<vmem>>
      %parallel_loop3A_844 = tpu.memref_squeeze %parallel_loop3A_843 : memref<1x16x1024xf32, #tpu.memory_space<vmem>> -> memref<16x1024xf32, #tpu.memory_space<vmem>>
      %parallel_loop3A_845 = arith.index_cast %parallel_loop3A_840 : i32 to index
      %parallel_loop3A_846 = arith.index_cast %parallel_loop3A_782 : i32 to index
      %parallel_loop3A_847 = tpu.vector_load %parallel_loop3A_844[%parallel_loop3A_845, %parallel_loop3A_846] {strides = array<i32>} : memref<16x1024xf32, #tpu.memory_space<vmem>>, vector<1x16xf32>,
      %parallel_loop3A_848 = vector.shape_cast %parallel_loop3A_847 : vector<1x16xf32> to vector<16xf32>
      %parallel_loop3A_849 = arith.constant 3 : i32
      %parallel_loop3A_850 = arith.constant 0 : i32
      %parallel_loop3A_851 = arith.constant 0 : i32
      %parallel_loop3A_852 = tpu.memref_slice %arg6[%parallel_loop3A_321, %parallel_loop3A_850, %parallel_loop3A_851] : memref<4x16x1024xf32, #tpu.memory_space<vmem>> -> memref<1x16x1024xf32, #tpu.memory_space<vmem>>
      %parallel_loop3A_853 = tpu.memref_squeeze %parallel_loop3A_852 : memref<1x16x1024xf32, #tpu.memory_space<vmem>> -> memref<16x1024xf32, #tpu.memory_space<vmem>>
      %parallel_loop3A_854 = arith.index_cast %parallel_loop3A_849 : i32 to index
      %parallel_loop3A_855 = arith.index_cast %parallel_loop3A_782 : i32 to index
      %parallel_loop3A_856 = tpu.vector_load %parallel_loop3A_853[%parallel_loop3A_854, %parallel_loop3A_855] {strides = array<i32>} : memref<16x1024xf32, #tpu.memory_space<vmem>>, vector<1x16xf32>,
      %parallel_loop3A_857 = vector.shape_cast %parallel_loop3A_856 : vector<1x16xf32> to vector<16xf32>
      %parallel_loop3A_858 = vector.shape_cast %parallel_loop3A_848 : vector<16xf32> to vector<1x16xf32>
      tpu.vector_store %parallel_loop3A_853[%parallel_loop3A_854, %parallel_loop3A_855], %parallel_loop3A_858 {add = true, strides = array<i32>} : memref<16x1024xf32, #tpu.memory_space<vmem>>, vector<1x16xf32>,
      %parallel_loop3A_859 = arith.constant 4 : i32
      %parallel_loop3A_860 = arith.constant 0 : i32
      %parallel_loop3A_861 = arith.constant 0 : i32
      %parallel_loop3A_862 = tpu.memref_slice %arg5[%parallel_loop3A_320, %parallel_loop3A_860, %parallel_loop3A_861] : memref<2x16x1024xf32, #tpu.memory_space<vmem>> -> memref<1x16x1024xf32, #tpu.memory_space<vmem>>
      %parallel_loop3A_863 = tpu.memref_squeeze %parallel_loop3A_862 : memref<1x16x1024xf32, #tpu.memory_space<vmem>> -> memref<16x1024xf32, #tpu.memory_space<vmem>>
      %parallel_loop3A_864 = arith.index_cast %parallel_loop3A_859 : i32 to index
      %parallel_loop3A_865 = arith.index_cast %parallel_loop3A_782 : i32 to index
      %parallel_loop3A_866 = tpu.vector_load %parallel_loop3A_863[%parallel_loop3A_864, %parallel_loop3A_865] {strides = array<i32>} : memref<16x1024xf32, #tpu.memory_space<vmem>>, vector<1x16xf32>,
      %parallel_loop3A_867 = vector.shape_cast %parallel_loop3A_866 : vector<1x16xf32> to vector<16xf32>
      %parallel_loop3A_868 = arith.constant 4 : i32
      %parallel_loop3A_869 = arith.constant 0 : i32
      %parallel_loop3A_870 = arith.constant 0 : i32
      %parallel_loop3A_871 = tpu.memref_slice %arg6[%parallel_loop3A_321, %parallel_loop3A_869, %parallel_loop3A_870] : memref<4x16x1024xf32, #tpu.memory_space<vmem>> -> memref<1x16x1024xf32, #tpu.memory_space<vmem>>
      %parallel_loop3A_872 = tpu.memref_squeeze %parallel_loop3A_871 : memref<1x16x1024xf32, #tpu.memory_space<vmem>> -> memref<16x1024xf32, #tpu.memory_space<vmem>>
      %parallel_loop3A_873 = arith.index_cast %parallel_loop3A_868 : i32 to index
      %parallel_loop3A_874 = arith.index_cast %parallel_loop3A_782 : i32 to index
      %parallel_loop3A_875 = tpu.vector_load %parallel_loop3A_872[%parallel_loop3A_873, %parallel_loop3A_874] {strides = array<i32>} : memref<16x1024xf32, #tpu.memory_space<vmem>>, vector<1x16xf32>,
      %parallel_loop3A_876 = vector.shape_cast %parallel_loop3A_875 : vector<1x16xf32> to vector<16xf32>
      %parallel_loop3A_877 = vector.shape_cast %parallel_loop3A_867 : vector<16xf32> to vector<1x16xf32>
      tpu.vector_store %parallel_loop3A_872[%parallel_loop3A_873, %parallel_loop3A_874], %parallel_loop3A_877 {add = true, strides = array<i32>} : memref<16x1024xf32, #tpu.memory_space<vmem>>, vector<1x16xf32>,
      %parallel_loop3A_878 = arith.constant 5 : i32
      %parallel_loop3A_879 = arith.constant 0 : i32
      %parallel_loop3A_880 = arith.constant 0 : i32
      %parallel_loop3A_881 = tpu.memref_slice %arg5[%parallel_loop3A_320, %parallel_loop3A_879, %parallel_loop3A_880] : memref<2x16x1024xf32, #tpu.memory_space<vmem>> -> memref<1x16x1024xf32, #tpu.memory_space<vmem>>
      %parallel_loop3A_882 = tpu.memref_squeeze %parallel_loop3A_881 : memref<1x16x1024xf32, #tpu.memory_space<vmem>> -> memref<16x1024xf32, #tpu.memory_space<vmem>>
      %parallel_loop3A_883 = arith.index_cast %parallel_loop3A_878 : i32 to index
      %parallel_loop3A_884 = arith.index_cast %parallel_loop3A_782 : i32 to index
      %parallel_loop3A_885 = tpu.vector_load %parallel_loop3A_882[%parallel_loop3A_883, %parallel_loop3A_884] {strides = array<i32>} : memref<16x1024xf32, #tpu.memory_space<vmem>>, vector<1x16xf32>,
      %parallel_loop3A_886 = vector.shape_cast %parallel_loop3A_885 : vector<1x16xf32> to vector<16xf32>
      %parallel_loop3A_887 = arith.constant 5 : i32
      %parallel_loop3A_888 = arith.constant 0 : i32
      %parallel_loop3A_889 = arith.constant 0 : i32
      %parallel_loop3A_890 = tpu.memref_slice %arg6[%parallel_loop3A_321, %parallel_loop3A_888, %parallel_loop3A_889] : memref<4x16x1024xf32, #tpu.memory_space<vmem>> -> memref<1x16x1024xf32, #tpu.memory_space<vmem>>
      %parallel_loop3A_891 = tpu.memref_squeeze %parallel_loop3A_890 : memref<1x16x1024xf32, #tpu.memory_space<vmem>> -> memref<16x1024xf32, #tpu.memory_space<vmem>>
      %parallel_loop3A_892 = arith.index_cast %parallel_loop3A_887 : i32 to index
      %parallel_loop3A_893 = arith.index_cast %parallel_loop3A_782 : i32 to index
      %parallel_loop3A_894 = tpu.vector_load %parallel_loop3A_891[%parallel_loop3A_892, %parallel_loop3A_893] {strides = array<i32>} : memref<16x1024xf32, #tpu.memory_space<vmem>>, vector<1x16xf32>,
      %parallel_loop3A_895 = vector.shape_cast %parallel_loop3A_894 : vector<1x16xf32> to vector<16xf32>
      %parallel_loop3A_896 = vector.shape_cast %parallel_loop3A_886 : vector<16xf32> to vector<1x16xf32>
      tpu.vector_store %parallel_loop3A_891[%parallel_loop3A_892, %parallel_loop3A_893], %parallel_loop3A_896 {add = true, strides = array<i32>} : memref<16x1024xf32, #tpu.memory_space<vmem>>, vector<1x16xf32>,
      %parallel_loop3A_897 = arith.constant 6 : i32
      %parallel_loop3A_898 = arith.constant 0 : i32
      %parallel_loop3A_899 = arith.constant 0 : i32
      %parallel_loop3A_900 = tpu.memref_slice %arg5[%parallel_loop3A_320, %parallel_loop3A_898, %parallel_loop3A_899] : memref<2x16x1024xf32, #tpu.memory_space<vmem>> -> memref<1x16x1024xf32, #tpu.memory_space<vmem>>
      %parallel_loop3A_901 = tpu.memref_squeeze %parallel_loop3A_900 : memref<1x16x1024xf32, #tpu.memory_space<vmem>> -> memref<16x1024xf32, #tpu.memory_space<vmem>>
      %parallel_loop3A_902 = arith.index_cast %parallel_loop3A_897 : i32 to index
      %parallel_loop3A_903 = arith.index_cast %parallel_loop3A_782 : i32 to index
      %parallel_loop3A_904 = tpu.vector_load %parallel_loop3A_901[%parallel_loop3A_902, %parallel_loop3A_903] {strides = array<i32>} : memref<16x1024xf32, #tpu.memory_space<vmem>>, vector<1x16xf32>,
      %parallel_loop3A_905 = vector.shape_cast %parallel_loop3A_904 : vector<1x16xf32> to vector<16xf32>
      %parallel_loop3A_906 = arith.constant 6 : i32
      %parallel_loop3A_907 = arith.constant 0 : i32
      %parallel_loop3A_908 = arith.constant 0 : i32
      %parallel_loop3A_909 = tpu.memref_slice %arg6[%parallel_loop3A_321, %parallel_loop3A_907, %parallel_loop3A_908] : memref<4x16x1024xf32, #tpu.memory_space<vmem>> -> memref<1x16x1024xf32, #tpu.memory_space<vmem>>
      %parallel_loop3A_910 = tpu.memref_squeeze %parallel_loop3A_909 : memref<1x16x1024xf32, #tpu.memory_space<vmem>> -> memref<16x1024xf32, #tpu.memory_space<vmem>>
      %parallel_loop3A_911 = arith.index_cast %parallel_loop3A_906 : i32 to index
      %parallel_loop3A_912 = arith.index_cast %parallel_loop3A_782 : i32 to index
      %parallel_loop3A_913 = tpu.vector_load %parallel_loop3A_910[%parallel_loop3A_911, %parallel_loop3A_912] {strides = array<i32>} : memref<16x1024xf32, #tpu.memory_space<vmem>>, vector<1x16xf32>,
      %parallel_loop3A_914 = vector.shape_cast %parallel_loop3A_913 : vector<1x16xf32> to vector<16xf32>
      %parallel_loop3A_915 = vector.shape_cast %parallel_loop3A_905 : vector<16xf32> to vector<1x16xf32>
      tpu.vector_store %parallel_loop3A_910[%parallel_loop3A_911, %parallel_loop3A_912], %parallel_loop3A_915 {add = true, strides = array<i32>} : memref<16x1024xf32, #tpu.memory_space<vmem>>, vector<1x16xf32>,
      %parallel_loop3A_916 = arith.constant 7 : i32
      %parallel_loop3A_917 = arith.constant 0 : i32
      %parallel_loop3A_918 = arith.constant 0 : i32
      %parallel_loop3A_919 = tpu.memref_slice %arg5[%parallel_loop3A_320, %parallel_loop3A_917, %parallel_loop3A_918] : memref<2x16x1024xf32, #tpu.memory_space<vmem>> -> memref<1x16x1024xf32, #tpu.memory_space<vmem>>
      %parallel_loop3A_920 = tpu.memref_squeeze %parallel_loop3A_919 : memref<1x16x1024xf32, #tpu.memory_space<vmem>> -> memref<16x1024xf32, #tpu.memory_space<vmem>>
      %parallel_loop3A_921 = arith.index_cast %parallel_loop3A_916 : i32 to index
      %parallel_loop3A_922 = arith.index_cast %parallel_loop3A_782 : i32 to index
      %parallel_loop3A_923 = tpu.vector_load %parallel_loop3A_920[%parallel_loop3A_921, %parallel_loop3A_922] {strides = array<i32>} : memref<16x1024xf32, #tpu.memory_space<vmem>>, vector<1x16xf32>,
      %parallel_loop3A_924 = vector.shape_cast %parallel_loop3A_923 : vector<1x16xf32> to vector<16xf32>
      %parallel_loop3A_925 = arith.constant 7 : i32
      %parallel_loop3A_926 = arith.constant 0 : i32
      %parallel_loop3A_927 = arith.constant 0 : i32
      %parallel_loop3A_928 = tpu.memref_slice %arg6[%parallel_loop3A_321, %parallel_loop3A_926, %parallel_loop3A_927] : memref<4x16x1024xf32, #tpu.memory_space<vmem>> -> memref<1x16x1024xf32, #tpu.memory_space<vmem>>
      %parallel_loop3A_929 = tpu.memref_squeeze %parallel_loop3A_928 : memref<1x16x1024xf32, #tpu.memory_space<vmem>> -> memref<16x1024xf32, #tpu.memory_space<vmem>>
      %parallel_loop3A_930 = arith.index_cast %parallel_loop3A_925 : i32 to index
      %parallel_loop3A_931 = arith.index_cast %parallel_loop3A_782 : i32 to index
      %parallel_loop3A_932 = tpu.vector_load %parallel_loop3A_929[%parallel_loop3A_930, %parallel_loop3A_931] {strides = array<i32>} : memref<16x1024xf32, #tpu.memory_space<vmem>>, vector<1x16xf32>,
      %parallel_loop3A_933 = vector.shape_cast %parallel_loop3A_932 : vector<1x16xf32> to vector<16xf32>
      %parallel_loop3A_934 = vector.shape_cast %parallel_loop3A_924 : vector<16xf32> to vector<1x16xf32>
      tpu.vector_store %parallel_loop3A_929[%parallel_loop3A_930, %parallel_loop3A_931], %parallel_loop3A_934 {add = true, strides = array<i32>} : memref<16x1024xf32, #tpu.memory_space<vmem>>, vector<1x16xf32>,
      %parallel_loop3A_935 = arith.constant 8 : i32
      %parallel_loop3A_936 = arith.constant 0 : i32
      %parallel_loop3A_937 = arith.constant 0 : i32
      %parallel_loop3A_938 = tpu.memref_slice %arg5[%parallel_loop3A_320, %parallel_loop3A_936, %parallel_loop3A_937] : memref<2x16x1024xf32, #tpu.memory_space<vmem>> -> memref<1x16x1024xf32, #tpu.memory_space<vmem>>
      %parallel_loop3A_939 = tpu.memref_squeeze %parallel_loop3A_938 : memref<1x16x1024xf32, #tpu.memory_space<vmem>> -> memref<16x1024xf32, #tpu.memory_space<vmem>>
      %parallel_loop3A_940 = arith.index_cast %parallel_loop3A_935 : i32 to index
      %parallel_loop3A_941 = arith.index_cast %parallel_loop3A_782 : i32 to index
      %parallel_loop3A_942 = tpu.vector_load %parallel_loop3A_939[%parallel_loop3A_940, %parallel_loop3A_941] {strides = array<i32>} : memref<16x1024xf32, #tpu.memory_space<vmem>>, vector<1x16xf32>,
      %parallel_loop3A_943 = vector.shape_cast %parallel_loop3A_942 : vector<1x16xf32> to vector<16xf32>
      %parallel_loop3A_944 = arith.constant 8 : i32
      %parallel_loop3A_945 = arith.constant 0 : i32
      %parallel_loop3A_946 = arith.constant 0 : i32
      %parallel_loop3A_947 = tpu.memref_slice %arg6[%parallel_loop3A_321, %parallel_loop3A_945, %parallel_loop3A_946] : memref<4x16x1024xf32, #tpu.memory_space<vmem>> -> memref<1x16x1024xf32, #tpu.memory_space<vmem>>
      %parallel_loop3A_948 = tpu.memref_squeeze %parallel_loop3A_947 : memref<1x16x1024xf32, #tpu.memory_space<vmem>> -> memref<16x1024xf32, #tpu.memory_space<vmem>>
      %parallel_loop3A_949 = arith.index_cast %parallel_loop3A_944 : i32 to index
      %parallel_loop3A_950 = arith.index_cast %parallel_loop3A_782 : i32 to index
      %parallel_loop3A_951 = tpu.vector_load %parallel_loop3A_948[%parallel_loop3A_949, %parallel_loop3A_950] {strides = array<i32>} : memref<16x1024xf32, #tpu.memory_space<vmem>>, vector<1x16xf32>,
      %parallel_loop3A_952 = vector.shape_cast %parallel_loop3A_951 : vector<1x16xf32> to vector<16xf32>
      %parallel_loop3A_953 = vector.shape_cast %parallel_loop3A_943 : vector<16xf32> to vector<1x16xf32>
      tpu.vector_store %parallel_loop3A_948[%parallel_loop3A_949, %parallel_loop3A_950], %parallel_loop3A_953 {add = true, strides = array<i32>} : memref<16x1024xf32, #tpu.memory_space<vmem>>, vector<1x16xf32>,
      %parallel_loop3A_954 = arith.constant 9 : i32
      %parallel_loop3A_955 = arith.constant 0 : i32
      %parallel_loop3A_956 = arith.constant 0 : i32
      %parallel_loop3A_957 = tpu.memref_slice %arg5[%parallel_loop3A_320, %parallel_loop3A_955, %parallel_loop3A_956] : memref<2x16x1024xf32, #tpu.memory_space<vmem>> -> memref<1x16x1024xf32, #tpu.memory_space<vmem>>
      %parallel_loop3A_958 = tpu.memref_squeeze %parallel_loop3A_957 : memref<1x16x1024xf32, #tpu.memory_space<vmem>> -> memref<16x1024xf32, #tpu.memory_space<vmem>>
      %parallel_loop3A_959 = arith.index_cast %parallel_loop3A_954 : i32 to index
      %parallel_loop3A_960 = arith.index_cast %parallel_loop3A_782 : i32 to index
      %parallel_loop3A_961 = tpu.vector_load %parallel_loop3A_958[%parallel_loop3A_959, %parallel_loop3A_960] {strides = array<i32>} : memref<16x1024xf32, #tpu.memory_space<vmem>>, vector<1x16xf32>,
      %parallel_loop3A_962 = vector.shape_cast %parallel_loop3A_961 : vector<1x16xf32> to vector<16xf32>
      %parallel_loop3A_963 = arith.constant 9 : i32
      %parallel_loop3A_964 = arith.constant 0 : i32
      %parallel_loop3A_965 = arith.constant 0 : i32
      %parallel_loop3A_966 = tpu.memref_slice %arg6[%parallel_loop3A_321, %parallel_loop3A_964, %parallel_loop3A_965] : memref<4x16x1024xf32, #tpu.memory_space<vmem>> -> memref<1x16x1024xf32, #tpu.memory_space<vmem>>
      %parallel_loop3A_967 = tpu.memref_squeeze %parallel_loop3A_966 : memref<1x16x1024xf32, #tpu.memory_space<vmem>> -> memref<16x1024xf32, #tpu.memory_space<vmem>>
      %parallel_loop3A_968 = arith.index_cast %parallel_loop3A_963 : i32 to index
      %parallel_loop3A_969 = arith.index_cast %parallel_loop3A_782 : i32 to index
      %parallel_loop3A_970 = tpu.vector_load %parallel_loop3A_967[%parallel_loop3A_968, %parallel_loop3A_969] {strides = array<i32>} : memref<16x1024xf32, #tpu.memory_space<vmem>>, vector<1x16xf32>,
      %parallel_loop3A_971 = vector.shape_cast %parallel_loop3A_970 : vector<1x16xf32> to vector<16xf32>
      %parallel_loop3A_972 = vector.shape_cast %parallel_loop3A_962 : vector<16xf32> to vector<1x16xf32>
      tpu.vector_store %parallel_loop3A_967[%parallel_loop3A_968, %parallel_loop3A_969], %parallel_loop3A_972 {add = true, strides = array<i32>} : memref<16x1024xf32, #tpu.memory_space<vmem>>, vector<1x16xf32>,
      %parallel_loop3A_973 = arith.constant 10 : i32
      %parallel_loop3A_974 = arith.constant 0 : i32
      %parallel_loop3A_975 = arith.constant 0 : i32
      %parallel_loop3A_976 = tpu.memref_slice %arg5[%parallel_loop3A_320, %parallel_loop3A_974, %parallel_loop3A_975] : memref<2x16x1024xf32, #tpu.memory_space<vmem>> -> memref<1x16x1024xf32, #tpu.memory_space<vmem>>
      %parallel_loop3A_977 = tpu.memref_squeeze %parallel_loop3A_976 : memref<1x16x1024xf32, #tpu.memory_space<vmem>> -> memref<16x1024xf32, #tpu.memory_space<vmem>>
      %parallel_loop3A_978 = arith.index_cast %parallel_loop3A_973 : i32 to index
      %parallel_loop3A_979 = arith.index_cast %parallel_loop3A_782 : i32 to index
      %parallel_loop3A_980 = tpu.vector_load %parallel_loop3A_977[%parallel_loop3A_978, %parallel_loop3A_979] {strides = array<i32>} : memref<16x1024xf32, #tpu.memory_space<vmem>>, vector<1x16xf32>,
      %parallel_loop3A_981 = vector.shape_cast %parallel_loop3A_980 : vector<1x16xf32> to vector<16xf32>
      %parallel_loop3A_982 = arith.constant 10 : i32
      %parallel_loop3A_983 = arith.constant 0 : i32
      %parallel_loop3A_984 = arith.constant 0 : i32
      %parallel_loop3A_985 = tpu.memref_slice %arg6[%parallel_loop3A_321, %parallel_loop3A_983, %parallel_loop3A_984] : memref<4x16x1024xf32, #tpu.memory_space<vmem>> -> memref<1x16x1024xf32, #tpu.memory_space<vmem>>
      %parallel_loop3A_986 = tpu.memref_squeeze %parallel_loop3A_985 : memref<1x16x1024xf32, #tpu.memory_space<vmem>> -> memref<16x1024xf32, #tpu.memory_space<vmem>>
      %parallel_loop3A_987 = arith.index_cast %parallel_loop3A_982 : i32 to index
      %parallel_loop3A_988 = arith.index_cast %parallel_loop3A_782 : i32 to index
      %parallel_loop3A_989 = tpu.vector_load %parallel_loop3A_986[%parallel_loop3A_987, %parallel_loop3A_988] {strides = array<i32>} : memref<16x1024xf32, #tpu.memory_space<vmem>>, vector<1x16xf32>,
      %parallel_loop3A_990 = vector.shape_cast %parallel_loop3A_989 : vector<1x16xf32> to vector<16xf32>
      %parallel_loop3A_991 = vector.shape_cast %parallel_loop3A_981 : vector<16xf32> to vector<1x16xf32>
      tpu.vector_store %parallel_loop3A_986[%parallel_loop3A_987, %parallel_loop3A_988], %parallel_loop3A_991 {add = true, strides = array<i32>} : memref<16x1024xf32, #tpu.memory_space<vmem>>, vector<1x16xf32>,
      %parallel_loop3A_992 = arith.constant 11 : i32
      %parallel_loop3A_993 = arith.constant 0 : i32
      %parallel_loop3A_994 = arith.constant 0 : i32
      %parallel_loop3A_995 = tpu.memref_slice %arg5[%parallel_loop3A_320, %parallel_loop3A_993, %parallel_loop3A_994] : memref<2x16x1024xf32, #tpu.memory_space<vmem>> -> memref<1x16x1024xf32, #tpu.memory_space<vmem>>
      %parallel_loop3A_996 = tpu.memref_squeeze %parallel_loop3A_995 : memref<1x16x1024xf32, #tpu.memory_space<vmem>> -> memref<16x1024xf32, #tpu.memory_space<vmem>>
      %parallel_loop3A_997 = arith.index_cast %parallel_loop3A_992 : i32 to index
      %parallel_loop3A_998 = arith.index_cast %parallel_loop3A_782 : i32 to index
      %parallel_loop3A_999 = tpu.vector_load %parallel_loop3A_996[%parallel_loop3A_997, %parallel_loop3A_998] {strides = array<i32>} : memref<16x1024xf32, #tpu.memory_space<vmem>>, vector<1x16xf32>,
      %parallel_loop3A_1000 = vector.shape_cast %parallel_loop3A_999 : vector<1x16xf32> to vector<16xf32>
      %parallel_loop3A_1001 = arith.constant 11 : i32
      %parallel_loop3A_1002 = arith.constant 0 : i32
      %parallel_loop3A_1003 = arith.constant 0 : i32
      %parallel_loop3A_1004 = tpu.memref_slice %arg6[%parallel_loop3A_321, %parallel_loop3A_1002, %parallel_loop3A_1003] : memref<4x16x1024xf32, #tpu.memory_space<vmem>> -> memref<1x16x1024xf32, #tpu.memory_space<vmem>>
      %parallel_loop3A_1005 = tpu.memref_squeeze %parallel_loop3A_1004 : memref<1x16x1024xf32, #tpu.memory_space<vmem>> -> memref<16x1024xf32, #tpu.memory_space<vmem>>
      %parallel_loop3A_1006 = arith.index_cast %parallel_loop3A_1001 : i32 to index
      %parallel_loop3A_1007 = arith.index_cast %parallel_loop3A_782 : i32 to index
      %parallel_loop3A_1008 = tpu.vector_load %parallel_loop3A_1005[%parallel_loop3A_1006, %parallel_loop3A_1007] {strides = array<i32>} : memref<16x1024xf32, #tpu.memory_space<vmem>>, vector<1x16xf32>,
      %parallel_loop3A_1009 = vector.shape_cast %parallel_loop3A_1008 : vector<1x16xf32> to vector<16xf32>
      %parallel_loop3A_1010 = vector.shape_cast %parallel_loop3A_1000 : vector<16xf32> to vector<1x16xf32>
      tpu.vector_store %parallel_loop3A_1005[%parallel_loop3A_1006, %parallel_loop3A_1007], %parallel_loop3A_1010 {add = true, strides = array<i32>} : memref<16x1024xf32, #tpu.memory_space<vmem>>, vector<1x16xf32>,
      %parallel_loop3A_1011 = arith.constant 12 : i32
      %parallel_loop3A_1012 = arith.constant 0 : i32
      %parallel_loop3A_1013 = arith.constant 0 : i32
      %parallel_loop3A_1014 = tpu.memref_slice %arg5[%parallel_loop3A_320, %parallel_loop3A_1012, %parallel_loop3A_1013] : memref<2x16x1024xf32, #tpu.memory_space<vmem>> -> memref<1x16x1024xf32, #tpu.memory_space<vmem>>
      %parallel_loop3A_1015 = tpu.memref_squeeze %parallel_loop3A_1014 : memref<1x16x1024xf32, #tpu.memory_space<vmem>> -> memref<16x1024xf32, #tpu.memory_space<vmem>>
      %parallel_loop3A_1016 = arith.index_cast %parallel_loop3A_1011 : i32 to index
      %parallel_loop3A_1017 = arith.index_cast %parallel_loop3A_782 : i32 to index
      %parallel_loop3A_1018 = tpu.vector_load %parallel_loop3A_1015[%parallel_loop3A_1016, %parallel_loop3A_1017] {strides = array<i32>} : memref<16x1024xf32, #tpu.memory_space<vmem>>, vector<1x16xf32>,
      %parallel_loop3A_1019 = vector.shape_cast %parallel_loop3A_1018 : vector<1x16xf32> to vector<16xf32>
      %parallel_loop3A_1020 = arith.constant 12 : i32
      %parallel_loop3A_1021 = arith.constant 0 : i32
      %parallel_loop3A_1022 = arith.constant 0 : i32
      %parallel_loop3A_1023 = tpu.memref_slice %arg6[%parallel_loop3A_321, %parallel_loop3A_1021, %parallel_loop3A_1022] : memref<4x16x1024xf32, #tpu.memory_space<vmem>> -> memref<1x16x1024xf32, #tpu.memory_space<vmem>>
      %parallel_loop3A_1024 = tpu.memref_squeeze %parallel_loop3A_1023 : memref<1x16x1024xf32, #tpu.memory_space<vmem>> -> memref<16x1024xf32, #tpu.memory_space<vmem>>
      %parallel_loop3A_1025 = arith.index_cast %parallel_loop3A_1020 : i32 to index
      %parallel_loop3A_1026 = arith.index_cast %parallel_loop3A_782 : i32 to index
      %parallel_loop3A_1027 = tpu.vector_load %parallel_loop3A_1024[%parallel_loop3A_1025, %parallel_loop3A_1026] {strides = array<i32>} : memref<16x1024xf32, #tpu.memory_space<vmem>>, vector<1x16xf32>,
      %parallel_loop3A_1028 = vector.shape_cast %parallel_loop3A_1027 : vector<1x16xf32> to vector<16xf32>
      %parallel_loop3A_1029 = vector.shape_cast %parallel_loop3A_1019 : vector<16xf32> to vector<1x16xf32>
      tpu.vector_store %parallel_loop3A_1024[%parallel_loop3A_1025, %parallel_loop3A_1026], %parallel_loop3A_1029 {add = true, strides = array<i32>} : memref<16x1024xf32, #tpu.memory_space<vmem>>, vector<1x16xf32>,
      %parallel_loop3A_1030 = arith.constant 13 : i32
      %parallel_loop3A_1031 = arith.constant 0 : i32
      %parallel_loop3A_1032 = arith.constant 0 : i32
      %parallel_loop3A_1033 = tpu.memref_slice %arg5[%parallel_loop3A_320, %parallel_loop3A_1031, %parallel_loop3A_1032] : memref<2x16x1024xf32, #tpu.memory_space<vmem>> -> memref<1x16x1024xf32, #tpu.memory_space<vmem>>
      %parallel_loop3A_1034 = tpu.memref_squeeze %parallel_loop3A_1033 : memref<1x16x1024xf32, #tpu.memory_space<vmem>> -> memref<16x1024xf32, #tpu.memory_space<vmem>>
      %parallel_loop3A_1035 = arith.index_cast %parallel_loop3A_1030 : i32 to index
      %parallel_loop3A_1036 = arith.index_cast %parallel_loop3A_782 : i32 to index
      %parallel_loop3A_1037 = tpu.vector_load %parallel_loop3A_1034[%parallel_loop3A_1035, %parallel_loop3A_1036] {strides = array<i32>} : memref<16x1024xf32, #tpu.memory_space<vmem>>, vector<1x16xf32>,
      %parallel_loop3A_1038 = vector.shape_cast %parallel_loop3A_1037 : vector<1x16xf32> to vector<16xf32>
      %parallel_loop3A_1039 = arith.constant 13 : i32
      %parallel_loop3A_1040 = arith.constant 0 : i32
      %parallel_loop3A_1041 = arith.constant 0 : i32
      %parallel_loop3A_1042 = tpu.memref_slice %arg6[%parallel_loop3A_321, %parallel_loop3A_1040, %parallel_loop3A_1041] : memref<4x16x1024xf32, #tpu.memory_space<vmem>> -> memref<1x16x1024xf32, #tpu.memory_space<vmem>>
      %parallel_loop3A_1043 = tpu.memref_squeeze %parallel_loop3A_1042 : memref<1x16x1024xf32, #tpu.memory_space<vmem>> -> memref<16x1024xf32, #tpu.memory_space<vmem>>
      %parallel_loop3A_1044 = arith.index_cast %parallel_loop3A_1039 : i32 to index
      %parallel_loop3A_1045 = arith.index_cast %parallel_loop3A_782 : i32 to index
      %parallel_loop3A_1046 = tpu.vector_load %parallel_loop3A_1043[%parallel_loop3A_1044, %parallel_loop3A_1045] {strides = array<i32>} : memref<16x1024xf32, #tpu.memory_space<vmem>>, vector<1x16xf32>,
      %parallel_loop3A_1047 = vector.shape_cast %parallel_loop3A_1046 : vector<1x16xf32> to vector<16xf32>
      %parallel_loop3A_1048 = vector.shape_cast %parallel_loop3A_1038 : vector<16xf32> to vector<1x16xf32>
      tpu.vector_store %parallel_loop3A_1043[%parallel_loop3A_1044, %parallel_loop3A_1045], %parallel_loop3A_1048 {add = true, strides = array<i32>} : memref<16x1024xf32, #tpu.memory_space<vmem>>, vector<1x16xf32>,
      %parallel_loop3A_1049 = arith.constant 14 : i32
      %parallel_loop3A_1050 = arith.constant 0 : i32
      %parallel_loop3A_1051 = arith.constant 0 : i32
      %parallel_loop3A_1052 = tpu.memref_slice %arg5[%parallel_loop3A_320, %parallel_loop3A_1050, %parallel_loop3A_1051] : memref<2x16x1024xf32, #tpu.memory_space<vmem>> -> memref<1x16x1024xf32, #tpu.memory_space<vmem>>
      %parallel_loop3A_1053 = tpu.memref_squeeze %parallel_loop3A_1052 : memref<1x16x1024xf32, #tpu.memory_space<vmem>> -> memref<16x1024xf32, #tpu.memory_space<vmem>>
      %parallel_loop3A_1054 = arith.index_cast %parallel_loop3A_1049 : i32 to index
      %parallel_loop3A_1055 = arith.index_cast %parallel_loop3A_782 : i32 to index
      %parallel_loop3A_1056 = tpu.vector_load %parallel_loop3A_1053[%parallel_loop3A_1054, %parallel_loop3A_1055] {strides = array<i32>} : memref<16x1024xf32, #tpu.memory_space<vmem>>, vector<1x16xf32>,
      %parallel_loop3A_1057 = vector.shape_cast %parallel_loop3A_1056 : vector<1x16xf32> to vector<16xf32>
      %parallel_loop3A_1058 = arith.constant 14 : i32
      %parallel_loop3A_1059 = arith.constant 0 : i32
      %parallel_loop3A_1060 = arith.constant 0 : i32
      %parallel_loop3A_1061 = tpu.memref_slice %arg6[%parallel_loop3A_321, %parallel_loop3A_1059, %parallel_loop3A_1060] : memref<4x16x1024xf32, #tpu.memory_space<vmem>> -> memref<1x16x1024xf32, #tpu.memory_space<vmem>>
      %parallel_loop3A_1062 = tpu.memref_squeeze %parallel_loop3A_1061 : memref<1x16x1024xf32, #tpu.memory_space<vmem>> -> memref<16x1024xf32, #tpu.memory_space<vmem>>
      %parallel_loop3A_1063 = arith.index_cast %parallel_loop3A_1058 : i32 to index
      %parallel_loop3A_1064 = arith.index_cast %parallel_loop3A_782 : i32 to index
      %parallel_loop3A_1065 = tpu.vector_load %parallel_loop3A_1062[%parallel_loop3A_1063, %parallel_loop3A_1064] {strides = array<i32>} : memref<16x1024xf32, #tpu.memory_space<vmem>>, vector<1x16xf32>,
      %parallel_loop3A_1066 = vector.shape_cast %parallel_loop3A_1065 : vector<1x16xf32> to vector<16xf32>
      %parallel_loop3A_1067 = vector.shape_cast %parallel_loop3A_1057 : vector<16xf32> to vector<1x16xf32>
      tpu.vector_store %parallel_loop3A_1062[%parallel_loop3A_1063, %parallel_loop3A_1064], %parallel_loop3A_1067 {add = true, strides = array<i32>} : memref<16x1024xf32, #tpu.memory_space<vmem>>, vector<1x16xf32>,
      %parallel_loop3A_1068 = arith.constant 15 : i32
      %parallel_loop3A_1069 = arith.constant 0 : i32
      %parallel_loop3A_1070 = arith.constant 0 : i32
      %parallel_loop3A_1071 = tpu.memref_slice %arg5[%parallel_loop3A_320, %parallel_loop3A_1069, %parallel_loop3A_1070] : memref<2x16x1024xf32, #tpu.memory_space<vmem>> -> memref<1x16x1024xf32, #tpu.memory_space<vmem>>
      %parallel_loop3A_1072 = tpu.memref_squeeze %parallel_loop3A_1071 : memref<1x16x1024xf32, #tpu.memory_space<vmem>> -> memref<16x1024xf32, #tpu.memory_space<vmem>>
      %parallel_loop3A_1073 = arith.index_cast %parallel_loop3A_1068 : i32 to index
      %parallel_loop3A_1074 = arith.index_cast %parallel_loop3A_782 : i32 to index
      %parallel_loop3A_1075 = tpu.vector_load %parallel_loop3A_1072[%parallel_loop3A_1073, %parallel_loop3A_1074] {strides = array<i32>} : memref<16x1024xf32, #tpu.memory_space<vmem>>, vector<1x16xf32>,
      %parallel_loop3A_1076 = vector.shape_cast %parallel_loop3A_1075 : vector<1x16xf32> to vector<16xf32>
      %parallel_loop3A_1077 = arith.constant 15 : i32
      %parallel_loop3A_1078 = arith.constant 0 : i32
      %parallel_loop3A_1079 = arith.constant 0 : i32
      %parallel_loop3A_1080 = tpu.memref_slice %arg6[%parallel_loop3A_321, %parallel_loop3A_1078, %parallel_loop3A_1079] : memref<4x16x1024xf32, #tpu.memory_space<vmem>> -> memref<1x16x1024xf32, #tpu.memory_space<vmem>>
      %parallel_loop3A_1081 = tpu.memref_squeeze %parallel_loop3A_1080 : memref<1x16x1024xf32, #tpu.memory_space<vmem>> -> memref<16x1024xf32, #tpu.memory_space<vmem>>
      %parallel_loop3A_1082 = arith.index_cast %parallel_loop3A_1077 : i32 to index
      %parallel_loop3A_1083 = arith.index_cast %parallel_loop3A_782 : i32 to index
      %parallel_loop3A_1084 = tpu.vector_load %parallel_loop3A_1081[%parallel_loop3A_1082, %parallel_loop3A_1083] {strides = array<i32>} : memref<16x1024xf32, #tpu.memory_space<vmem>>, vector<1x16xf32>,
      %parallel_loop3A_1085 = vector.shape_cast %parallel_loop3A_1084 : vector<1x16xf32> to vector<16xf32>
      %parallel_loop3A_1086 = vector.shape_cast %parallel_loop3A_1076 : vector<16xf32> to vector<1x16xf32>
      tpu.vector_store %parallel_loop3A_1081[%parallel_loop3A_1082, %parallel_loop3A_1083], %parallel_loop3A_1086 {add = true, strides = array<i32>} : memref<16x1024xf32, #tpu.memory_space<vmem>>, vector<1x16xf32>,
    } {sc.loop_unroll_factor = 1 : i64, sc.parallel_access}
    %add3A_322 = arith.constant 0 : i32
    %add3A_323 = arith.addi %mul3A_2, %add3A_322 : i32
    %dma_start3A_324 = arith.constant 2 : i32
    %dma_start3A_325 = arith.constant 2 : i32
    %dma_start3A_326 = arith.constant 2 : i32
    %dma_start3A_327 = arith.constant 0 : i32
    %dma_start3A_328 = arith.constant 0 : i32
    %dma_start3A_329 = tpu.memref_slice %arg6[%dma_start3A_324, %dma_start3A_327, %dma_start3A_328] : memref<4x16x1024xf32, #tpu.memory_space<vmem>> -> memref<1x16x1024xf32, #tpu.memory_space<vmem>>
    %dma_start3A_330 = tpu.memref_squeeze %dma_start3A_329 : memref<1x16x1024xf32, #tpu.memory_space<vmem>> -> memref<16x1024xf32, #tpu.memory_space<vmem>>
    %dma_start3A_331 = arith.constant 0 : i32
    %dma_start3A_332 = tpu.memref_slice %arg4[%dma_start3A_325, %add3A_323, %dma_start3A_331] : memref<4x1024x1024xf32, #tpu.memory_space<hbm>> -> memref<1x16x1024xf32, #tpu.memory_space<hbm>>
    %dma_start3A_333 = tpu.memref_squeeze %dma_start3A_332 : memref<1x16x1024xf32, #tpu.memory_space<hbm>> -> memref<16x1024xf32, #tpu.memory_space<hbm>>
    %dma_start3A_334 = tpu.memref_slice %arg9[%dma_start3A_326] : memref<4x!tpu.dma_semaphore, #tpu.memory_space<semaphore_mem>> -> memref<1x!tpu.dma_semaphore, #tpu.memory_space<semaphore_mem>>
    %dma_start3A_335 = tpu.memref_squeeze %dma_start3A_334 : memref<1x!tpu.dma_semaphore, #tpu.memory_space<semaphore_mem>> -> memref<!tpu.dma_semaphore, #tpu.memory_space<semaphore_mem>>
    %dma_start3A_336 = arith.constant 0 : i32
    %dma_start3A_337 = tpu.memref_slice %arg4[%dma_start3A_325, %add3A_323, %dma_start3A_336] : memref<4x1024x1024xf32, #tpu.memory_space<hbm>> -> memref<1x16x1024xf32, #tpu.memory_space<hbm>>
    %dma_start3A_338 = tpu.memref_squeeze %dma_start3A_337 : memref<1x16x1024xf32, #tpu.memory_space<hbm>> -> memref<16x1024xf32, #tpu.memory_space<hbm>>
    %dma_start3A_339 = arith.constant 0 : i32
    %dma_start3A_340 = arith.constant 0 : i32
    %dma_start3A_341 = tpu.memref_slice %arg6[%dma_start3A_324, %dma_start3A_339, %dma_start3A_340] : memref<4x16x1024xf32, #tpu.memory_space<vmem>> -> memref<1x16x1024xf32, #tpu.memory_space<vmem>>
    %dma_start3A_342 = tpu.memref_squeeze %dma_start3A_341 : memref<1x16x1024xf32, #tpu.memory_space<vmem>> -> memref<16x1024xf32, #tpu.memory_space<vmem>>
    tpu.enqueue_dma source(%dma_start3A_342 : memref<16x1024xf32, #tpu.memory_space<vmem>>) target(%dma_start3A_338 : memref<16x1024xf32, #tpu.memory_space<hbm>>) target_semaphore(%dma_start3A_335 : memref<!tpu.dma_semaphore, #tpu.memory_space<semaphore_mem>>)
    %add3A_343 = arith.constant 3072 : i32
    %add3A_344 = arith.addi %add3A_343, %mul3A_2 : i32
    %add3A_345 = arith.constant 0 : i32
    %add3A_346 = arith.addi %add3A_344, %add3A_345 : i32
    %dma_wait3A_347 = arith.constant 3 : i32
    %dma_wait3A_348 = arith.constant 3 : i32
    %dma_wait3A_349 = arith.constant 3 : i32
    %dma_wait3A_350 = arith.constant 0 : i32
    %dma_wait3A_351 = arith.constant 0 : i32
    %dma_wait3A_352 = tpu.memref_slice %arg6[%dma_wait3A_348, %dma_wait3A_350, %dma_wait3A_351] : memref<4x16x1024xf32, #tpu.memory_space<vmem>> -> memref<1x16x1024xf32, #tpu.memory_space<vmem>>
    %dma_wait3A_353 = tpu.memref_squeeze %dma_wait3A_352 : memref<1x16x1024xf32, #tpu.memory_space<vmem>> -> memref<16x1024xf32, #tpu.memory_space<vmem>>
    %dma_wait3A_354 = arith.constant 0 : i32
    %dma_wait3A_355 = tpu.memref_slice %arg2[%dma_wait3A_347, %add3A_346, %dma_wait3A_354] : memref<4x4096x1024xf32, #tpu.memory_space<hbm>> -> memref<1x16x1024xf32, #tpu.memory_space<hbm>>
    %dma_wait3A_356 = tpu.memref_squeeze %dma_wait3A_355 : memref<1x16x1024xf32, #tpu.memory_space<hbm>> -> memref<16x1024xf32, #tpu.memory_space<hbm>>
    %dma_wait3A_357 = tpu.memref_slice %arg8[%dma_wait3A_349] : memref<4x!tpu.dma_semaphore, #tpu.memory_space<semaphore_mem>> -> memref<1x!tpu.dma_semaphore, #tpu.memory_space<semaphore_mem>>
    %dma_wait3A_358 = tpu.memref_squeeze %dma_wait3A_357 : memref<1x!tpu.dma_semaphore, #tpu.memory_space<semaphore_mem>> -> memref<!tpu.dma_semaphore, #tpu.memory_space<semaphore_mem>>
    %dma_wait3A_359 = arith.constant 0 : i32
    %dma_wait3A_360 = arith.constant 0 : i32
    %dma_wait3A_361 = tpu.memref_slice %arg6[%dma_wait3A_348, %dma_wait3A_359, %dma_wait3A_360] : memref<4x16x1024xf32, #tpu.memory_space<vmem>> -> memref<1x16x1024xf32, #tpu.memory_space<vmem>>
    %dma_wait3A_362 = tpu.memref_squeeze %dma_wait3A_361 : memref<1x16x1024xf32, #tpu.memory_space<vmem>> -> memref<16x1024xf32, #tpu.memory_space<vmem>>
    %dma_wait3A_363 = arith.constant 0 : i32
    %dma_wait3A_364 = tpu.memref_slice %arg2[%dma_wait3A_347, %add3A_346, %dma_wait3A_363] : memref<4x4096x1024xf32, #tpu.memory_space<hbm>> -> memref<1x16x1024xf32, #tpu.memory_space<hbm>>
    %dma_wait3A_365 = tpu.memref_squeeze %dma_wait3A_364 : memref<1x16x1024xf32, #tpu.memory_space<hbm>> -> memref<16x1024xf32, #tpu.memory_space<hbm>>
    tpu.wait_dma2 semaphore(%dma_wait3A_358 : memref<!tpu.dma_semaphore, #tpu.memory_space<semaphore_mem>>) src(%dma_wait3A_365 : memref<16x1024xf32, #tpu.memory_space<hbm>>) dst(%dma_wait3A_362 : memref<16x1024xf32, #tpu.memory_space<vmem>>)
    %add3A_366 = arith.constant 0 : i32
    %add3A_367 = arith.addi %mul3A_2, %add3A_366 : i32
    %dma_wait3A_368 = arith.constant 1 : i32
    %dma_wait3A_369 = arith.constant 1 : i32
    %dma_wait3A_370 = arith.constant 1 : i32
    %dma_wait3A_371 = arith.constant 0 : i32
    %dma_wait3A_372 = arith.constant 0 : i32
    %dma_wait3A_373 = tpu.memref_slice %arg6[%dma_wait3A_368, %dma_wait3A_371, %dma_wait3A_372] : memref<4x16x1024xf32, #tpu.memory_space<vmem>> -> memref<1x16x1024xf32, #tpu.memory_space<vmem>>
    %dma_wait3A_374 = tpu.memref_squeeze %dma_wait3A_373 : memref<1x16x1024xf32, #tpu.memory_space<vmem>> -> memref<16x1024xf32, #tpu.memory_space<vmem>>
    %dma_wait3A_375 = arith.constant 0 : i32
    %dma_wait3A_376 = tpu.memref_slice %arg4[%dma_wait3A_369, %add3A_367, %dma_wait3A_375] : memref<4x1024x1024xf32, #tpu.memory_space<hbm>> -> memref<1x16x1024xf32, #tpu.memory_space<hbm>>
    %dma_wait3A_377 = tpu.memref_squeeze %dma_wait3A_376 : memref<1x16x1024xf32, #tpu.memory_space<hbm>> -> memref<16x1024xf32, #tpu.memory_space<hbm>>
    %dma_wait3A_378 = tpu.memref_slice %arg9[%dma_wait3A_370] : memref<4x!tpu.dma_semaphore, #tpu.memory_space<semaphore_mem>> -> memref<1x!tpu.dma_semaphore, #tpu.memory_space<semaphore_mem>>
    %dma_wait3A_379 = tpu.memref_squeeze %dma_wait3A_378 : memref<1x!tpu.dma_semaphore, #tpu.memory_space<semaphore_mem>> -> memref<!tpu.dma_semaphore, #tpu.memory_space<semaphore_mem>>
    %dma_wait3A_380 = arith.constant 0 : i32
    %dma_wait3A_381 = tpu.memref_slice %arg4[%dma_wait3A_369, %add3A_367, %dma_wait3A_380] : memref<4x1024x1024xf32, #tpu.memory_space<hbm>> -> memref<1x16x1024xf32, #tpu.memory_space<hbm>>
    %dma_wait3A_382 = tpu.memref_squeeze %dma_wait3A_381 : memref<1x16x1024xf32, #tpu.memory_space<hbm>> -> memref<16x1024xf32, #tpu.memory_space<hbm>>
    %dma_wait3A_383 = arith.constant 0 : i32
    %dma_wait3A_384 = arith.constant 0 : i32
    %dma_wait3A_385 = tpu.memref_slice %arg6[%dma_wait3A_368, %dma_wait3A_383, %dma_wait3A_384] : memref<4x16x1024xf32, #tpu.memory_space<vmem>> -> memref<1x16x1024xf32, #tpu.memory_space<vmem>>
    %dma_wait3A_386 = tpu.memref_squeeze %dma_wait3A_385 : memref<1x16x1024xf32, #tpu.memory_space<vmem>> -> memref<16x1024xf32, #tpu.memory_space<vmem>>
    tpu.wait_dma2 semaphore(%dma_wait3A_379 : memref<!tpu.dma_semaphore, #tpu.memory_space<semaphore_mem>>) src(%dma_wait3A_386 : memref<16x1024xf32, #tpu.memory_space<vmem>>) dst(%dma_wait3A_382 : memref<16x1024xf32, #tpu.memory_space<hbm>>)
    %add3A_387 = arith.constant 3072 : i32
    %add3A_388 = arith.addi %add3A_387, %mul3A_2 : i32
    %add3A_389 = arith.constant 16 : i32
    %add3A_390 = arith.addi %add3A_388, %add3A_389 : i32
    %dma_start3A_391 = arith.constant 1 : i32
    %dma_start3A_392 = arith.constant 1 : i32
    %dma_start3A_393 = arith.constant 1 : i32
    %dma_start3A_394 = arith.constant 0 : i32
    %dma_start3A_395 = arith.constant 0 : i32
    %dma_start3A_396 = tpu.memref_slice %arg6[%dma_start3A_392, %dma_start3A_394, %dma_start3A_395] : memref<4x16x1024xf32, #tpu.memory_space<vmem>> -> memref<1x16x1024xf32, #tpu.memory_space<vmem>>
    %dma_start3A_397 = tpu.memref_squeeze %dma_start3A_396 : memref<1x16x1024xf32, #tpu.memory_space<vmem>> -> memref<16x1024xf32, #tpu.memory_space<vmem>>
    %dma_start3A_398 = arith.constant 0 : i32
    %dma_start3A_399 = tpu.memref_slice %arg2[%dma_start3A_391, %add3A_390, %dma_start3A_398] : memref<4x4096x1024xf32, #tpu.memory_space<hbm>> -> memref<1x16x1024xf32, #tpu.memory_space<hbm>>
    %dma_start3A_400 = tpu.memref_squeeze %dma_start3A_399 : memref<1x16x1024xf32, #tpu.memory_space<hbm>> -> memref<16x1024xf32, #tpu.memory_space<hbm>>
    %dma_start3A_401 = tpu.memref_slice %arg8[%dma_start3A_393] : memref<4x!tpu.dma_semaphore, #tpu.memory_space<semaphore_mem>> -> memref<1x!tpu.dma_semaphore, #tpu.memory_space<semaphore_mem>>
    %dma_start3A_402 = tpu.memref_squeeze %dma_start3A_401 : memref<1x!tpu.dma_semaphore, #tpu.memory_space<semaphore_mem>> -> memref<!tpu.dma_semaphore, #tpu.memory_space<semaphore_mem>>
    %dma_start3A_403 = arith.constant 0 : i32
    %dma_start3A_404 = arith.constant 0 : i32
    %dma_start3A_405 = tpu.memref_slice %arg6[%dma_start3A_392, %dma_start3A_403, %dma_start3A_404] : memref<4x16x1024xf32, #tpu.memory_space<vmem>> -> memref<1x16x1024xf32, #tpu.memory_space<vmem>>
    %dma_start3A_406 = tpu.memref_squeeze %dma_start3A_405 : memref<1x16x1024xf32, #tpu.memory_space<vmem>> -> memref<16x1024xf32, #tpu.memory_space<vmem>>
    %dma_start3A_407 = arith.constant 0 : i32
    %dma_start3A_408 = tpu.memref_slice %arg2[%dma_start3A_391, %add3A_390, %dma_start3A_407] : memref<4x4096x1024xf32, #tpu.memory_space<hbm>> -> memref<1x16x1024xf32, #tpu.memory_space<hbm>>
    %dma_start3A_409 = tpu.memref_squeeze %dma_start3A_408 : memref<1x16x1024xf32, #tpu.memory_space<hbm>> -> memref<16x1024xf32, #tpu.memory_space<hbm>>
    tpu.enqueue_dma source(%dma_start3A_409 : memref<16x1024xf32, #tpu.memory_space<hbm>>) target(%dma_start3A_406 : memref<16x1024xf32, #tpu.memory_space<vmem>>) target_semaphore(%dma_start3A_402 : memref<!tpu.dma_semaphore, #tpu.memory_space<semaphore_mem>>)
    %parallel_loop3A_410 = arith.constant 0 : i32
    %parallel_loop3A_411 = arith.constant 1024 : i32
    %parallel_loop3A_412 = arith.constant 16 : i32
    %parallel_loop3A_413 = arith.constant 0 : i32
    %parallel_loop3A_414 = arith.constant 3 : i32
    scf.for %parallel_loop3A_782 = %parallel_loop3A_410 to %parallel_loop3A_411 step %parallel_loop3A_412  : i32 {
      %parallel_loop3A_783 = arith.constant 0 : i32
      %parallel_loop3A_784 = arith.constant 0 : i32
      %parallel_loop3A_785 = arith.constant 0 : i32
      %parallel_loop3A_786 = tpu.memref_slice %arg5[%parallel_loop3A_413, %parallel_loop3A_784, %parallel_loop3A_785] : memref<2x16x1024xf32, #tpu.memory_space<vmem>> -> memref<1x16x1024xf32, #tpu.memory_space<vmem>>
      %parallel_loop3A_787 = tpu.memref_squeeze %parallel_loop3A_786 : memref<1x16x1024xf32, #tpu.memory_space<vmem>> -> memref<16x1024xf32, #tpu.memory_space<vmem>>
      %parallel_loop3A_788 = arith.index_cast %parallel_loop3A_783 : i32 to index
      %parallel_loop3A_789 = arith.index_cast %parallel_loop3A_782 : i32 to index
      %parallel_loop3A_790 = tpu.vector_load %parallel_loop3A_787[%parallel_loop3A_788, %parallel_loop3A_789] {strides = array<i32>} : memref<16x1024xf32, #tpu.memory_space<vmem>>, vector<1x16xf32>,
      %parallel_loop3A_791 = vector.shape_cast %parallel_loop3A_790 : vector<1x16xf32> to vector<16xf32>
      %parallel_loop3A_792 = arith.constant 0 : i32
      %parallel_loop3A_793 = arith.constant 0 : i32
      %parallel_loop3A_794 = arith.constant 0 : i32
      %parallel_loop3A_795 = tpu.memref_slice %arg6[%parallel_loop3A_414, %parallel_loop3A_793, %parallel_loop3A_794] : memref<4x16x1024xf32, #tpu.memory_space<vmem>> -> memref<1x16x1024xf32, #tpu.memory_space<vmem>>
      %parallel_loop3A_796 = tpu.memref_squeeze %parallel_loop3A_795 : memref<1x16x1024xf32, #tpu.memory_space<vmem>> -> memref<16x1024xf32, #tpu.memory_space<vmem>>
      %parallel_loop3A_797 = arith.index_cast %parallel_loop3A_792 : i32 to index
      %parallel_loop3A_798 = arith.index_cast %parallel_loop3A_782 : i32 to index
      %parallel_loop3A_799 = tpu.vector_load %parallel_loop3A_796[%parallel_loop3A_797, %parallel_loop3A_798] {strides = array<i32>} : memref<16x1024xf32, #tpu.memory_space<vmem>>, vector<1x16xf32>,
      %parallel_loop3A_800 = vector.shape_cast %parallel_loop3A_799 : vector<1x16xf32> to vector<16xf32>
      %parallel_loop3A_801 = vector.shape_cast %parallel_loop3A_791 : vector<16xf32> to vector<1x16xf32>
      tpu.vector_store %parallel_loop3A_796[%parallel_loop3A_797, %parallel_loop3A_798], %parallel_loop3A_801 {add = true, strides = array<i32>} : memref<16x1024xf32, #tpu.memory_space<vmem>>, vector<1x16xf32>,
      %parallel_loop3A_802 = arith.constant 1 : i32
      %parallel_loop3A_803 = arith.constant 0 : i32
      %parallel_loop3A_804 = arith.constant 0 : i32
      %parallel_loop3A_805 = tpu.memref_slice %arg5[%parallel_loop3A_413, %parallel_loop3A_803, %parallel_loop3A_804] : memref<2x16x1024xf32, #tpu.memory_space<vmem>> -> memref<1x16x1024xf32, #tpu.memory_space<vmem>>
      %parallel_loop3A_806 = tpu.memref_squeeze %parallel_loop3A_805 : memref<1x16x1024xf32, #tpu.memory_space<vmem>> -> memref<16x1024xf32, #tpu.memory_space<vmem>>
      %parallel_loop3A_807 = arith.index_cast %parallel_loop3A_802 : i32 to index
      %parallel_loop3A_808 = arith.index_cast %parallel_loop3A_782 : i32 to index
      %parallel_loop3A_809 = tpu.vector_load %parallel_loop3A_806[%parallel_loop3A_807, %parallel_loop3A_808] {strides = array<i32>} : memref<16x1024xf32, #tpu.memory_space<vmem>>, vector<1x16xf32>,
      %parallel_loop3A_810 = vector.shape_cast %parallel_loop3A_809 : vector<1x16xf32> to vector<16xf32>
      %parallel_loop3A_811 = arith.constant 1 : i32
      %parallel_loop3A_812 = arith.constant 0 : i32
      %parallel_loop3A_813 = arith.constant 0 : i32
      %parallel_loop3A_814 = tpu.memref_slice %arg6[%parallel_loop3A_414, %parallel_loop3A_812, %parallel_loop3A_813] : memref<4x16x1024xf32, #tpu.memory_space<vmem>> -> memref<1x16x1024xf32, #tpu.memory_space<vmem>>
      %parallel_loop3A_815 = tpu.memref_squeeze %parallel_loop3A_814 : memref<1x16x1024xf32, #tpu.memory_space<vmem>> -> memref<16x1024xf32, #tpu.memory_space<vmem>>
      %parallel_loop3A_816 = arith.index_cast %parallel_loop3A_811 : i32 to index
      %parallel_loop3A_817 = arith.index_cast %parallel_loop3A_782 : i32 to index
      %parallel_loop3A_818 = tpu.vector_load %parallel_loop3A_815[%parallel_loop3A_816, %parallel_loop3A_817] {strides = array<i32>} : memref<16x1024xf32, #tpu.memory_space<vmem>>, vector<1x16xf32>,
      %parallel_loop3A_819 = vector.shape_cast %parallel_loop3A_818 : vector<1x16xf32> to vector<16xf32>
      %parallel_loop3A_820 = vector.shape_cast %parallel_loop3A_810 : vector<16xf32> to vector<1x16xf32>
      tpu.vector_store %parallel_loop3A_815[%parallel_loop3A_816, %parallel_loop3A_817], %parallel_loop3A_820 {add = true, strides = array<i32>} : memref<16x1024xf32, #tpu.memory_space<vmem>>, vector<1x16xf32>,
      %parallel_loop3A_821 = arith.constant 2 : i32
      %parallel_loop3A_822 = arith.constant 0 : i32
      %parallel_loop3A_823 = arith.constant 0 : i32
      %parallel_loop3A_824 = tpu.memref_slice %arg5[%parallel_loop3A_413, %parallel_loop3A_822, %parallel_loop3A_823] : memref<2x16x1024xf32, #tpu.memory_space<vmem>> -> memref<1x16x1024xf32, #tpu.memory_space<vmem>>
      %parallel_loop3A_825 = tpu.memref_squeeze %parallel_loop3A_824 : memref<1x16x1024xf32, #tpu.memory_space<vmem>> -> memref<16x1024xf32, #tpu.memory_space<vmem>>
      %parallel_loop3A_826 = arith.index_cast %parallel_loop3A_821 : i32 to index
      %parallel_loop3A_827 = arith.index_cast %parallel_loop3A_782 : i32 to index
      %parallel_loop3A_828 = tpu.vector_load %parallel_loop3A_825[%parallel_loop3A_826, %parallel_loop3A_827] {strides = array<i32>} : memref<16x1024xf32, #tpu.memory_space<vmem>>, vector<1x16xf32>,
      %parallel_loop3A_829 = vector.shape_cast %parallel_loop3A_828 : vector<1x16xf32> to vector<16xf32>
      %parallel_loop3A_830 = arith.constant 2 : i32
      %parallel_loop3A_831 = arith.constant 0 : i32
      %parallel_loop3A_832 = arith.constant 0 : i32
      %parallel_loop3A_833 = tpu.memref_slice %arg6[%parallel_loop3A_414, %parallel_loop3A_831, %parallel_loop3A_832] : memref<4x16x1024xf32, #tpu.memory_space<vmem>> -> memref<1x16x1024xf32, #tpu.memory_space<vmem>>
      %parallel_loop3A_834 = tpu.memref_squeeze %parallel_loop3A_833 : memref<1x16x1024xf32, #tpu.memory_space<vmem>> -> memref<16x1024xf32, #tpu.memory_space<vmem>>
      %parallel_loop3A_835 = arith.index_cast %parallel_loop3A_830 : i32 to index
      %parallel_loop3A_836 = arith.index_cast %parallel_loop3A_782 : i32 to index
      %parallel_loop3A_837 = tpu.vector_load %parallel_loop3A_834[%parallel_loop3A_835, %parallel_loop3A_836] {strides = array<i32>} : memref<16x1024xf32, #tpu.memory_space<vmem>>, vector<1x16xf32>,
      %parallel_loop3A_838 = vector.shape_cast %parallel_loop3A_837 : vector<1x16xf32> to vector<16xf32>
      %parallel_loop3A_839 = vector.shape_cast %parallel_loop3A_829 : vector<16xf32> to vector<1x16xf32>
      tpu.vector_store %parallel_loop3A_834[%parallel_loop3A_835, %parallel_loop3A_836], %parallel_loop3A_839 {add = true, strides = array<i32>} : memref<16x1024xf32, #tpu.memory_space<vmem>>, vector<1x16xf32>,
      %parallel_loop3A_840 = arith.constant 3 : i32
      %parallel_loop3A_841 = arith.constant 0 : i32
      %parallel_loop3A_842 = arith.constant 0 : i32
      %parallel_loop3A_843 = tpu.memref_slice %arg5[%parallel_loop3A_413, %parallel_loop3A_841, %parallel_loop3A_842] : memref<2x16x1024xf32, #tpu.memory_space<vmem>> -> memref<1x16x1024xf32, #tpu.memory_space<vmem>>
      %parallel_loop3A_844 = tpu.memref_squeeze %parallel_loop3A_843 : memref<1x16x1024xf32, #tpu.memory_space<vmem>> -> memref<16x1024xf32, #tpu.memory_space<vmem>>
      %parallel_loop3A_845 = arith.index_cast %parallel_loop3A_840 : i32 to index
      %parallel_loop3A_846 = arith.index_cast %parallel_loop3A_782 : i32 to index
      %parallel_loop3A_847 = tpu.vector_load %parallel_loop3A_844[%parallel_loop3A_845, %parallel_loop3A_846] {strides = array<i32>} : memref<16x1024xf32, #tpu.memory_space<vmem>>, vector<1x16xf32>,
      %parallel_loop3A_848 = vector.shape_cast %parallel_loop3A_847 : vector<1x16xf32> to vector<16xf32>
      %parallel_loop3A_849 = arith.constant 3 : i32
      %parallel_loop3A_850 = arith.constant 0 : i32
      %parallel_loop3A_851 = arith.constant 0 : i32
      %parallel_loop3A_852 = tpu.memref_slice %arg6[%parallel_loop3A_414, %parallel_loop3A_850, %parallel_loop3A_851] : memref<4x16x1024xf32, #tpu.memory_space<vmem>> -> memref<1x16x1024xf32, #tpu.memory_space<vmem>>
      %parallel_loop3A_853 = tpu.memref_squeeze %parallel_loop3A_852 : memref<1x16x1024xf32, #tpu.memory_space<vmem>> -> memref<16x1024xf32, #tpu.memory_space<vmem>>
      %parallel_loop3A_854 = arith.index_cast %parallel_loop3A_849 : i32 to index
      %parallel_loop3A_855 = arith.index_cast %parallel_loop3A_782 : i32 to index
      %parallel_loop3A_856 = tpu.vector_load %parallel_loop3A_853[%parallel_loop3A_854, %parallel_loop3A_855] {strides = array<i32>} : memref<16x1024xf32, #tpu.memory_space<vmem>>, vector<1x16xf32>,
      %parallel_loop3A_857 = vector.shape_cast %parallel_loop3A_856 : vector<1x16xf32> to vector<16xf32>
      %parallel_loop3A_858 = vector.shape_cast %parallel_loop3A_848 : vector<16xf32> to vector<1x16xf32>
      tpu.vector_store %parallel_loop3A_853[%parallel_loop3A_854, %parallel_loop3A_855], %parallel_loop3A_858 {add = true, strides = array<i32>} : memref<16x1024xf32, #tpu.memory_space<vmem>>, vector<1x16xf32>,
      %parallel_loop3A_859 = arith.constant 4 : i32
      %parallel_loop3A_860 = arith.constant 0 : i32
      %parallel_loop3A_861 = arith.constant 0 : i32
      %parallel_loop3A_862 = tpu.memref_slice %arg5[%parallel_loop3A_413, %parallel_loop3A_860, %parallel_loop3A_861] : memref<2x16x1024xf32, #tpu.memory_space<vmem>> -> memref<1x16x1024xf32, #tpu.memory_space<vmem>>
      %parallel_loop3A_863 = tpu.memref_squeeze %parallel_loop3A_862 : memref<1x16x1024xf32, #tpu.memory_space<vmem>> -> memref<16x1024xf32, #tpu.memory_space<vmem>>
      %parallel_loop3A_864 = arith.index_cast %parallel_loop3A_859 : i32 to index
      %parallel_loop3A_865 = arith.index_cast %parallel_loop3A_782 : i32 to index
      %parallel_loop3A_866 = tpu.vector_load %parallel_loop3A_863[%parallel_loop3A_864, %parallel_loop3A_865] {strides = array<i32>} : memref<16x1024xf32, #tpu.memory_space<vmem>>, vector<1x16xf32>,
      %parallel_loop3A_867 = vector.shape_cast %parallel_loop3A_866 : vector<1x16xf32> to vector<16xf32>
      %parallel_loop3A_868 = arith.constant 4 : i32
      %parallel_loop3A_869 = arith.constant 0 : i32
      %parallel_loop3A_870 = arith.constant 0 : i32
      %parallel_loop3A_871 = tpu.memref_slice %arg6[%parallel_loop3A_414, %parallel_loop3A_869, %parallel_loop3A_870] : memref<4x16x1024xf32, #tpu.memory_space<vmem>> -> memref<1x16x1024xf32, #tpu.memory_space<vmem>>
      %parallel_loop3A_872 = tpu.memref_squeeze %parallel_loop3A_871 : memref<1x16x1024xf32, #tpu.memory_space<vmem>> -> memref<16x1024xf32, #tpu.memory_space<vmem>>
      %parallel_loop3A_873 = arith.index_cast %parallel_loop3A_868 : i32 to index
      %parallel_loop3A_874 = arith.index_cast %parallel_loop3A_782 : i32 to index
      %parallel_loop3A_875 = tpu.vector_load %parallel_loop3A_872[%parallel_loop3A_873, %parallel_loop3A_874] {strides = array<i32>} : memref<16x1024xf32, #tpu.memory_space<vmem>>, vector<1x16xf32>,
      %parallel_loop3A_876 = vector.shape_cast %parallel_loop3A_875 : vector<1x16xf32> to vector<16xf32>
      %parallel_loop3A_877 = vector.shape_cast %parallel_loop3A_867 : vector<16xf32> to vector<1x16xf32>
      tpu.vector_store %parallel_loop3A_872[%parallel_loop3A_873, %parallel_loop3A_874], %parallel_loop3A_877 {add = true, strides = array<i32>} : memref<16x1024xf32, #tpu.memory_space<vmem>>, vector<1x16xf32>,
      %parallel_loop3A_878 = arith.constant 5 : i32
      %parallel_loop3A_879 = arith.constant 0 : i32
      %parallel_loop3A_880 = arith.constant 0 : i32
      %parallel_loop3A_881 = tpu.memref_slice %arg5[%parallel_loop3A_413, %parallel_loop3A_879, %parallel_loop3A_880] : memref<2x16x1024xf32, #tpu.memory_space<vmem>> -> memref<1x16x1024xf32, #tpu.memory_space<vmem>>
      %parallel_loop3A_882 = tpu.memref_squeeze %parallel_loop3A_881 : memref<1x16x1024xf32, #tpu.memory_space<vmem>> -> memref<16x1024xf32, #tpu.memory_space<vmem>>
      %parallel_loop3A_883 = arith.index_cast %parallel_loop3A_878 : i32 to index
      %parallel_loop3A_884 = arith.index_cast %parallel_loop3A_782 : i32 to index
      %parallel_loop3A_885 = tpu.vector_load %parallel_loop3A_882[%parallel_loop3A_883, %parallel_loop3A_884] {strides = array<i32>} : memref<16x1024xf32, #tpu.memory_space<vmem>>, vector<1x16xf32>,
      %parallel_loop3A_886 = vector.shape_cast %parallel_loop3A_885 : vector<1x16xf32> to vector<16xf32>
      %parallel_loop3A_887 = arith.constant 5 : i32
      %parallel_loop3A_888 = arith.constant 0 : i32
      %parallel_loop3A_889 = arith.constant 0 : i32
      %parallel_loop3A_890 = tpu.memref_slice %arg6[%parallel_loop3A_414, %parallel_loop3A_888, %parallel_loop3A_889] : memref<4x16x1024xf32, #tpu.memory_space<vmem>> -> memref<1x16x1024xf32, #tpu.memory_space<vmem>>
      %parallel_loop3A_891 = tpu.memref_squeeze %parallel_loop3A_890 : memref<1x16x1024xf32, #tpu.memory_space<vmem>> -> memref<16x1024xf32, #tpu.memory_space<vmem>>
      %parallel_loop3A_892 = arith.index_cast %parallel_loop3A_887 : i32 to index
      %parallel_loop3A_893 = arith.index_cast %parallel_loop3A_782 : i32 to index
      %parallel_loop3A_894 = tpu.vector_load %parallel_loop3A_891[%parallel_loop3A_892, %parallel_loop3A_893] {strides = array<i32>} : memref<16x1024xf32, #tpu.memory_space<vmem>>, vector<1x16xf32>,
      %parallel_loop3A_895 = vector.shape_cast %parallel_loop3A_894 : vector<1x16xf32> to vector<16xf32>
      %parallel_loop3A_896 = vector.shape_cast %parallel_loop3A_886 : vector<16xf32> to vector<1x16xf32>
      tpu.vector_store %parallel_loop3A_891[%parallel_loop3A_892, %parallel_loop3A_893], %parallel_loop3A_896 {add = true, strides = array<i32>} : memref<16x1024xf32, #tpu.memory_space<vmem>>, vector<1x16xf32>,
      %parallel_loop3A_897 = arith.constant 6 : i32
      %parallel_loop3A_898 = arith.constant 0 : i32
      %parallel_loop3A_899 = arith.constant 0 : i32
      %parallel_loop3A_900 = tpu.memref_slice %arg5[%parallel_loop3A_413, %parallel_loop3A_898, %parallel_loop3A_899] : memref<2x16x1024xf32, #tpu.memory_space<vmem>> -> memref<1x16x1024xf32, #tpu.memory_space<vmem>>
      %parallel_loop3A_901 = tpu.memref_squeeze %parallel_loop3A_900 : memref<1x16x1024xf32, #tpu.memory_space<vmem>> -> memref<16x1024xf32, #tpu.memory_space<vmem>>
      %parallel_loop3A_902 = arith.index_cast %parallel_loop3A_897 : i32 to index
      %parallel_loop3A_903 = arith.index_cast %parallel_loop3A_782 : i32 to index
      %parallel_loop3A_904 = tpu.vector_load %parallel_loop3A_901[%parallel_loop3A_902, %parallel_loop3A_903] {strides = array<i32>} : memref<16x1024xf32, #tpu.memory_space<vmem>>, vector<1x16xf32>,
      %parallel_loop3A_905 = vector.shape_cast %parallel_loop3A_904 : vector<1x16xf32> to vector<16xf32>
      %parallel_loop3A_906 = arith.constant 6 : i32
      %parallel_loop3A_907 = arith.constant 0 : i32
      %parallel_loop3A_908 = arith.constant 0 : i32
      %parallel_loop3A_909 = tpu.memref_slice %arg6[%parallel_loop3A_414, %parallel_loop3A_907, %parallel_loop3A_908] : memref<4x16x1024xf32, #tpu.memory_space<vmem>> -> memref<1x16x1024xf32, #tpu.memory_space<vmem>>
      %parallel_loop3A_910 = tpu.memref_squeeze %parallel_loop3A_909 : memref<1x16x1024xf32, #tpu.memory_space<vmem>> -> memref<16x1024xf32, #tpu.memory_space<vmem>>
      %parallel_loop3A_911 = arith.index_cast %parallel_loop3A_906 : i32 to index
      %parallel_loop3A_912 = arith.index_cast %parallel_loop3A_782 : i32 to index
      %parallel_loop3A_913 = tpu.vector_load %parallel_loop3A_910[%parallel_loop3A_911, %parallel_loop3A_912] {strides = array<i32>} : memref<16x1024xf32, #tpu.memory_space<vmem>>, vector<1x16xf32>,
      %parallel_loop3A_914 = vector.shape_cast %parallel_loop3A_913 : vector<1x16xf32> to vector<16xf32>
      %parallel_loop3A_915 = vector.shape_cast %parallel_loop3A_905 : vector<16xf32> to vector<1x16xf32>
      tpu.vector_store %parallel_loop3A_910[%parallel_loop3A_911, %parallel_loop3A_912], %parallel_loop3A_915 {add = true, strides = array<i32>} : memref<16x1024xf32, #tpu.memory_space<vmem>>, vector<1x16xf32>,
      %parallel_loop3A_916 = arith.constant 7 : i32
      %parallel_loop3A_917 = arith.constant 0 : i32
      %parallel_loop3A_918 = arith.constant 0 : i32
      %parallel_loop3A_919 = tpu.memref_slice %arg5[%parallel_loop3A_413, %parallel_loop3A_917, %parallel_loop3A_918] : memref<2x16x1024xf32, #tpu.memory_space<vmem>> -> memref<1x16x1024xf32, #tpu.memory_space<vmem>>
      %parallel_loop3A_920 = tpu.memref_squeeze %parallel_loop3A_919 : memref<1x16x1024xf32, #tpu.memory_space<vmem>> -> memref<16x1024xf32, #tpu.memory_space<vmem>>
      %parallel_loop3A_921 = arith.index_cast %parallel_loop3A_916 : i32 to index
      %parallel_loop3A_922 = arith.index_cast %parallel_loop3A_782 : i32 to index
      %parallel_loop3A_923 = tpu.vector_load %parallel_loop3A_920[%parallel_loop3A_921, %parallel_loop3A_922] {strides = array<i32>} : memref<16x1024xf32, #tpu.memory_space<vmem>>, vector<1x16xf32>,
      %parallel_loop3A_924 = vector.shape_cast %parallel_loop3A_923 : vector<1x16xf32> to vector<16xf32>
      %parallel_loop3A_925 = arith.constant 7 : i32
      %parallel_loop3A_926 = arith.constant 0 : i32
      %parallel_loop3A_927 = arith.constant 0 : i32
      %parallel_loop3A_928 = tpu.memref_slice %arg6[%parallel_loop3A_414, %parallel_loop3A_926, %parallel_loop3A_927] : memref<4x16x1024xf32, #tpu.memory_space<vmem>> -> memref<1x16x1024xf32, #tpu.memory_space<vmem>>
      %parallel_loop3A_929 = tpu.memref_squeeze %parallel_loop3A_928 : memref<1x16x1024xf32, #tpu.memory_space<vmem>> -> memref<16x1024xf32, #tpu.memory_space<vmem>>
      %parallel_loop3A_930 = arith.index_cast %parallel_loop3A_925 : i32 to index
      %parallel_loop3A_931 = arith.index_cast %parallel_loop3A_782 : i32 to index
      %parallel_loop3A_932 = tpu.vector_load %parallel_loop3A_929[%parallel_loop3A_930, %parallel_loop3A_931] {strides = array<i32>} : memref<16x1024xf32, #tpu.memory_space<vmem>>, vector<1x16xf32>,
      %parallel_loop3A_933 = vector.shape_cast %parallel_loop3A_932 : vector<1x16xf32> to vector<16xf32>
      %parallel_loop3A_934 = vector.shape_cast %parallel_loop3A_924 : vector<16xf32> to vector<1x16xf32>
      tpu.vector_store %parallel_loop3A_929[%parallel_loop3A_930, %parallel_loop3A_931], %parallel_loop3A_934 {add = true, strides = array<i32>} : memref<16x1024xf32, #tpu.memory_space<vmem>>, vector<1x16xf32>,
      %parallel_loop3A_935 = arith.constant 8 : i32
      %parallel_loop3A_936 = arith.constant 0 : i32
      %parallel_loop3A_937 = arith.constant 0 : i32
      %parallel_loop3A_938 = tpu.memref_slice %arg5[%parallel_loop3A_413, %parallel_loop3A_936, %parallel_loop3A_937] : memref<2x16x1024xf32, #tpu.memory_space<vmem>> -> memref<1x16x1024xf32, #tpu.memory_space<vmem>>
      %parallel_loop3A_939 = tpu.memref_squeeze %parallel_loop3A_938 : memref<1x16x1024xf32, #tpu.memory_space<vmem>> -> memref<16x1024xf32, #tpu.memory_space<vmem>>
      %parallel_loop3A_940 = arith.index_cast %parallel_loop3A_935 : i32 to index
      %parallel_loop3A_941 = arith.index_cast %parallel_loop3A_782 : i32 to index
      %parallel_loop3A_942 = tpu.vector_load %parallel_loop3A_939[%parallel_loop3A_940, %parallel_loop3A_941] {strides = array<i32>} : memref<16x1024xf32, #tpu.memory_space<vmem>>, vector<1x16xf32>,
      %parallel_loop3A_943 = vector.shape_cast %parallel_loop3A_942 : vector<1x16xf32> to vector<16xf32>
      %parallel_loop3A_944 = arith.constant 8 : i32
      %parallel_loop3A_945 = arith.constant 0 : i32
      %parallel_loop3A_946 = arith.constant 0 : i32
      %parallel_loop3A_947 = tpu.memref_slice %arg6[%parallel_loop3A_414, %parallel_loop3A_945, %parallel_loop3A_946] : memref<4x16x1024xf32, #tpu.memory_space<vmem>> -> memref<1x16x1024xf32, #tpu.memory_space<vmem>>
      %parallel_loop3A_948 = tpu.memref_squeeze %parallel_loop3A_947 : memref<1x16x1024xf32, #tpu.memory_space<vmem>> -> memref<16x1024xf32, #tpu.memory_space<vmem>>
      %parallel_loop3A_949 = arith.index_cast %parallel_loop3A_944 : i32 to index
      %parallel_loop3A_950 = arith.index_cast %parallel_loop3A_782 : i32 to index
      %parallel_loop3A_951 = tpu.vector_load %parallel_loop3A_948[%parallel_loop3A_949, %parallel_loop3A_950] {strides = array<i32>} : memref<16x1024xf32, #tpu.memory_space<vmem>>, vector<1x16xf32>,
      %parallel_loop3A_952 = vector.shape_cast %parallel_loop3A_951 : vector<1x16xf32> to vector<16xf32>
      %parallel_loop3A_953 = vector.shape_cast %parallel_loop3A_943 : vector<16xf32> to vector<1x16xf32>
      tpu.vector_store %parallel_loop3A_948[%parallel_loop3A_949, %parallel_loop3A_950], %parallel_loop3A_953 {add = true, strides = array<i32>} : memref<16x1024xf32, #tpu.memory_space<vmem>>, vector<1x16xf32>,
      %parallel_loop3A_954 = arith.constant 9 : i32
      %parallel_loop3A_955 = arith.constant 0 : i32
      %parallel_loop3A_956 = arith.constant 0 : i32
      %parallel_loop3A_957 = tpu.memref_slice %arg5[%parallel_loop3A_413, %parallel_loop3A_955, %parallel_loop3A_956] : memref<2x16x1024xf32, #tpu.memory_space<vmem>> -> memref<1x16x1024xf32, #tpu.memory_space<vmem>>
      %parallel_loop3A_958 = tpu.memref_squeeze %parallel_loop3A_957 : memref<1x16x1024xf32, #tpu.memory_space<vmem>> -> memref<16x1024xf32, #tpu.memory_space<vmem>>
      %parallel_loop3A_959 = arith.index_cast %parallel_loop3A_954 : i32 to index
      %parallel_loop3A_960 = arith.index_cast %parallel_loop3A_782 : i32 to index
      %parallel_loop3A_961 = tpu.vector_load %parallel_loop3A_958[%parallel_loop3A_959, %parallel_loop3A_960] {strides = array<i32>} : memref<16x1024xf32, #tpu.memory_space<vmem>>, vector<1x16xf32>,
      %parallel_loop3A_962 = vector.shape_cast %parallel_loop3A_961 : vector<1x16xf32> to vector<16xf32>
      %parallel_loop3A_963 = arith.constant 9 : i32
      %parallel_loop3A_964 = arith.constant 0 : i32
      %parallel_loop3A_965 = arith.constant 0 : i32
      %parallel_loop3A_966 = tpu.memref_slice %arg6[%parallel_loop3A_414, %parallel_loop3A_964, %parallel_loop3A_965] : memref<4x16x1024xf32, #tpu.memory_space<vmem>> -> memref<1x16x1024xf32, #tpu.memory_space<vmem>>
      %parallel_loop3A_967 = tpu.memref_squeeze %parallel_loop3A_966 : memref<1x16x1024xf32, #tpu.memory_space<vmem>> -> memref<16x1024xf32, #tpu.memory_space<vmem>>
      %parallel_loop3A_968 = arith.index_cast %parallel_loop3A_963 : i32 to index
      %parallel_loop3A_969 = arith.index_cast %parallel_loop3A_782 : i32 to index
      %parallel_loop3A_970 = tpu.vector_load %parallel_loop3A_967[%parallel_loop3A_968, %parallel_loop3A_969] {strides = array<i32>} : memref<16x1024xf32, #tpu.memory_space<vmem>>, vector<1x16xf32>,
      %parallel_loop3A_971 = vector.shape_cast %parallel_loop3A_970 : vector<1x16xf32> to vector<16xf32>
      %parallel_loop3A_972 = vector.shape_cast %parallel_loop3A_962 : vector<16xf32> to vector<1x16xf32>
      tpu.vector_store %parallel_loop3A_967[%parallel_loop3A_968, %parallel_loop3A_969], %parallel_loop3A_972 {add = true, strides = array<i32>} : memref<16x1024xf32, #tpu.memory_space<vmem>>, vector<1x16xf32>,
      %parallel_loop3A_973 = arith.constant 10 : i32
      %parallel_loop3A_974 = arith.constant 0 : i32
      %parallel_loop3A_975 = arith.constant 0 : i32
      %parallel_loop3A_976 = tpu.memref_slice %arg5[%parallel_loop3A_413, %parallel_loop3A_974, %parallel_loop3A_975] : memref<2x16x1024xf32, #tpu.memory_space<vmem>> -> memref<1x16x1024xf32, #tpu.memory_space<vmem>>
      %parallel_loop3A_977 = tpu.memref_squeeze %parallel_loop3A_976 : memref<1x16x1024xf32, #tpu.memory_space<vmem>> -> memref<16x1024xf32, #tpu.memory_space<vmem>>
      %parallel_loop3A_978 = arith.index_cast %parallel_loop3A_973 : i32 to index
      %parallel_loop3A_979 = arith.index_cast %parallel_loop3A_782 : i32 to index
      %parallel_loop3A_980 = tpu.vector_load %parallel_loop3A_977[%parallel_loop3A_978, %parallel_loop3A_979] {strides = array<i32>} : memref<16x1024xf32, #tpu.memory_space<vmem>>, vector<1x16xf32>,
      %parallel_loop3A_981 = vector.shape_cast %parallel_loop3A_980 : vector<1x16xf32> to vector<16xf32>
      %parallel_loop3A_982 = arith.constant 10 : i32
      %parallel_loop3A_983 = arith.constant 0 : i32
      %parallel_loop3A_984 = arith.constant 0 : i32
      %parallel_loop3A_985 = tpu.memref_slice %arg6[%parallel_loop3A_414, %parallel_loop3A_983, %parallel_loop3A_984] : memref<4x16x1024xf32, #tpu.memory_space<vmem>> -> memref<1x16x1024xf32, #tpu.memory_space<vmem>>
      %parallel_loop3A_986 = tpu.memref_squeeze %parallel_loop3A_985 : memref<1x16x1024xf32, #tpu.memory_space<vmem>> -> memref<16x1024xf32, #tpu.memory_space<vmem>>
      %parallel_loop3A_987 = arith.index_cast %parallel_loop3A_982 : i32 to index
      %parallel_loop3A_988 = arith.index_cast %parallel_loop3A_782 : i32 to index
      %parallel_loop3A_989 = tpu.vector_load %parallel_loop3A_986[%parallel_loop3A_987, %parallel_loop3A_988] {strides = array<i32>} : memref<16x1024xf32, #tpu.memory_space<vmem>>, vector<1x16xf32>,
      %parallel_loop3A_990 = vector.shape_cast %parallel_loop3A_989 : vector<1x16xf32> to vector<16xf32>
      %parallel_loop3A_991 = vector.shape_cast %parallel_loop3A_981 : vector<16xf32> to vector<1x16xf32>
      tpu.vector_store %parallel_loop3A_986[%parallel_loop3A_987, %parallel_loop3A_988], %parallel_loop3A_991 {add = true, strides = array<i32>} : memref<16x1024xf32, #tpu.memory_space<vmem>>, vector<1x16xf32>,
      %parallel_loop3A_992 = arith.constant 11 : i32
      %parallel_loop3A_993 = arith.constant 0 : i32
      %parallel_loop3A_994 = arith.constant 0 : i32
      %parallel_loop3A_995 = tpu.memref_slice %arg5[%parallel_loop3A_413, %parallel_loop3A_993, %parallel_loop3A_994] : memref<2x16x1024xf32, #tpu.memory_space<vmem>> -> memref<1x16x1024xf32, #tpu.memory_space<vmem>>
      %parallel_loop3A_996 = tpu.memref_squeeze %parallel_loop3A_995 : memref<1x16x1024xf32, #tpu.memory_space<vmem>> -> memref<16x1024xf32, #tpu.memory_space<vmem>>
      %parallel_loop3A_997 = arith.index_cast %parallel_loop3A_992 : i32 to index
      %parallel_loop3A_998 = arith.index_cast %parallel_loop3A_782 : i32 to index
      %parallel_loop3A_999 = tpu.vector_load %parallel_loop3A_996[%parallel_loop3A_997, %parallel_loop3A_998] {strides = array<i32>} : memref<16x1024xf32, #tpu.memory_space<vmem>>, vector<1x16xf32>,
      %parallel_loop3A_1000 = vector.shape_cast %parallel_loop3A_999 : vector<1x16xf32> to vector<16xf32>
      %parallel_loop3A_1001 = arith.constant 11 : i32
      %parallel_loop3A_1002 = arith.constant 0 : i32
      %parallel_loop3A_1003 = arith.constant 0 : i32
      %parallel_loop3A_1004 = tpu.memref_slice %arg6[%parallel_loop3A_414, %parallel_loop3A_1002, %parallel_loop3A_1003] : memref<4x16x1024xf32, #tpu.memory_space<vmem>> -> memref<1x16x1024xf32, #tpu.memory_space<vmem>>
      %parallel_loop3A_1005 = tpu.memref_squeeze %parallel_loop3A_1004 : memref<1x16x1024xf32, #tpu.memory_space<vmem>> -> memref<16x1024xf32, #tpu.memory_space<vmem>>
      %parallel_loop3A_1006 = arith.index_cast %parallel_loop3A_1001 : i32 to index
      %parallel_loop3A_1007 = arith.index_cast %parallel_loop3A_782 : i32 to index
      %parallel_loop3A_1008 = tpu.vector_load %parallel_loop3A_1005[%parallel_loop3A_1006, %parallel_loop3A_1007] {strides = array<i32>} : memref<16x1024xf32, #tpu.memory_space<vmem>>, vector<1x16xf32>,
      %parallel_loop3A_1009 = vector.shape_cast %parallel_loop3A_1008 : vector<1x16xf32> to vector<16xf32>
      %parallel_loop3A_1010 = vector.shape_cast %parallel_loop3A_1000 : vector<16xf32> to vector<1x16xf32>
      tpu.vector_store %parallel_loop3A_1005[%parallel_loop3A_1006, %parallel_loop3A_1007], %parallel_loop3A_1010 {add = true, strides = array<i32>} : memref<16x1024xf32, #tpu.memory_space<vmem>>, vector<1x16xf32>,
      %parallel_loop3A_1011 = arith.constant 12 : i32
      %parallel_loop3A_1012 = arith.constant 0 : i32
      %parallel_loop3A_1013 = arith.constant 0 : i32
      %parallel_loop3A_1014 = tpu.memref_slice %arg5[%parallel_loop3A_413, %parallel_loop3A_1012, %parallel_loop3A_1013] : memref<2x16x1024xf32, #tpu.memory_space<vmem>> -> memref<1x16x1024xf32, #tpu.memory_space<vmem>>
      %parallel_loop3A_1015 = tpu.memref_squeeze %parallel_loop3A_1014 : memref<1x16x1024xf32, #tpu.memory_space<vmem>> -> memref<16x1024xf32, #tpu.memory_space<vmem>>
      %parallel_loop3A_1016 = arith.index_cast %parallel_loop3A_1011 : i32 to index
      %parallel_loop3A_1017 = arith.index_cast %parallel_loop3A_782 : i32 to index
      %parallel_loop3A_1018 = tpu.vector_load %parallel_loop3A_1015[%parallel_loop3A_1016, %parallel_loop3A_1017] {strides = array<i32>} : memref<16x1024xf32, #tpu.memory_space<vmem>>, vector<1x16xf32>,
      %parallel_loop3A_1019 = vector.shape_cast %parallel_loop3A_1018 : vector<1x16xf32> to vector<16xf32>
      %parallel_loop3A_1020 = arith.constant 12 : i32
      %parallel_loop3A_1021 = arith.constant 0 : i32
      %parallel_loop3A_1022 = arith.constant 0 : i32
      %parallel_loop3A_1023 = tpu.memref_slice %arg6[%parallel_loop3A_414, %parallel_loop3A_1021, %parallel_loop3A_1022] : memref<4x16x1024xf32, #tpu.memory_space<vmem>> -> memref<1x16x1024xf32, #tpu.memory_space<vmem>>
      %parallel_loop3A_1024 = tpu.memref_squeeze %parallel_loop3A_1023 : memref<1x16x1024xf32, #tpu.memory_space<vmem>> -> memref<16x1024xf32, #tpu.memory_space<vmem>>
      %parallel_loop3A_1025 = arith.index_cast %parallel_loop3A_1020 : i32 to index
      %parallel_loop3A_1026 = arith.index_cast %parallel_loop3A_782 : i32 to index
      %parallel_loop3A_1027 = tpu.vector_load %parallel_loop3A_1024[%parallel_loop3A_1025, %parallel_loop3A_1026] {strides = array<i32>} : memref<16x1024xf32, #tpu.memory_space<vmem>>, vector<1x16xf32>,
      %parallel_loop3A_1028 = vector.shape_cast %parallel_loop3A_1027 : vector<1x16xf32> to vector<16xf32>
      %parallel_loop3A_1029 = vector.shape_cast %parallel_loop3A_1019 : vector<16xf32> to vector<1x16xf32>
      tpu.vector_store %parallel_loop3A_1024[%parallel_loop3A_1025, %parallel_loop3A_1026], %parallel_loop3A_1029 {add = true, strides = array<i32>} : memref<16x1024xf32, #tpu.memory_space<vmem>>, vector<1x16xf32>,
      %parallel_loop3A_1030 = arith.constant 13 : i32
      %parallel_loop3A_1031 = arith.constant 0 : i32
      %parallel_loop3A_1032 = arith.constant 0 : i32
      %parallel_loop3A_1033 = tpu.memref_slice %arg5[%parallel_loop3A_413, %parallel_loop3A_1031, %parallel_loop3A_1032] : memref<2x16x1024xf32, #tpu.memory_space<vmem>> -> memref<1x16x1024xf32, #tpu.memory_space<vmem>>
      %parallel_loop3A_1034 = tpu.memref_squeeze %parallel_loop3A_1033 : memref<1x16x1024xf32, #tpu.memory_space<vmem>> -> memref<16x1024xf32, #tpu.memory_space<vmem>>
      %parallel_loop3A_1035 = arith.index_cast %parallel_loop3A_1030 : i32 to index
      %parallel_loop3A_1036 = arith.index_cast %parallel_loop3A_782 : i32 to index
      %parallel_loop3A_1037 = tpu.vector_load %parallel_loop3A_1034[%parallel_loop3A_1035, %parallel_loop3A_1036] {strides = array<i32>} : memref<16x1024xf32, #tpu.memory_space<vmem>>, vector<1x16xf32>,
      %parallel_loop3A_1038 = vector.shape_cast %parallel_loop3A_1037 : vector<1x16xf32> to vector<16xf32>
      %parallel_loop3A_1039 = arith.constant 13 : i32
      %parallel_loop3A_1040 = arith.constant 0 : i32
      %parallel_loop3A_1041 = arith.constant 0 : i32
      %parallel_loop3A_1042 = tpu.memref_slice %arg6[%parallel_loop3A_414, %parallel_loop3A_1040, %parallel_loop3A_1041] : memref<4x16x1024xf32, #tpu.memory_space<vmem>> -> memref<1x16x1024xf32, #tpu.memory_space<vmem>>
      %parallel_loop3A_1043 = tpu.memref_squeeze %parallel_loop3A_1042 : memref<1x16x1024xf32, #tpu.memory_space<vmem>> -> memref<16x1024xf32, #tpu.memory_space<vmem>>
      %parallel_loop3A_1044 = arith.index_cast %parallel_loop3A_1039 : i32 to index
      %parallel_loop3A_1045 = arith.index_cast %parallel_loop3A_782 : i32 to index
      %parallel_loop3A_1046 = tpu.vector_load %parallel_loop3A_1043[%parallel_loop3A_1044, %parallel_loop3A_1045] {strides = array<i32>} : memref<16x1024xf32, #tpu.memory_space<vmem>>, vector<1x16xf32>,
      %parallel_loop3A_1047 = vector.shape_cast %parallel_loop3A_1046 : vector<1x16xf32> to vector<16xf32>
      %parallel_loop3A_1048 = vector.shape_cast %parallel_loop3A_1038 : vector<16xf32> to vector<1x16xf32>
      tpu.vector_store %parallel_loop3A_1043[%parallel_loop3A_1044, %parallel_loop3A_1045], %parallel_loop3A_1048 {add = true, strides = array<i32>} : memref<16x1024xf32, #tpu.memory_space<vmem>>, vector<1x16xf32>,
      %parallel_loop3A_1049 = arith.constant 14 : i32
      %parallel_loop3A_1050 = arith.constant 0 : i32
      %parallel_loop3A_1051 = arith.constant 0 : i32
      %parallel_loop3A_1052 = tpu.memref_slice %arg5[%parallel_loop3A_413, %parallel_loop3A_1050, %parallel_loop3A_1051] : memref<2x16x1024xf32, #tpu.memory_space<vmem>> -> memref<1x16x1024xf32, #tpu.memory_space<vmem>>
      %parallel_loop3A_1053 = tpu.memref_squeeze %parallel_loop3A_1052 : memref<1x16x1024xf32, #tpu.memory_space<vmem>> -> memref<16x1024xf32, #tpu.memory_space<vmem>>
      %parallel_loop3A_1054 = arith.index_cast %parallel_loop3A_1049 : i32 to index
      %parallel_loop3A_1055 = arith.index_cast %parallel_loop3A_782 : i32 to index
      %parallel_loop3A_1056 = tpu.vector_load %parallel_loop3A_1053[%parallel_loop3A_1054, %parallel_loop3A_1055] {strides = array<i32>} : memref<16x1024xf32, #tpu.memory_space<vmem>>, vector<1x16xf32>,
      %parallel_loop3A_1057 = vector.shape_cast %parallel_loop3A_1056 : vector<1x16xf32> to vector<16xf32>
      %parallel_loop3A_1058 = arith.constant 14 : i32
      %parallel_loop3A_1059 = arith.constant 0 : i32
      %parallel_loop3A_1060 = arith.constant 0 : i32
      %parallel_loop3A_1061 = tpu.memref_slice %arg6[%parallel_loop3A_414, %parallel_loop3A_1059, %parallel_loop3A_1060] : memref<4x16x1024xf32, #tpu.memory_space<vmem>> -> memref<1x16x1024xf32, #tpu.memory_space<vmem>>
      %parallel_loop3A_1062 = tpu.memref_squeeze %parallel_loop3A_1061 : memref<1x16x1024xf32, #tpu.memory_space<vmem>> -> memref<16x1024xf32, #tpu.memory_space<vmem>>
      %parallel_loop3A_1063 = arith.index_cast %parallel_loop3A_1058 : i32 to index
      %parallel_loop3A_1064 = arith.index_cast %parallel_loop3A_782 : i32 to index
      %parallel_loop3A_1065 = tpu.vector_load %parallel_loop3A_1062[%parallel_loop3A_1063, %parallel_loop3A_1064] {strides = array<i32>} : memref<16x1024xf32, #tpu.memory_space<vmem>>, vector<1x16xf32>,
      %parallel_loop3A_1066 = vector.shape_cast %parallel_loop3A_1065 : vector<1x16xf32> to vector<16xf32>
      %parallel_loop3A_1067 = vector.shape_cast %parallel_loop3A_1057 : vector<16xf32> to vector<1x16xf32>
      tpu.vector_store %parallel_loop3A_1062[%parallel_loop3A_1063, %parallel_loop3A_1064], %parallel_loop3A_1067 {add = true, strides = array<i32>} : memref<16x1024xf32, #tpu.memory_space<vmem>>, vector<1x16xf32>,
      %parallel_loop3A_1068 = arith.constant 15 : i32
      %parallel_loop3A_1069 = arith.constant 0 : i32
      %parallel_loop3A_1070 = arith.constant 0 : i32
      %parallel_loop3A_1071 = tpu.memref_slice %arg5[%parallel_loop3A_413, %parallel_loop3A_1069, %parallel_loop3A_1070] : memref<2x16x1024xf32, #tpu.memory_space<vmem>> -> memref<1x16x1024xf32, #tpu.memory_space<vmem>>
      %parallel_loop3A_1072 = tpu.memref_squeeze %parallel_loop3A_1071 : memref<1x16x1024xf32, #tpu.memory_space<vmem>> -> memref<16x1024xf32, #tpu.memory_space<vmem>>
      %parallel_loop3A_1073 = arith.index_cast %parallel_loop3A_1068 : i32 to index
      %parallel_loop3A_1074 = arith.index_cast %parallel_loop3A_782 : i32 to index
      %parallel_loop3A_1075 = tpu.vector_load %parallel_loop3A_1072[%parallel_loop3A_1073, %parallel_loop3A_1074] {strides = array<i32>} : memref<16x1024xf32, #tpu.memory_space<vmem>>, vector<1x16xf32>,
      %parallel_loop3A_1076 = vector.shape_cast %parallel_loop3A_1075 : vector<1x16xf32> to vector<16xf32>
      %parallel_loop3A_1077 = arith.constant 15 : i32
      %parallel_loop3A_1078 = arith.constant 0 : i32
      %parallel_loop3A_1079 = arith.constant 0 : i32
      %parallel_loop3A_1080 = tpu.memref_slice %arg6[%parallel_loop3A_414, %parallel_loop3A_1078, %parallel_loop3A_1079] : memref<4x16x1024xf32, #tpu.memory_space<vmem>> -> memref<1x16x1024xf32, #tpu.memory_space<vmem>>
      %parallel_loop3A_1081 = tpu.memref_squeeze %parallel_loop3A_1080 : memref<1x16x1024xf32, #tpu.memory_space<vmem>> -> memref<16x1024xf32, #tpu.memory_space<vmem>>
      %parallel_loop3A_1082 = arith.index_cast %parallel_loop3A_1077 : i32 to index
      %parallel_loop3A_1083 = arith.index_cast %parallel_loop3A_782 : i32 to index
      %parallel_loop3A_1084 = tpu.vector_load %parallel_loop3A_1081[%parallel_loop3A_1082, %parallel_loop3A_1083] {strides = array<i32>} : memref<16x1024xf32, #tpu.memory_space<vmem>>, vector<1x16xf32>,
      %parallel_loop3A_1085 = vector.shape_cast %parallel_loop3A_1084 : vector<1x16xf32> to vector<16xf32>
      %parallel_loop3A_1086 = vector.shape_cast %parallel_loop3A_1076 : vector<16xf32> to vector<1x16xf32>
      tpu.vector_store %parallel_loop3A_1081[%parallel_loop3A_1082, %parallel_loop3A_1083], %parallel_loop3A_1086 {add = true, strides = array<i32>} : memref<16x1024xf32, #tpu.memory_space<vmem>>, vector<1x16xf32>,
    } {sc.loop_unroll_factor = 1 : i64, sc.parallel_access}
    %add3A_415 = arith.constant 0 : i32
    %add3A_416 = arith.addi %mul3A_2, %add3A_415 : i32
    %dma_start3A_417 = arith.constant 3 : i32
    %dma_start3A_418 = arith.constant 3 : i32
    %dma_start3A_419 = arith.constant 3 : i32
    %dma_start3A_420 = arith.constant 0 : i32
    %dma_start3A_421 = arith.constant 0 : i32
    %dma_start3A_422 = tpu.memref_slice %arg6[%dma_start3A_417, %dma_start3A_420, %dma_start3A_421] : memref<4x16x1024xf32, #tpu.memory_space<vmem>> -> memref<1x16x1024xf32, #tpu.memory_space<vmem>>
    %dma_start3A_423 = tpu.memref_squeeze %dma_start3A_422 : memref<1x16x1024xf32, #tpu.memory_space<vmem>> -> memref<16x1024xf32, #tpu.memory_space<vmem>>
    %dma_start3A_424 = arith.constant 0 : i32
    %dma_start3A_425 = tpu.memref_slice %arg4[%dma_start3A_418, %add3A_416, %dma_start3A_424] : memref<4x1024x1024xf32, #tpu.memory_space<hbm>> -> memref<1x16x1024xf32, #tpu.memory_space<hbm>>
    %dma_start3A_426 = tpu.memref_squeeze %dma_start3A_425 : memref<1x16x1024xf32, #tpu.memory_space<hbm>> -> memref<16x1024xf32, #tpu.memory_space<hbm>>
    %dma_start3A_427 = tpu.memref_slice %arg9[%dma_start3A_419] : memref<4x!tpu.dma_semaphore, #tpu.memory_space<semaphore_mem>> -> memref<1x!tpu.dma_semaphore, #tpu.memory_space<semaphore_mem>>
    %dma_start3A_428 = tpu.memref_squeeze %dma_start3A_427 : memref<1x!tpu.dma_semaphore, #tpu.memory_space<semaphore_mem>> -> memref<!tpu.dma_semaphore, #tpu.memory_space<semaphore_mem>>
    %dma_start3A_429 = arith.constant 0 : i32
    %dma_start3A_430 = tpu.memref_slice %arg4[%dma_start3A_418, %add3A_416, %dma_start3A_429] : memref<4x1024x1024xf32, #tpu.memory_space<hbm>> -> memref<1x16x1024xf32, #tpu.memory_space<hbm>>
    %dma_start3A_431 = tpu.memref_squeeze %dma_start3A_430 : memref<1x16x1024xf32, #tpu.memory_space<hbm>> -> memref<16x1024xf32, #tpu.memory_space<hbm>>
    %dma_start3A_432 = arith.constant 0 : i32
    %dma_start3A_433 = arith.constant 0 : i32
    %dma_start3A_434 = tpu.memref_slice %arg6[%dma_start3A_417, %dma_start3A_432, %dma_start3A_433] : memref<4x16x1024xf32, #tpu.memory_space<vmem>> -> memref<1x16x1024xf32, #tpu.memory_space<vmem>>
    %dma_start3A_435 = tpu.memref_squeeze %dma_start3A_434 : memref<1x16x1024xf32, #tpu.memory_space<vmem>> -> memref<16x1024xf32, #tpu.memory_space<vmem>>
    tpu.enqueue_dma source(%dma_start3A_435 : memref<16x1024xf32, #tpu.memory_space<vmem>>) target(%dma_start3A_431 : memref<16x1024xf32, #tpu.memory_space<hbm>>) target_semaphore(%dma_start3A_428 : memref<!tpu.dma_semaphore, #tpu.memory_space<semaphore_mem>>)
    %add3A_436 = arith.constant 3072 : i32
    %add3A_437 = arith.addi %add3A_436, %mul3A_2 : i32
    %add3A_438 = arith.constant 16 : i32
    %add3A_439 = arith.addi %add3A_437, %add3A_438 : i32
    %dma_wait3A_440 = arith.constant 1 : i32
    %dma_wait3A_441 = arith.constant 1 : i32
    %dma_wait3A_442 = arith.constant 0 : i32
    %dma_wait3A_443 = arith.constant 0 : i32
    %dma_wait3A_444 = tpu.memref_slice %arg5[%dma_wait3A_440, %dma_wait3A_442, %dma_wait3A_443] : memref<2x16x1024xf32, #tpu.memory_space<vmem>> -> memref<1x16x1024xf32, #tpu.memory_space<vmem>>
    %dma_wait3A_445 = tpu.memref_squeeze %dma_wait3A_444 : memref<1x16x1024xf32, #tpu.memory_space<vmem>> -> memref<16x1024xf32, #tpu.memory_space<vmem>>
    %dma_wait3A_446 = arith.constant 0 : i32
    %dma_wait3A_447 = tpu.memref_slice %arg3[%add3A_439, %dma_wait3A_446] : memref<4096x1024xf32, #tpu.memory_space<hbm>> -> memref<16x1024xf32, #tpu.memory_space<hbm>>
    %dma_wait3A_448 = tpu.memref_slice %arg7[%dma_wait3A_441] : memref<2x!tpu.dma_semaphore, #tpu.memory_space<semaphore_mem>> -> memref<1x!tpu.dma_semaphore, #tpu.memory_space<semaphore_mem>>
    %dma_wait3A_449 = tpu.memref_squeeze %dma_wait3A_448 : memref<1x!tpu.dma_semaphore, #tpu.memory_space<semaphore_mem>> -> memref<!tpu.dma_semaphore, #tpu.memory_space<semaphore_mem>>
    %dma_wait3A_450 = arith.constant 0 : i32
    %dma_wait3A_451 = arith.constant 0 : i32
    %dma_wait3A_452 = tpu.memref_slice %arg5[%dma_wait3A_440, %dma_wait3A_450, %dma_wait3A_451] : memref<2x16x1024xf32, #tpu.memory_space<vmem>> -> memref<1x16x1024xf32, #tpu.memory_space<vmem>>
    %dma_wait3A_453 = tpu.memref_squeeze %dma_wait3A_452 : memref<1x16x1024xf32, #tpu.memory_space<vmem>> -> memref<16x1024xf32, #tpu.memory_space<vmem>>
    %dma_wait3A_454 = arith.constant 0 : i32
    %dma_wait3A_455 = tpu.memref_slice %arg3[%add3A_439, %dma_wait3A_454] : memref<4096x1024xf32, #tpu.memory_space<hbm>> -> memref<16x1024xf32, #tpu.memory_space<hbm>>
    tpu.wait_dma2 semaphore(%dma_wait3A_449 : memref<!tpu.dma_semaphore, #tpu.memory_space<semaphore_mem>>) src(%dma_wait3A_455 : memref<16x1024xf32, #tpu.memory_space<hbm>>) dst(%dma_wait3A_453 : memref<16x1024xf32, #tpu.memory_space<vmem>>)
    %add3A_456 = arith.constant 3072 : i32
    %add3A_457 = arith.addi %add3A_456, %mul3A_2 : i32
    %add3A_458 = arith.constant 16 : i32
    %add3A_459 = arith.addi %add3A_457, %add3A_458 : i32
    %dma_wait3A_460 = arith.constant 0 : i32
    %dma_wait3A_461 = arith.constant 0 : i32
    %dma_wait3A_462 = arith.constant 0 : i32
    %dma_wait3A_463 = arith.constant 0 : i32
    %dma_wait3A_464 = arith.constant 0 : i32
    %dma_wait3A_465 = tpu.memref_slice %arg6[%dma_wait3A_461, %dma_wait3A_463, %dma_wait3A_464] : memref<4x16x1024xf32, #tpu.memory_space<vmem>> -> memref<1x16x1024xf32, #tpu.memory_space<vmem>>
    %dma_wait3A_466 = tpu.memref_squeeze %dma_wait3A_465 : memref<1x16x1024xf32, #tpu.memory_space<vmem>> -> memref<16x1024xf32, #tpu.memory_space<vmem>>
    %dma_wait3A_467 = arith.constant 0 : i32
    %dma_wait3A_468 = tpu.memref_slice %arg2[%dma_wait3A_460, %add3A_459, %dma_wait3A_467] : memref<4x4096x1024xf32, #tpu.memory_space<hbm>> -> memref<1x16x1024xf32, #tpu.memory_space<hbm>>
    %dma_wait3A_469 = tpu.memref_squeeze %dma_wait3A_468 : memref<1x16x1024xf32, #tpu.memory_space<hbm>> -> memref<16x1024xf32, #tpu.memory_space<hbm>>
    %dma_wait3A_470 = tpu.memref_slice %arg8[%dma_wait3A_462] : memref<4x!tpu.dma_semaphore, #tpu.memory_space<semaphore_mem>> -> memref<1x!tpu.dma_semaphore, #tpu.memory_space<semaphore_mem>>
    %dma_wait3A_471 = tpu.memref_squeeze %dma_wait3A_470 : memref<1x!tpu.dma_semaphore, #tpu.memory_space<semaphore_mem>> -> memref<!tpu.dma_semaphore, #tpu.memory_space<semaphore_mem>>
    %dma_wait3A_472 = arith.constant 0 : i32
    %dma_wait3A_473 = arith.constant 0 : i32
    %dma_wait3A_474 = tpu.memref_slice %arg6[%dma_wait3A_461, %dma_wait3A_472, %dma_wait3A_473] : memref<4x16x1024xf32, #tpu.memory_space<vmem>> -> memref<1x16x1024xf32, #tpu.memory_space<vmem>>
    %dma_wait3A_475 = tpu.memref_squeeze %dma_wait3A_474 : memref<1x16x1024xf32, #tpu.memory_space<vmem>> -> memref<16x1024xf32, #tpu.memory_space<vmem>>
    %dma_wait3A_476 = arith.constant 0 : i32
    %dma_wait3A_477 = tpu.memref_slice %arg2[%dma_wait3A_460, %add3A_459, %dma_wait3A_476] : memref<4x4096x1024xf32, #tpu.memory_space<hbm>> -> memref<1x16x1024xf32, #tpu.memory_space<hbm>>
    %dma_wait3A_478 = tpu.memref_squeeze %dma_wait3A_477 : memref<1x16x1024xf32, #tpu.memory_space<hbm>> -> memref<16x1024xf32, #tpu.memory_space<hbm>>
    tpu.wait_dma2 semaphore(%dma_wait3A_471 : memref<!tpu.dma_semaphore, #tpu.memory_space<semaphore_mem>>) src(%dma_wait3A_478 : memref<16x1024xf32, #tpu.memory_space<hbm>>) dst(%dma_wait3A_475 : memref<16x1024xf32, #tpu.memory_space<vmem>>)
    %add3A_479 = arith.constant 0 : i32
    %add3A_480 = arith.addi %mul3A_2, %add3A_479 : i32
    %dma_wait3A_481 = arith.constant 2 : i32
    %dma_wait3A_482 = arith.constant 2 : i32
    %dma_wait3A_483 = arith.constant 2 : i32
    %dma_wait3A_484 = arith.constant 0 : i32
    %dma_wait3A_485 = arith.constant 0 : i32
    %dma_wait3A_486 = tpu.memref_slice %arg6[%dma_wait3A_481, %dma_wait3A_484, %dma_wait3A_485] : memref<4x16x1024xf32, #tpu.memory_space<vmem>> -> memref<1x16x1024xf32, #tpu.memory_space<vmem>>
    %dma_wait3A_487 = tpu.memref_squeeze %dma_wait3A_486 : memref<1x16x1024xf32, #tpu.memory_space<vmem>> -> memref<16x1024xf32, #tpu.memory_space<vmem>>
    %dma_wait3A_488 = arith.constant 0 : i32
    %dma_wait3A_489 = tpu.memref_slice %arg4[%dma_wait3A_482, %add3A_480, %dma_wait3A_488] : memref<4x1024x1024xf32, #tpu.memory_space<hbm>> -> memref<1x16x1024xf32, #tpu.memory_space<hbm>>
    %dma_wait3A_490 = tpu.memref_squeeze %dma_wait3A_489 : memref<1x16x1024xf32, #tpu.memory_space<hbm>> -> memref<16x1024xf32, #tpu.memory_space<hbm>>
    %dma_wait3A_491 = tpu.memref_slice %arg9[%dma_wait3A_483] : memref<4x!tpu.dma_semaphore, #tpu.memory_space<semaphore_mem>> -> memref<1x!tpu.dma_semaphore, #tpu.memory_space<semaphore_mem>>
    %dma_wait3A_492 = tpu.memref_squeeze %dma_wait3A_491 : memref<1x!tpu.dma_semaphore, #tpu.memory_space<semaphore_mem>> -> memref<!tpu.dma_semaphore, #tpu.memory_space<semaphore_mem>>
    %dma_wait3A_493 = arith.constant 0 : i32
    %dma_wait3A_494 = tpu.memref_slice %arg4[%dma_wait3A_482, %add3A_480, %dma_wait3A_493] : memref<4x1024x1024xf32, #tpu.memory_space<hbm>> -> memref<1x16x1024xf32, #tpu.memory_space<hbm>>
    %dma_wait3A_495 = tpu.memref_squeeze %dma_wait3A_494 : memref<1x16x1024xf32, #tpu.memory_space<hbm>> -> memref<16x1024xf32, #tpu.memory_space<hbm>>
    %dma_wait3A_496 = arith.constant 0 : i32
    %dma_wait3A_497 = arith.constant 0 : i32
    %dma_wait3A_498 = tpu.memref_slice %arg6[%dma_wait3A_481, %dma_wait3A_496, %dma_wait3A_497] : memref<4x16x1024xf32, #tpu.memory_space<vmem>> -> memref<1x16x1024xf32, #tpu.memory_space<vmem>>
    %dma_wait3A_499 = tpu.memref_squeeze %dma_wait3A_498 : memref<1x16x1024xf32, #tpu.memory_space<vmem>> -> memref<16x1024xf32, #tpu.memory_space<vmem>>
    tpu.wait_dma2 semaphore(%dma_wait3A_492 : memref<!tpu.dma_semaphore, #tpu.memory_space<semaphore_mem>>) src(%dma_wait3A_499 : memref<16x1024xf32, #tpu.memory_space<vmem>>) dst(%dma_wait3A_495 : memref<16x1024xf32, #tpu.memory_space<hbm>>)
    %add3A_500 = arith.constant 3072 : i32
    %add3A_501 = arith.addi %add3A_500, %mul3A_2 : i32
    %add3A_502 = arith.constant 16 : i32
    %add3A_503 = arith.addi %add3A_501, %add3A_502 : i32
    %dma_start3A_504 = arith.constant 2 : i32
    %dma_start3A_505 = arith.constant 2 : i32
    %dma_start3A_506 = arith.constant 2 : i32
    %dma_start3A_507 = arith.constant 0 : i32
    %dma_start3A_508 = arith.constant 0 : i32
    %dma_start3A_509 = tpu.memref_slice %arg6[%dma_start3A_505, %dma_start3A_507, %dma_start3A_508] : memref<4x16x1024xf32, #tpu.memory_space<vmem>> -> memref<1x16x1024xf32, #tpu.memory_space<vmem>>
    %dma_start3A_510 = tpu.memref_squeeze %dma_start3A_509 : memref<1x16x1024xf32, #tpu.memory_space<vmem>> -> memref<16x1024xf32, #tpu.memory_space<vmem>>
    %dma_start3A_511 = arith.constant 0 : i32
    %dma_start3A_512 = tpu.memref_slice %arg2[%dma_start3A_504, %add3A_503, %dma_start3A_511] : memref<4x4096x1024xf32, #tpu.memory_space<hbm>> -> memref<1x16x1024xf32, #tpu.memory_space<hbm>>
    %dma_start3A_513 = tpu.memref_squeeze %dma_start3A_512 : memref<1x16x1024xf32, #tpu.memory_space<hbm>> -> memref<16x1024xf32, #tpu.memory_space<hbm>>
    %dma_start3A_514 = tpu.memref_slice %arg8[%dma_start3A_506] : memref<4x!tpu.dma_semaphore, #tpu.memory_space<semaphore_mem>> -> memref<1x!tpu.dma_semaphore, #tpu.memory_space<semaphore_mem>>
    %dma_start3A_515 = tpu.memref_squeeze %dma_start3A_514 : memref<1x!tpu.dma_semaphore, #tpu.memory_space<semaphore_mem>> -> memref<!tpu.dma_semaphore, #tpu.memory_space<semaphore_mem>>
    %dma_start3A_516 = arith.constant 0 : i32
    %dma_start3A_517 = arith.constant 0 : i32
    %dma_start3A_518 = tpu.memref_slice %arg6[%dma_start3A_505, %dma_start3A_516, %dma_start3A_517] : memref<4x16x1024xf32, #tpu.memory_space<vmem>> -> memref<1x16x1024xf32, #tpu.memory_space<vmem>>
    %dma_start3A_519 = tpu.memref_squeeze %dma_start3A_518 : memref<1x16x1024xf32, #tpu.memory_space<vmem>> -> memref<16x1024xf32, #tpu.memory_space<vmem>>
    %dma_start3A_520 = arith.constant 0 : i32
    %dma_start3A_521 = tpu.memref_slice %arg2[%dma_start3A_504, %add3A_503, %dma_start3A_520] : memref<4x4096x1024xf32, #tpu.memory_space<hbm>> -> memref<1x16x1024xf32, #tpu.memory_space<hbm>>
    %dma_start3A_522 = tpu.memref_squeeze %dma_start3A_521 : memref<1x16x1024xf32, #tpu.memory_space<hbm>> -> memref<16x1024xf32, #tpu.memory_space<hbm>>
    tpu.enqueue_dma source(%dma_start3A_522 : memref<16x1024xf32, #tpu.memory_space<hbm>>) target(%dma_start3A_519 : memref<16x1024xf32, #tpu.memory_space<vmem>>) target_semaphore(%dma_start3A_515 : memref<!tpu.dma_semaphore, #tpu.memory_space<semaphore_mem>>)
    %parallel_loop3A_523 = arith.constant 0 : i32
    %parallel_loop3A_524 = arith.constant 1024 : i32
    %parallel_loop3A_525 = arith.constant 16 : i32
    %parallel_loop3A_526 = arith.constant 1 : i32
    %parallel_loop3A_527 = arith.constant 0 : i32
    scf.for %parallel_loop3A_782 = %parallel_loop3A_523 to %parallel_loop3A_524 step %parallel_loop3A_525  : i32 {
      %parallel_loop3A_783 = arith.constant 0 : i32
      %parallel_loop3A_784 = arith.constant 0 : i32
      %parallel_loop3A_785 = arith.constant 0 : i32
      %parallel_loop3A_786 = tpu.memref_slice %arg5[%parallel_loop3A_526, %parallel_loop3A_784, %parallel_loop3A_785] : memref<2x16x1024xf32, #tpu.memory_space<vmem>> -> memref<1x16x1024xf32, #tpu.memory_space<vmem>>
      %parallel_loop3A_787 = tpu.memref_squeeze %parallel_loop3A_786 : memref<1x16x1024xf32, #tpu.memory_space<vmem>> -> memref<16x1024xf32, #tpu.memory_space<vmem>>
      %parallel_loop3A_788 = arith.index_cast %parallel_loop3A_783 : i32 to index
      %parallel_loop3A_789 = arith.index_cast %parallel_loop3A_782 : i32 to index
      %parallel_loop3A_790 = tpu.vector_load %parallel_loop3A_787[%parallel_loop3A_788, %parallel_loop3A_789] {strides = array<i32>} : memref<16x1024xf32, #tpu.memory_space<vmem>>, vector<1x16xf32>,
      %parallel_loop3A_791 = vector.shape_cast %parallel_loop3A_790 : vector<1x16xf32> to vector<16xf32>
      %parallel_loop3A_792 = arith.constant 0 : i32
      %parallel_loop3A_793 = arith.constant 0 : i32
      %parallel_loop3A_794 = arith.constant 0 : i32
      %parallel_loop3A_795 = tpu.memref_slice %arg6[%parallel_loop3A_527, %parallel_loop3A_793, %parallel_loop3A_794] : memref<4x16x1024xf32, #tpu.memory_space<vmem>> -> memref<1x16x1024xf32, #tpu.memory_space<vmem>>
      %parallel_loop3A_796 = tpu.memref_squeeze %parallel_loop3A_795 : memref<1x16x1024xf32, #tpu.memory_space<vmem>> -> memref<16x1024xf32, #tpu.memory_space<vmem>>
      %parallel_loop3A_797 = arith.index_cast %parallel_loop3A_792 : i32 to index
      %parallel_loop3A_798 = arith.index_cast %parallel_loop3A_782 : i32 to index
      %parallel_loop3A_799 = tpu.vector_load %parallel_loop3A_796[%parallel_loop3A_797, %parallel_loop3A_798] {strides = array<i32>} : memref<16x1024xf32, #tpu.memory_space<vmem>>, vector<1x16xf32>,
      %parallel_loop3A_800 = vector.shape_cast %parallel_loop3A_799 : vector<1x16xf32> to vector<16xf32>
      %parallel_loop3A_801 = vector.shape_cast %parallel_loop3A_791 : vector<16xf32> to vector<1x16xf32>
      tpu.vector_store %parallel_loop3A_796[%parallel_loop3A_797, %parallel_loop3A_798], %parallel_loop3A_801 {add = true, strides = array<i32>} : memref<16x1024xf32, #tpu.memory_space<vmem>>, vector<1x16xf32>,
      %parallel_loop3A_802 = arith.constant 1 : i32
      %parallel_loop3A_803 = arith.constant 0 : i32
      %parallel_loop3A_804 = arith.constant 0 : i32
      %parallel_loop3A_805 = tpu.memref_slice %arg5[%parallel_loop3A_526, %parallel_loop3A_803, %parallel_loop3A_804] : memref<2x16x1024xf32, #tpu.memory_space<vmem>> -> memref<1x16x1024xf32, #tpu.memory_space<vmem>>
      %parallel_loop3A_806 = tpu.memref_squeeze %parallel_loop3A_805 : memref<1x16x1024xf32, #tpu.memory_space<vmem>> -> memref<16x1024xf32, #tpu.memory_space<vmem>>
      %parallel_loop3A_807 = arith.index_cast %parallel_loop3A_802 : i32 to index
      %parallel_loop3A_808 = arith.index_cast %parallel_loop3A_782 : i32 to index
      %parallel_loop3A_809 = tpu.vector_load %parallel_loop3A_806[%parallel_loop3A_807, %parallel_loop3A_808] {strides = array<i32>} : memref<16x1024xf32, #tpu.memory_space<vmem>>, vector<1x16xf32>,
      %parallel_loop3A_810 = vector.shape_cast %parallel_loop3A_809 : vector<1x16xf32> to vector<16xf32>
      %parallel_loop3A_811 = arith.constant 1 : i32
      %parallel_loop3A_812 = arith.constant 0 : i32
      %parallel_loop3A_813 = arith.constant 0 : i32
      %parallel_loop3A_814 = tpu.memref_slice %arg6[%parallel_loop3A_527, %parallel_loop3A_812, %parallel_loop3A_813] : memref<4x16x1024xf32, #tpu.memory_space<vmem>> -> memref<1x16x1024xf32, #tpu.memory_space<vmem>>
      %parallel_loop3A_815 = tpu.memref_squeeze %parallel_loop3A_814 : memref<1x16x1024xf32, #tpu.memory_space<vmem>> -> memref<16x1024xf32, #tpu.memory_space<vmem>>
      %parallel_loop3A_816 = arith.index_cast %parallel_loop3A_811 : i32 to index
      %parallel_loop3A_817 = arith.index_cast %parallel_loop3A_782 : i32 to index
      %parallel_loop3A_818 = tpu.vector_load %parallel_loop3A_815[%parallel_loop3A_816, %parallel_loop3A_817] {strides = array<i32>} : memref<16x1024xf32, #tpu.memory_space<vmem>>, vector<1x16xf32>,
      %parallel_loop3A_819 = vector.shape_cast %parallel_loop3A_818 : vector<1x16xf32> to vector<16xf32>
      %parallel_loop3A_820 = vector.shape_cast %parallel_loop3A_810 : vector<16xf32> to vector<1x16xf32>
      tpu.vector_store %parallel_loop3A_815[%parallel_loop3A_816, %parallel_loop3A_817], %parallel_loop3A_820 {add = true, strides = array<i32>} : memref<16x1024xf32, #tpu.memory_space<vmem>>, vector<1x16xf32>,
      %parallel_loop3A_821 = arith.constant 2 : i32
      %parallel_loop3A_822 = arith.constant 0 : i32
      %parallel_loop3A_823 = arith.constant 0 : i32
      %parallel_loop3A_824 = tpu.memref_slice %arg5[%parallel_loop3A_526, %parallel_loop3A_822, %parallel_loop3A_823] : memref<2x16x1024xf32, #tpu.memory_space<vmem>> -> memref<1x16x1024xf32, #tpu.memory_space<vmem>>
      %parallel_loop3A_825 = tpu.memref_squeeze %parallel_loop3A_824 : memref<1x16x1024xf32, #tpu.memory_space<vmem>> -> memref<16x1024xf32, #tpu.memory_space<vmem>>
      %parallel_loop3A_826 = arith.index_cast %parallel_loop3A_821 : i32 to index
      %parallel_loop3A_827 = arith.index_cast %parallel_loop3A_782 : i32 to index
      %parallel_loop3A_828 = tpu.vector_load %parallel_loop3A_825[%parallel_loop3A_826, %parallel_loop3A_827] {strides = array<i32>} : memref<16x1024xf32, #tpu.memory_space<vmem>>, vector<1x16xf32>,
      %parallel_loop3A_829 = vector.shape_cast %parallel_loop3A_828 : vector<1x16xf32> to vector<16xf32>
      %parallel_loop3A_830 = arith.constant 2 : i32
      %parallel_loop3A_831 = arith.constant 0 : i32
      %parallel_loop3A_832 = arith.constant 0 : i32
      %parallel_loop3A_833 = tpu.memref_slice %arg6[%parallel_loop3A_527, %parallel_loop3A_831, %parallel_loop3A_832] : memref<4x16x1024xf32, #tpu.memory_space<vmem>> -> memref<1x16x1024xf32, #tpu.memory_space<vmem>>
      %parallel_loop3A_834 = tpu.memref_squeeze %parallel_loop3A_833 : memref<1x16x1024xf32, #tpu.memory_space<vmem>> -> memref<16x1024xf32, #tpu.memory_space<vmem>>
      %parallel_loop3A_835 = arith.index_cast %parallel_loop3A_830 : i32 to index
      %parallel_loop3A_836 = arith.index_cast %parallel_loop3A_782 : i32 to index
      %parallel_loop3A_837 = tpu.vector_load %parallel_loop3A_834[%parallel_loop3A_835, %parallel_loop3A_836] {strides = array<i32>} : memref<16x1024xf32, #tpu.memory_space<vmem>>, vector<1x16xf32>,
      %parallel_loop3A_838 = vector.shape_cast %parallel_loop3A_837 : vector<1x16xf32> to vector<16xf32>
      %parallel_loop3A_839 = vector.shape_cast %parallel_loop3A_829 : vector<16xf32> to vector<1x16xf32>
      tpu.vector_store %parallel_loop3A_834[%parallel_loop3A_835, %parallel_loop3A_836], %parallel_loop3A_839 {add = true, strides = array<i32>} : memref<16x1024xf32, #tpu.memory_space<vmem>>, vector<1x16xf32>,
      %parallel_loop3A_840 = arith.constant 3 : i32
      %parallel_loop3A_841 = arith.constant 0 : i32
      %parallel_loop3A_842 = arith.constant 0 : i32
      %parallel_loop3A_843 = tpu.memref_slice %arg5[%parallel_loop3A_526, %parallel_loop3A_841, %parallel_loop3A_842] : memref<2x16x1024xf32, #tpu.memory_space<vmem>> -> memref<1x16x1024xf32, #tpu.memory_space<vmem>>
      %parallel_loop3A_844 = tpu.memref_squeeze %parallel_loop3A_843 : memref<1x16x1024xf32, #tpu.memory_space<vmem>> -> memref<16x1024xf32, #tpu.memory_space<vmem>>
      %parallel_loop3A_845 = arith.index_cast %parallel_loop3A_840 : i32 to index
      %parallel_loop3A_846 = arith.index_cast %parallel_loop3A_782 : i32 to index
      %parallel_loop3A_847 = tpu.vector_load %parallel_loop3A_844[%parallel_loop3A_845, %parallel_loop3A_846] {strides = array<i32>} : memref<16x1024xf32, #tpu.memory_space<vmem>>, vector<1x16xf32>,
      %parallel_loop3A_848 = vector.shape_cast %parallel_loop3A_847 : vector<1x16xf32> to vector<16xf32>
      %parallel_loop3A_849 = arith.constant 3 : i32
      %parallel_loop3A_850 = arith.constant 0 : i32
      %parallel_loop3A_851 = arith.constant 0 : i32
      %parallel_loop3A_852 = tpu.memref_slice %arg6[%parallel_loop3A_527, %parallel_loop3A_850, %parallel_loop3A_851] : memref<4x16x1024xf32, #tpu.memory_space<vmem>> -> memref<1x16x1024xf32, #tpu.memory_space<vmem>>
      %parallel_loop3A_853 = tpu.memref_squeeze %parallel_loop3A_852 : memref<1x16x1024xf32, #tpu.memory_space<vmem>> -> memref<16x1024xf32, #tpu.memory_space<vmem>>
      %parallel_loop3A_854 = arith.index_cast %parallel_loop3A_849 : i32 to index
      %parallel_loop3A_855 = arith.index_cast %parallel_loop3A_782 : i32 to index
      %parallel_loop3A_856 = tpu.vector_load %parallel_loop3A_853[%parallel_loop3A_854, %parallel_loop3A_855] {strides = array<i32>} : memref<16x1024xf32, #tpu.memory_space<vmem>>, vector<1x16xf32>,
      %parallel_loop3A_857 = vector.shape_cast %parallel_loop3A_856 : vector<1x16xf32> to vector<16xf32>
      %parallel_loop3A_858 = vector.shape_cast %parallel_loop3A_848 : vector<16xf32> to vector<1x16xf32>
      tpu.vector_store %parallel_loop3A_853[%parallel_loop3A_854, %parallel_loop3A_855], %parallel_loop3A_858 {add = true, strides = array<i32>} : memref<16x1024xf32, #tpu.memory_space<vmem>>, vector<1x16xf32>,
      %parallel_loop3A_859 = arith.constant 4 : i32
      %parallel_loop3A_860 = arith.constant 0 : i32
      %parallel_loop3A_861 = arith.constant 0 : i32
      %parallel_loop3A_862 = tpu.memref_slice %arg5[%parallel_loop3A_526, %parallel_loop3A_860, %parallel_loop3A_861] : memref<2x16x1024xf32, #tpu.memory_space<vmem>> -> memref<1x16x1024xf32, #tpu.memory_space<vmem>>
      %parallel_loop3A_863 = tpu.memref_squeeze %parallel_loop3A_862 : memref<1x16x1024xf32, #tpu.memory_space<vmem>> -> memref<16x1024xf32, #tpu.memory_space<vmem>>
      %parallel_loop3A_864 = arith.index_cast %parallel_loop3A_859 : i32 to index
      %parallel_loop3A_865 = arith.index_cast %parallel_loop3A_782 : i32 to index
      %parallel_loop3A_866 = tpu.vector_load %parallel_loop3A_863[%parallel_loop3A_864, %parallel_loop3A_865] {strides = array<i32>} : memref<16x1024xf32, #tpu.memory_space<vmem>>, vector<1x16xf32>,
      %parallel_loop3A_867 = vector.shape_cast %parallel_loop3A_866 : vector<1x16xf32> to vector<16xf32>
      %parallel_loop3A_868 = arith.constant 4 : i32
      %parallel_loop3A_869 = arith.constant 0 : i32
      %parallel_loop3A_870 = arith.constant 0 : i32
      %parallel_loop3A_871 = tpu.memref_slice %arg6[%parallel_loop3A_527, %parallel_loop3A_869, %parallel_loop3A_870] : memref<4x16x1024xf32, #tpu.memory_space<vmem>> -> memref<1x16x1024xf32, #tpu.memory_space<vmem>>
      %parallel_loop3A_872 = tpu.memref_squeeze %parallel_loop3A_871 : memref<1x16x1024xf32, #tpu.memory_space<vmem>> -> memref<16x1024xf32, #tpu.memory_space<vmem>>
      %parallel_loop3A_873 = arith.index_cast %parallel_loop3A_868 : i32 to index
      %parallel_loop3A_874 = arith.index_cast %parallel_loop3A_782 : i32 to index
      %parallel_loop3A_875 = tpu.vector_load %parallel_loop3A_872[%parallel_loop3A_873, %parallel_loop3A_874] {strides = array<i32>} : memref<16x1024xf32, #tpu.memory_space<vmem>>, vector<1x16xf32>,
      %parallel_loop3A_876 = vector.shape_cast %parallel_loop3A_875 : vector<1x16xf32> to vector<16xf32>
      %parallel_loop3A_877 = vector.shape_cast %parallel_loop3A_867 : vector<16xf32> to vector<1x16xf32>
      tpu.vector_store %parallel_loop3A_872[%parallel_loop3A_873, %parallel_loop3A_874], %parallel_loop3A_877 {add = true, strides = array<i32>} : memref<16x1024xf32, #tpu.memory_space<vmem>>, vector<1x16xf32>,
      %parallel_loop3A_878 = arith.constant 5 : i32
      %parallel_loop3A_879 = arith.constant 0 : i32
      %parallel_loop3A_880 = arith.constant 0 : i32
      %parallel_loop3A_881 = tpu.memref_slice %arg5[%parallel_loop3A_526, %parallel_loop3A_879, %parallel_loop3A_880] : memref<2x16x1024xf32, #tpu.memory_space<vmem>> -> memref<1x16x1024xf32, #tpu.memory_space<vmem>>
      %parallel_loop3A_882 = tpu.memref_squeeze %parallel_loop3A_881 : memref<1x16x1024xf32, #tpu.memory_space<vmem>> -> memref<16x1024xf32, #tpu.memory_space<vmem>>
      %parallel_loop3A_883 = arith.index_cast %parallel_loop3A_878 : i32 to index
      %parallel_loop3A_884 = arith.index_cast %parallel_loop3A_782 : i32 to index
      %parallel_loop3A_885 = tpu.vector_load %parallel_loop3A_882[%parallel_loop3A_883, %parallel_loop3A_884] {strides = array<i32>} : memref<16x1024xf32, #tpu.memory_space<vmem>>, vector<1x16xf32>,
      %parallel_loop3A_886 = vector.shape_cast %parallel_loop3A_885 : vector<1x16xf32> to vector<16xf32>
      %parallel_loop3A_887 = arith.constant 5 : i32
      %parallel_loop3A_888 = arith.constant 0 : i32
      %parallel_loop3A_889 = arith.constant 0 : i32
      %parallel_loop3A_890 = tpu.memref_slice %arg6[%parallel_loop3A_527, %parallel_loop3A_888, %parallel_loop3A_889] : memref<4x16x1024xf32, #tpu.memory_space<vmem>> -> memref<1x16x1024xf32, #tpu.memory_space<vmem>>
      %parallel_loop3A_891 = tpu.memref_squeeze %parallel_loop3A_890 : memref<1x16x1024xf32, #tpu.memory_space<vmem>> -> memref<16x1024xf32, #tpu.memory_space<vmem>>
      %parallel_loop3A_892 = arith.index_cast %parallel_loop3A_887 : i32 to index
      %parallel_loop3A_893 = arith.index_cast %parallel_loop3A_782 : i32 to index
      %parallel_loop3A_894 = tpu.vector_load %parallel_loop3A_891[%parallel_loop3A_892, %parallel_loop3A_893] {strides = array<i32>} : memref<16x1024xf32, #tpu.memory_space<vmem>>, vector<1x16xf32>,
      %parallel_loop3A_895 = vector.shape_cast %parallel_loop3A_894 : vector<1x16xf32> to vector<16xf32>
      %parallel_loop3A_896 = vector.shape_cast %parallel_loop3A_886 : vector<16xf32> to vector<1x16xf32>
      tpu.vector_store %parallel_loop3A_891[%parallel_loop3A_892, %parallel_loop3A_893], %parallel_loop3A_896 {add = true, strides = array<i32>} : memref<16x1024xf32, #tpu.memory_space<vmem>>, vector<1x16xf32>,
      %parallel_loop3A_897 = arith.constant 6 : i32
      %parallel_loop3A_898 = arith.constant 0 : i32
      %parallel_loop3A_899 = arith.constant 0 : i32
      %parallel_loop3A_900 = tpu.memref_slice %arg5[%parallel_loop3A_526, %parallel_loop3A_898, %parallel_loop3A_899] : memref<2x16x1024xf32, #tpu.memory_space<vmem>> -> memref<1x16x1024xf32, #tpu.memory_space<vmem>>
      %parallel_loop3A_901 = tpu.memref_squeeze %parallel_loop3A_900 : memref<1x16x1024xf32, #tpu.memory_space<vmem>> -> memref<16x1024xf32, #tpu.memory_space<vmem>>
      %parallel_loop3A_902 = arith.index_cast %parallel_loop3A_897 : i32 to index
      %parallel_loop3A_903 = arith.index_cast %parallel_loop3A_782 : i32 to index
      %parallel_loop3A_904 = tpu.vector_load %parallel_loop3A_901[%parallel_loop3A_902, %parallel_loop3A_903] {strides = array<i32>} : memref<16x1024xf32, #tpu.memory_space<vmem>>, vector<1x16xf32>,
      %parallel_loop3A_905 = vector.shape_cast %parallel_loop3A_904 : vector<1x16xf32> to vector<16xf32>
      %parallel_loop3A_906 = arith.constant 6 : i32
      %parallel_loop3A_907 = arith.constant 0 : i32
      %parallel_loop3A_908 = arith.constant 0 : i32
      %parallel_loop3A_909 = tpu.memref_slice %arg6[%parallel_loop3A_527, %parallel_loop3A_907, %parallel_loop3A_908] : memref<4x16x1024xf32, #tpu.memory_space<vmem>> -> memref<1x16x1024xf32, #tpu.memory_space<vmem>>
      %parallel_loop3A_910 = tpu.memref_squeeze %parallel_loop3A_909 : memref<1x16x1024xf32, #tpu.memory_space<vmem>> -> memref<16x1024xf32, #tpu.memory_space<vmem>>
      %parallel_loop3A_911 = arith.index_cast %parallel_loop3A_906 : i32 to index
      %parallel_loop3A_912 = arith.index_cast %parallel_loop3A_782 : i32 to index
      %parallel_loop3A_913 = tpu.vector_load %parallel_loop3A_910[%parallel_loop3A_911, %parallel_loop3A_912] {strides = array<i32>} : memref<16x1024xf32, #tpu.memory_space<vmem>>, vector<1x16xf32>,
      %parallel_loop3A_914 = vector.shape_cast %parallel_loop3A_913 : vector<1x16xf32> to vector<16xf32>
      %parallel_loop3A_915 = vector.shape_cast %parallel_loop3A_905 : vector<16xf32> to vector<1x16xf32>
      tpu.vector_store %parallel_loop3A_910[%parallel_loop3A_911, %parallel_loop3A_912], %parallel_loop3A_915 {add = true, strides = array<i32>} : memref<16x1024xf32, #tpu.memory_space<vmem>>, vector<1x16xf32>,
      %parallel_loop3A_916 = arith.constant 7 : i32
      %parallel_loop3A_917 = arith.constant 0 : i32
      %parallel_loop3A_918 = arith.constant 0 : i32
      %parallel_loop3A_919 = tpu.memref_slice %arg5[%parallel_loop3A_526, %parallel_loop3A_917, %parallel_loop3A_918] : memref<2x16x1024xf32, #tpu.memory_space<vmem>> -> memref<1x16x1024xf32, #tpu.memory_space<vmem>>
      %parallel_loop3A_920 = tpu.memref_squeeze %parallel_loop3A_919 : memref<1x16x1024xf32, #tpu.memory_space<vmem>> -> memref<16x1024xf32, #tpu.memory_space<vmem>>
      %parallel_loop3A_921 = arith.index_cast %parallel_loop3A_916 : i32 to index
      %parallel_loop3A_922 = arith.index_cast %parallel_loop3A_782 : i32 to index
      %parallel_loop3A_923 = tpu.vector_load %parallel_loop3A_920[%parallel_loop3A_921, %parallel_loop3A_922] {strides = array<i32>} : memref<16x1024xf32, #tpu.memory_space<vmem>>, vector<1x16xf32>,
      %parallel_loop3A_924 = vector.shape_cast %parallel_loop3A_923 : vector<1x16xf32> to vector<16xf32>
      %parallel_loop3A_925 = arith.constant 7 : i32
      %parallel_loop3A_926 = arith.constant 0 : i32
      %parallel_loop3A_927 = arith.constant 0 : i32
      %parallel_loop3A_928 = tpu.memref_slice %arg6[%parallel_loop3A_527, %parallel_loop3A_926, %parallel_loop3A_927] : memref<4x16x1024xf32, #tpu.memory_space<vmem>> -> memref<1x16x1024xf32, #tpu.memory_space<vmem>>
      %parallel_loop3A_929 = tpu.memref_squeeze %parallel_loop3A_928 : memref<1x16x1024xf32, #tpu.memory_space<vmem>> -> memref<16x1024xf32, #tpu.memory_space<vmem>>
      %parallel_loop3A_930 = arith.index_cast %parallel_loop3A_925 : i32 to index
      %parallel_loop3A_931 = arith.index_cast %parallel_loop3A_782 : i32 to index
      %parallel_loop3A_932 = tpu.vector_load %parallel_loop3A_929[%parallel_loop3A_930, %parallel_loop3A_931] {strides = array<i32>} : memref<16x1024xf32, #tpu.memory_space<vmem>>, vector<1x16xf32>,
      %parallel_loop3A_933 = vector.shape_cast %parallel_loop3A_932 : vector<1x16xf32> to vector<16xf32>
      %parallel_loop3A_934 = vector.shape_cast %parallel_loop3A_924 : vector<16xf32> to vector<1x16xf32>
      tpu.vector_store %parallel_loop3A_929[%parallel_loop3A_930, %parallel_loop3A_931], %parallel_loop3A_934 {add = true, strides = array<i32>} : memref<16x1024xf32, #tpu.memory_space<vmem>>, vector<1x16xf32>,
      %parallel_loop3A_935 = arith.constant 8 : i32
      %parallel_loop3A_936 = arith.constant 0 : i32
      %parallel_loop3A_937 = arith.constant 0 : i32
      %parallel_loop3A_938 = tpu.memref_slice %arg5[%parallel_loop3A_526, %parallel_loop3A_936, %parallel_loop3A_937] : memref<2x16x1024xf32, #tpu.memory_space<vmem>> -> memref<1x16x1024xf32, #tpu.memory_space<vmem>>
      %parallel_loop3A_939 = tpu.memref_squeeze %parallel_loop3A_938 : memref<1x16x1024xf32, #tpu.memory_space<vmem>> -> memref<16x1024xf32, #tpu.memory_space<vmem>>
      %parallel_loop3A_940 = arith.index_cast %parallel_loop3A_935 : i32 to index
      %parallel_loop3A_941 = arith.index_cast %parallel_loop3A_782 : i32 to index
      %parallel_loop3A_942 = tpu.vector_load %parallel_loop3A_939[%parallel_loop3A_940, %parallel_loop3A_941] {strides = array<i32>} : memref<16x1024xf32, #tpu.memory_space<vmem>>, vector<1x16xf32>,
      %parallel_loop3A_943 = vector.shape_cast %parallel_loop3A_942 : vector<1x16xf32> to vector<16xf32>
      %parallel_loop3A_944 = arith.constant 8 : i32
      %parallel_loop3A_945 = arith.constant 0 : i32
      %parallel_loop3A_946 = arith.constant 0 : i32
      %parallel_loop3A_947 = tpu.memref_slice %arg6[%parallel_loop3A_527, %parallel_loop3A_945, %parallel_loop3A_946] : memref<4x16x1024xf32, #tpu.memory_space<vmem>> -> memref<1x16x1024xf32, #tpu.memory_space<vmem>>
      %parallel_loop3A_948 = tpu.memref_squeeze %parallel_loop3A_947 : memref<1x16x1024xf32, #tpu.memory_space<vmem>> -> memref<16x1024xf32, #tpu.memory_space<vmem>>
      %parallel_loop3A_949 = arith.index_cast %parallel_loop3A_944 : i32 to index
      %parallel_loop3A_950 = arith.index_cast %parallel_loop3A_782 : i32 to index
      %parallel_loop3A_951 = tpu.vector_load %parallel_loop3A_948[%parallel_loop3A_949, %parallel_loop3A_950] {strides = array<i32>} : memref<16x1024xf32, #tpu.memory_space<vmem>>, vector<1x16xf32>,
      %parallel_loop3A_952 = vector.shape_cast %parallel_loop3A_951 : vector<1x16xf32> to vector<16xf32>
      %parallel_loop3A_953 = vector.shape_cast %parallel_loop3A_943 : vector<16xf32> to vector<1x16xf32>
      tpu.vector_store %parallel_loop3A_948[%parallel_loop3A_949, %parallel_loop3A_950], %parallel_loop3A_953 {add = true, strides = array<i32>} : memref<16x1024xf32, #tpu.memory_space<vmem>>, vector<1x16xf32>,
      %parallel_loop3A_954 = arith.constant 9 : i32
      %parallel_loop3A_955 = arith.constant 0 : i32
      %parallel_loop3A_956 = arith.constant 0 : i32
      %parallel_loop3A_957 = tpu.memref_slice %arg5[%parallel_loop3A_526, %parallel_loop3A_955, %parallel_loop3A_956] : memref<2x16x1024xf32, #tpu.memory_space<vmem>> -> memref<1x16x1024xf32, #tpu.memory_space<vmem>>
      %parallel_loop3A_958 = tpu.memref_squeeze %parallel_loop3A_957 : memref<1x16x1024xf32, #tpu.memory_space<vmem>> -> memref<16x1024xf32, #tpu.memory_space<vmem>>
      %parallel_loop3A_959 = arith.index_cast %parallel_loop3A_954 : i32 to index
      %parallel_loop3A_960 = arith.index_cast %parallel_loop3A_782 : i32 to index
      %parallel_loop3A_961 = tpu.vector_load %parallel_loop3A_958[%parallel_loop3A_959, %parallel_loop3A_960] {strides = array<i32>} : memref<16x1024xf32, #tpu.memory_space<vmem>>, vector<1x16xf32>,
      %parallel_loop3A_962 = vector.shape_cast %parallel_loop3A_961 : vector<1x16xf32> to vector<16xf32>
      %parallel_loop3A_963 = arith.constant 9 : i32
      %parallel_loop3A_964 = arith.constant 0 : i32
      %parallel_loop3A_965 = arith.constant 0 : i32
      %parallel_loop3A_966 = tpu.memref_slice %arg6[%parallel_loop3A_527, %parallel_loop3A_964, %parallel_loop3A_965] : memref<4x16x1024xf32, #tpu.memory_space<vmem>> -> memref<1x16x1024xf32, #tpu.memory_space<vmem>>
      %parallel_loop3A_967 = tpu.memref_squeeze %parallel_loop3A_966 : memref<1x16x1024xf32, #tpu.memory_space<vmem>> -> memref<16x1024xf32, #tpu.memory_space<vmem>>
      %parallel_loop3A_968 = arith.index_cast %parallel_loop3A_963 : i32 to index
      %parallel_loop3A_969 = arith.index_cast %parallel_loop3A_782 : i32 to index
      %parallel_loop3A_970 = tpu.vector_load %parallel_loop3A_967[%parallel_loop3A_968, %parallel_loop3A_969] {strides = array<i32>} : memref<16x1024xf32, #tpu.memory_space<vmem>>, vector<1x16xf32>,
      %parallel_loop3A_971 = vector.shape_cast %parallel_loop3A_970 : vector<1x16xf32> to vector<16xf32>
      %parallel_loop3A_972 = vector.shape_cast %parallel_loop3A_962 : vector<16xf32> to vector<1x16xf32>
      tpu.vector_store %parallel_loop3A_967[%parallel_loop3A_968, %parallel_loop3A_969], %parallel_loop3A_972 {add = true, strides = array<i32>} : memref<16x1024xf32, #tpu.memory_space<vmem>>, vector<1x16xf32>,
      %parallel_loop3A_973 = arith.constant 10 : i32
      %parallel_loop3A_974 = arith.constant 0 : i32
      %parallel_loop3A_975 = arith.constant 0 : i32
      %parallel_loop3A_976 = tpu.memref_slice %arg5[%parallel_loop3A_526, %parallel_loop3A_974, %parallel_loop3A_975] : memref<2x16x1024xf32, #tpu.memory_space<vmem>> -> memref<1x16x1024xf32, #tpu.memory_space<vmem>>
      %parallel_loop3A_977 = tpu.memref_squeeze %parallel_loop3A_976 : memref<1x16x1024xf32, #tpu.memory_space<vmem>> -> memref<16x1024xf32, #tpu.memory_space<vmem>>
      %parallel_loop3A_978 = arith.index_cast %parallel_loop3A_973 : i32 to index
      %parallel_loop3A_979 = arith.index_cast %parallel_loop3A_782 : i32 to index
      %parallel_loop3A_980 = tpu.vector_load %parallel_loop3A_977[%parallel_loop3A_978, %parallel_loop3A_979] {strides = array<i32>} : memref<16x1024xf32, #tpu.memory_space<vmem>>, vector<1x16xf32>,
      %parallel_loop3A_981 = vector.shape_cast %parallel_loop3A_980 : vector<1x16xf32> to vector<16xf32>
      %parallel_loop3A_982 = arith.constant 10 : i32
      %parallel_loop3A_983 = arith.constant 0 : i32
      %parallel_loop3A_984 = arith.constant 0 : i32
      %parallel_loop3A_985 = tpu.memref_slice %arg6[%parallel_loop3A_527, %parallel_loop3A_983, %parallel_loop3A_984] : memref<4x16x1024xf32, #tpu.memory_space<vmem>> -> memref<1x16x1024xf32, #tpu.memory_space<vmem>>
      %parallel_loop3A_986 = tpu.memref_squeeze %parallel_loop3A_985 : memref<1x16x1024xf32, #tpu.memory_space<vmem>> -> memref<16x1024xf32, #tpu.memory_space<vmem>>
      %parallel_loop3A_987 = arith.index_cast %parallel_loop3A_982 : i32 to index
      %parallel_loop3A_988 = arith.index_cast %parallel_loop3A_782 : i32 to index
      %parallel_loop3A_989 = tpu.vector_load %parallel_loop3A_986[%parallel_loop3A_987, %parallel_loop3A_988] {strides = array<i32>} : memref<16x1024xf32, #tpu.memory_space<vmem>>, vector<1x16xf32>,
      %parallel_loop3A_990 = vector.shape_cast %parallel_loop3A_989 : vector<1x16xf32> to vector<16xf32>
      %parallel_loop3A_991 = vector.shape_cast %parallel_loop3A_981 : vector<16xf32> to vector<1x16xf32>
      tpu.vector_store %parallel_loop3A_986[%parallel_loop3A_987, %parallel_loop3A_988], %parallel_loop3A_991 {add = true, strides = array<i32>} : memref<16x1024xf32, #tpu.memory_space<vmem>>, vector<1x16xf32>,
      %parallel_loop3A_992 = arith.constant 11 : i32
      %parallel_loop3A_993 = arith.constant 0 : i32
      %parallel_loop3A_994 = arith.constant 0 : i32
      %parallel_loop3A_995 = tpu.memref_slice %arg5[%parallel_loop3A_526, %parallel_loop3A_993, %parallel_loop3A_994] : memref<2x16x1024xf32, #tpu.memory_space<vmem>> -> memref<1x16x1024xf32, #tpu.memory_space<vmem>>
      %parallel_loop3A_996 = tpu.memref_squeeze %parallel_loop3A_995 : memref<1x16x1024xf32, #tpu.memory_space<vmem>> -> memref<16x1024xf32, #tpu.memory_space<vmem>>
      %parallel_loop3A_997 = arith.index_cast %parallel_loop3A_992 : i32 to index
      %parallel_loop3A_998 = arith.index_cast %parallel_loop3A_782 : i32 to index
      %parallel_loop3A_999 = tpu.vector_load %parallel_loop3A_996[%parallel_loop3A_997, %parallel_loop3A_998] {strides = array<i32>} : memref<16x1024xf32, #tpu.memory_space<vmem>>, vector<1x16xf32>,
      %parallel_loop3A_1000 = vector.shape_cast %parallel_loop3A_999 : vector<1x16xf32> to vector<16xf32>
      %parallel_loop3A_1001 = arith.constant 11 : i32
      %parallel_loop3A_1002 = arith.constant 0 : i32
      %parallel_loop3A_1003 = arith.constant 0 : i32
      %parallel_loop3A_1004 = tpu.memref_slice %arg6[%parallel_loop3A_527, %parallel_loop3A_1002, %parallel_loop3A_1003] : memref<4x16x1024xf32, #tpu.memory_space<vmem>> -> memref<1x16x1024xf32, #tpu.memory_space<vmem>>
      %parallel_loop3A_1005 = tpu.memref_squeeze %parallel_loop3A_1004 : memref<1x16x1024xf32, #tpu.memory_space<vmem>> -> memref<16x1024xf32, #tpu.memory_space<vmem>>
      %parallel_loop3A_1006 = arith.index_cast %parallel_loop3A_1001 : i32 to index
      %parallel_loop3A_1007 = arith.index_cast %parallel_loop3A_782 : i32 to index
      %parallel_loop3A_1008 = tpu.vector_load %parallel_loop3A_1005[%parallel_loop3A_1006, %parallel_loop3A_1007] {strides = array<i32>} : memref<16x1024xf32, #tpu.memory_space<vmem>>, vector<1x16xf32>,
      %parallel_loop3A_1009 = vector.shape_cast %parallel_loop3A_1008 : vector<1x16xf32> to vector<16xf32>
      %parallel_loop3A_1010 = vector.shape_cast %parallel_loop3A_1000 : vector<16xf32> to vector<1x16xf32>
      tpu.vector_store %parallel_loop3A_1005[%parallel_loop3A_1006, %parallel_loop3A_1007], %parallel_loop3A_1010 {add = true, strides = array<i32>} : memref<16x1024xf32, #tpu.memory_space<vmem>>, vector<1x16xf32>,
      %parallel_loop3A_1011 = arith.constant 12 : i32
      %parallel_loop3A_1012 = arith.constant 0 : i32
      %parallel_loop3A_1013 = arith.constant 0 : i32
      %parallel_loop3A_1014 = tpu.memref_slice %arg5[%parallel_loop3A_526, %parallel_loop3A_1012, %parallel_loop3A_1013] : memref<2x16x1024xf32, #tpu.memory_space<vmem>> -> memref<1x16x1024xf32, #tpu.memory_space<vmem>>
      %parallel_loop3A_1015 = tpu.memref_squeeze %parallel_loop3A_1014 : memref<1x16x1024xf32, #tpu.memory_space<vmem>> -> memref<16x1024xf32, #tpu.memory_space<vmem>>
      %parallel_loop3A_1016 = arith.index_cast %parallel_loop3A_1011 : i32 to index
      %parallel_loop3A_1017 = arith.index_cast %parallel_loop3A_782 : i32 to index
      %parallel_loop3A_1018 = tpu.vector_load %parallel_loop3A_1015[%parallel_loop3A_1016, %parallel_loop3A_1017] {strides = array<i32>} : memref<16x1024xf32, #tpu.memory_space<vmem>>, vector<1x16xf32>,
      %parallel_loop3A_1019 = vector.shape_cast %parallel_loop3A_1018 : vector<1x16xf32> to vector<16xf32>
      %parallel_loop3A_1020 = arith.constant 12 : i32
      %parallel_loop3A_1021 = arith.constant 0 : i32
      %parallel_loop3A_1022 = arith.constant 0 : i32
      %parallel_loop3A_1023 = tpu.memref_slice %arg6[%parallel_loop3A_527, %parallel_loop3A_1021, %parallel_loop3A_1022] : memref<4x16x1024xf32, #tpu.memory_space<vmem>> -> memref<1x16x1024xf32, #tpu.memory_space<vmem>>
      %parallel_loop3A_1024 = tpu.memref_squeeze %parallel_loop3A_1023 : memref<1x16x1024xf32, #tpu.memory_space<vmem>> -> memref<16x1024xf32, #tpu.memory_space<vmem>>
      %parallel_loop3A_1025 = arith.index_cast %parallel_loop3A_1020 : i32 to index
      %parallel_loop3A_1026 = arith.index_cast %parallel_loop3A_782 : i32 to index
      %parallel_loop3A_1027 = tpu.vector_load %parallel_loop3A_1024[%parallel_loop3A_1025, %parallel_loop3A_1026] {strides = array<i32>} : memref<16x1024xf32, #tpu.memory_space<vmem>>, vector<1x16xf32>,
      %parallel_loop3A_1028 = vector.shape_cast %parallel_loop3A_1027 : vector<1x16xf32> to vector<16xf32>
      %parallel_loop3A_1029 = vector.shape_cast %parallel_loop3A_1019 : vector<16xf32> to vector<1x16xf32>
      tpu.vector_store %parallel_loop3A_1024[%parallel_loop3A_1025, %parallel_loop3A_1026], %parallel_loop3A_1029 {add = true, strides = array<i32>} : memref<16x1024xf32, #tpu.memory_space<vmem>>, vector<1x16xf32>,
      %parallel_loop3A_1030 = arith.constant 13 : i32
      %parallel_loop3A_1031 = arith.constant 0 : i32
      %parallel_loop3A_1032 = arith.constant 0 : i32
      %parallel_loop3A_1033 = tpu.memref_slice %arg5[%parallel_loop3A_526, %parallel_loop3A_1031, %parallel_loop3A_1032] : memref<2x16x1024xf32, #tpu.memory_space<vmem>> -> memref<1x16x1024xf32, #tpu.memory_space<vmem>>
      %parallel_loop3A_1034 = tpu.memref_squeeze %parallel_loop3A_1033 : memref<1x16x1024xf32, #tpu.memory_space<vmem>> -> memref<16x1024xf32, #tpu.memory_space<vmem>>
      %parallel_loop3A_1035 = arith.index_cast %parallel_loop3A_1030 : i32 to index
      %parallel_loop3A_1036 = arith.index_cast %parallel_loop3A_782 : i32 to index
      %parallel_loop3A_1037 = tpu.vector_load %parallel_loop3A_1034[%parallel_loop3A_1035, %parallel_loop3A_1036] {strides = array<i32>} : memref<16x1024xf32, #tpu.memory_space<vmem>>, vector<1x16xf32>,
      %parallel_loop3A_1038 = vector.shape_cast %parallel_loop3A_1037 : vector<1x16xf32> to vector<16xf32>
      %parallel_loop3A_1039 = arith.constant 13 : i32
      %parallel_loop3A_1040 = arith.constant 0 : i32
      %parallel_loop3A_1041 = arith.constant 0 : i32
      %parallel_loop3A_1042 = tpu.memref_slice %arg6[%parallel_loop3A_527, %parallel_loop3A_1040, %parallel_loop3A_1041] : memref<4x16x1024xf32, #tpu.memory_space<vmem>> -> memref<1x16x1024xf32, #tpu.memory_space<vmem>>
      %parallel_loop3A_1043 = tpu.memref_squeeze %parallel_loop3A_1042 : memref<1x16x1024xf32, #tpu.memory_space<vmem>> -> memref<16x1024xf32, #tpu.memory_space<vmem>>
      %parallel_loop3A_1044 = arith.index_cast %parallel_loop3A_1039 : i32 to index
      %parallel_loop3A_1045 = arith.index_cast %parallel_loop3A_782 : i32 to index
      %parallel_loop3A_1046 = tpu.vector_load %parallel_loop3A_1043[%parallel_loop3A_1044, %parallel_loop3A_1045] {strides = array<i32>} : memref<16x1024xf32, #tpu.memory_space<vmem>>, vector<1x16xf32>,
      %parallel_loop3A_1047 = vector.shape_cast %parallel_loop3A_1046 : vector<1x16xf32> to vector<16xf32>
      %parallel_loop3A_1048 = vector.shape_cast %parallel_loop3A_1038 : vector<16xf32> to vector<1x16xf32>
      tpu.vector_store %parallel_loop3A_1043[%parallel_loop3A_1044, %parallel_loop3A_1045], %parallel_loop3A_1048 {add = true, strides = array<i32>} : memref<16x1024xf32, #tpu.memory_space<vmem>>, vector<1x16xf32>,
      %parallel_loop3A_1049 = arith.constant 14 : i32
      %parallel_loop3A_1050 = arith.constant 0 : i32
      %parallel_loop3A_1051 = arith.constant 0 : i32
      %parallel_loop3A_1052 = tpu.memref_slice %arg5[%parallel_loop3A_526, %parallel_loop3A_1050, %parallel_loop3A_1051] : memref<2x16x1024xf32, #tpu.memory_space<vmem>> -> memref<1x16x1024xf32, #tpu.memory_space<vmem>>
      %parallel_loop3A_1053 = tpu.memref_squeeze %parallel_loop3A_1052 : memref<1x16x1024xf32, #tpu.memory_space<vmem>> -> memref<16x1024xf32, #tpu.memory_space<vmem>>
      %parallel_loop3A_1054 = arith.index_cast %parallel_loop3A_1049 : i32 to index
      %parallel_loop3A_1055 = arith.index_cast %parallel_loop3A_782 : i32 to index
      %parallel_loop3A_1056 = tpu.vector_load %parallel_loop3A_1053[%parallel_loop3A_1054, %parallel_loop3A_1055] {strides = array<i32>} : memref<16x1024xf32, #tpu.memory_space<vmem>>, vector<1x16xf32>,
      %parallel_loop3A_1057 = vector.shape_cast %parallel_loop3A_1056 : vector<1x16xf32> to vector<16xf32>
      %parallel_loop3A_1058 = arith.constant 14 : i32
      %parallel_loop3A_1059 = arith.constant 0 : i32
      %parallel_loop3A_1060 = arith.constant 0 : i32
      %parallel_loop3A_1061 = tpu.memref_slice %arg6[%parallel_loop3A_527, %parallel_loop3A_1059, %parallel_loop3A_1060] : memref<4x16x1024xf32, #tpu.memory_space<vmem>> -> memref<1x16x1024xf32, #tpu.memory_space<vmem>>
      %parallel_loop3A_1062 = tpu.memref_squeeze %parallel_loop3A_1061 : memref<1x16x1024xf32, #tpu.memory_space<vmem>> -> memref<16x1024xf32, #tpu.memory_space<vmem>>
      %parallel_loop3A_1063 = arith.index_cast %parallel_loop3A_1058 : i32 to index
      %parallel_loop3A_1064 = arith.index_cast %parallel_loop3A_782 : i32 to index
      %parallel_loop3A_1065 = tpu.vector_load %parallel_loop3A_1062[%parallel_loop3A_1063, %parallel_loop3A_1064] {strides = array<i32>} : memref<16x1024xf32, #tpu.memory_space<vmem>>, vector<1x16xf32>,
      %parallel_loop3A_1066 = vector.shape_cast %parallel_loop3A_1065 : vector<1x16xf32> to vector<16xf32>
      %parallel_loop3A_1067 = vector.shape_cast %parallel_loop3A_1057 : vector<16xf32> to vector<1x16xf32>
      tpu.vector_store %parallel_loop3A_1062[%parallel_loop3A_1063, %parallel_loop3A_1064], %parallel_loop3A_1067 {add = true, strides = array<i32>} : memref<16x1024xf32, #tpu.memory_space<vmem>>, vector<1x16xf32>,
      %parallel_loop3A_1068 = arith.constant 15 : i32
      %parallel_loop3A_1069 = arith.constant 0 : i32
      %parallel_loop3A_1070 = arith.constant 0 : i32
      %parallel_loop3A_1071 = tpu.memref_slice %arg5[%parallel_loop3A_526, %parallel_loop3A_1069, %parallel_loop3A_1070] : memref<2x16x1024xf32, #tpu.memory_space<vmem>> -> memref<1x16x1024xf32, #tpu.memory_space<vmem>>
      %parallel_loop3A_1072 = tpu.memref_squeeze %parallel_loop3A_1071 : memref<1x16x1024xf32, #tpu.memory_space<vmem>> -> memref<16x1024xf32, #tpu.memory_space<vmem>>
      %parallel_loop3A_1073 = arith.index_cast %parallel_loop3A_1068 : i32 to index
      %parallel_loop3A_1074 = arith.index_cast %parallel_loop3A_782 : i32 to index
      %parallel_loop3A_1075 = tpu.vector_load %parallel_loop3A_1072[%parallel_loop3A_1073, %parallel_loop3A_1074] {strides = array<i32>} : memref<16x1024xf32, #tpu.memory_space<vmem>>, vector<1x16xf32>,
      %parallel_loop3A_1076 = vector.shape_cast %parallel_loop3A_1075 : vector<1x16xf32> to vector<16xf32>
      %parallel_loop3A_1077 = arith.constant 15 : i32
      %parallel_loop3A_1078 = arith.constant 0 : i32
      %parallel_loop3A_1079 = arith.constant 0 : i32
      %parallel_loop3A_1080 = tpu.memref_slice %arg6[%parallel_loop3A_527, %parallel_loop3A_1078, %parallel_loop3A_1079] : memref<4x16x1024xf32, #tpu.memory_space<vmem>> -> memref<1x16x1024xf32, #tpu.memory_space<vmem>>
      %parallel_loop3A_1081 = tpu.memref_squeeze %parallel_loop3A_1080 : memref<1x16x1024xf32, #tpu.memory_space<vmem>> -> memref<16x1024xf32, #tpu.memory_space<vmem>>
      %parallel_loop3A_1082 = arith.index_cast %parallel_loop3A_1077 : i32 to index
      %parallel_loop3A_1083 = arith.index_cast %parallel_loop3A_782 : i32 to index
      %parallel_loop3A_1084 = tpu.vector_load %parallel_loop3A_1081[%parallel_loop3A_1082, %parallel_loop3A_1083] {strides = array<i32>} : memref<16x1024xf32, #tpu.memory_space<vmem>>, vector<1x16xf32>,
      %parallel_loop3A_1085 = vector.shape_cast %parallel_loop3A_1084 : vector<1x16xf32> to vector<16xf32>
      %parallel_loop3A_1086 = vector.shape_cast %parallel_loop3A_1076 : vector<16xf32> to vector<1x16xf32>
      tpu.vector_store %parallel_loop3A_1081[%parallel_loop3A_1082, %parallel_loop3A_1083], %parallel_loop3A_1086 {add = true, strides = array<i32>} : memref<16x1024xf32, #tpu.memory_space<vmem>>, vector<1x16xf32>,
    } {sc.loop_unroll_factor = 1 : i64, sc.parallel_access}
    %add3A_528 = arith.constant 16 : i32
    %add3A_529 = arith.addi %mul3A_2, %add3A_528 : i32
    %dma_start3A_530 = arith.constant 0 : i32
    %dma_start3A_531 = arith.constant 0 : i32
    %dma_start3A_532 = arith.constant 0 : i32
    %dma_start3A_533 = arith.constant 0 : i32
    %dma_start3A_534 = arith.constant 0 : i32
    %dma_start3A_535 = tpu.memref_slice %arg6[%dma_start3A_530, %dma_start3A_533, %dma_start3A_534] : memref<4x16x1024xf32, #tpu.memory_space<vmem>> -> memref<1x16x1024xf32, #tpu.memory_space<vmem>>
    %dma_start3A_536 = tpu.memref_squeeze %dma_start3A_535 : memref<1x16x1024xf32, #tpu.memory_space<vmem>> -> memref<16x1024xf32, #tpu.memory_space<vmem>>
    %dma_start3A_537 = arith.constant 0 : i32
    %dma_start3A_538 = tpu.memref_slice %arg4[%dma_start3A_531, %add3A_529, %dma_start3A_537] : memref<4x1024x1024xf32, #tpu.memory_space<hbm>> -> memref<1x16x1024xf32, #tpu.memory_space<hbm>>
    %dma_start3A_539 = tpu.memref_squeeze %dma_start3A_538 : memref<1x16x1024xf32, #tpu.memory_space<hbm>> -> memref<16x1024xf32, #tpu.memory_space<hbm>>
    %dma_start3A_540 = tpu.memref_slice %arg9[%dma_start3A_532] : memref<4x!tpu.dma_semaphore, #tpu.memory_space<semaphore_mem>> -> memref<1x!tpu.dma_semaphore, #tpu.memory_space<semaphore_mem>>
    %dma_start3A_541 = tpu.memref_squeeze %dma_start3A_540 : memref<1x!tpu.dma_semaphore, #tpu.memory_space<semaphore_mem>> -> memref<!tpu.dma_semaphore, #tpu.memory_space<semaphore_mem>>
    %dma_start3A_542 = arith.constant 0 : i32
    %dma_start3A_543 = tpu.memref_slice %arg4[%dma_start3A_531, %add3A_529, %dma_start3A_542] : memref<4x1024x1024xf32, #tpu.memory_space<hbm>> -> memref<1x16x1024xf32, #tpu.memory_space<hbm>>
    %dma_start3A_544 = tpu.memref_squeeze %dma_start3A_543 : memref<1x16x1024xf32, #tpu.memory_space<hbm>> -> memref<16x1024xf32, #tpu.memory_space<hbm>>
    %dma_start3A_545 = arith.constant 0 : i32
    %dma_start3A_546 = arith.constant 0 : i32
    %dma_start3A_547 = tpu.memref_slice %arg6[%dma_start3A_530, %dma_start3A_545, %dma_start3A_546] : memref<4x16x1024xf32, #tpu.memory_space<vmem>> -> memref<1x16x1024xf32, #tpu.memory_space<vmem>>
    %dma_start3A_548 = tpu.memref_squeeze %dma_start3A_547 : memref<1x16x1024xf32, #tpu.memory_space<vmem>> -> memref<16x1024xf32, #tpu.memory_space<vmem>>
    tpu.enqueue_dma source(%dma_start3A_548 : memref<16x1024xf32, #tpu.memory_space<vmem>>) target(%dma_start3A_544 : memref<16x1024xf32, #tpu.memory_space<hbm>>) target_semaphore(%dma_start3A_541 : memref<!tpu.dma_semaphore, #tpu.memory_space<semaphore_mem>>)
    %add3A_549 = arith.constant 3072 : i32
    %add3A_550 = arith.addi %add3A_549, %mul3A_2 : i32
    %add3A_551 = arith.constant 16 : i32
    %add3A_552 = arith.addi %add3A_550, %add3A_551 : i32
    %dma_wait3A_553 = arith.constant 1 : i32
    %dma_wait3A_554 = arith.constant 1 : i32
    %dma_wait3A_555 = arith.constant 1 : i32
    %dma_wait3A_556 = arith.constant 0 : i32
    %dma_wait3A_557 = arith.constant 0 : i32
    %dma_wait3A_558 = tpu.memref_slice %arg6[%dma_wait3A_554, %dma_wait3A_556, %dma_wait3A_557] : memref<4x16x1024xf32, #tpu.memory_space<vmem>> -> memref<1x16x1024xf32, #tpu.memory_space<vmem>>
    %dma_wait3A_559 = tpu.memref_squeeze %dma_wait3A_558 : memref<1x16x1024xf32, #tpu.memory_space<vmem>> -> memref<16x1024xf32, #tpu.memory_space<vmem>>
    %dma_wait3A_560 = arith.constant 0 : i32
    %dma_wait3A_561 = tpu.memref_slice %arg2[%dma_wait3A_553, %add3A_552, %dma_wait3A_560] : memref<4x4096x1024xf32, #tpu.memory_space<hbm>> -> memref<1x16x1024xf32, #tpu.memory_space<hbm>>
    %dma_wait3A_562 = tpu.memref_squeeze %dma_wait3A_561 : memref<1x16x1024xf32, #tpu.memory_space<hbm>> -> memref<16x1024xf32, #tpu.memory_space<hbm>>
    %dma_wait3A_563 = tpu.memref_slice %arg8[%dma_wait3A_555] : memref<4x!tpu.dma_semaphore, #tpu.memory_space<semaphore_mem>> -> memref<1x!tpu.dma_semaphore, #tpu.memory_space<semaphore_mem>>
    %dma_wait3A_564 = tpu.memref_squeeze %dma_wait3A_563 : memref<1x!tpu.dma_semaphore, #tpu.memory_space<semaphore_mem>> -> memref<!tpu.dma_semaphore, #tpu.memory_space<semaphore_mem>>
    %dma_wait3A_565 = arith.constant 0 : i32
    %dma_wait3A_566 = arith.constant 0 : i32
    %dma_wait3A_567 = tpu.memref_slice %arg6[%dma_wait3A_554, %dma_wait3A_565, %dma_wait3A_566] : memref<4x16x1024xf32, #tpu.memory_space<vmem>> -> memref<1x16x1024xf32, #tpu.memory_space<vmem>>
    %dma_wait3A_568 = tpu.memref_squeeze %dma_wait3A_567 : memref<1x16x1024xf32, #tpu.memory_space<vmem>> -> memref<16x1024xf32, #tpu.memory_space<vmem>>
    %dma_wait3A_569 = arith.constant 0 : i32
    %dma_wait3A_570 = tpu.memref_slice %arg2[%dma_wait3A_553, %add3A_552, %dma_wait3A_569] : memref<4x4096x1024xf32, #tpu.memory_space<hbm>> -> memref<1x16x1024xf32, #tpu.memory_space<hbm>>
    %dma_wait3A_571 = tpu.memref_squeeze %dma_wait3A_570 : memref<1x16x1024xf32, #tpu.memory_space<hbm>> -> memref<16x1024xf32, #tpu.memory_space<hbm>>
    tpu.wait_dma2 semaphore(%dma_wait3A_564 : memref<!tpu.dma_semaphore, #tpu.memory_space<semaphore_mem>>) src(%dma_wait3A_571 : memref<16x1024xf32, #tpu.memory_space<hbm>>) dst(%dma_wait3A_568 : memref<16x1024xf32, #tpu.memory_space<vmem>>)
    %add3A_572 = arith.constant 0 : i32
    %add3A_573 = arith.addi %mul3A_2, %add3A_572 : i32
    %dma_wait3A_574 = arith.constant 3 : i32
    %dma_wait3A_575 = arith.constant 3 : i32
    %dma_wait3A_576 = arith.constant 3 : i32
    %dma_wait3A_577 = arith.constant 0 : i32
    %dma_wait3A_578 = arith.constant 0 : i32
    %dma_wait3A_579 = tpu.memref_slice %arg6[%dma_wait3A_574, %dma_wait3A_577, %dma_wait3A_578] : memref<4x16x1024xf32, #tpu.memory_space<vmem>> -> memref<1x16x1024xf32, #tpu.memory_space<vmem>>
    %dma_wait3A_580 = tpu.memref_squeeze %dma_wait3A_579 : memref<1x16x1024xf32, #tpu.memory_space<vmem>> -> memref<16x1024xf32, #tpu.memory_space<vmem>>
    %dma_wait3A_581 = arith.constant 0 : i32
    %dma_wait3A_582 = tpu.memref_slice %arg4[%dma_wait3A_575, %add3A_573, %dma_wait3A_581] : memref<4x1024x1024xf32, #tpu.memory_space<hbm>> -> memref<1x16x1024xf32, #tpu.memory_space<hbm>>
    %dma_wait3A_583 = tpu.memref_squeeze %dma_wait3A_582 : memref<1x16x1024xf32, #tpu.memory_space<hbm>> -> memref<16x1024xf32, #tpu.memory_space<hbm>>
    %dma_wait3A_584 = tpu.memref_slice %arg9[%dma_wait3A_576] : memref<4x!tpu.dma_semaphore, #tpu.memory_space<semaphore_mem>> -> memref<1x!tpu.dma_semaphore, #tpu.memory_space<semaphore_mem>>
    %dma_wait3A_585 = tpu.memref_squeeze %dma_wait3A_584 : memref<1x!tpu.dma_semaphore, #tpu.memory_space<semaphore_mem>> -> memref<!tpu.dma_semaphore, #tpu.memory_space<semaphore_mem>>
    %dma_wait3A_586 = arith.constant 0 : i32
    %dma_wait3A_587 = tpu.memref_slice %arg4[%dma_wait3A_575, %add3A_573, %dma_wait3A_586] : memref<4x1024x1024xf32, #tpu.memory_space<hbm>> -> memref<1x16x1024xf32, #tpu.memory_space<hbm>>
    %dma_wait3A_588 = tpu.memref_squeeze %dma_wait3A_587 : memref<1x16x1024xf32, #tpu.memory_space<hbm>> -> memref<16x1024xf32, #tpu.memory_space<hbm>>
    %dma_wait3A_589 = arith.constant 0 : i32
    %dma_wait3A_590 = arith.constant 0 : i32
    %dma_wait3A_591 = tpu.memref_slice %arg6[%dma_wait3A_574, %dma_wait3A_589, %dma_wait3A_590] : memref<4x16x1024xf32, #tpu.memory_space<vmem>> -> memref<1x16x1024xf32, #tpu.memory_space<vmem>>
    %dma_wait3A_592 = tpu.memref_squeeze %dma_wait3A_591 : memref<1x16x1024xf32, #tpu.memory_space<vmem>> -> memref<16x1024xf32, #tpu.memory_space<vmem>>
    tpu.wait_dma2 semaphore(%dma_wait3A_585 : memref<!tpu.dma_semaphore, #tpu.memory_space<semaphore_mem>>) src(%dma_wait3A_592 : memref<16x1024xf32, #tpu.memory_space<vmem>>) dst(%dma_wait3A_588 : memref<16x1024xf32, #tpu.memory_space<hbm>>)
    %add3A_593 = arith.constant 3072 : i32
    %add3A_594 = arith.addi %add3A_593, %mul3A_2 : i32
    %add3A_595 = arith.constant 16 : i32
    %add3A_596 = arith.addi %add3A_594, %add3A_595 : i32
    %dma_start3A_597 = arith.constant 3 : i32
    %dma_start3A_598 = arith.constant 3 : i32
    %dma_start3A_599 = arith.constant 3 : i32
    %dma_start3A_600 = arith.constant 0 : i32
    %dma_start3A_601 = arith.constant 0 : i32
    %dma_start3A_602 = tpu.memref_slice %arg6[%dma_start3A_598, %dma_start3A_600, %dma_start3A_601] : memref<4x16x1024xf32, #tpu.memory_space<vmem>> -> memref<1x16x1024xf32, #tpu.memory_space<vmem>>
    %dma_start3A_603 = tpu.memref_squeeze %dma_start3A_602 : memref<1x16x1024xf32, #tpu.memory_space<vmem>> -> memref<16x1024xf32, #tpu.memory_space<vmem>>
    %dma_start3A_604 = arith.constant 0 : i32
    %dma_start3A_605 = tpu.memref_slice %arg2[%dma_start3A_597, %add3A_596, %dma_start3A_604] : memref<4x4096x1024xf32, #tpu.memory_space<hbm>> -> memref<1x16x1024xf32, #tpu.memory_space<hbm>>
    %dma_start3A_606 = tpu.memref_squeeze %dma_start3A_605 : memref<1x16x1024xf32, #tpu.memory_space<hbm>> -> memref<16x1024xf32, #tpu.memory_space<hbm>>
    %dma_start3A_607 = tpu.memref_slice %arg8[%dma_start3A_599] : memref<4x!tpu.dma_semaphore, #tpu.memory_space<semaphore_mem>> -> memref<1x!tpu.dma_semaphore, #tpu.memory_space<semaphore_mem>>
    %dma_start3A_608 = tpu.memref_squeeze %dma_start3A_607 : memref<1x!tpu.dma_semaphore, #tpu.memory_space<semaphore_mem>> -> memref<!tpu.dma_semaphore, #tpu.memory_space<semaphore_mem>>
    %dma_start3A_609 = arith.constant 0 : i32
    %dma_start3A_610 = arith.constant 0 : i32
    %dma_start3A_611 = tpu.memref_slice %arg6[%dma_start3A_598, %dma_start3A_609, %dma_start3A_610] : memref<4x16x1024xf32, #tpu.memory_space<vmem>> -> memref<1x16x1024xf32, #tpu.memory_space<vmem>>
    %dma_start3A_612 = tpu.memref_squeeze %dma_start3A_611 : memref<1x16x1024xf32, #tpu.memory_space<vmem>> -> memref<16x1024xf32, #tpu.memory_space<vmem>>
    %dma_start3A_613 = arith.constant 0 : i32
    %dma_start3A_614 = tpu.memref_slice %arg2[%dma_start3A_597, %add3A_596, %dma_start3A_613] : memref<4x4096x1024xf32, #tpu.memory_space<hbm>> -> memref<1x16x1024xf32, #tpu.memory_space<hbm>>
    %dma_start3A_615 = tpu.memref_squeeze %dma_start3A_614 : memref<1x16x1024xf32, #tpu.memory_space<hbm>> -> memref<16x1024xf32, #tpu.memory_space<hbm>>
    tpu.enqueue_dma source(%dma_start3A_615 : memref<16x1024xf32, #tpu.memory_space<hbm>>) target(%dma_start3A_612 : memref<16x1024xf32, #tpu.memory_space<vmem>>) target_semaphore(%dma_start3A_608 : memref<!tpu.dma_semaphore, #tpu.memory_space<semaphore_mem>>)
    %parallel_loop3A_616 = arith.constant 0 : i32
    %parallel_loop3A_617 = arith.constant 1024 : i32
    %parallel_loop3A_618 = arith.constant 16 : i32
    %parallel_loop3A_619 = arith.constant 1 : i32
    %parallel_loop3A_620 = arith.constant 1 : i32
    scf.for %parallel_loop3A_782 = %parallel_loop3A_616 to %parallel_loop3A_617 step %parallel_loop3A_618  : i32 {
      %parallel_loop3A_783 = arith.constant 0 : i32
      %parallel_loop3A_784 = arith.constant 0 : i32
      %parallel_loop3A_785 = arith.constant 0 : i32
      %parallel_loop3A_786 = tpu.memref_slice %arg5[%parallel_loop3A_619, %parallel_loop3A_784, %parallel_loop3A_785] : memref<2x16x1024xf32, #tpu.memory_space<vmem>> -> memref<1x16x1024xf32, #tpu.memory_space<vmem>>
      %parallel_loop3A_787 = tpu.memref_squeeze %parallel_loop3A_786 : memref<1x16x1024xf32, #tpu.memory_space<vmem>> -> memref<16x1024xf32, #tpu.memory_space<vmem>>
      %parallel_loop3A_788 = arith.index_cast %parallel_loop3A_783 : i32 to index
      %parallel_loop3A_789 = arith.index_cast %parallel_loop3A_782 : i32 to index
      %parallel_loop3A_790 = tpu.vector_load %parallel_loop3A_787[%parallel_loop3A_788, %parallel_loop3A_789] {strides = array<i32>} : memref<16x1024xf32, #tpu.memory_space<vmem>>, vector<1x16xf32>,
      %parallel_loop3A_791 = vector.shape_cast %parallel_loop3A_790 : vector<1x16xf32> to vector<16xf32>
      %parallel_loop3A_792 = arith.constant 0 : i32
      %parallel_loop3A_793 = arith.constant 0 : i32
      %parallel_loop3A_794 = arith.constant 0 : i32
      %parallel_loop3A_795 = tpu.memref_slice %arg6[%parallel_loop3A_620, %parallel_loop3A_793, %parallel_loop3A_794] : memref<4x16x1024xf32, #tpu.memory_space<vmem>> -> memref<1x16x1024xf32, #tpu.memory_space<vmem>>
      %parallel_loop3A_796 = tpu.memref_squeeze %parallel_loop3A_795 : memref<1x16x1024xf32, #tpu.memory_space<vmem>> -> memref<16x1024xf32, #tpu.memory_space<vmem>>
      %parallel_loop3A_797 = arith.index_cast %parallel_loop3A_792 : i32 to index
      %parallel_loop3A_798 = arith.index_cast %parallel_loop3A_782 : i32 to index
      %parallel_loop3A_799 = tpu.vector_load %parallel_loop3A_796[%parallel_loop3A_797, %parallel_loop3A_798] {strides = array<i32>} : memref<16x1024xf32, #tpu.memory_space<vmem>>, vector<1x16xf32>,
      %parallel_loop3A_800 = vector.shape_cast %parallel_loop3A_799 : vector<1x16xf32> to vector<16xf32>
      %parallel_loop3A_801 = vector.shape_cast %parallel_loop3A_791 : vector<16xf32> to vector<1x16xf32>
      tpu.vector_store %parallel_loop3A_796[%parallel_loop3A_797, %parallel_loop3A_798], %parallel_loop3A_801 {add = true, strides = array<i32>} : memref<16x1024xf32, #tpu.memory_space<vmem>>, vector<1x16xf32>,
      %parallel_loop3A_802 = arith.constant 1 : i32
      %parallel_loop3A_803 = arith.constant 0 : i32
      %parallel_loop3A_804 = arith.constant 0 : i32
      %parallel_loop3A_805 = tpu.memref_slice %arg5[%parallel_loop3A_619, %parallel_loop3A_803, %parallel_loop3A_804] : memref<2x16x1024xf32, #tpu.memory_space<vmem>> -> memref<1x16x1024xf32, #tpu.memory_space<vmem>>
      %parallel_loop3A_806 = tpu.memref_squeeze %parallel_loop3A_805 : memref<1x16x1024xf32, #tpu.memory_space<vmem>> -> memref<16x1024xf32, #tpu.memory_space<vmem>>
      %parallel_loop3A_807 = arith.index_cast %parallel_loop3A_802 : i32 to index
      %parallel_loop3A_808 = arith.index_cast %parallel_loop3A_782 : i32 to index
      %parallel_loop3A_809 = tpu.vector_load %parallel_loop3A_806[%parallel_loop3A_807, %parallel_loop3A_808] {strides = array<i32>} : memref<16x1024xf32, #tpu.memory_space<vmem>>, vector<1x16xf32>,
      %parallel_loop3A_810 = vector.shape_cast %parallel_loop3A_809 : vector<1x16xf32> to vector<16xf32>
      %parallel_loop3A_811 = arith.constant 1 : i32
      %parallel_loop3A_812 = arith.constant 0 : i32
      %parallel_loop3A_813 = arith.constant 0 : i32
      %parallel_loop3A_814 = tpu.memref_slice %arg6[%parallel_loop3A_620, %parallel_loop3A_812, %parallel_loop3A_813] : memref<4x16x1024xf32, #tpu.memory_space<vmem>> -> memref<1x16x1024xf32, #tpu.memory_space<vmem>>
      %parallel_loop3A_815 = tpu.memref_squeeze %parallel_loop3A_814 : memref<1x16x1024xf32, #tpu.memory_space<vmem>> -> memref<16x1024xf32, #tpu.memory_space<vmem>>
      %parallel_loop3A_816 = arith.index_cast %parallel_loop3A_811 : i32 to index
      %parallel_loop3A_817 = arith.index_cast %parallel_loop3A_782 : i32 to index
      %parallel_loop3A_818 = tpu.vector_load %parallel_loop3A_815[%parallel_loop3A_816, %parallel_loop3A_817] {strides = array<i32>} : memref<16x1024xf32, #tpu.memory_space<vmem>>, vector<1x16xf32>,
      %parallel_loop3A_819 = vector.shape_cast %parallel_loop3A_818 : vector<1x16xf32> to vector<16xf32>
      %parallel_loop3A_820 = vector.shape_cast %parallel_loop3A_810 : vector<16xf32> to vector<1x16xf32>
      tpu.vector_store %parallel_loop3A_815[%parallel_loop3A_816, %parallel_loop3A_817], %parallel_loop3A_820 {add = true, strides = array<i32>} : memref<16x1024xf32, #tpu.memory_space<vmem>>, vector<1x16xf32>,
      %parallel_loop3A_821 = arith.constant 2 : i32
      %parallel_loop3A_822 = arith.constant 0 : i32
      %parallel_loop3A_823 = arith.constant 0 : i32
      %parallel_loop3A_824 = tpu.memref_slice %arg5[%parallel_loop3A_619, %parallel_loop3A_822, %parallel_loop3A_823] : memref<2x16x1024xf32, #tpu.memory_space<vmem>> -> memref<1x16x1024xf32, #tpu.memory_space<vmem>>
      %parallel_loop3A_825 = tpu.memref_squeeze %parallel_loop3A_824 : memref<1x16x1024xf32, #tpu.memory_space<vmem>> -> memref<16x1024xf32, #tpu.memory_space<vmem>>
      %parallel_loop3A_826 = arith.index_cast %parallel_loop3A_821 : i32 to index
      %parallel_loop3A_827 = arith.index_cast %parallel_loop3A_782 : i32 to index
      %parallel_loop3A_828 = tpu.vector_load %parallel_loop3A_825[%parallel_loop3A_826, %parallel_loop3A_827] {strides = array<i32>} : memref<16x1024xf32, #tpu.memory_space<vmem>>, vector<1x16xf32>,
      %parallel_loop3A_829 = vector.shape_cast %parallel_loop3A_828 : vector<1x16xf32> to vector<16xf32>
      %parallel_loop3A_830 = arith.constant 2 : i32
      %parallel_loop3A_831 = arith.constant 0 : i32
      %parallel_loop3A_832 = arith.constant 0 : i32
      %parallel_loop3A_833 = tpu.memref_slice %arg6[%parallel_loop3A_620, %parallel_loop3A_831, %parallel_loop3A_832] : memref<4x16x1024xf32, #tpu.memory_space<vmem>> -> memref<1x16x1024xf32, #tpu.memory_space<vmem>>
      %parallel_loop3A_834 = tpu.memref_squeeze %parallel_loop3A_833 : memref<1x16x1024xf32, #tpu.memory_space<vmem>> -> memref<16x1024xf32, #tpu.memory_space<vmem>>
      %parallel_loop3A_835 = arith.index_cast %parallel_loop3A_830 : i32 to index
      %parallel_loop3A_836 = arith.index_cast %parallel_loop3A_782 : i32 to index
      %parallel_loop3A_837 = tpu.vector_load %parallel_loop3A_834[%parallel_loop3A_835, %parallel_loop3A_836] {strides = array<i32>} : memref<16x1024xf32, #tpu.memory_space<vmem>>, vector<1x16xf32>,
      %parallel_loop3A_838 = vector.shape_cast %parallel_loop3A_837 : vector<1x16xf32> to vector<16xf32>
      %parallel_loop3A_839 = vector.shape_cast %parallel_loop3A_829 : vector<16xf32> to vector<1x16xf32>
      tpu.vector_store %parallel_loop3A_834[%parallel_loop3A_835, %parallel_loop3A_836], %parallel_loop3A_839 {add = true, strides = array<i32>} : memref<16x1024xf32, #tpu.memory_space<vmem>>, vector<1x16xf32>,
      %parallel_loop3A_840 = arith.constant 3 : i32
      %parallel_loop3A_841 = arith.constant 0 : i32
      %parallel_loop3A_842 = arith.constant 0 : i32
      %parallel_loop3A_843 = tpu.memref_slice %arg5[%parallel_loop3A_619, %parallel_loop3A_841, %parallel_loop3A_842] : memref<2x16x1024xf32, #tpu.memory_space<vmem>> -> memref<1x16x1024xf32, #tpu.memory_space<vmem>>
      %parallel_loop3A_844 = tpu.memref_squeeze %parallel_loop3A_843 : memref<1x16x1024xf32, #tpu.memory_space<vmem>> -> memref<16x1024xf32, #tpu.memory_space<vmem>>
      %parallel_loop3A_845 = arith.index_cast %parallel_loop3A_840 : i32 to index
      %parallel_loop3A_846 = arith.index_cast %parallel_loop3A_782 : i32 to index
      %parallel_loop3A_847 = tpu.vector_load %parallel_loop3A_844[%parallel_loop3A_845, %parallel_loop3A_846] {strides = array<i32>} : memref<16x1024xf32, #tpu.memory_space<vmem>>, vector<1x16xf32>,
      %parallel_loop3A_848 = vector.shape_cast %parallel_loop3A_847 : vector<1x16xf32> to vector<16xf32>
      %parallel_loop3A_849 = arith.constant 3 : i32
      %parallel_loop3A_850 = arith.constant 0 : i32
      %parallel_loop3A_851 = arith.constant 0 : i32
      %parallel_loop3A_852 = tpu.memref_slice %arg6[%parallel_loop3A_620, %parallel_loop3A_850, %parallel_loop3A_851] : memref<4x16x1024xf32, #tpu.memory_space<vmem>> -> memref<1x16x1024xf32, #tpu.memory_space<vmem>>
      %parallel_loop3A_853 = tpu.memref_squeeze %parallel_loop3A_852 : memref<1x16x1024xf32, #tpu.memory_space<vmem>> -> memref<16x1024xf32, #tpu.memory_space<vmem>>
      %parallel_loop3A_854 = arith.index_cast %parallel_loop3A_849 : i32 to index
      %parallel_loop3A_855 = arith.index_cast %parallel_loop3A_782 : i32 to index
      %parallel_loop3A_856 = tpu.vector_load %parallel_loop3A_853[%parallel_loop3A_854, %parallel_loop3A_855] {strides = array<i32>} : memref<16x1024xf32, #tpu.memory_space<vmem>>, vector<1x16xf32>,
      %parallel_loop3A_857 = vector.shape_cast %parallel_loop3A_856 : vector<1x16xf32> to vector<16xf32>
      %parallel_loop3A_858 = vector.shape_cast %parallel_loop3A_848 : vector<16xf32> to vector<1x16xf32>
      tpu.vector_store %parallel_loop3A_853[%parallel_loop3A_854, %parallel_loop3A_855], %parallel_loop3A_858 {add = true, strides = array<i32>} : memref<16x1024xf32, #tpu.memory_space<vmem>>, vector<1x16xf32>,
      %parallel_loop3A_859 = arith.constant 4 : i32
      %parallel_loop3A_860 = arith.constant 0 : i32
      %parallel_loop3A_861 = arith.constant 0 : i32
      %parallel_loop3A_862 = tpu.memref_slice %arg5[%parallel_loop3A_619, %parallel_loop3A_860, %parallel_loop3A_861] : memref<2x16x1024xf32, #tpu.memory_space<vmem>> -> memref<1x16x1024xf32, #tpu.memory_space<vmem>>
      %parallel_loop3A_863 = tpu.memref_squeeze %parallel_loop3A_862 : memref<1x16x1024xf32, #tpu.memory_space<vmem>> -> memref<16x1024xf32, #tpu.memory_space<vmem>>
      %parallel_loop3A_864 = arith.index_cast %parallel_loop3A_859 : i32 to index
      %parallel_loop3A_865 = arith.index_cast %parallel_loop3A_782 : i32 to index
      %parallel_loop3A_866 = tpu.vector_load %parallel_loop3A_863[%parallel_loop3A_864, %parallel_loop3A_865] {strides = array<i32>} : memref<16x1024xf32, #tpu.memory_space<vmem>>, vector<1x16xf32>,
      %parallel_loop3A_867 = vector.shape_cast %parallel_loop3A_866 : vector<1x16xf32> to vector<16xf32>
      %parallel_loop3A_868 = arith.constant 4 : i32
      %parallel_loop3A_869 = arith.constant 0 : i32
      %parallel_loop3A_870 = arith.constant 0 : i32
      %parallel_loop3A_871 = tpu.memref_slice %arg6[%parallel_loop3A_620, %parallel_loop3A_869, %parallel_loop3A_870] : memref<4x16x1024xf32, #tpu.memory_space<vmem>> -> memref<1x16x1024xf32, #tpu.memory_space<vmem>>
      %parallel_loop3A_872 = tpu.memref_squeeze %parallel_loop3A_871 : memref<1x16x1024xf32, #tpu.memory_space<vmem>> -> memref<16x1024xf32, #tpu.memory_space<vmem>>
      %parallel_loop3A_873 = arith.index_cast %parallel_loop3A_868 : i32 to index
      %parallel_loop3A_874 = arith.index_cast %parallel_loop3A_782 : i32 to index
      %parallel_loop3A_875 = tpu.vector_load %parallel_loop3A_872[%parallel_loop3A_873, %parallel_loop3A_874] {strides = array<i32>} : memref<16x1024xf32, #tpu.memory_space<vmem>>, vector<1x16xf32>,
      %parallel_loop3A_876 = vector.shape_cast %parallel_loop3A_875 : vector<1x16xf32> to vector<16xf32>
      %parallel_loop3A_877 = vector.shape_cast %parallel_loop3A_867 : vector<16xf32> to vector<1x16xf32>
      tpu.vector_store %parallel_loop3A_872[%parallel_loop3A_873, %parallel_loop3A_874], %parallel_loop3A_877 {add = true, strides = array<i32>} : memref<16x1024xf32, #tpu.memory_space<vmem>>, vector<1x16xf32>,
      %parallel_loop3A_878 = arith.constant 5 : i32
      %parallel_loop3A_879 = arith.constant 0 : i32
      %parallel_loop3A_880 = arith.constant 0 : i32
      %parallel_loop3A_881 = tpu.memref_slice %arg5[%parallel_loop3A_619, %parallel_loop3A_879, %parallel_loop3A_880] : memref<2x16x1024xf32, #tpu.memory_space<vmem>> -> memref<1x16x1024xf32, #tpu.memory_space<vmem>>
      %parallel_loop3A_882 = tpu.memref_squeeze %parallel_loop3A_881 : memref<1x16x1024xf32, #tpu.memory_space<vmem>> -> memref<16x1024xf32, #tpu.memory_space<vmem>>
      %parallel_loop3A_883 = arith.index_cast %parallel_loop3A_878 : i32 to index
      %parallel_loop3A_884 = arith.index_cast %parallel_loop3A_782 : i32 to index
      %parallel_loop3A_885 = tpu.vector_load %parallel_loop3A_882[%parallel_loop3A_883, %parallel_loop3A_884] {strides = array<i32>} : memref<16x1024xf32, #tpu.memory_space<vmem>>, vector<1x16xf32>,
      %parallel_loop3A_886 = vector.shape_cast %parallel_loop3A_885 : vector<1x16xf32> to vector<16xf32>
      %parallel_loop3A_887 = arith.constant 5 : i32
      %parallel_loop3A_888 = arith.constant 0 : i32
      %parallel_loop3A_889 = arith.constant 0 : i32
      %parallel_loop3A_890 = tpu.memref_slice %arg6[%parallel_loop3A_620, %parallel_loop3A_888, %parallel_loop3A_889] : memref<4x16x1024xf32, #tpu.memory_space<vmem>> -> memref<1x16x1024xf32, #tpu.memory_space<vmem>>
      %parallel_loop3A_891 = tpu.memref_squeeze %parallel_loop3A_890 : memref<1x16x1024xf32, #tpu.memory_space<vmem>> -> memref<16x1024xf32, #tpu.memory_space<vmem>>
      %parallel_loop3A_892 = arith.index_cast %parallel_loop3A_887 : i32 to index
      %parallel_loop3A_893 = arith.index_cast %parallel_loop3A_782 : i32 to index
      %parallel_loop3A_894 = tpu.vector_load %parallel_loop3A_891[%parallel_loop3A_892, %parallel_loop3A_893] {strides = array<i32>} : memref<16x1024xf32, #tpu.memory_space<vmem>>, vector<1x16xf32>,
      %parallel_loop3A_895 = vector.shape_cast %parallel_loop3A_894 : vector<1x16xf32> to vector<16xf32>
      %parallel_loop3A_896 = vector.shape_cast %parallel_loop3A_886 : vector<16xf32> to vector<1x16xf32>
      tpu.vector_store %parallel_loop3A_891[%parallel_loop3A_892, %parallel_loop3A_893], %parallel_loop3A_896 {add = true, strides = array<i32>} : memref<16x1024xf32, #tpu.memory_space<vmem>>, vector<1x16xf32>,
      %parallel_loop3A_897 = arith.constant 6 : i32
      %parallel_loop3A_898 = arith.constant 0 : i32
      %parallel_loop3A_899 = arith.constant 0 : i32
      %parallel_loop3A_900 = tpu.memref_slice %arg5[%parallel_loop3A_619, %parallel_loop3A_898, %parallel_loop3A_899] : memref<2x16x1024xf32, #tpu.memory_space<vmem>> -> memref<1x16x1024xf32, #tpu.memory_space<vmem>>
      %parallel_loop3A_901 = tpu.memref_squeeze %parallel_loop3A_900 : memref<1x16x1024xf32, #tpu.memory_space<vmem>> -> memref<16x1024xf32, #tpu.memory_space<vmem>>
      %parallel_loop3A_902 = arith.index_cast %parallel_loop3A_897 : i32 to index
      %parallel_loop3A_903 = arith.index_cast %parallel_loop3A_782 : i32 to index
      %parallel_loop3A_904 = tpu.vector_load %parallel_loop3A_901[%parallel_loop3A_902, %parallel_loop3A_903] {strides = array<i32>} : memref<16x1024xf32, #tpu.memory_space<vmem>>, vector<1x16xf32>,
      %parallel_loop3A_905 = vector.shape_cast %parallel_loop3A_904 : vector<1x16xf32> to vector<16xf32>
      %parallel_loop3A_906 = arith.constant 6 : i32
      %parallel_loop3A_907 = arith.constant 0 : i32
      %parallel_loop3A_908 = arith.constant 0 : i32
      %parallel_loop3A_909 = tpu.memref_slice %arg6[%parallel_loop3A_620, %parallel_loop3A_907, %parallel_loop3A_908] : memref<4x16x1024xf32, #tpu.memory_space<vmem>> -> memref<1x16x1024xf32, #tpu.memory_space<vmem>>
      %parallel_loop3A_910 = tpu.memref_squeeze %parallel_loop3A_909 : memref<1x16x1024xf32, #tpu.memory_space<vmem>> -> memref<16x1024xf32, #tpu.memory_space<vmem>>
      %parallel_loop3A_911 = arith.index_cast %parallel_loop3A_906 : i32 to index
      %parallel_loop3A_912 = arith.index_cast %parallel_loop3A_782 : i32 to index
      %parallel_loop3A_913 = tpu.vector_load %parallel_loop3A_910[%parallel_loop3A_911, %parallel_loop3A_912] {strides = array<i32>} : memref<16x1024xf32, #tpu.memory_space<vmem>>, vector<1x16xf32>,
      %parallel_loop3A_914 = vector.shape_cast %parallel_loop3A_913 : vector<1x16xf32> to vector<16xf32>
      %parallel_loop3A_915 = vector.shape_cast %parallel_loop3A_905 : vector<16xf32> to vector<1x16xf32>
      tpu.vector_store %parallel_loop3A_910[%parallel_loop3A_911, %parallel_loop3A_912], %parallel_loop3A_915 {add = true, strides = array<i32>} : memref<16x1024xf32, #tpu.memory_space<vmem>>, vector<1x16xf32>,
      %parallel_loop3A_916 = arith.constant 7 : i32
      %parallel_loop3A_917 = arith.constant 0 : i32
      %parallel_loop3A_918 = arith.constant 0 : i32
      %parallel_loop3A_919 = tpu.memref_slice %arg5[%parallel_loop3A_619, %parallel_loop3A_917, %parallel_loop3A_918] : memref<2x16x1024xf32, #tpu.memory_space<vmem>> -> memref<1x16x1024xf32, #tpu.memory_space<vmem>>
      %parallel_loop3A_920 = tpu.memref_squeeze %parallel_loop3A_919 : memref<1x16x1024xf32, #tpu.memory_space<vmem>> -> memref<16x1024xf32, #tpu.memory_space<vmem>>
      %parallel_loop3A_921 = arith.index_cast %parallel_loop3A_916 : i32 to index
      %parallel_loop3A_922 = arith.index_cast %parallel_loop3A_782 : i32 to index
      %parallel_loop3A_923 = tpu.vector_load %parallel_loop3A_920[%parallel_loop3A_921, %parallel_loop3A_922] {strides = array<i32>} : memref<16x1024xf32, #tpu.memory_space<vmem>>, vector<1x16xf32>,
      %parallel_loop3A_924 = vector.shape_cast %parallel_loop3A_923 : vector<1x16xf32> to vector<16xf32>
      %parallel_loop3A_925 = arith.constant 7 : i32
      %parallel_loop3A_926 = arith.constant 0 : i32
      %parallel_loop3A_927 = arith.constant 0 : i32
      %parallel_loop3A_928 = tpu.memref_slice %arg6[%parallel_loop3A_620, %parallel_loop3A_926, %parallel_loop3A_927] : memref<4x16x1024xf32, #tpu.memory_space<vmem>> -> memref<1x16x1024xf32, #tpu.memory_space<vmem>>
      %parallel_loop3A_929 = tpu.memref_squeeze %parallel_loop3A_928 : memref<1x16x1024xf32, #tpu.memory_space<vmem>> -> memref<16x1024xf32, #tpu.memory_space<vmem>>
      %parallel_loop3A_930 = arith.index_cast %parallel_loop3A_925 : i32 to index
      %parallel_loop3A_931 = arith.index_cast %parallel_loop3A_782 : i32 to index
      %parallel_loop3A_932 = tpu.vector_load %parallel_loop3A_929[%parallel_loop3A_930, %parallel_loop3A_931] {strides = array<i32>} : memref<16x1024xf32, #tpu.memory_space<vmem>>, vector<1x16xf32>,
      %parallel_loop3A_933 = vector.shape_cast %parallel_loop3A_932 : vector<1x16xf32> to vector<16xf32>
      %parallel_loop3A_934 = vector.shape_cast %parallel_loop3A_924 : vector<16xf32> to vector<1x16xf32>
      tpu.vector_store %parallel_loop3A_929[%parallel_loop3A_930, %parallel_loop3A_931], %parallel_loop3A_934 {add = true, strides = array<i32>} : memref<16x1024xf32, #tpu.memory_space<vmem>>, vector<1x16xf32>,
      %parallel_loop3A_935 = arith.constant 8 : i32
      %parallel_loop3A_936 = arith.constant 0 : i32
      %parallel_loop3A_937 = arith.constant 0 : i32
      %parallel_loop3A_938 = tpu.memref_slice %arg5[%parallel_loop3A_619, %parallel_loop3A_936, %parallel_loop3A_937] : memref<2x16x1024xf32, #tpu.memory_space<vmem>> -> memref<1x16x1024xf32, #tpu.memory_space<vmem>>
      %parallel_loop3A_939 = tpu.memref_squeeze %parallel_loop3A_938 : memref<1x16x1024xf32, #tpu.memory_space<vmem>> -> memref<16x1024xf32, #tpu.memory_space<vmem>>
      %parallel_loop3A_940 = arith.index_cast %parallel_loop3A_935 : i32 to index
      %parallel_loop3A_941 = arith.index_cast %parallel_loop3A_782 : i32 to index
      %parallel_loop3A_942 = tpu.vector_load %parallel_loop3A_939[%parallel_loop3A_940, %parallel_loop3A_941] {strides = array<i32>} : memref<16x1024xf32, #tpu.memory_space<vmem>>, vector<1x16xf32>,
      %parallel_loop3A_943 = vector.shape_cast %parallel_loop3A_942 : vector<1x16xf32> to vector<16xf32>
      %parallel_loop3A_944 = arith.constant 8 : i32
      %parallel_loop3A_945 = arith.constant 0 : i32
      %parallel_loop3A_946 = arith.constant 0 : i32
      %parallel_loop3A_947 = tpu.memref_slice %arg6[%parallel_loop3A_620, %parallel_loop3A_945, %parallel_loop3A_946] : memref<4x16x1024xf32, #tpu.memory_space<vmem>> -> memref<1x16x1024xf32, #tpu.memory_space<vmem>>
      %parallel_loop3A_948 = tpu.memref_squeeze %parallel_loop3A_947 : memref<1x16x1024xf32, #tpu.memory_space<vmem>> -> memref<16x1024xf32, #tpu.memory_space<vmem>>
      %parallel_loop3A_949 = arith.index_cast %parallel_loop3A_944 : i32 to index
      %parallel_loop3A_950 = arith.index_cast %parallel_loop3A_782 : i32 to index
      %parallel_loop3A_951 = tpu.vector_load %parallel_loop3A_948[%parallel_loop3A_949, %parallel_loop3A_950] {strides = array<i32>} : memref<16x1024xf32, #tpu.memory_space<vmem>>, vector<1x16xf32>,
      %parallel_loop3A_952 = vector.shape_cast %parallel_loop3A_951 : vector<1x16xf32> to vector<16xf32>
      %parallel_loop3A_953 = vector.shape_cast %parallel_loop3A_943 : vector<16xf32> to vector<1x16xf32>
      tpu.vector_store %parallel_loop3A_948[%parallel_loop3A_949, %parallel_loop3A_950], %parallel_loop3A_953 {add = true, strides = array<i32>} : memref<16x1024xf32, #tpu.memory_space<vmem>>, vector<1x16xf32>,
      %parallel_loop3A_954 = arith.constant 9 : i32
      %parallel_loop3A_955 = arith.constant 0 : i32
      %parallel_loop3A_956 = arith.constant 0 : i32
      %parallel_loop3A_957 = tpu.memref_slice %arg5[%parallel_loop3A_619, %parallel_loop3A_955, %parallel_loop3A_956] : memref<2x16x1024xf32, #tpu.memory_space<vmem>> -> memref<1x16x1024xf32, #tpu.memory_space<vmem>>
      %parallel_loop3A_958 = tpu.memref_squeeze %parallel_loop3A_957 : memref<1x16x1024xf32, #tpu.memory_space<vmem>> -> memref<16x1024xf32, #tpu.memory_space<vmem>>
      %parallel_loop3A_959 = arith.index_cast %parallel_loop3A_954 : i32 to index
      %parallel_loop3A_960 = arith.index_cast %parallel_loop3A_782 : i32 to index
      %parallel_loop3A_961 = tpu.vector_load %parallel_loop3A_958[%parallel_loop3A_959, %parallel_loop3A_960] {strides = array<i32>} : memref<16x1024xf32, #tpu.memory_space<vmem>>, vector<1x16xf32>,
      %parallel_loop3A_962 = vector.shape_cast %parallel_loop3A_961 : vector<1x16xf32> to vector<16xf32>
      %parallel_loop3A_963 = arith.constant 9 : i32
      %parallel_loop3A_964 = arith.constant 0 : i32
      %parallel_loop3A_965 = arith.constant 0 : i32
      %parallel_loop3A_966 = tpu.memref_slice %arg6[%parallel_loop3A_620, %parallel_loop3A_964, %parallel_loop3A_965] : memref<4x16x1024xf32, #tpu.memory_space<vmem>> -> memref<1x16x1024xf32, #tpu.memory_space<vmem>>
      %parallel_loop3A_967 = tpu.memref_squeeze %parallel_loop3A_966 : memref<1x16x1024xf32, #tpu.memory_space<vmem>> -> memref<16x1024xf32, #tpu.memory_space<vmem>>
      %parallel_loop3A_968 = arith.index_cast %parallel_loop3A_963 : i32 to index
      %parallel_loop3A_969 = arith.index_cast %parallel_loop3A_782 : i32 to index
      %parallel_loop3A_970 = tpu.vector_load %parallel_loop3A_967[%parallel_loop3A_968, %parallel_loop3A_969] {strides = array<i32>} : memref<16x1024xf32, #tpu.memory_space<vmem>>, vector<1x16xf32>,
      %parallel_loop3A_971 = vector.shape_cast %parallel_loop3A_970 : vector<1x16xf32> to vector<16xf32>
      %parallel_loop3A_972 = vector.shape_cast %parallel_loop3A_962 : vector<16xf32> to vector<1x16xf32>
      tpu.vector_store %parallel_loop3A_967[%parallel_loop3A_968, %parallel_loop3A_969], %parallel_loop3A_972 {add = true, strides = array<i32>} : memref<16x1024xf32, #tpu.memory_space<vmem>>, vector<1x16xf32>,
      %parallel_loop3A_973 = arith.constant 10 : i32
      %parallel_loop3A_974 = arith.constant 0 : i32
      %parallel_loop3A_975 = arith.constant 0 : i32
      %parallel_loop3A_976 = tpu.memref_slice %arg5[%parallel_loop3A_619, %parallel_loop3A_974, %parallel_loop3A_975] : memref<2x16x1024xf32, #tpu.memory_space<vmem>> -> memref<1x16x1024xf32, #tpu.memory_space<vmem>>
      %parallel_loop3A_977 = tpu.memref_squeeze %parallel_loop3A_976 : memref<1x16x1024xf32, #tpu.memory_space<vmem>> -> memref<16x1024xf32, #tpu.memory_space<vmem>>
      %parallel_loop3A_978 = arith.index_cast %parallel_loop3A_973 : i32 to index
      %parallel_loop3A_979 = arith.index_cast %parallel_loop3A_782 : i32 to index
      %parallel_loop3A_980 = tpu.vector_load %parallel_loop3A_977[%parallel_loop3A_978, %parallel_loop3A_979] {strides = array<i32>} : memref<16x1024xf32, #tpu.memory_space<vmem>>, vector<1x16xf32>,
      %parallel_loop3A_981 = vector.shape_cast %parallel_loop3A_980 : vector<1x16xf32> to vector<16xf32>
      %parallel_loop3A_982 = arith.constant 10 : i32
      %parallel_loop3A_983 = arith.constant 0 : i32
      %parallel_loop3A_984 = arith.constant 0 : i32
      %parallel_loop3A_985 = tpu.memref_slice %arg6[%parallel_loop3A_620, %parallel_loop3A_983, %parallel_loop3A_984] : memref<4x16x1024xf32, #tpu.memory_space<vmem>> -> memref<1x16x1024xf32, #tpu.memory_space<vmem>>
      %parallel_loop3A_986 = tpu.memref_squeeze %parallel_loop3A_985 : memref<1x16x1024xf32, #tpu.memory_space<vmem>> -> memref<16x1024xf32, #tpu.memory_space<vmem>>
      %parallel_loop3A_987 = arith.index_cast %parallel_loop3A_982 : i32 to index
      %parallel_loop3A_988 = arith.index_cast %parallel_loop3A_782 : i32 to index
      %parallel_loop3A_989 = tpu.vector_load %parallel_loop3A_986[%parallel_loop3A_987, %parallel_loop3A_988] {strides = array<i32>} : memref<16x1024xf32, #tpu.memory_space<vmem>>, vector<1x16xf32>,
      %parallel_loop3A_990 = vector.shape_cast %parallel_loop3A_989 : vector<1x16xf32> to vector<16xf32>
      %parallel_loop3A_991 = vector.shape_cast %parallel_loop3A_981 : vector<16xf32> to vector<1x16xf32>
      tpu.vector_store %parallel_loop3A_986[%parallel_loop3A_987, %parallel_loop3A_988], %parallel_loop3A_991 {add = true, strides = array<i32>} : memref<16x1024xf32, #tpu.memory_space<vmem>>, vector<1x16xf32>,
      %parallel_loop3A_992 = arith.constant 11 : i32
      %parallel_loop3A_993 = arith.constant 0 : i32
      %parallel_loop3A_994 = arith.constant 0 : i32
      %parallel_loop3A_995 = tpu.memref_slice %arg5[%parallel_loop3A_619, %parallel_loop3A_993, %parallel_loop3A_994] : memref<2x16x1024xf32, #tpu.memory_space<vmem>> -> memref<1x16x1024xf32, #tpu.memory_space<vmem>>
      %parallel_loop3A_996 = tpu.memref_squeeze %parallel_loop3A_995 : memref<1x16x1024xf32, #tpu.memory_space<vmem>> -> memref<16x1024xf32, #tpu.memory_space<vmem>>
      %parallel_loop3A_997 = arith.index_cast %parallel_loop3A_992 : i32 to index
      %parallel_loop3A_998 = arith.index_cast %parallel_loop3A_782 : i32 to index
      %parallel_loop3A_999 = tpu.vector_load %parallel_loop3A_996[%parallel_loop3A_997, %parallel_loop3A_998] {strides = array<i32>} : memref<16x1024xf32, #tpu.memory_space<vmem>>, vector<1x16xf32>,
      %parallel_loop3A_1000 = vector.shape_cast %parallel_loop3A_999 : vector<1x16xf32> to vector<16xf32>
      %parallel_loop3A_1001 = arith.constant 11 : i32
      %parallel_loop3A_1002 = arith.constant 0 : i32
      %parallel_loop3A_1003 = arith.constant 0 : i32
      %parallel_loop3A_1004 = tpu.memref_slice %arg6[%parallel_loop3A_620, %parallel_loop3A_1002, %parallel_loop3A_1003] : memref<4x16x1024xf32, #tpu.memory_space<vmem>> -> memref<1x16x1024xf32, #tpu.memory_space<vmem>>
      %parallel_loop3A_1005 = tpu.memref_squeeze %parallel_loop3A_1004 : memref<1x16x1024xf32, #tpu.memory_space<vmem>> -> memref<16x1024xf32, #tpu.memory_space<vmem>>
      %parallel_loop3A_1006 = arith.index_cast %parallel_loop3A_1001 : i32 to index
      %parallel_loop3A_1007 = arith.index_cast %parallel_loop3A_782 : i32 to index
      %parallel_loop3A_1008 = tpu.vector_load %parallel_loop3A_1005[%parallel_loop3A_1006, %parallel_loop3A_1007] {strides = array<i32>} : memref<16x1024xf32, #tpu.memory_space<vmem>>, vector<1x16xf32>,
      %parallel_loop3A_1009 = vector.shape_cast %parallel_loop3A_1008 : vector<1x16xf32> to vector<16xf32>
      %parallel_loop3A_1010 = vector.shape_cast %parallel_loop3A_1000 : vector<16xf32> to vector<1x16xf32>
      tpu.vector_store %parallel_loop3A_1005[%parallel_loop3A_1006, %parallel_loop3A_1007], %parallel_loop3A_1010 {add = true, strides = array<i32>} : memref<16x1024xf32, #tpu.memory_space<vmem>>, vector<1x16xf32>,
      %parallel_loop3A_1011 = arith.constant 12 : i32
      %parallel_loop3A_1012 = arith.constant 0 : i32
      %parallel_loop3A_1013 = arith.constant 0 : i32
      %parallel_loop3A_1014 = tpu.memref_slice %arg5[%parallel_loop3A_619, %parallel_loop3A_1012, %parallel_loop3A_1013] : memref<2x16x1024xf32, #tpu.memory_space<vmem>> -> memref<1x16x1024xf32, #tpu.memory_space<vmem>>
      %parallel_loop3A_1015 = tpu.memref_squeeze %parallel_loop3A_1014 : memref<1x16x1024xf32, #tpu.memory_space<vmem>> -> memref<16x1024xf32, #tpu.memory_space<vmem>>
      %parallel_loop3A_1016 = arith.index_cast %parallel_loop3A_1011 : i32 to index
      %parallel_loop3A_1017 = arith.index_cast %parallel_loop3A_782 : i32 to index
      %parallel_loop3A_1018 = tpu.vector_load %parallel_loop3A_1015[%parallel_loop3A_1016, %parallel_loop3A_1017] {strides = array<i32>} : memref<16x1024xf32, #tpu.memory_space<vmem>>, vector<1x16xf32>,
      %parallel_loop3A_1019 = vector.shape_cast %parallel_loop3A_1018 : vector<1x16xf32> to vector<16xf32>
      %parallel_loop3A_1020 = arith.constant 12 : i32
      %parallel_loop3A_1021 = arith.constant 0 : i32
      %parallel_loop3A_1022 = arith.constant 0 : i32
      %parallel_loop3A_1023 = tpu.memref_slice %arg6[%parallel_loop3A_620, %parallel_loop3A_1021, %parallel_loop3A_1022] : memref<4x16x1024xf32, #tpu.memory_space<vmem>> -> memref<1x16x1024xf32, #tpu.memory_space<vmem>>
      %parallel_loop3A_1024 = tpu.memref_squeeze %parallel_loop3A_1023 : memref<1x16x1024xf32, #tpu.memory_space<vmem>> -> memref<16x1024xf32, #tpu.memory_space<vmem>>
      %parallel_loop3A_1025 = arith.index_cast %parallel_loop3A_1020 : i32 to index
      %parallel_loop3A_1026 = arith.index_cast %parallel_loop3A_782 : i32 to index
      %parallel_loop3A_1027 = tpu.vector_load %parallel_loop3A_1024[%parallel_loop3A_1025, %parallel_loop3A_1026] {strides = array<i32>} : memref<16x1024xf32, #tpu.memory_space<vmem>>, vector<1x16xf32>,
      %parallel_loop3A_1028 = vector.shape_cast %parallel_loop3A_1027 : vector<1x16xf32> to vector<16xf32>
      %parallel_loop3A_1029 = vector.shape_cast %parallel_loop3A_1019 : vector<16xf32> to vector<1x16xf32>
      tpu.vector_store %parallel_loop3A_1024[%parallel_loop3A_1025, %parallel_loop3A_1026], %parallel_loop3A_1029 {add = true, strides = array<i32>} : memref<16x1024xf32, #tpu.memory_space<vmem>>, vector<1x16xf32>,
      %parallel_loop3A_1030 = arith.constant 13 : i32
      %parallel_loop3A_1031 = arith.constant 0 : i32
      %parallel_loop3A_1032 = arith.constant 0 : i32
      %parallel_loop3A_1033 = tpu.memref_slice %arg5[%parallel_loop3A_619, %parallel_loop3A_1031, %parallel_loop3A_1032] : memref<2x16x1024xf32, #tpu.memory_space<vmem>> -> memref<1x16x1024xf32, #tpu.memory_space<vmem>>
      %parallel_loop3A_1034 = tpu.memref_squeeze %parallel_loop3A_1033 : memref<1x16x1024xf32, #tpu.memory_space<vmem>> -> memref<16x1024xf32, #tpu.memory_space<vmem>>
      %parallel_loop3A_1035 = arith.index_cast %parallel_loop3A_1030 : i32 to index
      %parallel_loop3A_1036 = arith.index_cast %parallel_loop3A_782 : i32 to index
      %parallel_loop3A_1037 = tpu.vector_load %parallel_loop3A_1034[%parallel_loop3A_1035, %parallel_loop3A_1036] {strides = array<i32>} : memref<16x1024xf32, #tpu.memory_space<vmem>>, vector<1x16xf32>,
      %parallel_loop3A_1038 = vector.shape_cast %parallel_loop3A_1037 : vector<1x16xf32> to vector<16xf32>
      %parallel_loop3A_1039 = arith.constant 13 : i32
      %parallel_loop3A_1040 = arith.constant 0 : i32
      %parallel_loop3A_1041 = arith.constant 0 : i32
      %parallel_loop3A_1042 = tpu.memref_slice %arg6[%parallel_loop3A_620, %parallel_loop3A_1040, %parallel_loop3A_1041] : memref<4x16x1024xf32, #tpu.memory_space<vmem>> -> memref<1x16x1024xf32, #tpu.memory_space<vmem>>
      %parallel_loop3A_1043 = tpu.memref_squeeze %parallel_loop3A_1042 : memref<1x16x1024xf32, #tpu.memory_space<vmem>> -> memref<16x1024xf32, #tpu.memory_space<vmem>>
      %parallel_loop3A_1044 = arith.index_cast %parallel_loop3A_1039 : i32 to index
      %parallel_loop3A_1045 = arith.index_cast %parallel_loop3A_782 : i32 to index
      %parallel_loop3A_1046 = tpu.vector_load %parallel_loop3A_1043[%parallel_loop3A_1044, %parallel_loop3A_1045] {strides = array<i32>} : memref<16x1024xf32, #tpu.memory_space<vmem>>, vector<1x16xf32>,
      %parallel_loop3A_1047 = vector.shape_cast %parallel_loop3A_1046 : vector<1x16xf32> to vector<16xf32>
      %parallel_loop3A_1048 = vector.shape_cast %parallel_loop3A_1038 : vector<16xf32> to vector<1x16xf32>
      tpu.vector_store %parallel_loop3A_1043[%parallel_loop3A_1044, %parallel_loop3A_1045], %parallel_loop3A_1048 {add = true, strides = array<i32>} : memref<16x1024xf32, #tpu.memory_space<vmem>>, vector<1x16xf32>,
      %parallel_loop3A_1049 = arith.constant 14 : i32
      %parallel_loop3A_1050 = arith.constant 0 : i32
      %parallel_loop3A_1051 = arith.constant 0 : i32
      %parallel_loop3A_1052 = tpu.memref_slice %arg5[%parallel_loop3A_619, %parallel_loop3A_1050, %parallel_loop3A_1051] : memref<2x16x1024xf32, #tpu.memory_space<vmem>> -> memref<1x16x1024xf32, #tpu.memory_space<vmem>>
      %parallel_loop3A_1053 = tpu.memref_squeeze %parallel_loop3A_1052 : memref<1x16x1024xf32, #tpu.memory_space<vmem>> -> memref<16x1024xf32, #tpu.memory_space<vmem>>
      %parallel_loop3A_1054 = arith.index_cast %parallel_loop3A_1049 : i32 to index
      %parallel_loop3A_1055 = arith.index_cast %parallel_loop3A_782 : i32 to index
      %parallel_loop3A_1056 = tpu.vector_load %parallel_loop3A_1053[%parallel_loop3A_1054, %parallel_loop3A_1055] {strides = array<i32>} : memref<16x1024xf32, #tpu.memory_space<vmem>>, vector<1x16xf32>,
      %parallel_loop3A_1057 = vector.shape_cast %parallel_loop3A_1056 : vector<1x16xf32> to vector<16xf32>
      %parallel_loop3A_1058 = arith.constant 14 : i32
      %parallel_loop3A_1059 = arith.constant 0 : i32
      %parallel_loop3A_1060 = arith.constant 0 : i32
      %parallel_loop3A_1061 = tpu.memref_slice %arg6[%parallel_loop3A_620, %parallel_loop3A_1059, %parallel_loop3A_1060] : memref<4x16x1024xf32, #tpu.memory_space<vmem>> -> memref<1x16x1024xf32, #tpu.memory_space<vmem>>
      %parallel_loop3A_1062 = tpu.memref_squeeze %parallel_loop3A_1061 : memref<1x16x1024xf32, #tpu.memory_space<vmem>> -> memref<16x1024xf32, #tpu.memory_space<vmem>>
      %parallel_loop3A_1063 = arith.index_cast %parallel_loop3A_1058 : i32 to index
      %parallel_loop3A_1064 = arith.index_cast %parallel_loop3A_782 : i32 to index
      %parallel_loop3A_1065 = tpu.vector_load %parallel_loop3A_1062[%parallel_loop3A_1063, %parallel_loop3A_1064] {strides = array<i32>} : memref<16x1024xf32, #tpu.memory_space<vmem>>, vector<1x16xf32>,
      %parallel_loop3A_1066 = vector.shape_cast %parallel_loop3A_1065 : vector<1x16xf32> to vector<16xf32>
      %parallel_loop3A_1067 = vector.shape_cast %parallel_loop3A_1057 : vector<16xf32> to vector<1x16xf32>
      tpu.vector_store %parallel_loop3A_1062[%parallel_loop3A_1063, %parallel_loop3A_1064], %parallel_loop3A_1067 {add = true, strides = array<i32>} : memref<16x1024xf32, #tpu.memory_space<vmem>>, vector<1x16xf32>,
      %parallel_loop3A_1068 = arith.constant 15 : i32
      %parallel_loop3A_1069 = arith.constant 0 : i32
      %parallel_loop3A_1070 = arith.constant 0 : i32
      %parallel_loop3A_1071 = tpu.memref_slice %arg5[%parallel_loop3A_619, %parallel_loop3A_1069, %parallel_loop3A_1070] : memref<2x16x1024xf32, #tpu.memory_space<vmem>> -> memref<1x16x1024xf32, #tpu.memory_space<vmem>>
      %parallel_loop3A_1072 = tpu.memref_squeeze %parallel_loop3A_1071 : memref<1x16x1024xf32, #tpu.memory_space<vmem>> -> memref<16x1024xf32, #tpu.memory_space<vmem>>
      %parallel_loop3A_1073 = arith.index_cast %parallel_loop3A_1068 : i32 to index
      %parallel_loop3A_1074 = arith.index_cast %parallel_loop3A_782 : i32 to index
      %parallel_loop3A_1075 = tpu.vector_load %parallel_loop3A_1072[%parallel_loop3A_1073, %parallel_loop3A_1074] {strides = array<i32>} : memref<16x1024xf32, #tpu.memory_space<vmem>>, vector<1x16xf32>,
      %parallel_loop3A_1076 = vector.shape_cast %parallel_loop3A_1075 : vector<1x16xf32> to vector<16xf32>
      %parallel_loop3A_1077 = arith.constant 15 : i32
      %parallel_loop3A_1078 = arith.constant 0 : i32
      %parallel_loop3A_1079 = arith.constant 0 : i32
      %parallel_loop3A_1080 = tpu.memref_slice %arg6[%parallel_loop3A_620, %parallel_loop3A_1078, %parallel_loop3A_1079] : memref<4x16x1024xf32, #tpu.memory_space<vmem>> -> memref<1x16x1024xf32, #tpu.memory_space<vmem>>
      %parallel_loop3A_1081 = tpu.memref_squeeze %parallel_loop3A_1080 : memref<1x16x1024xf32, #tpu.memory_space<vmem>> -> memref<16x1024xf32, #tpu.memory_space<vmem>>
      %parallel_loop3A_1082 = arith.index_cast %parallel_loop3A_1077 : i32 to index
      %parallel_loop3A_1083 = arith.index_cast %parallel_loop3A_782 : i32 to index
      %parallel_loop3A_1084 = tpu.vector_load %parallel_loop3A_1081[%parallel_loop3A_1082, %parallel_loop3A_1083] {strides = array<i32>} : memref<16x1024xf32, #tpu.memory_space<vmem>>, vector<1x16xf32>,
      %parallel_loop3A_1085 = vector.shape_cast %parallel_loop3A_1084 : vector<1x16xf32> to vector<16xf32>
      %parallel_loop3A_1086 = vector.shape_cast %parallel_loop3A_1076 : vector<16xf32> to vector<1x16xf32>
      tpu.vector_store %parallel_loop3A_1081[%parallel_loop3A_1082, %parallel_loop3A_1083], %parallel_loop3A_1086 {add = true, strides = array<i32>} : memref<16x1024xf32, #tpu.memory_space<vmem>>, vector<1x16xf32>,
    } {sc.loop_unroll_factor = 1 : i64, sc.parallel_access}
    %add3A_621 = arith.constant 16 : i32
    %add3A_622 = arith.addi %mul3A_2, %add3A_621 : i32
    %dma_start3A_623 = arith.constant 1 : i32
    %dma_start3A_624 = arith.constant 1 : i32
    %dma_start3A_625 = arith.constant 1 : i32
    %dma_start3A_626 = arith.constant 0 : i32
    %dma_start3A_627 = arith.constant 0 : i32
    %dma_start3A_628 = tpu.memref_slice %arg6[%dma_start3A_623, %dma_start3A_626, %dma_start3A_627] : memref<4x16x1024xf32, #tpu.memory_space<vmem>> -> memref<1x16x1024xf32, #tpu.memory_space<vmem>>
    %dma_start3A_629 = tpu.memref_squeeze %dma_start3A_628 : memref<1x16x1024xf32, #tpu.memory_space<vmem>> -> memref<16x1024xf32, #tpu.memory_space<vmem>>
    %dma_start3A_630 = arith.constant 0 : i32
    %dma_start3A_631 = tpu.memref_slice %arg4[%dma_start3A_624, %add3A_622, %dma_start3A_630] : memref<4x1024x1024xf32, #tpu.memory_space<hbm>> -> memref<1x16x1024xf32, #tpu.memory_space<hbm>>
    %dma_start3A_632 = tpu.memref_squeeze %dma_start3A_631 : memref<1x16x1024xf32, #tpu.memory_space<hbm>> -> memref<16x1024xf32, #tpu.memory_space<hbm>>
    %dma_start3A_633 = tpu.memref_slice %arg9[%dma_start3A_625] : memref<4x!tpu.dma_semaphore, #tpu.memory_space<semaphore_mem>> -> memref<1x!tpu.dma_semaphore, #tpu.memory_space<semaphore_mem>>
    %dma_start3A_634 = tpu.memref_squeeze %dma_start3A_633 : memref<1x!tpu.dma_semaphore, #tpu.memory_space<semaphore_mem>> -> memref<!tpu.dma_semaphore, #tpu.memory_space<semaphore_mem>>
    %dma_start3A_635 = arith.constant 0 : i32
    %dma_start3A_636 = tpu.memref_slice %arg4[%dma_start3A_624, %add3A_622, %dma_start3A_635] : memref<4x1024x1024xf32, #tpu.memory_space<hbm>> -> memref<1x16x1024xf32, #tpu.memory_space<hbm>>
    %dma_start3A_637 = tpu.memref_squeeze %dma_start3A_636 : memref<1x16x1024xf32, #tpu.memory_space<hbm>> -> memref<16x1024xf32, #tpu.memory_space<hbm>>
    %dma_start3A_638 = arith.constant 0 : i32
    %dma_start3A_639 = arith.constant 0 : i32
    %dma_start3A_640 = tpu.memref_slice %arg6[%dma_start3A_623, %dma_start3A_638, %dma_start3A_639] : memref<4x16x1024xf32, #tpu.memory_space<vmem>> -> memref<1x16x1024xf32, #tpu.memory_space<vmem>>
    %dma_start3A_641 = tpu.memref_squeeze %dma_start3A_640 : memref<1x16x1024xf32, #tpu.memory_space<vmem>> -> memref<16x1024xf32, #tpu.memory_space<vmem>>
    tpu.enqueue_dma source(%dma_start3A_641 : memref<16x1024xf32, #tpu.memory_space<vmem>>) target(%dma_start3A_637 : memref<16x1024xf32, #tpu.memory_space<hbm>>) target_semaphore(%dma_start3A_634 : memref<!tpu.dma_semaphore, #tpu.memory_space<semaphore_mem>>)
    %add3A_642 = arith.constant 3072 : i32
    %add3A_643 = arith.addi %add3A_642, %mul3A_2 : i32
    %add3A_644 = arith.constant 16 : i32
    %add3A_645 = arith.addi %add3A_643, %add3A_644 : i32
    %dma_wait3A_646 = arith.constant 2 : i32
    %dma_wait3A_647 = arith.constant 2 : i32
    %dma_wait3A_648 = arith.constant 2 : i32
    %dma_wait3A_649 = arith.constant 0 : i32
    %dma_wait3A_650 = arith.constant 0 : i32
    %dma_wait3A_651 = tpu.memref_slice %arg6[%dma_wait3A_647, %dma_wait3A_649, %dma_wait3A_650] : memref<4x16x1024xf32, #tpu.memory_space<vmem>> -> memref<1x16x1024xf32, #tpu.memory_space<vmem>>
    %dma_wait3A_652 = tpu.memref_squeeze %dma_wait3A_651 : memref<1x16x1024xf32, #tpu.memory_space<vmem>> -> memref<16x1024xf32, #tpu.memory_space<vmem>>
    %dma_wait3A_653 = arith.constant 0 : i32
    %dma_wait3A_654 = tpu.memref_slice %arg2[%dma_wait3A_646, %add3A_645, %dma_wait3A_653] : memref<4x4096x1024xf32, #tpu.memory_space<hbm>> -> memref<1x16x1024xf32, #tpu.memory_space<hbm>>
    %dma_wait3A_655 = tpu.memref_squeeze %dma_wait3A_654 : memref<1x16x1024xf32, #tpu.memory_space<hbm>> -> memref<16x1024xf32, #tpu.memory_space<hbm>>
    %dma_wait3A_656 = tpu.memref_slice %arg8[%dma_wait3A_648] : memref<4x!tpu.dma_semaphore, #tpu.memory_space<semaphore_mem>> -> memref<1x!tpu.dma_semaphore, #tpu.memory_space<semaphore_mem>>
    %dma_wait3A_657 = tpu.memref_squeeze %dma_wait3A_656 : memref<1x!tpu.dma_semaphore, #tpu.memory_space<semaphore_mem>> -> memref<!tpu.dma_semaphore, #tpu.memory_space<semaphore_mem>>
    %dma_wait3A_658 = arith.constant 0 : i32
    %dma_wait3A_659 = arith.constant 0 : i32
    %dma_wait3A_660 = tpu.memref_slice %arg6[%dma_wait3A_647, %dma_wait3A_658, %dma_wait3A_659] : memref<4x16x1024xf32, #tpu.memory_space<vmem>> -> memref<1x16x1024xf32, #tpu.memory_space<vmem>>
    %dma_wait3A_661 = tpu.memref_squeeze %dma_wait3A_660 : memref<1x16x1024xf32, #tpu.memory_space<vmem>> -> memref<16x1024xf32, #tpu.memory_space<vmem>>
    %dma_wait3A_662 = arith.constant 0 : i32
    %dma_wait3A_663 = tpu.memref_slice %arg2[%dma_wait3A_646, %add3A_645, %dma_wait3A_662] : memref<4x4096x1024xf32, #tpu.memory_space<hbm>> -> memref<1x16x1024xf32, #tpu.memory_space<hbm>>
    %dma_wait3A_664 = tpu.memref_squeeze %dma_wait3A_663 : memref<1x16x1024xf32, #tpu.memory_space<hbm>> -> memref<16x1024xf32, #tpu.memory_space<hbm>>
    tpu.wait_dma2 semaphore(%dma_wait3A_657 : memref<!tpu.dma_semaphore, #tpu.memory_space<semaphore_mem>>) src(%dma_wait3A_664 : memref<16x1024xf32, #tpu.memory_space<hbm>>) dst(%dma_wait3A_661 : memref<16x1024xf32, #tpu.memory_space<vmem>>)
    %parallel_loop3A_665 = arith.constant 0 : i32
    %parallel_loop3A_666 = arith.constant 1024 : i32
    %parallel_loop3A_667 = arith.constant 16 : i32
    %parallel_loop3A_668 = arith.constant 1 : i32
    %parallel_loop3A_669 = arith.constant 2 : i32
    scf.for %parallel_loop3A_782 = %parallel_loop3A_665 to %parallel_loop3A_666 step %parallel_loop3A_667  : i32 {
      %parallel_loop3A_783 = arith.constant 0 : i32
      %parallel_loop3A_784 = arith.constant 0 : i32
      %parallel_loop3A_785 = arith.constant 0 : i32
      %parallel_loop3A_786 = tpu.memref_slice %arg5[%parallel_loop3A_668, %parallel_loop3A_784, %parallel_loop3A_785] : memref<2x16x1024xf32, #tpu.memory_space<vmem>> -> memref<1x16x1024xf32, #tpu.memory_space<vmem>>
      %parallel_loop3A_787 = tpu.memref_squeeze %parallel_loop3A_786 : memref<1x16x1024xf32, #tpu.memory_space<vmem>> -> memref<16x1024xf32, #tpu.memory_space<vmem>>
      %parallel_loop3A_788 = arith.index_cast %parallel_loop3A_783 : i32 to index
      %parallel_loop3A_789 = arith.index_cast %parallel_loop3A_782 : i32 to index
      %parallel_loop3A_790 = tpu.vector_load %parallel_loop3A_787[%parallel_loop3A_788, %parallel_loop3A_789] {strides = array<i32>} : memref<16x1024xf32, #tpu.memory_space<vmem>>, vector<1x16xf32>,
      %parallel_loop3A_791 = vector.shape_cast %parallel_loop3A_790 : vector<1x16xf32> to vector<16xf32>
      %parallel_loop3A_792 = arith.constant 0 : i32
      %parallel_loop3A_793 = arith.constant 0 : i32
      %parallel_loop3A_794 = arith.constant 0 : i32
      %parallel_loop3A_795 = tpu.memref_slice %arg6[%parallel_loop3A_669, %parallel_loop3A_793, %parallel_loop3A_794] : memref<4x16x1024xf32, #tpu.memory_space<vmem>> -> memref<1x16x1024xf32, #tpu.memory_space<vmem>>
      %parallel_loop3A_796 = tpu.memref_squeeze %parallel_loop3A_795 : memref<1x16x1024xf32, #tpu.memory_space<vmem>> -> memref<16x1024xf32, #tpu.memory_space<vmem>>
      %parallel_loop3A_797 = arith.index_cast %parallel_loop3A_792 : i32 to index
      %parallel_loop3A_798 = arith.index_cast %parallel_loop3A_782 : i32 to index
      %parallel_loop3A_799 = tpu.vector_load %parallel_loop3A_796[%parallel_loop3A_797, %parallel_loop3A_798] {strides = array<i32>} : memref<16x1024xf32, #tpu.memory_space<vmem>>, vector<1x16xf32>,
      %parallel_loop3A_800 = vector.shape_cast %parallel_loop3A_799 : vector<1x16xf32> to vector<16xf32>
      %parallel_loop3A_801 = vector.shape_cast %parallel_loop3A_791 : vector<16xf32> to vector<1x16xf32>
      tpu.vector_store %parallel_loop3A_796[%parallel_loop3A_797, %parallel_loop3A_798], %parallel_loop3A_801 {add = true, strides = array<i32>} : memref<16x1024xf32, #tpu.memory_space<vmem>>, vector<1x16xf32>,
      %parallel_loop3A_802 = arith.constant 1 : i32
      %parallel_loop3A_803 = arith.constant 0 : i32
      %parallel_loop3A_804 = arith.constant 0 : i32
      %parallel_loop3A_805 = tpu.memref_slice %arg5[%parallel_loop3A_668, %parallel_loop3A_803, %parallel_loop3A_804] : memref<2x16x1024xf32, #tpu.memory_space<vmem>> -> memref<1x16x1024xf32, #tpu.memory_space<vmem>>
      %parallel_loop3A_806 = tpu.memref_squeeze %parallel_loop3A_805 : memref<1x16x1024xf32, #tpu.memory_space<vmem>> -> memref<16x1024xf32, #tpu.memory_space<vmem>>
      %parallel_loop3A_807 = arith.index_cast %parallel_loop3A_802 : i32 to index
      %parallel_loop3A_808 = arith.index_cast %parallel_loop3A_782 : i32 to index
      %parallel_loop3A_809 = tpu.vector_load %parallel_loop3A_806[%parallel_loop3A_807, %parallel_loop3A_808] {strides = array<i32>} : memref<16x1024xf32, #tpu.memory_space<vmem>>, vector<1x16xf32>,
      %parallel_loop3A_810 = vector.shape_cast %parallel_loop3A_809 : vector<1x16xf32> to vector<16xf32>
      %parallel_loop3A_811 = arith.constant 1 : i32
      %parallel_loop3A_812 = arith.constant 0 : i32
      %parallel_loop3A_813 = arith.constant 0 : i32
      %parallel_loop3A_814 = tpu.memref_slice %arg6[%parallel_loop3A_669, %parallel_loop3A_812, %parallel_loop3A_813] : memref<4x16x1024xf32, #tpu.memory_space<vmem>> -> memref<1x16x1024xf32, #tpu.memory_space<vmem>>
      %parallel_loop3A_815 = tpu.memref_squeeze %parallel_loop3A_814 : memref<1x16x1024xf32, #tpu.memory_space<vmem>> -> memref<16x1024xf32, #tpu.memory_space<vmem>>
      %parallel_loop3A_816 = arith.index_cast %parallel_loop3A_811 : i32 to index
      %parallel_loop3A_817 = arith.index_cast %parallel_loop3A_782 : i32 to index
      %parallel_loop3A_818 = tpu.vector_load %parallel_loop3A_815[%parallel_loop3A_816, %parallel_loop3A_817] {strides = array<i32>} : memref<16x1024xf32, #tpu.memory_space<vmem>>, vector<1x16xf32>,
      %parallel_loop3A_819 = vector.shape_cast %parallel_loop3A_818 : vector<1x16xf32> to vector<16xf32>
      %parallel_loop3A_820 = vector.shape_cast %parallel_loop3A_810 : vector<16xf32> to vector<1x16xf32>
      tpu.vector_store %parallel_loop3A_815[%parallel_loop3A_816, %parallel_loop3A_817], %parallel_loop3A_820 {add = true, strides = array<i32>} : memref<16x1024xf32, #tpu.memory_space<vmem>>, vector<1x16xf32>,
      %parallel_loop3A_821 = arith.constant 2 : i32
      %parallel_loop3A_822 = arith.constant 0 : i32
      %parallel_loop3A_823 = arith.constant 0 : i32
      %parallel_loop3A_824 = tpu.memref_slice %arg5[%parallel_loop3A_668, %parallel_loop3A_822, %parallel_loop3A_823] : memref<2x16x1024xf32, #tpu.memory_space<vmem>> -> memref<1x16x1024xf32, #tpu.memory_space<vmem>>
      %parallel_loop3A_825 = tpu.memref_squeeze %parallel_loop3A_824 : memref<1x16x1024xf32, #tpu.memory_space<vmem>> -> memref<16x1024xf32, #tpu.memory_space<vmem>>
      %parallel_loop3A_826 = arith.index_cast %parallel_loop3A_821 : i32 to index
      %parallel_loop3A_827 = arith.index_cast %parallel_loop3A_782 : i32 to index
      %parallel_loop3A_828 = tpu.vector_load %parallel_loop3A_825[%parallel_loop3A_826, %parallel_loop3A_827] {strides = array<i32>} : memref<16x1024xf32, #tpu.memory_space<vmem>>, vector<1x16xf32>,
      %parallel_loop3A_829 = vector.shape_cast %parallel_loop3A_828 : vector<1x16xf32> to vector<16xf32>
      %parallel_loop3A_830 = arith.constant 2 : i32
      %parallel_loop3A_831 = arith.constant 0 : i32
      %parallel_loop3A_832 = arith.constant 0 : i32
      %parallel_loop3A_833 = tpu.memref_slice %arg6[%parallel_loop3A_669, %parallel_loop3A_831, %parallel_loop3A_832] : memref<4x16x1024xf32, #tpu.memory_space<vmem>> -> memref<1x16x1024xf32, #tpu.memory_space<vmem>>
      %parallel_loop3A_834 = tpu.memref_squeeze %parallel_loop3A_833 : memref<1x16x1024xf32, #tpu.memory_space<vmem>> -> memref<16x1024xf32, #tpu.memory_space<vmem>>
      %parallel_loop3A_835 = arith.index_cast %parallel_loop3A_830 : i32 to index
      %parallel_loop3A_836 = arith.index_cast %parallel_loop3A_782 : i32 to index
      %parallel_loop3A_837 = tpu.vector_load %parallel_loop3A_834[%parallel_loop3A_835, %parallel_loop3A_836] {strides = array<i32>} : memref<16x1024xf32, #tpu.memory_space<vmem>>, vector<1x16xf32>,
      %parallel_loop3A_838 = vector.shape_cast %parallel_loop3A_837 : vector<1x16xf32> to vector<16xf32>
      %parallel_loop3A_839 = vector.shape_cast %parallel_loop3A_829 : vector<16xf32> to vector<1x16xf32>
      tpu.vector_store %parallel_loop3A_834[%parallel_loop3A_835, %parallel_loop3A_836], %parallel_loop3A_839 {add = true, strides = array<i32>} : memref<16x1024xf32, #tpu.memory_space<vmem>>, vector<1x16xf32>,
      %parallel_loop3A_840 = arith.constant 3 : i32
      %parallel_loop3A_841 = arith.constant 0 : i32
      %parallel_loop3A_842 = arith.constant 0 : i32
      %parallel_loop3A_843 = tpu.memref_slice %arg5[%parallel_loop3A_668, %parallel_loop3A_841, %parallel_loop3A_842] : memref<2x16x1024xf32, #tpu.memory_space<vmem>> -> memref<1x16x1024xf32, #tpu.memory_space<vmem>>
      %parallel_loop3A_844 = tpu.memref_squeeze %parallel_loop3A_843 : memref<1x16x1024xf32, #tpu.memory_space<vmem>> -> memref<16x1024xf32, #tpu.memory_space<vmem>>
      %parallel_loop3A_845 = arith.index_cast %parallel_loop3A_840 : i32 to index
      %parallel_loop3A_846 = arith.index_cast %parallel_loop3A_782 : i32 to index
      %parallel_loop3A_847 = tpu.vector_load %parallel_loop3A_844[%parallel_loop3A_845, %parallel_loop3A_846] {strides = array<i32>} : memref<16x1024xf32, #tpu.memory_space<vmem>>, vector<1x16xf32>,
      %parallel_loop3A_848 = vector.shape_cast %parallel_loop3A_847 : vector<1x16xf32> to vector<16xf32>
      %parallel_loop3A_849 = arith.constant 3 : i32
      %parallel_loop3A_850 = arith.constant 0 : i32
      %parallel_loop3A_851 = arith.constant 0 : i32
      %parallel_loop3A_852 = tpu.memref_slice %arg6[%parallel_loop3A_669, %parallel_loop3A_850, %parallel_loop3A_851] : memref<4x16x1024xf32, #tpu.memory_space<vmem>> -> memref<1x16x1024xf32, #tpu.memory_space<vmem>>
      %parallel_loop3A_853 = tpu.memref_squeeze %parallel_loop3A_852 : memref<1x16x1024xf32, #tpu.memory_space<vmem>> -> memref<16x1024xf32, #tpu.memory_space<vmem>>
      %parallel_loop3A_854 = arith.index_cast %parallel_loop3A_849 : i32 to index
      %parallel_loop3A_855 = arith.index_cast %parallel_loop3A_782 : i32 to index
      %parallel_loop3A_856 = tpu.vector_load %parallel_loop3A_853[%parallel_loop3A_854, %parallel_loop3A_855] {strides = array<i32>} : memref<16x1024xf32, #tpu.memory_space<vmem>>, vector<1x16xf32>,
      %parallel_loop3A_857 = vector.shape_cast %parallel_loop3A_856 : vector<1x16xf32> to vector<16xf32>
      %parallel_loop3A_858 = vector.shape_cast %parallel_loop3A_848 : vector<16xf32> to vector<1x16xf32>
      tpu.vector_store %parallel_loop3A_853[%parallel_loop3A_854, %parallel_loop3A_855], %parallel_loop3A_858 {add = true, strides = array<i32>} : memref<16x1024xf32, #tpu.memory_space<vmem>>, vector<1x16xf32>,
      %parallel_loop3A_859 = arith.constant 4 : i32
      %parallel_loop3A_860 = arith.constant 0 : i32
      %parallel_loop3A_861 = arith.constant 0 : i32
      %parallel_loop3A_862 = tpu.memref_slice %arg5[%parallel_loop3A_668, %parallel_loop3A_860, %parallel_loop3A_861] : memref<2x16x1024xf32, #tpu.memory_space<vmem>> -> memref<1x16x1024xf32, #tpu.memory_space<vmem>>
      %parallel_loop3A_863 = tpu.memref_squeeze %parallel_loop3A_862 : memref<1x16x1024xf32, #tpu.memory_space<vmem>> -> memref<16x1024xf32, #tpu.memory_space<vmem>>
      %parallel_loop3A_864 = arith.index_cast %parallel_loop3A_859 : i32 to index
      %parallel_loop3A_865 = arith.index_cast %parallel_loop3A_782 : i32 to index
      %parallel_loop3A_866 = tpu.vector_load %parallel_loop3A_863[%parallel_loop3A_864, %parallel_loop3A_865] {strides = array<i32>} : memref<16x1024xf32, #tpu.memory_space<vmem>>, vector<1x16xf32>,
      %parallel_loop3A_867 = vector.shape_cast %parallel_loop3A_866 : vector<1x16xf32> to vector<16xf32>
      %parallel_loop3A_868 = arith.constant 4 : i32
      %parallel_loop3A_869 = arith.constant 0 : i32
      %parallel_loop3A_870 = arith.constant 0 : i32
      %parallel_loop3A_871 = tpu.memref_slice %arg6[%parallel_loop3A_669, %parallel_loop3A_869, %parallel_loop3A_870] : memref<4x16x1024xf32, #tpu.memory_space<vmem>> -> memref<1x16x1024xf32, #tpu.memory_space<vmem>>
      %parallel_loop3A_872 = tpu.memref_squeeze %parallel_loop3A_871 : memref<1x16x1024xf32, #tpu.memory_space<vmem>> -> memref<16x1024xf32, #tpu.memory_space<vmem>>
      %parallel_loop3A_873 = arith.index_cast %parallel_loop3A_868 : i32 to index
      %parallel_loop3A_874 = arith.index_cast %parallel_loop3A_782 : i32 to index
      %parallel_loop3A_875 = tpu.vector_load %parallel_loop3A_872[%parallel_loop3A_873, %parallel_loop3A_874] {strides = array<i32>} : memref<16x1024xf32, #tpu.memory_space<vmem>>, vector<1x16xf32>,
      %parallel_loop3A_876 = vector.shape_cast %parallel_loop3A_875 : vector<1x16xf32> to vector<16xf32>
      %parallel_loop3A_877 = vector.shape_cast %parallel_loop3A_867 : vector<16xf32> to vector<1x16xf32>
      tpu.vector_store %parallel_loop3A_872[%parallel_loop3A_873, %parallel_loop3A_874], %parallel_loop3A_877 {add = true, strides = array<i32>} : memref<16x1024xf32, #tpu.memory_space<vmem>>, vector<1x16xf32>,
      %parallel_loop3A_878 = arith.constant 5 : i32
      %parallel_loop3A_879 = arith.constant 0 : i32
      %parallel_loop3A_880 = arith.constant 0 : i32
      %parallel_loop3A_881 = tpu.memref_slice %arg5[%parallel_loop3A_668, %parallel_loop3A_879, %parallel_loop3A_880] : memref<2x16x1024xf32, #tpu.memory_space<vmem>> -> memref<1x16x1024xf32, #tpu.memory_space<vmem>>
      %parallel_loop3A_882 = tpu.memref_squeeze %parallel_loop3A_881 : memref<1x16x1024xf32, #tpu.memory_space<vmem>> -> memref<16x1024xf32, #tpu.memory_space<vmem>>
      %parallel_loop3A_883 = arith.index_cast %parallel_loop3A_878 : i32 to index
      %parallel_loop3A_884 = arith.index_cast %parallel_loop3A_782 : i32 to index
      %parallel_loop3A_885 = tpu.vector_load %parallel_loop3A_882[%parallel_loop3A_883, %parallel_loop3A_884] {strides = array<i32>} : memref<16x1024xf32, #tpu.memory_space<vmem>>, vector<1x16xf32>,
      %parallel_loop3A_886 = vector.shape_cast %parallel_loop3A_885 : vector<1x16xf32> to vector<16xf32>
      %parallel_loop3A_887 = arith.constant 5 : i32
      %parallel_loop3A_888 = arith.constant 0 : i32
      %parallel_loop3A_889 = arith.constant 0 : i32
      %parallel_loop3A_890 = tpu.memref_slice %arg6[%parallel_loop3A_669, %parallel_loop3A_888, %parallel_loop3A_889] : memref<4x16x1024xf32, #tpu.memory_space<vmem>> -> memref<1x16x1024xf32, #tpu.memory_space<vmem>>
      %parallel_loop3A_891 = tpu.memref_squeeze %parallel_loop3A_890 : memref<1x16x1024xf32, #tpu.memory_space<vmem>> -> memref<16x1024xf32, #tpu.memory_space<vmem>>
      %parallel_loop3A_892 = arith.index_cast %parallel_loop3A_887 : i32 to index
      %parallel_loop3A_893 = arith.index_cast %parallel_loop3A_782 : i32 to index
      %parallel_loop3A_894 = tpu.vector_load %parallel_loop3A_891[%parallel_loop3A_892, %parallel_loop3A_893] {strides = array<i32>} : memref<16x1024xf32, #tpu.memory_space<vmem>>, vector<1x16xf32>,
      %parallel_loop3A_895 = vector.shape_cast %parallel_loop3A_894 : vector<1x16xf32> to vector<16xf32>
      %parallel_loop3A_896 = vector.shape_cast %parallel_loop3A_886 : vector<16xf32> to vector<1x16xf32>
      tpu.vector_store %parallel_loop3A_891[%parallel_loop3A_892, %parallel_loop3A_893], %parallel_loop3A_896 {add = true, strides = array<i32>} : memref<16x1024xf32, #tpu.memory_space<vmem>>, vector<1x16xf32>,
      %parallel_loop3A_897 = arith.constant 6 : i32
      %parallel_loop3A_898 = arith.constant 0 : i32
      %parallel_loop3A_899 = arith.constant 0 : i32
      %parallel_loop3A_900 = tpu.memref_slice %arg5[%parallel_loop3A_668, %parallel_loop3A_898, %parallel_loop3A_899] : memref<2x16x1024xf32, #tpu.memory_space<vmem>> -> memref<1x16x1024xf32, #tpu.memory_space<vmem>>
      %parallel_loop3A_901 = tpu.memref_squeeze %parallel_loop3A_900 : memref<1x16x1024xf32, #tpu.memory_space<vmem>> -> memref<16x1024xf32, #tpu.memory_space<vmem>>
      %parallel_loop3A_902 = arith.index_cast %parallel_loop3A_897 : i32 to index
      %parallel_loop3A_903 = arith.index_cast %parallel_loop3A_782 : i32 to index
      %parallel_loop3A_904 = tpu.vector_load %parallel_loop3A_901[%parallel_loop3A_902, %parallel_loop3A_903] {strides = array<i32>} : memref<16x1024xf32, #tpu.memory_space<vmem>>, vector<1x16xf32>,
      %parallel_loop3A_905 = vector.shape_cast %parallel_loop3A_904 : vector<1x16xf32> to vector<16xf32>
      %parallel_loop3A_906 = arith.constant 6 : i32
      %parallel_loop3A_907 = arith.constant 0 : i32
      %parallel_loop3A_908 = arith.constant 0 : i32
      %parallel_loop3A_909 = tpu.memref_slice %arg6[%parallel_loop3A_669, %parallel_loop3A_907, %parallel_loop3A_908] : memref<4x16x1024xf32, #tpu.memory_space<vmem>> -> memref<1x16x1024xf32, #tpu.memory_space<vmem>>
      %parallel_loop3A_910 = tpu.memref_squeeze %parallel_loop3A_909 : memref<1x16x1024xf32, #tpu.memory_space<vmem>> -> memref<16x1024xf32, #tpu.memory_space<vmem>>
      %parallel_loop3A_911 = arith.index_cast %parallel_loop3A_906 : i32 to index
      %parallel_loop3A_912 = arith.index_cast %parallel_loop3A_782 : i32 to index
      %parallel_loop3A_913 = tpu.vector_load %parallel_loop3A_910[%parallel_loop3A_911, %parallel_loop3A_912] {strides = array<i32>} : memref<16x1024xf32, #tpu.memory_space<vmem>>, vector<1x16xf32>,
      %parallel_loop3A_914 = vector.shape_cast %parallel_loop3A_913 : vector<1x16xf32> to vector<16xf32>
      %parallel_loop3A_915 = vector.shape_cast %parallel_loop3A_905 : vector<16xf32> to vector<1x16xf32>
      tpu.vector_store %parallel_loop3A_910[%parallel_loop3A_911, %parallel_loop3A_912], %parallel_loop3A_915 {add = true, strides = array<i32>} : memref<16x1024xf32, #tpu.memory_space<vmem>>, vector<1x16xf32>,
      %parallel_loop3A_916 = arith.constant 7 : i32
      %parallel_loop3A_917 = arith.constant 0 : i32
      %parallel_loop3A_918 = arith.constant 0 : i32
      %parallel_loop3A_919 = tpu.memref_slice %arg5[%parallel_loop3A_668, %parallel_loop3A_917, %parallel_loop3A_918] : memref<2x16x1024xf32, #tpu.memory_space<vmem>> -> memref<1x16x1024xf32, #tpu.memory_space<vmem>>
      %parallel_loop3A_920 = tpu.memref_squeeze %parallel_loop3A_919 : memref<1x16x1024xf32, #tpu.memory_space<vmem>> -> memref<16x1024xf32, #tpu.memory_space<vmem>>
      %parallel_loop3A_921 = arith.index_cast %parallel_loop3A_916 : i32 to index
      %parallel_loop3A_922 = arith.index_cast %parallel_loop3A_782 : i32 to index
      %parallel_loop3A_923 = tpu.vector_load %parallel_loop3A_920[%parallel_loop3A_921, %parallel_loop3A_922] {strides = array<i32>} : memref<16x1024xf32, #tpu.memory_space<vmem>>, vector<1x16xf32>,
      %parallel_loop3A_924 = vector.shape_cast %parallel_loop3A_923 : vector<1x16xf32> to vector<16xf32>
      %parallel_loop3A_925 = arith.constant 7 : i32
      %parallel_loop3A_926 = arith.constant 0 : i32
      %parallel_loop3A_927 = arith.constant 0 : i32
      %parallel_loop3A_928 = tpu.memref_slice %arg6[%parallel_loop3A_669, %parallel_loop3A_926, %parallel_loop3A_927] : memref<4x16x1024xf32, #tpu.memory_space<vmem>> -> memref<1x16x1024xf32, #tpu.memory_space<vmem>>
      %parallel_loop3A_929 = tpu.memref_squeeze %parallel_loop3A_928 : memref<1x16x1024xf32, #tpu.memory_space<vmem>> -> memref<16x1024xf32, #tpu.memory_space<vmem>>
      %parallel_loop3A_930 = arith.index_cast %parallel_loop3A_925 : i32 to index
      %parallel_loop3A_931 = arith.index_cast %parallel_loop3A_782 : i32 to index
      %parallel_loop3A_932 = tpu.vector_load %parallel_loop3A_929[%parallel_loop3A_930, %parallel_loop3A_931] {strides = array<i32>} : memref<16x1024xf32, #tpu.memory_space<vmem>>, vector<1x16xf32>,
      %parallel_loop3A_933 = vector.shape_cast %parallel_loop3A_932 : vector<1x16xf32> to vector<16xf32>
      %parallel_loop3A_934 = vector.shape_cast %parallel_loop3A_924 : vector<16xf32> to vector<1x16xf32>
      tpu.vector_store %parallel_loop3A_929[%parallel_loop3A_930, %parallel_loop3A_931], %parallel_loop3A_934 {add = true, strides = array<i32>} : memref<16x1024xf32, #tpu.memory_space<vmem>>, vector<1x16xf32>,
      %parallel_loop3A_935 = arith.constant 8 : i32
      %parallel_loop3A_936 = arith.constant 0 : i32
      %parallel_loop3A_937 = arith.constant 0 : i32
      %parallel_loop3A_938 = tpu.memref_slice %arg5[%parallel_loop3A_668, %parallel_loop3A_936, %parallel_loop3A_937] : memref<2x16x1024xf32, #tpu.memory_space<vmem>> -> memref<1x16x1024xf32, #tpu.memory_space<vmem>>
      %parallel_loop3A_939 = tpu.memref_squeeze %parallel_loop3A_938 : memref<1x16x1024xf32, #tpu.memory_space<vmem>> -> memref<16x1024xf32, #tpu.memory_space<vmem>>
      %parallel_loop3A_940 = arith.index_cast %parallel_loop3A_935 : i32 to index
      %parallel_loop3A_941 = arith.index_cast %parallel_loop3A_782 : i32 to index
      %parallel_loop3A_942 = tpu.vector_load %parallel_loop3A_939[%parallel_loop3A_940, %parallel_loop3A_941] {strides = array<i32>} : memref<16x1024xf32, #tpu.memory_space<vmem>>, vector<1x16xf32>,
      %parallel_loop3A_943 = vector.shape_cast %parallel_loop3A_942 : vector<1x16xf32> to vector<16xf32>
      %parallel_loop3A_944 = arith.constant 8 : i32
      %parallel_loop3A_945 = arith.constant 0 : i32
      %parallel_loop3A_946 = arith.constant 0 : i32
      %parallel_loop3A_947 = tpu.memref_slice %arg6[%parallel_loop3A_669, %parallel_loop3A_945, %parallel_loop3A_946] : memref<4x16x1024xf32, #tpu.memory_space<vmem>> -> memref<1x16x1024xf32, #tpu.memory_space<vmem>>
      %parallel_loop3A_948 = tpu.memref_squeeze %parallel_loop3A_947 : memref<1x16x1024xf32, #tpu.memory_space<vmem>> -> memref<16x1024xf32, #tpu.memory_space<vmem>>
      %parallel_loop3A_949 = arith.index_cast %parallel_loop3A_944 : i32 to index
      %parallel_loop3A_950 = arith.index_cast %parallel_loop3A_782 : i32 to index
      %parallel_loop3A_951 = tpu.vector_load %parallel_loop3A_948[%parallel_loop3A_949, %parallel_loop3A_950] {strides = array<i32>} : memref<16x1024xf32, #tpu.memory_space<vmem>>, vector<1x16xf32>,
      %parallel_loop3A_952 = vector.shape_cast %parallel_loop3A_951 : vector<1x16xf32> to vector<16xf32>
      %parallel_loop3A_953 = vector.shape_cast %parallel_loop3A_943 : vector<16xf32> to vector<1x16xf32>
      tpu.vector_store %parallel_loop3A_948[%parallel_loop3A_949, %parallel_loop3A_950], %parallel_loop3A_953 {add = true, strides = array<i32>} : memref<16x1024xf32, #tpu.memory_space<vmem>>, vector<1x16xf32>,
      %parallel_loop3A_954 = arith.constant 9 : i32
      %parallel_loop3A_955 = arith.constant 0 : i32
      %parallel_loop3A_956 = arith.constant 0 : i32
      %parallel_loop3A_957 = tpu.memref_slice %arg5[%parallel_loop3A_668, %parallel_loop3A_955, %parallel_loop3A_956] : memref<2x16x1024xf32, #tpu.memory_space<vmem>> -> memref<1x16x1024xf32, #tpu.memory_space<vmem>>
      %parallel_loop3A_958 = tpu.memref_squeeze %parallel_loop3A_957 : memref<1x16x1024xf32, #tpu.memory_space<vmem>> -> memref<16x1024xf32, #tpu.memory_space<vmem>>
      %parallel_loop3A_959 = arith.index_cast %parallel_loop3A_954 : i32 to index
      %parallel_loop3A_960 = arith.index_cast %parallel_loop3A_782 : i32 to index
      %parallel_loop3A_961 = tpu.vector_load %parallel_loop3A_958[%parallel_loop3A_959, %parallel_loop3A_960] {strides = array<i32>} : memref<16x1024xf32, #tpu.memory_space<vmem>>, vector<1x16xf32>,
      %parallel_loop3A_962 = vector.shape_cast %parallel_loop3A_961 : vector<1x16xf32> to vector<16xf32>
      %parallel_loop3A_963 = arith.constant 9 : i32
      %parallel_loop3A_964 = arith.constant 0 : i32
      %parallel_loop3A_965 = arith.constant 0 : i32
      %parallel_loop3A_966 = tpu.memref_slice %arg6[%parallel_loop3A_669, %parallel_loop3A_964, %parallel_loop3A_965] : memref<4x16x1024xf32, #tpu.memory_space<vmem>> -> memref<1x16x1024xf32, #tpu.memory_space<vmem>>
      %parallel_loop3A_967 = tpu.memref_squeeze %parallel_loop3A_966 : memref<1x16x1024xf32, #tpu.memory_space<vmem>> -> memref<16x1024xf32, #tpu.memory_space<vmem>>
      %parallel_loop3A_968 = arith.index_cast %parallel_loop3A_963 : i32 to index
      %parallel_loop3A_969 = arith.index_cast %parallel_loop3A_782 : i32 to index
      %parallel_loop3A_970 = tpu.vector_load %parallel_loop3A_967[%parallel_loop3A_968, %parallel_loop3A_969] {strides = array<i32>} : memref<16x1024xf32, #tpu.memory_space<vmem>>, vector<1x16xf32>,
      %parallel_loop3A_971 = vector.shape_cast %parallel_loop3A_970 : vector<1x16xf32> to vector<16xf32>
      %parallel_loop3A_972 = vector.shape_cast %parallel_loop3A_962 : vector<16xf32> to vector<1x16xf32>
      tpu.vector_store %parallel_loop3A_967[%parallel_loop3A_968, %parallel_loop3A_969], %parallel_loop3A_972 {add = true, strides = array<i32>} : memref<16x1024xf32, #tpu.memory_space<vmem>>, vector<1x16xf32>,
      %parallel_loop3A_973 = arith.constant 10 : i32
      %parallel_loop3A_974 = arith.constant 0 : i32
      %parallel_loop3A_975 = arith.constant 0 : i32
      %parallel_loop3A_976 = tpu.memref_slice %arg5[%parallel_loop3A_668, %parallel_loop3A_974, %parallel_loop3A_975] : memref<2x16x1024xf32, #tpu.memory_space<vmem>> -> memref<1x16x1024xf32, #tpu.memory_space<vmem>>
      %parallel_loop3A_977 = tpu.memref_squeeze %parallel_loop3A_976 : memref<1x16x1024xf32, #tpu.memory_space<vmem>> -> memref<16x1024xf32, #tpu.memory_space<vmem>>
      %parallel_loop3A_978 = arith.index_cast %parallel_loop3A_973 : i32 to index
      %parallel_loop3A_979 = arith.index_cast %parallel_loop3A_782 : i32 to index
      %parallel_loop3A_980 = tpu.vector_load %parallel_loop3A_977[%parallel_loop3A_978, %parallel_loop3A_979] {strides = array<i32>} : memref<16x1024xf32, #tpu.memory_space<vmem>>, vector<1x16xf32>,
      %parallel_loop3A_981 = vector.shape_cast %parallel_loop3A_980 : vector<1x16xf32> to vector<16xf32>
      %parallel_loop3A_982 = arith.constant 10 : i32
      %parallel_loop3A_983 = arith.constant 0 : i32
      %parallel_loop3A_984 = arith.constant 0 : i32
      %parallel_loop3A_985 = tpu.memref_slice %arg6[%parallel_loop3A_669, %parallel_loop3A_983, %parallel_loop3A_984] : memref<4x16x1024xf32, #tpu.memory_space<vmem>> -> memref<1x16x1024xf32, #tpu.memory_space<vmem>>
      %parallel_loop3A_986 = tpu.memref_squeeze %parallel_loop3A_985 : memref<1x16x1024xf32, #tpu.memory_space<vmem>> -> memref<16x1024xf32, #tpu.memory_space<vmem>>
      %parallel_loop3A_987 = arith.index_cast %parallel_loop3A_982 : i32 to index
      %parallel_loop3A_988 = arith.index_cast %parallel_loop3A_782 : i32 to index
      %parallel_loop3A_989 = tpu.vector_load %parallel_loop3A_986[%parallel_loop3A_987, %parallel_loop3A_988] {strides = array<i32>} : memref<16x1024xf32, #tpu.memory_space<vmem>>, vector<1x16xf32>,
      %parallel_loop3A_990 = vector.shape_cast %parallel_loop3A_989 : vector<1x16xf32> to vector<16xf32>
      %parallel_loop3A_991 = vector.shape_cast %parallel_loop3A_981 : vector<16xf32> to vector<1x16xf32>
      tpu.vector_store %parallel_loop3A_986[%parallel_loop3A_987, %parallel_loop3A_988], %parallel_loop3A_991 {add = true, strides = array<i32>} : memref<16x1024xf32, #tpu.memory_space<vmem>>, vector<1x16xf32>,
      %parallel_loop3A_992 = arith.constant 11 : i32
      %parallel_loop3A_993 = arith.constant 0 : i32
      %parallel_loop3A_994 = arith.constant 0 : i32
      %parallel_loop3A_995 = tpu.memref_slice %arg5[%parallel_loop3A_668, %parallel_loop3A_993, %parallel_loop3A_994] : memref<2x16x1024xf32, #tpu.memory_space<vmem>> -> memref<1x16x1024xf32, #tpu.memory_space<vmem>>
      %parallel_loop3A_996 = tpu.memref_squeeze %parallel_loop3A_995 : memref<1x16x1024xf32, #tpu.memory_space<vmem>> -> memref<16x1024xf32, #tpu.memory_space<vmem>>
      %parallel_loop3A_997 = arith.index_cast %parallel_loop3A_992 : i32 to index
      %parallel_loop3A_998 = arith.index_cast %parallel_loop3A_782 : i32 to index
      %parallel_loop3A_999 = tpu.vector_load %parallel_loop3A_996[%parallel_loop3A_997, %parallel_loop3A_998] {strides = array<i32>} : memref<16x1024xf32, #tpu.memory_space<vmem>>, vector<1x16xf32>,
      %parallel_loop3A_1000 = vector.shape_cast %parallel_loop3A_999 : vector<1x16xf32> to vector<16xf32>
      %parallel_loop3A_1001 = arith.constant 11 : i32
      %parallel_loop3A_1002 = arith.constant 0 : i32
      %parallel_loop3A_1003 = arith.constant 0 : i32
      %parallel_loop3A_1004 = tpu.memref_slice %arg6[%parallel_loop3A_669, %parallel_loop3A_1002, %parallel_loop3A_1003] : memref<4x16x1024xf32, #tpu.memory_space<vmem>> -> memref<1x16x1024xf32, #tpu.memory_space<vmem>>
      %parallel_loop3A_1005 = tpu.memref_squeeze %parallel_loop3A_1004 : memref<1x16x1024xf32, #tpu.memory_space<vmem>> -> memref<16x1024xf32, #tpu.memory_space<vmem>>
      %parallel_loop3A_1006 = arith.index_cast %parallel_loop3A_1001 : i32 to index
      %parallel_loop3A_1007 = arith.index_cast %parallel_loop3A_782 : i32 to index
      %parallel_loop3A_1008 = tpu.vector_load %parallel_loop3A_1005[%parallel_loop3A_1006, %parallel_loop3A_1007] {strides = array<i32>} : memref<16x1024xf32, #tpu.memory_space<vmem>>, vector<1x16xf32>,
      %parallel_loop3A_1009 = vector.shape_cast %parallel_loop3A_1008 : vector<1x16xf32> to vector<16xf32>
      %parallel_loop3A_1010 = vector.shape_cast %parallel_loop3A_1000 : vector<16xf32> to vector<1x16xf32>
      tpu.vector_store %parallel_loop3A_1005[%parallel_loop3A_1006, %parallel_loop3A_1007], %parallel_loop3A_1010 {add = true, strides = array<i32>} : memref<16x1024xf32, #tpu.memory_space<vmem>>, vector<1x16xf32>,
      %parallel_loop3A_1011 = arith.constant 12 : i32
      %parallel_loop3A_1012 = arith.constant 0 : i32
      %parallel_loop3A_1013 = arith.constant 0 : i32
      %parallel_loop3A_1014 = tpu.memref_slice %arg5[%parallel_loop3A_668, %parallel_loop3A_1012, %parallel_loop3A_1013] : memref<2x16x1024xf32, #tpu.memory_space<vmem>> -> memref<1x16x1024xf32, #tpu.memory_space<vmem>>
      %parallel_loop3A_1015 = tpu.memref_squeeze %parallel_loop3A_1014 : memref<1x16x1024xf32, #tpu.memory_space<vmem>> -> memref<16x1024xf32, #tpu.memory_space<vmem>>
      %parallel_loop3A_1016 = arith.index_cast %parallel_loop3A_1011 : i32 to index
      %parallel_loop3A_1017 = arith.index_cast %parallel_loop3A_782 : i32 to index
      %parallel_loop3A_1018 = tpu.vector_load %parallel_loop3A_1015[%parallel_loop3A_1016, %parallel_loop3A_1017] {strides = array<i32>} : memref<16x1024xf32, #tpu.memory_space<vmem>>, vector<1x16xf32>,
      %parallel_loop3A_1019 = vector.shape_cast %parallel_loop3A_1018 : vector<1x16xf32> to vector<16xf32>
      %parallel_loop3A_1020 = arith.constant 12 : i32
      %parallel_loop3A_1021 = arith.constant 0 : i32
      %parallel_loop3A_1022 = arith.constant 0 : i32
      %parallel_loop3A_1023 = tpu.memref_slice %arg6[%parallel_loop3A_669, %parallel_loop3A_1021, %parallel_loop3A_1022] : memref<4x16x1024xf32, #tpu.memory_space<vmem>> -> memref<1x16x1024xf32, #tpu.memory_space<vmem>>
      %parallel_loop3A_1024 = tpu.memref_squeeze %parallel_loop3A_1023 : memref<1x16x1024xf32, #tpu.memory_space<vmem>> -> memref<16x1024xf32, #tpu.memory_space<vmem>>
      %parallel_loop3A_1025 = arith.index_cast %parallel_loop3A_1020 : i32 to index
      %parallel_loop3A_1026 = arith.index_cast %parallel_loop3A_782 : i32 to index
      %parallel_loop3A_1027 = tpu.vector_load %parallel_loop3A_1024[%parallel_loop3A_1025, %parallel_loop3A_1026] {strides = array<i32>} : memref<16x1024xf32, #tpu.memory_space<vmem>>, vector<1x16xf32>,
      %parallel_loop3A_1028 = vector.shape_cast %parallel_loop3A_1027 : vector<1x16xf32> to vector<16xf32>
      %parallel_loop3A_1029 = vector.shape_cast %parallel_loop3A_1019 : vector<16xf32> to vector<1x16xf32>
      tpu.vector_store %parallel_loop3A_1024[%parallel_loop3A_1025, %parallel_loop3A_1026], %parallel_loop3A_1029 {add = true, strides = array<i32>} : memref<16x1024xf32, #tpu.memory_space<vmem>>, vector<1x16xf32>,
      %parallel_loop3A_1030 = arith.constant 13 : i32
      %parallel_loop3A_1031 = arith.constant 0 : i32
      %parallel_loop3A_1032 = arith.constant 0 : i32
      %parallel_loop3A_1033 = tpu.memref_slice %arg5[%parallel_loop3A_668, %parallel_loop3A_1031, %parallel_loop3A_1032] : memref<2x16x1024xf32, #tpu.memory_space<vmem>> -> memref<1x16x1024xf32, #tpu.memory_space<vmem>>
      %parallel_loop3A_1034 = tpu.memref_squeeze %parallel_loop3A_1033 : memref<1x16x1024xf32, #tpu.memory_space<vmem>> -> memref<16x1024xf32, #tpu.memory_space<vmem>>
      %parallel_loop3A_1035 = arith.index_cast %parallel_loop3A_1030 : i32 to index
      %parallel_loop3A_1036 = arith.index_cast %parallel_loop3A_782 : i32 to index
      %parallel_loop3A_1037 = tpu.vector_load %parallel_loop3A_1034[%parallel_loop3A_1035, %parallel_loop3A_1036] {strides = array<i32>} : memref<16x1024xf32, #tpu.memory_space<vmem>>, vector<1x16xf32>,
      %parallel_loop3A_1038 = vector.shape_cast %parallel_loop3A_1037 : vector<1x16xf32> to vector<16xf32>
      %parallel_loop3A_1039 = arith.constant 13 : i32
      %parallel_loop3A_1040 = arith.constant 0 : i32
      %parallel_loop3A_1041 = arith.constant 0 : i32
      %parallel_loop3A_1042 = tpu.memref_slice %arg6[%parallel_loop3A_669, %parallel_loop3A_1040, %parallel_loop3A_1041] : memref<4x16x1024xf32, #tpu.memory_space<vmem>> -> memref<1x16x1024xf32, #tpu.memory_space<vmem>>
      %parallel_loop3A_1043 = tpu.memref_squeeze %parallel_loop3A_1042 : memref<1x16x1024xf32, #tpu.memory_space<vmem>> -> memref<16x1024xf32, #tpu.memory_space<vmem>>
      %parallel_loop3A_1044 = arith.index_cast %parallel_loop3A_1039 : i32 to index
      %parallel_loop3A_1045 = arith.index_cast %parallel_loop3A_782 : i32 to index
      %parallel_loop3A_1046 = tpu.vector_load %parallel_loop3A_1043[%parallel_loop3A_1044, %parallel_loop3A_1045] {strides = array<i32>} : memref<16x1024xf32, #tpu.memory_space<vmem>>, vector<1x16xf32>,
      %parallel_loop3A_1047 = vector.shape_cast %parallel_loop3A_1046 : vector<1x16xf32> to vector<16xf32>
      %parallel_loop3A_1048 = vector.shape_cast %parallel_loop3A_1038 : vector<16xf32> to vector<1x16xf32>
      tpu.vector_store %parallel_loop3A_1043[%parallel_loop3A_1044, %parallel_loop3A_1045], %parallel_loop3A_1048 {add = true, strides = array<i32>} : memref<16x1024xf32, #tpu.memory_space<vmem>>, vector<1x16xf32>,
      %parallel_loop3A_1049 = arith.constant 14 : i32
      %parallel_loop3A_1050 = arith.constant 0 : i32
      %parallel_loop3A_1051 = arith.constant 0 : i32
      %parallel_loop3A_1052 = tpu.memref_slice %arg5[%parallel_loop3A_668, %parallel_loop3A_1050, %parallel_loop3A_1051] : memref<2x16x1024xf32, #tpu.memory_space<vmem>> -> memref<1x16x1024xf32, #tpu.memory_space<vmem>>
      %parallel_loop3A_1053 = tpu.memref_squeeze %parallel_loop3A_1052 : memref<1x16x1024xf32, #tpu.memory_space<vmem>> -> memref<16x1024xf32, #tpu.memory_space<vmem>>
      %parallel_loop3A_1054 = arith.index_cast %parallel_loop3A_1049 : i32 to index
      %parallel_loop3A_1055 = arith.index_cast %parallel_loop3A_782 : i32 to index
      %parallel_loop3A_1056 = tpu.vector_load %parallel_loop3A_1053[%parallel_loop3A_1054, %parallel_loop3A_1055] {strides = array<i32>} : memref<16x1024xf32, #tpu.memory_space<vmem>>, vector<1x16xf32>,
      %parallel_loop3A_1057 = vector.shape_cast %parallel_loop3A_1056 : vector<1x16xf32> to vector<16xf32>
      %parallel_loop3A_1058 = arith.constant 14 : i32
      %parallel_loop3A_1059 = arith.constant 0 : i32
      %parallel_loop3A_1060 = arith.constant 0 : i32
      %parallel_loop3A_1061 = tpu.memref_slice %arg6[%parallel_loop3A_669, %parallel_loop3A_1059, %parallel_loop3A_1060] : memref<4x16x1024xf32, #tpu.memory_space<vmem>> -> memref<1x16x1024xf32, #tpu.memory_space<vmem>>
      %parallel_loop3A_1062 = tpu.memref_squeeze %parallel_loop3A_1061 : memref<1x16x1024xf32, #tpu.memory_space<vmem>> -> memref<16x1024xf32, #tpu.memory_space<vmem>>
      %parallel_loop3A_1063 = arith.index_cast %parallel_loop3A_1058 : i32 to index
      %parallel_loop3A_1064 = arith.index_cast %parallel_loop3A_782 : i32 to index
      %parallel_loop3A_1065 = tpu.vector_load %parallel_loop3A_1062[%parallel_loop3A_1063, %parallel_loop3A_1064] {strides = array<i32>} : memref<16x1024xf32, #tpu.memory_space<vmem>>, vector<1x16xf32>,
      %parallel_loop3A_1066 = vector.shape_cast %parallel_loop3A_1065 : vector<1x16xf32> to vector<16xf32>
      %parallel_loop3A_1067 = vector.shape_cast %parallel_loop3A_1057 : vector<16xf32> to vector<1x16xf32>
      tpu.vector_store %parallel_loop3A_1062[%parallel_loop3A_1063, %parallel_loop3A_1064], %parallel_loop3A_1067 {add = true, strides = array<i32>} : memref<16x1024xf32, #tpu.memory_space<vmem>>, vector<1x16xf32>,
      %parallel_loop3A_1068 = arith.constant 15 : i32
      %parallel_loop3A_1069 = arith.constant 0 : i32
      %parallel_loop3A_1070 = arith.constant 0 : i32
      %parallel_loop3A_1071 = tpu.memref_slice %arg5[%parallel_loop3A_668, %parallel_loop3A_1069, %parallel_loop3A_1070] : memref<2x16x1024xf32, #tpu.memory_space<vmem>> -> memref<1x16x1024xf32, #tpu.memory_space<vmem>>
      %parallel_loop3A_1072 = tpu.memref_squeeze %parallel_loop3A_1071 : memref<1x16x1024xf32, #tpu.memory_space<vmem>> -> memref<16x1024xf32, #tpu.memory_space<vmem>>
      %parallel_loop3A_1073 = arith.index_cast %parallel_loop3A_1068 : i32 to index
      %parallel_loop3A_1074 = arith.index_cast %parallel_loop3A_782 : i32 to index
      %parallel_loop3A_1075 = tpu.vector_load %parallel_loop3A_1072[%parallel_loop3A_1073, %parallel_loop3A_1074] {strides = array<i32>} : memref<16x1024xf32, #tpu.memory_space<vmem>>, vector<1x16xf32>,
      %parallel_loop3A_1076 = vector.shape_cast %parallel_loop3A_1075 : vector<1x16xf32> to vector<16xf32>
      %parallel_loop3A_1077 = arith.constant 15 : i32
      %parallel_loop3A_1078 = arith.constant 0 : i32
      %parallel_loop3A_1079 = arith.constant 0 : i32
      %parallel_loop3A_1080 = tpu.memref_slice %arg6[%parallel_loop3A_669, %parallel_loop3A_1078, %parallel_loop3A_1079] : memref<4x16x1024xf32, #tpu.memory_space<vmem>> -> memref<1x16x1024xf32, #tpu.memory_space<vmem>>
      %parallel_loop3A_1081 = tpu.memref_squeeze %parallel_loop3A_1080 : memref<1x16x1024xf32, #tpu.memory_space<vmem>> -> memref<16x1024xf32, #tpu.memory_space<vmem>>
      %parallel_loop3A_1082 = arith.index_cast %parallel_loop3A_1077 : i32 to index
      %parallel_loop3A_1083 = arith.index_cast %parallel_loop3A_782 : i32 to index
      %parallel_loop3A_1084 = tpu.vector_load %parallel_loop3A_1081[%parallel_loop3A_1082, %parallel_loop3A_1083] {strides = array<i32>} : memref<16x1024xf32, #tpu.memory_space<vmem>>, vector<1x16xf32>,
      %parallel_loop3A_1085 = vector.shape_cast %parallel_loop3A_1084 : vector<1x16xf32> to vector<16xf32>
      %parallel_loop3A_1086 = vector.shape_cast %parallel_loop3A_1076 : vector<16xf32> to vector<1x16xf32>
      tpu.vector_store %parallel_loop3A_1081[%parallel_loop3A_1082, %parallel_loop3A_1083], %parallel_loop3A_1086 {add = true, strides = array<i32>} : memref<16x1024xf32, #tpu.memory_space<vmem>>, vector<1x16xf32>,
    } {sc.loop_unroll_factor = 1 : i64, sc.parallel_access}
    %add3A_670 = arith.constant 16 : i32
    %add3A_671 = arith.addi %mul3A_2, %add3A_670 : i32
    %dma_start3A_672 = arith.constant 2 : i32
    %dma_start3A_673 = arith.constant 2 : i32
    %dma_start3A_674 = arith.constant 2 : i32
    %dma_start3A_675 = arith.constant 0 : i32
    %dma_start3A_676 = arith.constant 0 : i32
    %dma_start3A_677 = tpu.memref_slice %arg6[%dma_start3A_672, %dma_start3A_675, %dma_start3A_676] : memref<4x16x1024xf32, #tpu.memory_space<vmem>> -> memref<1x16x1024xf32, #tpu.memory_space<vmem>>
    %dma_start3A_678 = tpu.memref_squeeze %dma_start3A_677 : memref<1x16x1024xf32, #tpu.memory_space<vmem>> -> memref<16x1024xf32, #tpu.memory_space<vmem>>
    %dma_start3A_679 = arith.constant 0 : i32
    %dma_start3A_680 = tpu.memref_slice %arg4[%dma_start3A_673, %add3A_671, %dma_start3A_679] : memref<4x1024x1024xf32, #tpu.memory_space<hbm>> -> memref<1x16x1024xf32, #tpu.memory_space<hbm>>
    %dma_start3A_681 = tpu.memref_squeeze %dma_start3A_680 : memref<1x16x1024xf32, #tpu.memory_space<hbm>> -> memref<16x1024xf32, #tpu.memory_space<hbm>>
    %dma_start3A_682 = tpu.memref_slice %arg9[%dma_start3A_674] : memref<4x!tpu.dma_semaphore, #tpu.memory_space<semaphore_mem>> -> memref<1x!tpu.dma_semaphore, #tpu.memory_space<semaphore_mem>>
    %dma_start3A_683 = tpu.memref_squeeze %dma_start3A_682 : memref<1x!tpu.dma_semaphore, #tpu.memory_space<semaphore_mem>> -> memref<!tpu.dma_semaphore, #tpu.memory_space<semaphore_mem>>
    %dma_start3A_684 = arith.constant 0 : i32
    %dma_start3A_685 = tpu.memref_slice %arg4[%dma_start3A_673, %add3A_671, %dma_start3A_684] : memref<4x1024x1024xf32, #tpu.memory_space<hbm>> -> memref<1x16x1024xf32, #tpu.memory_space<hbm>>
    %dma_start3A_686 = tpu.memref_squeeze %dma_start3A_685 : memref<1x16x1024xf32, #tpu.memory_space<hbm>> -> memref<16x1024xf32, #tpu.memory_space<hbm>>
    %dma_start3A_687 = arith.constant 0 : i32
    %dma_start3A_688 = arith.constant 0 : i32
    %dma_start3A_689 = tpu.memref_slice %arg6[%dma_start3A_672, %dma_start3A_687, %dma_start3A_688] : memref<4x16x1024xf32, #tpu.memory_space<vmem>> -> memref<1x16x1024xf32, #tpu.memory_space<vmem>>
    %dma_start3A_690 = tpu.memref_squeeze %dma_start3A_689 : memref<1x16x1024xf32, #tpu.memory_space<vmem>> -> memref<16x1024xf32, #tpu.memory_space<vmem>>
    tpu.enqueue_dma source(%dma_start3A_690 : memref<16x1024xf32, #tpu.memory_space<vmem>>) target(%dma_start3A_686 : memref<16x1024xf32, #tpu.memory_space<hbm>>) target_semaphore(%dma_start3A_683 : memref<!tpu.dma_semaphore, #tpu.memory_space<semaphore_mem>>)
    %add3A_691 = arith.constant 3072 : i32
    %add3A_692 = arith.addi %add3A_691, %mul3A_2 : i32
    %add3A_693 = arith.constant 16 : i32
    %add3A_694 = arith.addi %add3A_692, %add3A_693 : i32
    %dma_wait3A_695 = arith.constant 3 : i32
    %dma_wait3A_696 = arith.constant 3 : i32
    %dma_wait3A_697 = arith.constant 3 : i32
    %dma_wait3A_698 = arith.constant 0 : i32
    %dma_wait3A_699 = arith.constant 0 : i32
    %dma_wait3A_700 = tpu.memref_slice %arg6[%dma_wait3A_696, %dma_wait3A_698, %dma_wait3A_699] : memref<4x16x1024xf32, #tpu.memory_space<vmem>> -> memref<1x16x1024xf32, #tpu.memory_space<vmem>>
    %dma_wait3A_701 = tpu.memref_squeeze %dma_wait3A_700 : memref<1x16x1024xf32, #tpu.memory_space<vmem>> -> memref<16x1024xf32, #tpu.memory_space<vmem>>
    %dma_wait3A_702 = arith.constant 0 : i32
    %dma_wait3A_703 = tpu.memref_slice %arg2[%dma_wait3A_695, %add3A_694, %dma_wait3A_702] : memref<4x4096x1024xf32, #tpu.memory_space<hbm>> -> memref<1x16x1024xf32, #tpu.memory_space<hbm>>
    %dma_wait3A_704 = tpu.memref_squeeze %dma_wait3A_703 : memref<1x16x1024xf32, #tpu.memory_space<hbm>> -> memref<16x1024xf32, #tpu.memory_space<hbm>>
    %dma_wait3A_705 = tpu.memref_slice %arg8[%dma_wait3A_697] : memref<4x!tpu.dma_semaphore, #tpu.memory_space<semaphore_mem>> -> memref<1x!tpu.dma_semaphore, #tpu.memory_space<semaphore_mem>>
    %dma_wait3A_706 = tpu.memref_squeeze %dma_wait3A_705 : memref<1x!tpu.dma_semaphore, #tpu.memory_space<semaphore_mem>> -> memref<!tpu.dma_semaphore, #tpu.memory_space<semaphore_mem>>
    %dma_wait3A_707 = arith.constant 0 : i32
    %dma_wait3A_708 = arith.constant 0 : i32
    %dma_wait3A_709 = tpu.memref_slice %arg6[%dma_wait3A_696, %dma_wait3A_707, %dma_wait3A_708] : memref<4x16x1024xf32, #tpu.memory_space<vmem>> -> memref<1x16x1024xf32, #tpu.memory_space<vmem>>
    %dma_wait3A_710 = tpu.memref_squeeze %dma_wait3A_709 : memref<1x16x1024xf32, #tpu.memory_space<vmem>> -> memref<16x1024xf32, #tpu.memory_space<vmem>>
    %dma_wait3A_711 = arith.constant 0 : i32
    %dma_wait3A_712 = tpu.memref_slice %arg2[%dma_wait3A_695, %add3A_694, %dma_wait3A_711] : memref<4x4096x1024xf32, #tpu.memory_space<hbm>> -> memref<1x16x1024xf32, #tpu.memory_space<hbm>>
    %dma_wait3A_713 = tpu.memref_squeeze %dma_wait3A_712 : memref<1x16x1024xf32, #tpu.memory_space<hbm>> -> memref<16x1024xf32, #tpu.memory_space<hbm>>
    tpu.wait_dma2 semaphore(%dma_wait3A_706 : memref<!tpu.dma_semaphore, #tpu.memory_space<semaphore_mem>>) src(%dma_wait3A_713 : memref<16x1024xf32, #tpu.memory_space<hbm>>) dst(%dma_wait3A_710 : memref<16x1024xf32, #tpu.memory_space<vmem>>)
    %parallel_loop3A_714 = arith.constant 0 : i32
    %parallel_loop3A_715 = arith.constant 1024 : i32
    %parallel_loop3A_716 = arith.constant 16 : i32
    %parallel_loop3A_717 = arith.constant 1 : i32
    %parallel_loop3A_718 = arith.constant 3 : i32
    scf.for %parallel_loop3A_782 = %parallel_loop3A_714 to %parallel_loop3A_715 step %parallel_loop3A_716  : i32 {
      %parallel_loop3A_783 = arith.constant 0 : i32
      %parallel_loop3A_784 = arith.constant 0 : i32
      %parallel_loop3A_785 = arith.constant 0 : i32
      %parallel_loop3A_786 = tpu.memref_slice %arg5[%parallel_loop3A_717, %parallel_loop3A_784, %parallel_loop3A_785] : memref<2x16x1024xf32, #tpu.memory_space<vmem>> -> memref<1x16x1024xf32, #tpu.memory_space<vmem>>
      %parallel_loop3A_787 = tpu.memref_squeeze %parallel_loop3A_786 : memref<1x16x1024xf32, #tpu.memory_space<vmem>> -> memref<16x1024xf32, #tpu.memory_space<vmem>>
      %parallel_loop3A_788 = arith.index_cast %parallel_loop3A_783 : i32 to index
      %parallel_loop3A_789 = arith.index_cast %parallel_loop3A_782 : i32 to index
      %parallel_loop3A_790 = tpu.vector_load %parallel_loop3A_787[%parallel_loop3A_788, %parallel_loop3A_789] {strides = array<i32>} : memref<16x1024xf32, #tpu.memory_space<vmem>>, vector<1x16xf32>,
      %parallel_loop3A_791 = vector.shape_cast %parallel_loop3A_790 : vector<1x16xf32> to vector<16xf32>
      %parallel_loop3A_792 = arith.constant 0 : i32
      %parallel_loop3A_793 = arith.constant 0 : i32
      %parallel_loop3A_794 = arith.constant 0 : i32
      %parallel_loop3A_795 = tpu.memref_slice %arg6[%parallel_loop3A_718, %parallel_loop3A_793, %parallel_loop3A_794] : memref<4x16x1024xf32, #tpu.memory_space<vmem>> -> memref<1x16x1024xf32, #tpu.memory_space<vmem>>
      %parallel_loop3A_796 = tpu.memref_squeeze %parallel_loop3A_795 : memref<1x16x1024xf32, #tpu.memory_space<vmem>> -> memref<16x1024xf32, #tpu.memory_space<vmem>>
      %parallel_loop3A_797 = arith.index_cast %parallel_loop3A_792 : i32 to index
      %parallel_loop3A_798 = arith.index_cast %parallel_loop3A_782 : i32 to index
      %parallel_loop3A_799 = tpu.vector_load %parallel_loop3A_796[%parallel_loop3A_797, %parallel_loop3A_798] {strides = array<i32>} : memref<16x1024xf32, #tpu.memory_space<vmem>>, vector<1x16xf32>,
      %parallel_loop3A_800 = vector.shape_cast %parallel_loop3A_799 : vector<1x16xf32> to vector<16xf32>
      %parallel_loop3A_801 = vector.shape_cast %parallel_loop3A_791 : vector<16xf32> to vector<1x16xf32>
      tpu.vector_store %parallel_loop3A_796[%parallel_loop3A_797, %parallel_loop3A_798], %parallel_loop3A_801 {add = true, strides = array<i32>} : memref<16x1024xf32, #tpu.memory_space<vmem>>, vector<1x16xf32>,
      %parallel_loop3A_802 = arith.constant 1 : i32
      %parallel_loop3A_803 = arith.constant 0 : i32
      %parallel_loop3A_804 = arith.constant 0 : i32
      %parallel_loop3A_805 = tpu.memref_slice %arg5[%parallel_loop3A_717, %parallel_loop3A_803, %parallel_loop3A_804] : memref<2x16x1024xf32, #tpu.memory_space<vmem>> -> memref<1x16x1024xf32, #tpu.memory_space<vmem>>
      %parallel_loop3A_806 = tpu.memref_squeeze %parallel_loop3A_805 : memref<1x16x1024xf32, #tpu.memory_space<vmem>> -> memref<16x1024xf32, #tpu.memory_space<vmem>>
      %parallel_loop3A_807 = arith.index_cast %parallel_loop3A_802 : i32 to index
      %parallel_loop3A_808 = arith.index_cast %parallel_loop3A_782 : i32 to index
      %parallel_loop3A_809 = tpu.vector_load %parallel_loop3A_806[%parallel_loop3A_807, %parallel_loop3A_808] {strides = array<i32>} : memref<16x1024xf32, #tpu.memory_space<vmem>>, vector<1x16xf32>,
      %parallel_loop3A_810 = vector.shape_cast %parallel_loop3A_809 : vector<1x16xf32> to vector<16xf32>
      %parallel_loop3A_811 = arith.constant 1 : i32
      %parallel_loop3A_812 = arith.constant 0 : i32
      %parallel_loop3A_813 = arith.constant 0 : i32
      %parallel_loop3A_814 = tpu.memref_slice %arg6[%parallel_loop3A_718, %parallel_loop3A_812, %parallel_loop3A_813] : memref<4x16x1024xf32, #tpu.memory_space<vmem>> -> memref<1x16x1024xf32, #tpu.memory_space<vmem>>
      %parallel_loop3A_815 = tpu.memref_squeeze %parallel_loop3A_814 : memref<1x16x1024xf32, #tpu.memory_space<vmem>> -> memref<16x1024xf32, #tpu.memory_space<vmem>>
      %parallel_loop3A_816 = arith.index_cast %parallel_loop3A_811 : i32 to index
      %parallel_loop3A_817 = arith.index_cast %parallel_loop3A_782 : i32 to index
      %parallel_loop3A_818 = tpu.vector_load %parallel_loop3A_815[%parallel_loop3A_816, %parallel_loop3A_817] {strides = array<i32>} : memref<16x1024xf32, #tpu.memory_space<vmem>>, vector<1x16xf32>,
      %parallel_loop3A_819 = vector.shape_cast %parallel_loop3A_818 : vector<1x16xf32> to vector<16xf32>
      %parallel_loop3A_820 = vector.shape_cast %parallel_loop3A_810 : vector<16xf32> to vector<1x16xf32>
      tpu.vector_store %parallel_loop3A_815[%parallel_loop3A_816, %parallel_loop3A_817], %parallel_loop3A_820 {add = true, strides = array<i32>} : memref<16x1024xf32, #tpu.memory_space<vmem>>, vector<1x16xf32>,
      %parallel_loop3A_821 = arith.constant 2 : i32
      %parallel_loop3A_822 = arith.constant 0 : i32
      %parallel_loop3A_823 = arith.constant 0 : i32
      %parallel_loop3A_824 = tpu.memref_slice %arg5[%parallel_loop3A_717, %parallel_loop3A_822, %parallel_loop3A_823] : memref<2x16x1024xf32, #tpu.memory_space<vmem>> -> memref<1x16x1024xf32, #tpu.memory_space<vmem>>
      %parallel_loop3A_825 = tpu.memref_squeeze %parallel_loop3A_824 : memref<1x16x1024xf32, #tpu.memory_space<vmem>> -> memref<16x1024xf32, #tpu.memory_space<vmem>>
      %parallel_loop3A_826 = arith.index_cast %parallel_loop3A_821 : i32 to index
      %parallel_loop3A_827 = arith.index_cast %parallel_loop3A_782 : i32 to index
      %parallel_loop3A_828 = tpu.vector_load %parallel_loop3A_825[%parallel_loop3A_826, %parallel_loop3A_827] {strides = array<i32>} : memref<16x1024xf32, #tpu.memory_space<vmem>>, vector<1x16xf32>,
      %parallel_loop3A_829 = vector.shape_cast %parallel_loop3A_828 : vector<1x16xf32> to vector<16xf32>
      %parallel_loop3A_830 = arith.constant 2 : i32
      %parallel_loop3A_831 = arith.constant 0 : i32
      %parallel_loop3A_832 = arith.constant 0 : i32
      %parallel_loop3A_833 = tpu.memref_slice %arg6[%parallel_loop3A_718, %parallel_loop3A_831, %parallel_loop3A_832] : memref<4x16x1024xf32, #tpu.memory_space<vmem>> -> memref<1x16x1024xf32, #tpu.memory_space<vmem>>
      %parallel_loop3A_834 = tpu.memref_squeeze %parallel_loop3A_833 : memref<1x16x1024xf32, #tpu.memory_space<vmem>> -> memref<16x1024xf32, #tpu.memory_space<vmem>>
      %parallel_loop3A_835 = arith.index_cast %parallel_loop3A_830 : i32 to index
      %parallel_loop3A_836 = arith.index_cast %parallel_loop3A_782 : i32 to index
      %parallel_loop3A_837 = tpu.vector_load %parallel_loop3A_834[%parallel_loop3A_835, %parallel_loop3A_836] {strides = array<i32>} : memref<16x1024xf32, #tpu.memory_space<vmem>>, vector<1x16xf32>,
      %parallel_loop3A_838 = vector.shape_cast %parallel_loop3A_837 : vector<1x16xf32> to vector<16xf32>
      %parallel_loop3A_839 = vector.shape_cast %parallel_loop3A_829 : vector<16xf32> to vector<1x16xf32>
      tpu.vector_store %parallel_loop3A_834[%parallel_loop3A_835, %parallel_loop3A_836], %parallel_loop3A_839 {add = true, strides = array<i32>} : memref<16x1024xf32, #tpu.memory_space<vmem>>, vector<1x16xf32>,
      %parallel_loop3A_840 = arith.constant 3 : i32
      %parallel_loop3A_841 = arith.constant 0 : i32
      %parallel_loop3A_842 = arith.constant 0 : i32
      %parallel_loop3A_843 = tpu.memref_slice %arg5[%parallel_loop3A_717, %parallel_loop3A_841, %parallel_loop3A_842] : memref<2x16x1024xf32, #tpu.memory_space<vmem>> -> memref<1x16x1024xf32, #tpu.memory_space<vmem>>
      %parallel_loop3A_844 = tpu.memref_squeeze %parallel_loop3A_843 : memref<1x16x1024xf32, #tpu.memory_space<vmem>> -> memref<16x1024xf32, #tpu.memory_space<vmem>>
      %parallel_loop3A_845 = arith.index_cast %parallel_loop3A_840 : i32 to index
      %parallel_loop3A_846 = arith.index_cast %parallel_loop3A_782 : i32 to index
      %parallel_loop3A_847 = tpu.vector_load %parallel_loop3A_844[%parallel_loop3A_845, %parallel_loop3A_846] {strides = array<i32>} : memref<16x1024xf32, #tpu.memory_space<vmem>>, vector<1x16xf32>,
      %parallel_loop3A_848 = vector.shape_cast %parallel_loop3A_847 : vector<1x16xf32> to vector<16xf32>
      %parallel_loop3A_849 = arith.constant 3 : i32
      %parallel_loop3A_850 = arith.constant 0 : i32
      %parallel_loop3A_851 = arith.constant 0 : i32
      %parallel_loop3A_852 = tpu.memref_slice %arg6[%parallel_loop3A_718, %parallel_loop3A_850, %parallel_loop3A_851] : memref<4x16x1024xf32, #tpu.memory_space<vmem>> -> memref<1x16x1024xf32, #tpu.memory_space<vmem>>
      %parallel_loop3A_853 = tpu.memref_squeeze %parallel_loop3A_852 : memref<1x16x1024xf32, #tpu.memory_space<vmem>> -> memref<16x1024xf32, #tpu.memory_space<vmem>>
      %parallel_loop3A_854 = arith.index_cast %parallel_loop3A_849 : i32 to index
      %parallel_loop3A_855 = arith.index_cast %parallel_loop3A_782 : i32 to index
      %parallel_loop3A_856 = tpu.vector_load %parallel_loop3A_853[%parallel_loop3A_854, %parallel_loop3A_855] {strides = array<i32>} : memref<16x1024xf32, #tpu.memory_space<vmem>>, vector<1x16xf32>,
      %parallel_loop3A_857 = vector.shape_cast %parallel_loop3A_856 : vector<1x16xf32> to vector<16xf32>
      %parallel_loop3A_858 = vector.shape_cast %parallel_loop3A_848 : vector<16xf32> to vector<1x16xf32>
      tpu.vector_store %parallel_loop3A_853[%parallel_loop3A_854, %parallel_loop3A_855], %parallel_loop3A_858 {add = true, strides = array<i32>} : memref<16x1024xf32, #tpu.memory_space<vmem>>, vector<1x16xf32>,
      %parallel_loop3A_859 = arith.constant 4 : i32
      %parallel_loop3A_860 = arith.constant 0 : i32
      %parallel_loop3A_861 = arith.constant 0 : i32
      %parallel_loop3A_862 = tpu.memref_slice %arg5[%parallel_loop3A_717, %parallel_loop3A_860, %parallel_loop3A_861] : memref<2x16x1024xf32, #tpu.memory_space<vmem>> -> memref<1x16x1024xf32, #tpu.memory_space<vmem>>
      %parallel_loop3A_863 = tpu.memref_squeeze %parallel_loop3A_862 : memref<1x16x1024xf32, #tpu.memory_space<vmem>> -> memref<16x1024xf32, #tpu.memory_space<vmem>>
      %parallel_loop3A_864 = arith.index_cast %parallel_loop3A_859 : i32 to index
      %parallel_loop3A_865 = arith.index_cast %parallel_loop3A_782 : i32 to index
      %parallel_loop3A_866 = tpu.vector_load %parallel_loop3A_863[%parallel_loop3A_864, %parallel_loop3A_865] {strides = array<i32>} : memref<16x1024xf32, #tpu.memory_space<vmem>>, vector<1x16xf32>,
      %parallel_loop3A_867 = vector.shape_cast %parallel_loop3A_866 : vector<1x16xf32> to vector<16xf32>
      %parallel_loop3A_868 = arith.constant 4 : i32
      %parallel_loop3A_869 = arith.constant 0 : i32
      %parallel_loop3A_870 = arith.constant 0 : i32
      %parallel_loop3A_871 = tpu.memref_slice %arg6[%parallel_loop3A_718, %parallel_loop3A_869, %parallel_loop3A_870] : memref<4x16x1024xf32, #tpu.memory_space<vmem>> -> memref<1x16x1024xf32, #tpu.memory_space<vmem>>
      %parallel_loop3A_872 = tpu.memref_squeeze %parallel_loop3A_871 : memref<1x16x1024xf32, #tpu.memory_space<vmem>> -> memref<16x1024xf32, #tpu.memory_space<vmem>>
      %parallel_loop3A_873 = arith.index_cast %parallel_loop3A_868 : i32 to index
      %parallel_loop3A_874 = arith.index_cast %parallel_loop3A_782 : i32 to index
      %parallel_loop3A_875 = tpu.vector_load %parallel_loop3A_872[%parallel_loop3A_873, %parallel_loop3A_874] {strides = array<i32>} : memref<16x1024xf32, #tpu.memory_space<vmem>>, vector<1x16xf32>,
      %parallel_loop3A_876 = vector.shape_cast %parallel_loop3A_875 : vector<1x16xf32> to vector<16xf32>
      %parallel_loop3A_877 = vector.shape_cast %parallel_loop3A_867 : vector<16xf32> to vector<1x16xf32>
      tpu.vector_store %parallel_loop3A_872[%parallel_loop3A_873, %parallel_loop3A_874], %parallel_loop3A_877 {add = true, strides = array<i32>} : memref<16x1024xf32, #tpu.memory_space<vmem>>, vector<1x16xf32>,
      %parallel_loop3A_878 = arith.constant 5 : i32
      %parallel_loop3A_879 = arith.constant 0 : i32
      %parallel_loop3A_880 = arith.constant 0 : i32
      %parallel_loop3A_881 = tpu.memref_slice %arg5[%parallel_loop3A_717, %parallel_loop3A_879, %parallel_loop3A_880] : memref<2x16x1024xf32, #tpu.memory_space<vmem>> -> memref<1x16x1024xf32, #tpu.memory_space<vmem>>
      %parallel_loop3A_882 = tpu.memref_squeeze %parallel_loop3A_881 : memref<1x16x1024xf32, #tpu.memory_space<vmem>> -> memref<16x1024xf32, #tpu.memory_space<vmem>>
      %parallel_loop3A_883 = arith.index_cast %parallel_loop3A_878 : i32 to index
      %parallel_loop3A_884 = arith.index_cast %parallel_loop3A_782 : i32 to index
      %parallel_loop3A_885 = tpu.vector_load %parallel_loop3A_882[%parallel_loop3A_883, %parallel_loop3A_884] {strides = array<i32>} : memref<16x1024xf32, #tpu.memory_space<vmem>>, vector<1x16xf32>,
      %parallel_loop3A_886 = vector.shape_cast %parallel_loop3A_885 : vector<1x16xf32> to vector<16xf32>
      %parallel_loop3A_887 = arith.constant 5 : i32
      %parallel_loop3A_888 = arith.constant 0 : i32
      %parallel_loop3A_889 = arith.constant 0 : i32
      %parallel_loop3A_890 = tpu.memref_slice %arg6[%parallel_loop3A_718, %parallel_loop3A_888, %parallel_loop3A_889] : memref<4x16x1024xf32, #tpu.memory_space<vmem>> -> memref<1x16x1024xf32, #tpu.memory_space<vmem>>
      %parallel_loop3A_891 = tpu.memref_squeeze %parallel_loop3A_890 : memref<1x16x1024xf32, #tpu.memory_space<vmem>> -> memref<16x1024xf32, #tpu.memory_space<vmem>>
      %parallel_loop3A_892 = arith.index_cast %parallel_loop3A_887 : i32 to index
      %parallel_loop3A_893 = arith.index_cast %parallel_loop3A_782 : i32 to index
      %parallel_loop3A_894 = tpu.vector_load %parallel_loop3A_891[%parallel_loop3A_892, %parallel_loop3A_893] {strides = array<i32>} : memref<16x1024xf32, #tpu.memory_space<vmem>>, vector<1x16xf32>,
      %parallel_loop3A_895 = vector.shape_cast %parallel_loop3A_894 : vector<1x16xf32> to vector<16xf32>
      %parallel_loop3A_896 = vector.shape_cast %parallel_loop3A_886 : vector<16xf32> to vector<1x16xf32>
      tpu.vector_store %parallel_loop3A_891[%parallel_loop3A_892, %parallel_loop3A_893], %parallel_loop3A_896 {add = true, strides = array<i32>} : memref<16x1024xf32, #tpu.memory_space<vmem>>, vector<1x16xf32>,
      %parallel_loop3A_897 = arith.constant 6 : i32
      %parallel_loop3A_898 = arith.constant 0 : i32
      %parallel_loop3A_899 = arith.constant 0 : i32
      %parallel_loop3A_900 = tpu.memref_slice %arg5[%parallel_loop3A_717, %parallel_loop3A_898, %parallel_loop3A_899] : memref<2x16x1024xf32, #tpu.memory_space<vmem>> -> memref<1x16x1024xf32, #tpu.memory_space<vmem>>
      %parallel_loop3A_901 = tpu.memref_squeeze %parallel_loop3A_900 : memref<1x16x1024xf32, #tpu.memory_space<vmem>> -> memref<16x1024xf32, #tpu.memory_space<vmem>>
      %parallel_loop3A_902 = arith.index_cast %parallel_loop3A_897 : i32 to index
      %parallel_loop3A_903 = arith.index_cast %parallel_loop3A_782 : i32 to index
      %parallel_loop3A_904 = tpu.vector_load %parallel_loop3A_901[%parallel_loop3A_902, %parallel_loop3A_903] {strides = array<i32>} : memref<16x1024xf32, #tpu.memory_space<vmem>>, vector<1x16xf32>,
      %parallel_loop3A_905 = vector.shape_cast %parallel_loop3A_904 : vector<1x16xf32> to vector<16xf32>
      %parallel_loop3A_906 = arith.constant 6 : i32
      %parallel_loop3A_907 = arith.constant 0 : i32
      %parallel_loop3A_908 = arith.constant 0 : i32
      %parallel_loop3A_909 = tpu.memref_slice %arg6[%parallel_loop3A_718, %parallel_loop3A_907, %parallel_loop3A_908] : memref<4x16x1024xf32, #tpu.memory_space<vmem>> -> memref<1x16x1024xf32, #tpu.memory_space<vmem>>
      %parallel_loop3A_910 = tpu.memref_squeeze %parallel_loop3A_909 : memref<1x16x1024xf32, #tpu.memory_space<vmem>> -> memref<16x1024xf32, #tpu.memory_space<vmem>>
      %parallel_loop3A_911 = arith.index_cast %parallel_loop3A_906 : i32 to index
      %parallel_loop3A_912 = arith.index_cast %parallel_loop3A_782 : i32 to index
      %parallel_loop3A_913 = tpu.vector_load %parallel_loop3A_910[%parallel_loop3A_911, %parallel_loop3A_912] {strides = array<i32>} : memref<16x1024xf32, #tpu.memory_space<vmem>>, vector<1x16xf32>,
      %parallel_loop3A_914 = vector.shape_cast %parallel_loop3A_913 : vector<1x16xf32> to vector<16xf32>
      %parallel_loop3A_915 = vector.shape_cast %parallel_loop3A_905 : vector<16xf32> to vector<1x16xf32>
      tpu.vector_store %parallel_loop3A_910[%parallel_loop3A_911, %parallel_loop3A_912], %parallel_loop3A_915 {add = true, strides = array<i32>} : memref<16x1024xf32, #tpu.memory_space<vmem>>, vector<1x16xf32>,
      %parallel_loop3A_916 = arith.constant 7 : i32
      %parallel_loop3A_917 = arith.constant 0 : i32
      %parallel_loop3A_918 = arith.constant 0 : i32
      %parallel_loop3A_919 = tpu.memref_slice %arg5[%parallel_loop3A_717, %parallel_loop3A_917, %parallel_loop3A_918] : memref<2x16x1024xf32, #tpu.memory_space<vmem>> -> memref<1x16x1024xf32, #tpu.memory_space<vmem>>
      %parallel_loop3A_920 = tpu.memref_squeeze %parallel_loop3A_919 : memref<1x16x1024xf32, #tpu.memory_space<vmem>> -> memref<16x1024xf32, #tpu.memory_space<vmem>>
      %parallel_loop3A_921 = arith.index_cast %parallel_loop3A_916 : i32 to index
      %parallel_loop3A_922 = arith.index_cast %parallel_loop3A_782 : i32 to index
      %parallel_loop3A_923 = tpu.vector_load %parallel_loop3A_920[%parallel_loop3A_921, %parallel_loop3A_922] {strides = array<i32>} : memref<16x1024xf32, #tpu.memory_space<vmem>>, vector<1x16xf32>,
      %parallel_loop3A_924 = vector.shape_cast %parallel_loop3A_923 : vector<1x16xf32> to vector<16xf32>
      %parallel_loop3A_925 = arith.constant 7 : i32
      %parallel_loop3A_926 = arith.constant 0 : i32
      %parallel_loop3A_927 = arith.constant 0 : i32
      %parallel_loop3A_928 = tpu.memref_slice %arg6[%parallel_loop3A_718, %parallel_loop3A_926, %parallel_loop3A_927] : memref<4x16x1024xf32, #tpu.memory_space<vmem>> -> memref<1x16x1024xf32, #tpu.memory_space<vmem>>
      %parallel_loop3A_929 = tpu.memref_squeeze %parallel_loop3A_928 : memref<1x16x1024xf32, #tpu.memory_space<vmem>> -> memref<16x1024xf32, #tpu.memory_space<vmem>>
      %parallel_loop3A_930 = arith.index_cast %parallel_loop3A_925 : i32 to index
      %parallel_loop3A_931 = arith.index_cast %parallel_loop3A_782 : i32 to index
      %parallel_loop3A_932 = tpu.vector_load %parallel_loop3A_929[%parallel_loop3A_930, %parallel_loop3A_931] {strides = array<i32>} : memref<16x1024xf32, #tpu.memory_space<vmem>>, vector<1x16xf32>,
      %parallel_loop3A_933 = vector.shape_cast %parallel_loop3A_932 : vector<1x16xf32> to vector<16xf32>
      %parallel_loop3A_934 = vector.shape_cast %parallel_loop3A_924 : vector<16xf32> to vector<1x16xf32>
      tpu.vector_store %parallel_loop3A_929[%parallel_loop3A_930, %parallel_loop3A_931], %parallel_loop3A_934 {add = true, strides = array<i32>} : memref<16x1024xf32, #tpu.memory_space<vmem>>, vector<1x16xf32>,
      %parallel_loop3A_935 = arith.constant 8 : i32
      %parallel_loop3A_936 = arith.constant 0 : i32
      %parallel_loop3A_937 = arith.constant 0 : i32
      %parallel_loop3A_938 = tpu.memref_slice %arg5[%parallel_loop3A_717, %parallel_loop3A_936, %parallel_loop3A_937] : memref<2x16x1024xf32, #tpu.memory_space<vmem>> -> memref<1x16x1024xf32, #tpu.memory_space<vmem>>
      %parallel_loop3A_939 = tpu.memref_squeeze %parallel_loop3A_938 : memref<1x16x1024xf32, #tpu.memory_space<vmem>> -> memref<16x1024xf32, #tpu.memory_space<vmem>>
      %parallel_loop3A_940 = arith.index_cast %parallel_loop3A_935 : i32 to index
      %parallel_loop3A_941 = arith.index_cast %parallel_loop3A_782 : i32 to index
      %parallel_loop3A_942 = tpu.vector_load %parallel_loop3A_939[%parallel_loop3A_940, %parallel_loop3A_941] {strides = array<i32>} : memref<16x1024xf32, #tpu.memory_space<vmem>>, vector<1x16xf32>,
      %parallel_loop3A_943 = vector.shape_cast %parallel_loop3A_942 : vector<1x16xf32> to vector<16xf32>
      %parallel_loop3A_944 = arith.constant 8 : i32
      %parallel_loop3A_945 = arith.constant 0 : i32
      %parallel_loop3A_946 = arith.constant 0 : i32
      %parallel_loop3A_947 = tpu.memref_slice %arg6[%parallel_loop3A_718, %parallel_loop3A_945, %parallel_loop3A_946] : memref<4x16x1024xf32, #tpu.memory_space<vmem>> -> memref<1x16x1024xf32, #tpu.memory_space<vmem>>
      %parallel_loop3A_948 = tpu.memref_squeeze %parallel_loop3A_947 : memref<1x16x1024xf32, #tpu.memory_space<vmem>> -> memref<16x1024xf32, #tpu.memory_space<vmem>>
      %parallel_loop3A_949 = arith.index_cast %parallel_loop3A_944 : i32 to index
      %parallel_loop3A_950 = arith.index_cast %parallel_loop3A_782 : i32 to index
      %parallel_loop3A_951 = tpu.vector_load %parallel_loop3A_948[%parallel_loop3A_949, %parallel_loop3A_950] {strides = array<i32>} : memref<16x1024xf32, #tpu.memory_space<vmem>>, vector<1x16xf32>,
      %parallel_loop3A_952 = vector.shape_cast %parallel_loop3A_951 : vector<1x16xf32> to vector<16xf32>
      %parallel_loop3A_953 = vector.shape_cast %parallel_loop3A_943 : vector<16xf32> to vector<1x16xf32>
      tpu.vector_store %parallel_loop3A_948[%parallel_loop3A_949, %parallel_loop3A_950], %parallel_loop3A_953 {add = true, strides = array<i32>} : memref<16x1024xf32, #tpu.memory_space<vmem>>, vector<1x16xf32>,
      %parallel_loop3A_954 = arith.constant 9 : i32
      %parallel_loop3A_955 = arith.constant 0 : i32
      %parallel_loop3A_956 = arith.constant 0 : i32
      %parallel_loop3A_957 = tpu.memref_slice %arg5[%parallel_loop3A_717, %parallel_loop3A_955, %parallel_loop3A_956] : memref<2x16x1024xf32, #tpu.memory_space<vmem>> -> memref<1x16x1024xf32, #tpu.memory_space<vmem>>
      %parallel_loop3A_958 = tpu.memref_squeeze %parallel_loop3A_957 : memref<1x16x1024xf32, #tpu.memory_space<vmem>> -> memref<16x1024xf32, #tpu.memory_space<vmem>>
      %parallel_loop3A_959 = arith.index_cast %parallel_loop3A_954 : i32 to index
      %parallel_loop3A_960 = arith.index_cast %parallel_loop3A_782 : i32 to index
      %parallel_loop3A_961 = tpu.vector_load %parallel_loop3A_958[%parallel_loop3A_959, %parallel_loop3A_960] {strides = array<i32>} : memref<16x1024xf32, #tpu.memory_space<vmem>>, vector<1x16xf32>,
      %parallel_loop3A_962 = vector.shape_cast %parallel_loop3A_961 : vector<1x16xf32> to vector<16xf32>
      %parallel_loop3A_963 = arith.constant 9 : i32
      %parallel_loop3A_964 = arith.constant 0 : i32
      %parallel_loop3A_965 = arith.constant 0 : i32
      %parallel_loop3A_966 = tpu.memref_slice %arg6[%parallel_loop3A_718, %parallel_loop3A_964, %parallel_loop3A_965] : memref<4x16x1024xf32, #tpu.memory_space<vmem>> -> memref<1x16x1024xf32, #tpu.memory_space<vmem>>
      %parallel_loop3A_967 = tpu.memref_squeeze %parallel_loop3A_966 : memref<1x16x1024xf32, #tpu.memory_space<vmem>> -> memref<16x1024xf32, #tpu.memory_space<vmem>>
      %parallel_loop3A_968 = arith.index_cast %parallel_loop3A_963 : i32 to index
      %parallel_loop3A_969 = arith.index_cast %parallel_loop3A_782 : i32 to index
      %parallel_loop3A_970 = tpu.vector_load %parallel_loop3A_967[%parallel_loop3A_968, %parallel_loop3A_969] {strides = array<i32>} : memref<16x1024xf32, #tpu.memory_space<vmem>>, vector<1x16xf32>,
      %parallel_loop3A_971 = vector.shape_cast %parallel_loop3A_970 : vector<1x16xf32> to vector<16xf32>
      %parallel_loop3A_972 = vector.shape_cast %parallel_loop3A_962 : vector<16xf32> to vector<1x16xf32>
      tpu.vector_store %parallel_loop3A_967[%parallel_loop3A_968, %parallel_loop3A_969], %parallel_loop3A_972 {add = true, strides = array<i32>} : memref<16x1024xf32, #tpu.memory_space<vmem>>, vector<1x16xf32>,
      %parallel_loop3A_973 = arith.constant 10 : i32
      %parallel_loop3A_974 = arith.constant 0 : i32
      %parallel_loop3A_975 = arith.constant 0 : i32
      %parallel_loop3A_976 = tpu.memref_slice %arg5[%parallel_loop3A_717, %parallel_loop3A_974, %parallel_loop3A_975] : memref<2x16x1024xf32, #tpu.memory_space<vmem>> -> memref<1x16x1024xf32, #tpu.memory_space<vmem>>
      %parallel_loop3A_977 = tpu.memref_squeeze %parallel_loop3A_976 : memref<1x16x1024xf32, #tpu.memory_space<vmem>> -> memref<16x1024xf32, #tpu.memory_space<vmem>>
      %parallel_loop3A_978 = arith.index_cast %parallel_loop3A_973 : i32 to index
      %parallel_loop3A_979 = arith.index_cast %parallel_loop3A_782 : i32 to index
      %parallel_loop3A_980 = tpu.vector_load %parallel_loop3A_977[%parallel_loop3A_978, %parallel_loop3A_979] {strides = array<i32>} : memref<16x1024xf32, #tpu.memory_space<vmem>>, vector<1x16xf32>,
      %parallel_loop3A_981 = vector.shape_cast %parallel_loop3A_980 : vector<1x16xf32> to vector<16xf32>
      %parallel_loop3A_982 = arith.constant 10 : i32
      %parallel_loop3A_983 = arith.constant 0 : i32
      %parallel_loop3A_984 = arith.constant 0 : i32
      %parallel_loop3A_985 = tpu.memref_slice %arg6[%parallel_loop3A_718, %parallel_loop3A_983, %parallel_loop3A_984] : memref<4x16x1024xf32, #tpu.memory_space<vmem>> -> memref<1x16x1024xf32, #tpu.memory_space<vmem>>
      %parallel_loop3A_986 = tpu.memref_squeeze %parallel_loop3A_985 : memref<1x16x1024xf32, #tpu.memory_space<vmem>> -> memref<16x1024xf32, #tpu.memory_space<vmem>>
      %parallel_loop3A_987 = arith.index_cast %parallel_loop3A_982 : i32 to index
      %parallel_loop3A_988 = arith.index_cast %parallel_loop3A_782 : i32 to index
      %parallel_loop3A_989 = tpu.vector_load %parallel_loop3A_986[%parallel_loop3A_987, %parallel_loop3A_988] {strides = array<i32>} : memref<16x1024xf32, #tpu.memory_space<vmem>>, vector<1x16xf32>,
      %parallel_loop3A_990 = vector.shape_cast %parallel_loop3A_989 : vector<1x16xf32> to vector<16xf32>
      %parallel_loop3A_991 = vector.shape_cast %parallel_loop3A_981 : vector<16xf32> to vector<1x16xf32>
      tpu.vector_store %parallel_loop3A_986[%parallel_loop3A_987, %parallel_loop3A_988], %parallel_loop3A_991 {add = true, strides = array<i32>} : memref<16x1024xf32, #tpu.memory_space<vmem>>, vector<1x16xf32>,
      %parallel_loop3A_992 = arith.constant 11 : i32
      %parallel_loop3A_993 = arith.constant 0 : i32
      %parallel_loop3A_994 = arith.constant 0 : i32
      %parallel_loop3A_995 = tpu.memref_slice %arg5[%parallel_loop3A_717, %parallel_loop3A_993, %parallel_loop3A_994] : memref<2x16x1024xf32, #tpu.memory_space<vmem>> -> memref<1x16x1024xf32, #tpu.memory_space<vmem>>
      %parallel_loop3A_996 = tpu.memref_squeeze %parallel_loop3A_995 : memref<1x16x1024xf32, #tpu.memory_space<vmem>> -> memref<16x1024xf32, #tpu.memory_space<vmem>>
      %parallel_loop3A_997 = arith.index_cast %parallel_loop3A_992 : i32 to index
      %parallel_loop3A_998 = arith.index_cast %parallel_loop3A_782 : i32 to index
      %parallel_loop3A_999 = tpu.vector_load %parallel_loop3A_996[%parallel_loop3A_997, %parallel_loop3A_998] {strides = array<i32>} : memref<16x1024xf32, #tpu.memory_space<vmem>>, vector<1x16xf32>,
      %parallel_loop3A_1000 = vector.shape_cast %parallel_loop3A_999 : vector<1x16xf32> to vector<16xf32>
      %parallel_loop3A_1001 = arith.constant 11 : i32
      %parallel_loop3A_1002 = arith.constant 0 : i32
      %parallel_loop3A_1003 = arith.constant 0 : i32
      %parallel_loop3A_1004 = tpu.memref_slice %arg6[%parallel_loop3A_718, %parallel_loop3A_1002, %parallel_loop3A_1003] : memref<4x16x1024xf32, #tpu.memory_space<vmem>> -> memref<1x16x1024xf32, #tpu.memory_space<vmem>>
      %parallel_loop3A_1005 = tpu.memref_squeeze %parallel_loop3A_1004 : memref<1x16x1024xf32, #tpu.memory_space<vmem>> -> memref<16x1024xf32, #tpu.memory_space<vmem>>
      %parallel_loop3A_1006 = arith.index_cast %parallel_loop3A_1001 : i32 to index
      %parallel_loop3A_1007 = arith.index_cast %parallel_loop3A_782 : i32 to index
      %parallel_loop3A_1008 = tpu.vector_load %parallel_loop3A_1005[%parallel_loop3A_1006, %parallel_loop3A_1007] {strides = array<i32>} : memref<16x1024xf32, #tpu.memory_space<vmem>>, vector<1x16xf32>,
      %parallel_loop3A_1009 = vector.shape_cast %parallel_loop3A_1008 : vector<1x16xf32> to vector<16xf32>
      %parallel_loop3A_1010 = vector.shape_cast %parallel_loop3A_1000 : vector<16xf32> to vector<1x16xf32>
      tpu.vector_store %parallel_loop3A_1005[%parallel_loop3A_1006, %parallel_loop3A_1007], %parallel_loop3A_1010 {add = true, strides = array<i32>} : memref<16x1024xf32, #tpu.memory_space<vmem>>, vector<1x16xf32>,
      %parallel_loop3A_1011 = arith.constant 12 : i32
      %parallel_loop3A_1012 = arith.constant 0 : i32
      %parallel_loop3A_1013 = arith.constant 0 : i32
      %parallel_loop3A_1014 = tpu.memref_slice %arg5[%parallel_loop3A_717, %parallel_loop3A_1012, %parallel_loop3A_1013] : memref<2x16x1024xf32, #tpu.memory_space<vmem>> -> memref<1x16x1024xf32, #tpu.memory_space<vmem>>
      %parallel_loop3A_1015 = tpu.memref_squeeze %parallel_loop3A_1014 : memref<1x16x1024xf32, #tpu.memory_space<vmem>> -> memref<16x1024xf32, #tpu.memory_space<vmem>>
      %parallel_loop3A_1016 = arith.index_cast %parallel_loop3A_1011 : i32 to index
      %parallel_loop3A_1017 = arith.index_cast %parallel_loop3A_782 : i32 to index
      %parallel_loop3A_1018 = tpu.vector_load %parallel_loop3A_1015[%parallel_loop3A_1016, %parallel_loop3A_1017] {strides = array<i32>} : memref<16x1024xf32, #tpu.memory_space<vmem>>, vector<1x16xf32>,
      %parallel_loop3A_1019 = vector.shape_cast %parallel_loop3A_1018 : vector<1x16xf32> to vector<16xf32>
      %parallel_loop3A_1020 = arith.constant 12 : i32
      %parallel_loop3A_1021 = arith.constant 0 : i32
      %parallel_loop3A_1022 = arith.constant 0 : i32
      %parallel_loop3A_1023 = tpu.memref_slice %arg6[%parallel_loop3A_718, %parallel_loop3A_1021, %parallel_loop3A_1022] : memref<4x16x1024xf32, #tpu.memory_space<vmem>> -> memref<1x16x1024xf32, #tpu.memory_space<vmem>>
      %parallel_loop3A_1024 = tpu.memref_squeeze %parallel_loop3A_1023 : memref<1x16x1024xf32, #tpu.memory_space<vmem>> -> memref<16x1024xf32, #tpu.memory_space<vmem>>
      %parallel_loop3A_1025 = arith.index_cast %parallel_loop3A_1020 : i32 to index
      %parallel_loop3A_1026 = arith.index_cast %parallel_loop3A_782 : i32 to index
      %parallel_loop3A_1027 = tpu.vector_load %parallel_loop3A_1024[%parallel_loop3A_1025, %parallel_loop3A_1026] {strides = array<i32>} : memref<16x1024xf32, #tpu.memory_space<vmem>>, vector<1x16xf32>,
      %parallel_loop3A_1028 = vector.shape_cast %parallel_loop3A_1027 : vector<1x16xf32> to vector<16xf32>
      %parallel_loop3A_1029 = vector.shape_cast %parallel_loop3A_1019 : vector<16xf32> to vector<1x16xf32>
      tpu.vector_store %parallel_loop3A_1024[%parallel_loop3A_1025, %parallel_loop3A_1026], %parallel_loop3A_1029 {add = true, strides = array<i32>} : memref<16x1024xf32, #tpu.memory_space<vmem>>, vector<1x16xf32>,
      %parallel_loop3A_1030 = arith.constant 13 : i32
      %parallel_loop3A_1031 = arith.constant 0 : i32
      %parallel_loop3A_1032 = arith.constant 0 : i32
      %parallel_loop3A_1033 = tpu.memref_slice %arg5[%parallel_loop3A_717, %parallel_loop3A_1031, %parallel_loop3A_1032] : memref<2x16x1024xf32, #tpu.memory_space<vmem>> -> memref<1x16x1024xf32, #tpu.memory_space<vmem>>
      %parallel_loop3A_1034 = tpu.memref_squeeze %parallel_loop3A_1033 : memref<1x16x1024xf32, #tpu.memory_space<vmem>> -> memref<16x1024xf32, #tpu.memory_space<vmem>>
      %parallel_loop3A_1035 = arith.index_cast %parallel_loop3A_1030 : i32 to index
      %parallel_loop3A_1036 = arith.index_cast %parallel_loop3A_782 : i32 to index
      %parallel_loop3A_1037 = tpu.vector_load %parallel_loop3A_1034[%parallel_loop3A_1035, %parallel_loop3A_1036] {strides = array<i32>} : memref<16x1024xf32, #tpu.memory_space<vmem>>, vector<1x16xf32>,
      %parallel_loop3A_1038 = vector.shape_cast %parallel_loop3A_1037 : vector<1x16xf32> to vector<16xf32>
      %parallel_loop3A_1039 = arith.constant 13 : i32
      %parallel_loop3A_1040 = arith.constant 0 : i32
      %parallel_loop3A_1041 = arith.constant 0 : i32
      %parallel_loop3A_1042 = tpu.memref_slice %arg6[%parallel_loop3A_718, %parallel_loop3A_1040, %parallel_loop3A_1041] : memref<4x16x1024xf32, #tpu.memory_space<vmem>> -> memref<1x16x1024xf32, #tpu.memory_space<vmem>>
      %parallel_loop3A_1043 = tpu.memref_squeeze %parallel_loop3A_1042 : memref<1x16x1024xf32, #tpu.memory_space<vmem>> -> memref<16x1024xf32, #tpu.memory_space<vmem>>
      %parallel_loop3A_1044 = arith.index_cast %parallel_loop3A_1039 : i32 to index
      %parallel_loop3A_1045 = arith.index_cast %parallel_loop3A_782 : i32 to index
      %parallel_loop3A_1046 = tpu.vector_load %parallel_loop3A_1043[%parallel_loop3A_1044, %parallel_loop3A_1045] {strides = array<i32>} : memref<16x1024xf32, #tpu.memory_space<vmem>>, vector<1x16xf32>,
      %parallel_loop3A_1047 = vector.shape_cast %parallel_loop3A_1046 : vector<1x16xf32> to vector<16xf32>
      %parallel_loop3A_1048 = vector.shape_cast %parallel_loop3A_1038 : vector<16xf32> to vector<1x16xf32>
      tpu.vector_store %parallel_loop3A_1043[%parallel_loop3A_1044, %parallel_loop3A_1045], %parallel_loop3A_1048 {add = true, strides = array<i32>} : memref<16x1024xf32, #tpu.memory_space<vmem>>, vector<1x16xf32>,
      %parallel_loop3A_1049 = arith.constant 14 : i32
      %parallel_loop3A_1050 = arith.constant 0 : i32
      %parallel_loop3A_1051 = arith.constant 0 : i32
      %parallel_loop3A_1052 = tpu.memref_slice %arg5[%parallel_loop3A_717, %parallel_loop3A_1050, %parallel_loop3A_1051] : memref<2x16x1024xf32, #tpu.memory_space<vmem>> -> memref<1x16x1024xf32, #tpu.memory_space<vmem>>
      %parallel_loop3A_1053 = tpu.memref_squeeze %parallel_loop3A_1052 : memref<1x16x1024xf32, #tpu.memory_space<vmem>> -> memref<16x1024xf32, #tpu.memory_space<vmem>>
      %parallel_loop3A_1054 = arith.index_cast %parallel_loop3A_1049 : i32 to index
      %parallel_loop3A_1055 = arith.index_cast %parallel_loop3A_782 : i32 to index
      %parallel_loop3A_1056 = tpu.vector_load %parallel_loop3A_1053[%parallel_loop3A_1054, %parallel_loop3A_1055] {strides = array<i32>} : memref<16x1024xf32, #tpu.memory_space<vmem>>, vector<1x16xf32>,
      %parallel_loop3A_1057 = vector.shape_cast %parallel_loop3A_1056 : vector<1x16xf32> to vector<16xf32>
      %parallel_loop3A_1058 = arith.constant 14 : i32
      %parallel_loop3A_1059 = arith.constant 0 : i32
      %parallel_loop3A_1060 = arith.constant 0 : i32
      %parallel_loop3A_1061 = tpu.memref_slice %arg6[%parallel_loop3A_718, %parallel_loop3A_1059, %parallel_loop3A_1060] : memref<4x16x1024xf32, #tpu.memory_space<vmem>> -> memref<1x16x1024xf32, #tpu.memory_space<vmem>>
      %parallel_loop3A_1062 = tpu.memref_squeeze %parallel_loop3A_1061 : memref<1x16x1024xf32, #tpu.memory_space<vmem>> -> memref<16x1024xf32, #tpu.memory_space<vmem>>
      %parallel_loop3A_1063 = arith.index_cast %parallel_loop3A_1058 : i32 to index
      %parallel_loop3A_1064 = arith.index_cast %parallel_loop3A_782 : i32 to index
      %parallel_loop3A_1065 = tpu.vector_load %parallel_loop3A_1062[%parallel_loop3A_1063, %parallel_loop3A_1064] {strides = array<i32>} : memref<16x1024xf32, #tpu.memory_space<vmem>>, vector<1x16xf32>,
      %parallel_loop3A_1066 = vector.shape_cast %parallel_loop3A_1065 : vector<1x16xf32> to vector<16xf32>
      %parallel_loop3A_1067 = vector.shape_cast %parallel_loop3A_1057 : vector<16xf32> to vector<1x16xf32>
      tpu.vector_store %parallel_loop3A_1062[%parallel_loop3A_1063, %parallel_loop3A_1064], %parallel_loop3A_1067 {add = true, strides = array<i32>} : memref<16x1024xf32, #tpu.memory_space<vmem>>, vector<1x16xf32>,
      %parallel_loop3A_1068 = arith.constant 15 : i32
      %parallel_loop3A_1069 = arith.constant 0 : i32
      %parallel_loop3A_1070 = arith.constant 0 : i32
      %parallel_loop3A_1071 = tpu.memref_slice %arg5[%parallel_loop3A_717, %parallel_loop3A_1069, %parallel_loop3A_1070] : memref<2x16x1024xf32, #tpu.memory_space<vmem>> -> memref<1x16x1024xf32, #tpu.memory_space<vmem>>
      %parallel_loop3A_1072 = tpu.memref_squeeze %parallel_loop3A_1071 : memref<1x16x1024xf32, #tpu.memory_space<vmem>> -> memref<16x1024xf32, #tpu.memory_space<vmem>>
      %parallel_loop3A_1073 = arith.index_cast %parallel_loop3A_1068 : i32 to index
      %parallel_loop3A_1074 = arith.index_cast %parallel_loop3A_782 : i32 to index
      %parallel_loop3A_1075 = tpu.vector_load %parallel_loop3A_1072[%parallel_loop3A_1073, %parallel_loop3A_1074] {strides = array<i32>} : memref<16x1024xf32, #tpu.memory_space<vmem>>, vector<1x16xf32>,
      %parallel_loop3A_1076 = vector.shape_cast %parallel_loop3A_1075 : vector<1x16xf32> to vector<16xf32>
      %parallel_loop3A_1077 = arith.constant 15 : i32
      %parallel_loop3A_1078 = arith.constant 0 : i32
      %parallel_loop3A_1079 = arith.constant 0 : i32
      %parallel_loop3A_1080 = tpu.memref_slice %arg6[%parallel_loop3A_718, %parallel_loop3A_1078, %parallel_loop3A_1079] : memref<4x16x1024xf32, #tpu.memory_space<vmem>> -> memref<1x16x1024xf32, #tpu.memory_space<vmem>>
      %parallel_loop3A_1081 = tpu.memref_squeeze %parallel_loop3A_1080 : memref<1x16x1024xf32, #tpu.memory_space<vmem>> -> memref<16x1024xf32, #tpu.memory_space<vmem>>
      %parallel_loop3A_1082 = arith.index_cast %parallel_loop3A_1077 : i32 to index
      %parallel_loop3A_1083 = arith.index_cast %parallel_loop3A_782 : i32 to index
      %parallel_loop3A_1084 = tpu.vector_load %parallel_loop3A_1081[%parallel_loop3A_1082, %parallel_loop3A_1083] {strides = array<i32>} : memref<16x1024xf32, #tpu.memory_space<vmem>>, vector<1x16xf32>,
      %parallel_loop3A_1085 = vector.shape_cast %parallel_loop3A_1084 : vector<1x16xf32> to vector<16xf32>
      %parallel_loop3A_1086 = vector.shape_cast %parallel_loop3A_1076 : vector<16xf32> to vector<1x16xf32>
      tpu.vector_store %parallel_loop3A_1081[%parallel_loop3A_1082, %parallel_loop3A_1083], %parallel_loop3A_1086 {add = true, strides = array<i32>} : memref<16x1024xf32, #tpu.memory_space<vmem>>, vector<1x16xf32>,
    } {sc.loop_unroll_factor = 1 : i64, sc.parallel_access}
    %add3A_719 = arith.constant 16 : i32
    %add3A_720 = arith.addi %mul3A_2, %add3A_719 : i32
    %dma_start3A_721 = arith.constant 3 : i32
    %dma_start3A_722 = arith.constant 3 : i32
    %dma_start3A_723 = arith.constant 3 : i32
    %dma_start3A_724 = arith.constant 0 : i32
    %dma_start3A_725 = arith.constant 0 : i32
    %dma_start3A_726 = tpu.memref_slice %arg6[%dma_start3A_721, %dma_start3A_724, %dma_start3A_725] : memref<4x16x1024xf32, #tpu.memory_space<vmem>> -> memref<1x16x1024xf32, #tpu.memory_space<vmem>>
    %dma_start3A_727 = tpu.memref_squeeze %dma_start3A_726 : memref<1x16x1024xf32, #tpu.memory_space<vmem>> -> memref<16x1024xf32, #tpu.memory_space<vmem>>
    %dma_start3A_728 = arith.constant 0 : i32
    %dma_start3A_729 = tpu.memref_slice %arg4[%dma_start3A_722, %add3A_720, %dma_start3A_728] : memref<4x1024x1024xf32, #tpu.memory_space<hbm>> -> memref<1x16x1024xf32, #tpu.memory_space<hbm>>
    %dma_start3A_730 = tpu.memref_squeeze %dma_start3A_729 : memref<1x16x1024xf32, #tpu.memory_space<hbm>> -> memref<16x1024xf32, #tpu.memory_space<hbm>>
    %dma_start3A_731 = tpu.memref_slice %arg9[%dma_start3A_723] : memref<4x!tpu.dma_semaphore, #tpu.memory_space<semaphore_mem>> -> memref<1x!tpu.dma_semaphore, #tpu.memory_space<semaphore_mem>>
    %dma_start3A_732 = tpu.memref_squeeze %dma_start3A_731 : memref<1x!tpu.dma_semaphore, #tpu.memory_space<semaphore_mem>> -> memref<!tpu.dma_semaphore, #tpu.memory_space<semaphore_mem>>
    %dma_start3A_733 = arith.constant 0 : i32
    %dma_start3A_734 = tpu.memref_slice %arg4[%dma_start3A_722, %add3A_720, %dma_start3A_733] : memref<4x1024x1024xf32, #tpu.memory_space<hbm>> -> memref<1x16x1024xf32, #tpu.memory_space<hbm>>
    %dma_start3A_735 = tpu.memref_squeeze %dma_start3A_734 : memref<1x16x1024xf32, #tpu.memory_space<hbm>> -> memref<16x1024xf32, #tpu.memory_space<hbm>>
    %dma_start3A_736 = arith.constant 0 : i32
    %dma_start3A_737 = arith.constant 0 : i32
    %dma_start3A_738 = tpu.memref_slice %arg6[%dma_start3A_721, %dma_start3A_736, %dma_start3A_737] : memref<4x16x1024xf32, #tpu.memory_space<vmem>> -> memref<1x16x1024xf32, #tpu.memory_space<vmem>>
    %dma_start3A_739 = tpu.memref_squeeze %dma_start3A_738 : memref<1x16x1024xf32, #tpu.memory_space<vmem>> -> memref<16x1024xf32, #tpu.memory_space<vmem>>
    tpu.enqueue_dma source(%dma_start3A_739 : memref<16x1024xf32, #tpu.memory_space<vmem>>) target(%dma_start3A_735 : memref<16x1024xf32, #tpu.memory_space<hbm>>) target_semaphore(%dma_start3A_732 : memref<!tpu.dma_semaphore, #tpu.memory_space<semaphore_mem>>)
    %add3A_740 = arith.constant 16 : i32
    %add3A_741 = arith.addi %mul3A_2, %add3A_740 : i32
    %dma_wait3A_742 = arith.constant 2 : i32
    %dma_wait3A_743 = arith.constant 2 : i32
    %dma_wait3A_744 = arith.constant 2 : i32
    %dma_wait3A_745 = arith.constant 0 : i32
    %dma_wait3A_746 = arith.constant 0 : i32
    %dma_wait3A_747 = tpu.memref_slice %arg6[%dma_wait3A_742, %dma_wait3A_745, %dma_wait3A_746] : memref<4x16x1024xf32, #tpu.memory_space<vmem>> -> memref<1x16x1024xf32, #tpu.memory_space<vmem>>
    %dma_wait3A_748 = tpu.memref_squeeze %dma_wait3A_747 : memref<1x16x1024xf32, #tpu.memory_space<vmem>> -> memref<16x1024xf32, #tpu.memory_space<vmem>>
    %dma_wait3A_749 = arith.constant 0 : i32
    %dma_wait3A_750 = tpu.memref_slice %arg4[%dma_wait3A_743, %add3A_741, %dma_wait3A_749] : memref<4x1024x1024xf32, #tpu.memory_space<hbm>> -> memref<1x16x1024xf32, #tpu.memory_space<hbm>>
    %dma_wait3A_751 = tpu.memref_squeeze %dma_wait3A_750 : memref<1x16x1024xf32, #tpu.memory_space<hbm>> -> memref<16x1024xf32, #tpu.memory_space<hbm>>
    %dma_wait3A_752 = tpu.memref_slice %arg9[%dma_wait3A_744] : memref<4x!tpu.dma_semaphore, #tpu.memory_space<semaphore_mem>> -> memref<1x!tpu.dma_semaphore, #tpu.memory_space<semaphore_mem>>
    %dma_wait3A_753 = tpu.memref_squeeze %dma_wait3A_752 : memref<1x!tpu.dma_semaphore, #tpu.memory_space<semaphore_mem>> -> memref<!tpu.dma_semaphore, #tpu.memory_space<semaphore_mem>>
    %dma_wait3A_754 = arith.constant 0 : i32
    %dma_wait3A_755 = tpu.memref_slice %arg4[%dma_wait3A_743, %add3A_741, %dma_wait3A_754] : memref<4x1024x1024xf32, #tpu.memory_space<hbm>> -> memref<1x16x1024xf32, #tpu.memory_space<hbm>>
    %dma_wait3A_756 = tpu.memref_squeeze %dma_wait3A_755 : memref<1x16x1024xf32, #tpu.memory_space<hbm>> -> memref<16x1024xf32, #tpu.memory_space<hbm>>
    %dma_wait3A_757 = arith.constant 0 : i32
    %dma_wait3A_758 = arith.constant 0 : i32
    %dma_wait3A_759 = tpu.memref_slice %arg6[%dma_wait3A_742, %dma_wait3A_757, %dma_wait3A_758] : memref<4x16x1024xf32, #tpu.memory_space<vmem>> -> memref<1x16x1024xf32, #tpu.memory_space<vmem>>
    %dma_wait3A_760 = tpu.memref_squeeze %dma_wait3A_759 : memref<1x16x1024xf32, #tpu.memory_space<vmem>> -> memref<16x1024xf32, #tpu.memory_space<vmem>>
    tpu.wait_dma2 semaphore(%dma_wait3A_753 : memref<!tpu.dma_semaphore, #tpu.memory_space<semaphore_mem>>) src(%dma_wait3A_760 : memref<16x1024xf32, #tpu.memory_space<vmem>>) dst(%dma_wait3A_756 : memref<16x1024xf32, #tpu.memory_space<hbm>>)
    %add3A_761 = arith.constant 16 : i32
    %add3A_762 = arith.addi %mul3A_2, %add3A_761 : i32
    %dma_wait3A_763 = arith.constant 3 : i32
    %dma_wait3A_764 = arith.constant 3 : i32
    %dma_wait3A_765 = arith.constant 3 : i32
    %dma_wait3A_766 = arith.constant 0 : i32
    %dma_wait3A_767 = arith.constant 0 : i32
    %dma_wait3A_768 = tpu.memref_slice %arg6[%dma_wait3A_763, %dma_wait3A_766, %dma_wait3A_767] : memref<4x16x1024xf32, #tpu.memory_space<vmem>> -> memref<1x16x1024xf32, #tpu.memory_space<vmem>>
    %dma_wait3A_769 = tpu.memref_squeeze %dma_wait3A_768 : memref<1x16x1024xf32, #tpu.memory_space<vmem>> -> memref<16x1024xf32, #tpu.memory_space<vmem>>
    %dma_wait3A_770 = arith.constant 0 : i32
    %dma_wait3A_771 = tpu.memref_slice %arg4[%dma_wait3A_764, %add3A_762, %dma_wait3A_770] : memref<4x1024x1024xf32, #tpu.memory_space<hbm>> -> memref<1x16x1024xf32, #tpu.memory_space<hbm>>
    %dma_wait3A_772 = tpu.memref_squeeze %dma_wait3A_771 : memref<1x16x1024xf32, #tpu.memory_space<hbm>> -> memref<16x1024xf32, #tpu.memory_space<hbm>>
    %dma_wait3A_773 = tpu.memref_slice %arg9[%dma_wait3A_765] : memref<4x!tpu.dma_semaphore, #tpu.memory_space<semaphore_mem>> -> memref<1x!tpu.dma_semaphore, #tpu.memory_space<semaphore_mem>>
    %dma_wait3A_774 = tpu.memref_squeeze %dma_wait3A_773 : memref<1x!tpu.dma_semaphore, #tpu.memory_space<semaphore_mem>> -> memref<!tpu.dma_semaphore, #tpu.memory_space<semaphore_mem>>
    %dma_wait3A_775 = arith.constant 0 : i32
    %dma_wait3A_776 = tpu.memref_slice %arg4[%dma_wait3A_764, %add3A_762, %dma_wait3A_775] : memref<4x1024x1024xf32, #tpu.memory_space<hbm>> -> memref<1x16x1024xf32, #tpu.memory_space<hbm>>
    %dma_wait3A_777 = tpu.memref_squeeze %dma_wait3A_776 : memref<1x16x1024xf32, #tpu.memory_space<hbm>> -> memref<16x1024xf32, #tpu.memory_space<hbm>>
    %dma_wait3A_778 = arith.constant 0 : i32
    %dma_wait3A_779 = arith.constant 0 : i32
    %dma_wait3A_780 = tpu.memref_slice %arg6[%dma_wait3A_763, %dma_wait3A_778, %dma_wait3A_779] : memref<4x16x1024xf32, #tpu.memory_space<vmem>> -> memref<1x16x1024xf32, #tpu.memory_space<vmem>>
    %dma_wait3A_781 = tpu.memref_squeeze %dma_wait3A_780 : memref<1x16x1024xf32, #tpu.memory_space<vmem>> -> memref<16x1024xf32, #tpu.memory_space<vmem>>
    tpu.wait_dma2 semaphore(%dma_wait3A_774 : memref<!tpu.dma_semaphore, #tpu.memory_space<semaphore_mem>>) src(%dma_wait3A_781 : memref<16x1024xf32, #tpu.memory_space<vmem>>) dst(%dma_wait3A_777 : memref<16x1024xf32, #tpu.memory_space<hbm>>)
    return
  }
}

module attributes {stable_mosaic.version = 14 : i64} {
  func.func @_tc_body(%arg0: i32, %arg1: memref<4x256x1024xf32, #tpu.memory_space<vmem>>, %arg2: memref<256x1024xf32, #tpu.memory_space<vmem>>, %arg3: memref<4x256x1024xf32, #tpu.memory_space<vmem>>) attributes {dimension_semantics = [#tpu.dimension_semantics<arbitrary>], iteration_bounds = array<i64: 12>, scalar_prefetch = 0 : i64, scratch_operands = 0 : i64, tpu.core_type = #tpu.core_type<tc>, window_params = [{transform_indices = @transform_0, window_bounds = array<i64: 4, 256, 1024>}, {transform_indices = @transform_1, window_bounds = array<i64: 256, 1024>}, {transform_indices = @transform_2, window_bounds = array<i64: 4, 256, 1024>}]} {
    %get3A = arith.constant 0 : index
    %get3A_0 = arith.constant 0 : index
    %get3A_1 = arith.constant 0 : index
    %get3A_2 = vector.load %arg1[%get3A, %get3A_0, %get3A_1] : memref<4x256x1024xf32, #tpu.memory_space<vmem>>, vector<4x256x1024xf32>
    %get3A_3 = arith.constant 0 : index
    %get3A_4 = arith.constant 0 : index
    %get3A_5 = vector.load %arg2[%get3A_3, %get3A_4] : memref<256x1024xf32, #tpu.memory_space<vmem>>, vector<256x1024xf32>
    %broadcast_in_dim3A = vector.shape_cast %get3A_5 : vector<256x1024xf32> to vector<1x256x1024xf32>
    %add3A = vector.broadcast %broadcast_in_dim3A : vector<1x256x1024xf32> to vector<4x256x1024xf32>
    %add3A_6 = arith.addf %get3A_2, %add3A : vector<4x256x1024xf32>
    %swap3A = arith.constant 0 : index
    %swap3A_7 = arith.constant 0 : index
    %swap3A_8 = arith.constant 0 : index
    %swap3A_9 = vector.load %arg3[%swap3A, %swap3A_7, %swap3A_8] : memref<4x256x1024xf32, #tpu.memory_space<vmem>>, vector<4x256x1024xf32>
    tpu.vector_store %arg3[%swap3A, %swap3A_7, %swap3A_8], %add3A_6 {strides = array<i32>} : memref<4x256x1024xf32, #tpu.memory_space<vmem>>, vector<4x256x1024xf32>,
    return
  }
  func.func @transform_0(%arg0: i32) -> (i32, i32, i32) {
    %c0_i32 = arith.constant 0 : i32
    %c0_i32_0 = arith.constant 0 : i32
    %c0_i32_1 = arith.constant 0 : i32
    return %c0_i32, %arg0, %c0_i32_0 : i32, i32, i32
  }
  func.func @transform_1(%arg0: i32) -> (i32, i32) {
    %c0_i32 = arith.constant 0 : i32
    %c0_i32_0 = arith.constant 0 : i32
    return %arg0, %c0_i32 : i32, i32
  }
  func.func @transform_2(%arg0: i32) -> (i32, i32, i32) {
    %c0_i32 = arith.constant 0 : i32
    %c0_i32_0 = arith.constant 0 : i32
    %c0_i32_1 = arith.constant 0 : i32
    return %c0_i32, %arg0, %c0_i32_0 : i32, i32, i32
  }
}

</mosaic_0001>

<sc_bundles>
// kernel: kernel.4.cloned.1.call-start
scs
__scs_entry_jumppad:
0x0: {  	(pc) =	sbr.rel $0x88, $3  }
0x1: {  	(tag) =	ssettag $0x0;
	lr =	simm.s32 $0x1  }
0x2: {  	[smem:$0x3F9F] =	sst lr;
	_ =	strace $0xD0000000  }
0x3: {  	_ = 	snop  }
0x4: {  	_ = 	snop  }
0x5: {  	_ = 	snop  }
0x6: {  	_ = 	snop  }
0x7: {  	_ = 	snop  }
__scs_overlays_trampoline_lowered:
0x8: {  	[smem:$0x3FAE] =	sst s0  }
0x9: {  	[smem:$0x3FAF] =	sst s1  }
0xa: {  	[smem:$0x3FB0] =	sst s2  }
0xb: {  	[smem:$0x3FB1] =	sst s3  }
0xc: {  	[smem:$0x3FB2] =	sst s4  }
0xd: {  	[smem:$0x3FB3] =	sst s5  }
0xe: {  	[smem:$0x3FB4] =	sst s6  }
0xf: {  	[smem:$0x3FB5] =	sst s7  }
0x10: {  	[smem:$0x3FB6] =	sst s8  }
0x11: {  	[smem:$0x3FB7] =	sst s9;
	s0 =	simm.s32 @!p0 $0x0  }
0x12: {  	s1 =	sld [smem:$0x3F9D];
	s0 =	simm.s32 @p0 $0x1  }
0x13: {  	[smem:$0x3FB8] =	sst s0;
	s0 =	simm.s32 @!p1 $0x0  }
0x14: {  	s2 =	sld [smem:$0x3F9C];
	s0 =	simm.s32 @p1 $0x1  }
0x15: {  	[smem:$0x3FB9] =	sst s0;
	s0 =	simm.s32 @!p2 $0x0  }
0x16: {  	s3 =	sld [smem:$0x3FDB];
	s0 =	simm.s32 @p2 $0x1  }
0x17: {  	s4 =	simm.s32 $0x1BF5;
	[smem:$0x3FBB] =	sst s0  }
0x18: {  	s0 =	sld [smem:$0x3F9E];
	_ =	swait.ge [sflag:s4], $0x0  }
0x19: {  	s7 =	sld [smem:$0x3F9F]  }
0x1a: {  	s8 =	sadd.s32 $0xFFFFE003, lr  }
0x1b: {  	s9 =	sadd.s32 $0xFFFFFEF7, lr;
	s5 =	simm.s32 $0xFFFFFFFF;
	p2 =	slt.u32 s8, $0xFFFFF086  }
0x1c: {  	p1 =	slt.u32 s9, $0xF7A;
	s5 =	simm.s32 @!p2 $0x0  }
0x1d: {  	s5 =	simm.s32 @p1 $0x1;
	p0 =	seq.s32 s7, s2  }
0x1e: {  	s7 =	smul.u32 @!p0 $0xF7A, s2;
	p2 =	seq.s32 @!p0 s5, $0x0  }
0x1f: {  	s9 =	smul.u32 $0xF7A, s1;
	s8 =	simm.s32 @!p0 $0x1BF5;
	p2 =	por !p2, p0  }
0x20: {  	[sflag:s8] =	ssyncset.s32 @!p0 $0xFFFFF086;
	s6 =	sadd.s32 @!p0 s3, s7;
	s7 =	simm.s32 @!p0 $0x108  }
0x21: {  	s3 =	sadd.s32 s3, s9;
	s6 =	sadd.s32 @!p0 $0x88, s6;
	s7 =	simm.s32 @p2 $0x1082  }
0x22: {  	[simem:s7], [sflag:s8] =	dma.local @!p0 [hbm:s6], $0xF7A  }
0x23: {  	s9 =	sor.u32 $0xD0000000, s2;
	s6 =	simm.s32 $0x108;
	_ =	swait.ge @!p0 [sflag:s8], $0x0  }
0x24: {  	s3 =	sadd.s32 $0x88, s3;
	s6 =	simm.s32 @!p1 $0x1082;
	[sflag:s4] =	ssyncset.s32 $0xFFFFF086  }
0x25: {  	[simem:s6], [sflag:s4] =	dma.local [hbm:s3], $0xF7A  }
0x26: {  	[smem:$0x3F9F] =	sst s1;
	(tag) =	ssettag s2;
	_ =	strace s9  }
0x27: {  	s1 =	sld [smem:$0x3FAF]  }
0x28: {  	s2 =	sld [smem:$0x3FB0]  }
0x29: {  	s4 =	sld [smem:$0x3FB2]  }
0x2a: {  	p0 =	seq.s32 s5, $0x0;
	s5 =	sld [smem:$0x3FB3]  }
0x2b: {  	s6 =	sld [smem:$0x3FB4]  }
0x2c: {  	s7 =	sld [smem:$0x3FB5]  }
0x2d: {  	s3 =	simm.s32 $0x108;
	s8 =	sld [smem:$0x3FB6]  }
0x2e: {  	s3 =	simm.s32 @!p0 $0x1082;
	s9 =	sld [smem:$0x3FB7]  }
0x2f: {  	lr =	sadd.s32 s0, s3;
	s0 =	sld [smem:$0x3FAE]  }
0x30: {  	s3 =	sld [smem:$0x3FB1]  }
0x31: {  	[smem:$0x3FBA] =	sst s10  }
0x32: {  	s10 =	sld [smem:$0x3FB8];
	_ =	sdelay $0x3  }
0x33: {  	p0 =	seq.s32 s10, $0x1;
	s10 =	sld [smem:$0x3FBA];
	_ =	sdelay $0x3  }
0x34: {  	[smem:$0x3FBA] =	sst s10  }
0x35: {  	s10 =	sld [smem:$0x3FB9];
	_ =	sdelay $0x3  }
0x36: {  	p1 =	seq.s32 s10, $0x1;
	s10 =	sld [smem:$0x3FBA];
	_ =	sdelay $0x3  }
0x37: {  	[smem:$0x3FBA] =	sst s10  }
0x38: {  	s10 =	sld [smem:$0x3FBB]  }
0x39: {  	_ = 	snop;
	(pc) =	sbr.ind lr, $3  }
0x3a: {  	_ = 	snop  }
0x3b: {  	_ = 	snop  }
0x3c: {  	p2 =	seq.s32 s10, $0x1;
	s10 =	sld [smem:$0x3FBA]  }
0x3d: {  	_ =	shalt  }
0x3e: {  	_ =	shalt  }
0x3f: {  	_ =	shalt  }
0x40: {  	_ =	shalt  }
0x41: {  	_ =	shalt  }
0x42: {  	_ =	shalt  }
0x43: {  	_ =	shalt  }
0x44: {  	_ =	shalt  }
0x45: {  	_ =	shalt  }
0x46: {  	_ =	shalt  }
0x47: {  	_ =	shalt  }
0x48: {  	_ =	shalt  }
0x49: {  	_ =	shalt  }
0x4a: {  	_ =	shalt  }
0x4b: {  	_ =	shalt  }
0x4c: {  	_ =	shalt  }
0x4d: {  	_ =	shalt  }
0x4e: {  	_ =	shalt  }
0x4f: {  	_ =	shalt  }
0x50: {  	_ =	shalt  }
0x51: {  	_ =	shalt  }
0x52: {  	_ =	shalt  }
0x53: {  	_ =	shalt  }
0x54: {  	_ =	shalt  }
0x55: {  	_ =	shalt  }
0x56: {  	_ =	shalt  }
0x57: {  	_ =	shalt  }
0x58: {  	_ =	shalt  }
0x59: {  	_ =	shalt  }
0x5a: {  	_ =	shalt  }
0x5b: {  	_ =	shalt  }
0x5c: {  	_ =	shalt  }
0x5d: {  	_ =	shalt  }
0x5e: {  	_ =	shalt  }
0x5f: {  	_ =	shalt  }
0x60: {  	_ =	shalt  }
0x61: {  	_ =	shalt  }
0x62: {  	_ =	shalt  }
0x63: {  	_ =	shalt  }
0x64: {  	_ =	shalt  }
0x65: {  	_ =	shalt  }
0x66: {  	_ =	shalt  }
0x67: {  	_ =	shalt  }
0x68: {  	_ =	shalt  }
0x69: {  	_ =	shalt  }
0x6a: {  	_ =	shalt  }
0x6b: {  	_ =	shalt  }
0x6c: {  	_ =	shalt  }
0x6d: {  	_ =	shalt  }
0x6e: {  	_ =	shalt  }
0x6f: {  	_ =	shalt  }
0x70: {  	_ =	shalt  }
0x71: {  	_ =	shalt  }
0x72: {  	_ =	shalt  }
0x73: {  	_ =	shalt  }
0x74: {  	_ =	shalt  }
0x75: {  	_ =	shalt  }
0x76: {  	_ =	shalt  }
0x77: {  	_ =	shalt  }
0x78: {  	_ =	shalt  }
0x79: {  	_ =	shalt  }
0x7a: {  	_ =	shalt  }
0x7b: {  	_ =	shalt  }
0x7c: {  	_ =	shalt  }
0x7d: {  	_ =	shalt  }
0x7e: {  	_ =	shalt  }
0x7f: {  	_ =	shalt  }
0x80: {  	_ =	shalt  }
0x81: {  	_ =	shalt  }
0x82: {  	_ =	shalt  }
0x83: {  	_ =	shalt  }
0x84: {  	_ =	shalt  }
0x85: {  	_ =	shalt  }
0x86: {  	_ =	shalt  }
0x87: {  	_ =	shalt  }
.Lfunc_end0:
.L_simem_size_0:
called_computation_lowered:
.L_overlay_start_0:
0x88: {  	s2 =	sld [smem:$0x3FD9]  }
0x89: {  	s3 =	sld [smem:$0x3FFE];
	_ =	sdelay $0x1  }
0x8a: {  	s1 =	srdreg.scid  }
0x8b: {  	s0 =	sand.u32 $0x1, s1  }
0x8c: {  	s15 =	sshll.u32 s0, $0xA;
	s2 =	sadd.s32 s3, s2  }
0x8d: {  	s2 =	sadd.s32 s2, s15  }
0x8e: {  	[smem:$0x3FC6] =	sst s2  }
0x8f: {  	_ = 	snop  }
0x90: {  	s2 =	sld [smem:$0x3FD0];
	_ =	sdelay $0x1  }
0x91: {  	s16 =	sld [smem:$0x3FC9]  }
0x92: {  	s5 =	simm.s32 $0xA;
	s6 =	simm.s32 $0x10;
	s4 =	sld [smem:$0x3FC8]  }
0x93: {  	[smem:s6], [sflag:s5] =	dma.local [hbm:s2], $0x1  }
0x94: {  	_ =	swait.eq [sflag:s5], $0x1  }
0x95: {  	[sflag:s5] =	ssyncset.done $0x0  }
0x96: {  	[sflag:s5] =	ssyncadd.s32 $0xFFFFFFFF  }
0x97: {  	s17 =	sld [smem:$0x11];
	(tm) =	ssettm $0x1  }
0x98: {  	s18 =	sld [smem:$0x3FFB];
	_ =	sdelay $0x3  }
0x99: {  	_ =	strace s18  }
0x9a: {  	s5 =	sld [smem:$0x3FFC];
	_ =	sdelay $0x3  }
0x9b: {  	_ =	strace s5  }
0x9c: {  	s5 =	sld [smem:$0x3FFD];
	_ =	sdelay $0x3  }
0x9d: {  	_ =	strace s5  }
0x9e: {  	_ =	strace $0x8FFFFFFF  }
0x9f: {  	s19 =	sld [smem:$0x3FDB];
	_ =	sdelay $0x1  }
0xa0: {  	s20 =	simm.s32 $_scs_section_size  }
0xa1: {  	s7 =	simm.s32 $_size__tile_overlayer_lowered;
	s8 =	simm.s32 $_tile_overlayer_lowered  }
0xa2: {  	s23 =	simm.s32 $0x1BFF;
	s22 =	sshll.u32 s8, $0x1;
	s5 =	sadd.s32 s20, s19  }
0xa3: {  	s9 =	simm.s32 $0x0;
	s21 =	sshll.u32 s7, $0x1;
	s7 =	sadd.s32 s22, s5  }
0xa4: {  	[timem:s9], [sflag:s23] =	dma.local [hbm:s7], s21  }
0xa5: {  	_ =	swait.ge [sflag:s23], s21  }
0xa6: {  	s6 =	ssub.s32 $0x0, s21;
	[sflag:s23] =	ssyncset.done $0x0  }
0xa7: {  	[sflag:s23] =	ssyncadd.s32 s6;
	_ =	sdelay $0x1  }
0xa8: {  	s24 =	simm.s32 $0x1B8B  }
0xa9: {  	_ =	swait.ge [sflag:s24], $0x1  }
0xaa: {  	[sflag:s24] =	ssyncset.done $0x0  }
0xab: {  	s25 =	simm.s32 $0x1B8E;
	[sflag:s24] =	ssyncadd.s32 $0xFFFFFFFF  }
0xac: {  	s26 =	simm.s32 $execute0_lowered;
	[smem:$0x3FD2] =	sst s25  }
0xad: {  	s6 =	sshll.u32 s26, $0x1;
	_ =	strace $0x80000046;
	[dreg:$0x1] =	wrdreg $0xFFFFFFFF  }
0xae: {  	s28 =	simm.s32 $_size_execute0_lowered;
	s5 =	sadd.s32 s5, s6;
	[dreg:$0x0] =	wrdreg $0x0  }
0xaf: {  	s6 =	sshll.u32 s28, $0x1;
	[dreg:$0x2] =	wrdreg s5  }
0xb0: {  	[dreg:$0x3] =	wrdreg s6  }
0xb1: {  	[dreg:$0x4] =	wrdreg $0xC0  }
0xb2: {  	_ =	task [dreg:s9], $0x5FFFF  }
0xb3: {  	[dreg:$0x1] =	wrdreg $0xFFFFFFFF  }
0xb4: {  	[dreg:$0x0] =	wrdreg $0x60  }
0xb5: {  	[dreg:$0x2] =	wrdreg s16  }
0xb6: {  	[dreg:$0x3] =	wrdreg s4  }
0xb7: {  	[dreg:$0x4] =	wrdreg s17  }
0xb8: {  	[dreg:$0x5] =	wrdreg $0x9  }
0xb9: {  	_ =	task.clear_ibuf [dreg:s9], $0x6FFFF;
	_ =	strace $0x90000046  }
0xba: {  	s29 =	simm.s32 $0x9;
	_ =	strace $0x80000048  }
0xbb: {  	_ =	swait.ge [sflag:s29], $0x1  }
0xbc: {  	[sflag:s29] =	ssyncadd.s32 $0xFFFFFFFF  }
0xbd: {  	_ =	strace $0x90000048  }
0xbe: {  	_ =	sfence  }
0xbf: {  	s30 =	sld [smem:$0x0];
	_ =	sdelay $0x2  }
0xc0: {  	s31 =	sshll.u32 s1, $0xD;
	s1 =	sshrl.u32 s1, $0x2  }
0xc1: {  	s3 =	sand.u32 $0x4000, s31;
	s1 =	sadd.s32 s1, s30  }
0xc2: {  	s0 =	sor.u32 s3, s0;
	s1 =	sshll.u32 s1, $0x11  }
0xc3: {  	s0 =	sor.u32 s1, s0  }
0xc4: {  	s0 =	sadd.s32 $0x8F2B, s0  }
0xc5: {  	[sflag:s0] =	ssyncadd.remote.s32 $0x1  }
0xc6: {  	_ =	sfence.sel $0xFFFF  }
0xc7: {  	[dreg:$0x0] =	wrdreg $0xFFFFFFFF;
	(pc) =	sbr.abs _section_cstart, $3  }
0xc8: {  	[dreg:$0x1] =	wrdreg $0xFFFFFFFF  }
0xc9: {  	_ =	task.clear_ibuf [dreg:s9], $0x2FFFF;
	_ =	strace $0x9FFFFFFF  }
0xca: {  	(tm) =	ssettm $0x7FFFFFFF  }
0xcb: {  	_ =	shalt  }
tec
execute0_lowered:
.L_overlay_start_1:
0x0: {  	(tag) =	ssettag $0x1  }
0x1: {  	s2 =	srdreg.scid  }
0x2: {  	s5 =	stileid.u32;
	s4 =	sand.u32 $0x1, s2  }
0x3: {  	s0 =	rddreg [dreg:$0x0];
	s5 =	sshll.u32 s5, $0xD;
	s6 =	sshll.u32 s4, $0xC  }
0x4: {  	s1 =	rddreg [dreg:$0x1];
	s2 =	simm.s32 $0x0;
	s5 =	sor.u32 s6, s5  }
0x5: {  	[smem:$0x7FF] =	sst s2;
	s8 =	sor.u32 $0x60000, s5  }
0x6: {  	s3 =	rddreg [dreg:$0x2];
	_ =	strace $0x80000047;
	s14 =	sadd.s32 s1, s8  }
0x7: {  	s16 =	sadd.s32 s5, s0;
	s15 =	sadd.s32 s0, s8;
	[dreg:$0x4] =	wrdreg s14  }
0x8: {  	s9 =	sor.u32 $0x60800, s5;
	s7 =	sadd.s32 $0xE0000, s16;
	[dreg:$0x5] =	wrdreg s15  }
0x9: {  	s1 =	sadd.s32 s1, s9;
	[dreg:$0x6] =	wrdreg s7  }
0xa: {  	s28 =	simm.s32 $0x10000;
	s17 =	sadd.s32 $0x160000, s16;
	[dreg:$0x7] =	wrdreg s1  }
0xb: {  	s29 =	simm.s32 $0x4;
	s18 =	sadd.s32 $0x1E0000, s16;
	[dreg:$0x8] =	wrdreg s17  }
0xc: {  	s30 =	simm.s32 $0x14000;
	s0 =	sadd.s32 s0, s9;
	[dreg:$0x9] =	wrdreg s18  }
0xd: {  	s31 =	simm.s32 $0x5;
	s21 =	sadd.s32 $0xE0800, s16;
	[dreg:$0xb] =	wrdreg s0  }
0xe: {  	s4 =	ssub.s32 $0x2, s4;
	s22 =	sadd.s32 s3, s8;
	[dreg:$0xd] =	wrdreg s21  }
0xf: {  	s13 =	sshrl.u32 s4, $0x1;
	s23 =	sadd.s32 $0x160800, s16;
	[dreg:$0xe] =	wrdreg s22  }
0x10: {  	s6 =	simm.s32 $0x0;
	s25 =	sadd.s32 $0x1E0800, s16;
	[dreg:$0xf] =	wrdreg s23  }
0x11: {  	s4 =	ssub.s32 s4, s13;
	s7 =	sadd.s32 s3, s5;
	[dreg:$0x11] =	wrdreg s25  }
0x12: {  	s21 =	smax.u32 s4, $0x1;
	s22 =	simm.s32 $0x8000;
	s23 =	simm.s32 $0xC000  }
0x13: {  	s0 =	simm.s32 $0x7;
	s1 =	simm.s32 $0x6;
	s19 =	sadd.s32 $0x20000, s7  }
0x14: {  	s25 =	simm.s32 $0x8;
	s20 =	sadd.s32 $0x40000, s7;
	[dreg:$0xa] =	wrdreg s19  }
0x15: {  	s4 =	simm.s32 $0x9;
	s24 =	sadd.s32 $0x800, s7;
	[dreg:$0xc] =	wrdreg s20  }
0x16: {  	s5 =	simm.s32 $0xA;
	s26 =	sadd.s32 $0x20800, s7;
	[dreg:$0x10] =	wrdreg s24  }
0x17: {  	[dreg:$0x12] =	wrdreg s26;
	s19 =	sadd.s32 $0x40800, s7;
	s20 =	sadd.s32 s3, s9  }
0x18: {  	s24 =	simm.s32 $0x1;
	s26 =	simm.s32 $0x3;
	s3 =	simm.s32 $0x2  }
.LBB2_1:
0x19: {  	s8 =	rddreg [dreg:$0x4]  }
0x1a: {  	[tilespmem:s2], [sflag:$0x1] =	stream.linear.gather [hbm4b:s8+s2], $0x4000, $0x38;
	[tilespmem:$0x18000] =	vst v63  }
0x1b: {  	s14 =	rddreg [dreg:$0x5]  }
0x1c: {  	[tilespmem:s22], [sflag:$0x3] =	stream.linear.gather [hbm4b:s14+s2], $0x4000, $0x38;
	[tilespmem:$0x18000] =	vst v63  }
0x1d: {  	s15 =	rddreg [dreg:$0x6]  }
0x1e: {  	[tilespmem:s23], [sflag:$0x4] =	stream.linear.gather [hbm4b:s15+s2], $0x4000, $0x38;
	[tilespmem:$0x18000] =	vst v63  }
0x1f: {  	_ =	swait.ge [sflag:s24], $0x4000  }
0x20: {  	[sflag:s24] =	ssyncset.done $0x0  }
0x21: {  	s9 =	simm.s32 $0x4000;
	s16 =	rddreg [dreg:$0x7];
	[sflag:s24] =	ssyncadd.s32 $0xFFFFC000  }
0x22: {  	[tilespmem:s9], [sflag:$0x2] =	stream.linear.gather [hbm4b:s16+s2], $0x4000, $0x38;
	[tilespmem:$0x18000] =	vst v63  }
0x23: {  	s9 =	simm.s32 $0x0;
	_ =	swait.ge [sflag:s26], $0x4000  }
0x24: {  	s10 =	sand.u32 $0x1C00, s2;
	s18 =	sand.u32 $0x70, s9;
	[sflag:s26] =	ssyncset.done $0x0  }
0x25: {  	s17 =	rddreg [dreg:$0x8];
	s13 =	sor.u32 s18, s10;
	[sflag:s26] =	ssyncadd.s32 $0xFFFFC000  }
0x26: {  	[tilespmem:s28], [sflag:$0x5] =	stream.linear.gather [hbm4b:s17+s2], $0x4000, $0x38;
	[tilespmem:$0x18000] =	vst v63  }
0x27: {  	v0 =	vld [tilespmem:s13+$0x0];
	_ =	sdelay $0x3  }
0x28: {  	s8 =	sor.u32 $0x8000, s13  }
0x29: {  	[tilespmem:s8+$0x0] =	vst.add.f32.msk $0xffff, v0  }
0x2a: {  	v0 =	vld [tilespmem:s13+$0x80];
	_ =	sdelay $0x3  }
0x2b: {  	s11 =	sor.u32 $0x8080, s13  }
0x2c: {  	[tilespmem:s11+$0x0] =	vst.add.f32.msk $0xffff, v0  }
0x2d: {  	v0 =	vld [tilespmem:s13+$0x100];
	_ =	sdelay $0x3  }
0x2e: {  	s12 =	sor.u32 $0x8100, s13  }
0x2f: {  	[tilespmem:s12+$0x0] =	vst.add.f32.msk $0xffff, v0  }
0x30: {  	v0 =	vld [tilespmem:s13+$0x180];
	_ =	sdelay $0x3  }
0x31: {  	s14 =	sor.u32 $0x8180, s13  }
0x32: {  	[tilespmem:s14+$0x0] =	vst.add.f32.msk $0xffff, v0  }
0x33: {  	v0 =	vld [tilespmem:s13+$0x200];
	_ =	sdelay $0x3  }
0x34: {  	s15 =	sor.u32 $0x8200, s13  }
0x35: {  	s10 =	simm.s32 $0x10;
	[tilespmem:s15+$0x0] =	vst.add.f32.msk $0xffff, v0;
	s15 =	simm.s32 $0x80  }
0x36: {  	s16 =	sand.u32 $0x70, s10;
	s11 =	sand.u32 $0x1C00, s15;
	v0 =	vld [tilespmem:s13+$0x280]  }
0x37: {  	s8 =	sor.u32 s16, s11  }
0x38: {  	v1 =	vld [tilespmem:s8+$0x0];
	_ =	sdelay $0x1  }
0x39: {  	s17 =	sor.u32 $0x8280, s13  }
0x3a: {  	[tilespmem:s17+$0x0] =	vst.add.f32.msk $0xffff, v0  }
0x3b: {  	s18 =	sor.u32 $0x8000, s8;
	v0 =	vld [tilespmem:s13+$0x300]  }
0x3c: {  	[tilespmem:s18+$0x0] =	vst.add.f32.msk $0xffff, v1  }
0x3d: {  	v1 =	vld [tilespmem:s8+$0x80];
	_ =	sdelay $0x1  }
0x3e: {  	s12 =	sor.u32 $0x8300, s13;
	s14 =	sor.u32 s9, s2  }
0x3f: {  	s9 =	sor.u32 $0x380, s14;
	[tilespmem:s12+$0x0] =	vst.add.f32.msk $0xffff, v0  }
0x40: {  	s16 =	sor.u32 $0x8080, s8;
	v0 =	vld [tilespmem:s9+$0x0]  }
0x41: {  	[tilespmem:s16+$0x0] =	vst.add.f32.msk $0xffff, v1  }
0x42: {  	v1 =	vld [tilespmem:s8+$0x100];
	_ =	sdelay $0x2  }
0x43: {  	[tilespmem:s9+$0x8000] =	vst.add.f32.msk $0xffff, v0  }
0x44: {  	s17 =	sor.u32 $0x8100, s8;
	v0 =	vld [tilespmem:s13+$0x2000]  }
0x45: {  	[tilespmem:s17+$0x0] =	vst.add.f32.msk $0xffff, v1  }
0x46: {  	v1 =	vld [tilespmem:s8+$0x180];
	_ =	sdelay $0x1  }
0x47: {  	s18 =	sor.u32 $0xA000, s13  }
0x48: {  	[tilespmem:s18+$0x0] =	vst.add.f32.msk $0xffff, v0  }
0x49: {  	s11 =	sor.u32 $0x8180, s8;
	v0 =	vld [tilespmem:s13+$0x2080]  }
0x4a: {  	[tilespmem:s11+$0x0] =	vst.add.f32.msk $0xffff, v1  }
0x4b: {  	v1 =	vld [tilespmem:s8+$0x200];
	_ =	sdelay $0x1  }
0x4c: {  	s12 =	sor.u32 $0xA080, s13  }
0x4d: {  	[tilespmem:s12+$0x0] =	vst.add.f32.msk $0xffff, v0  }
0x4e: {  	s16 =	sor.u32 $0x8200, s8;
	v0 =	vld [tilespmem:s13+$0x2100]  }
0x4f: {  	s11 =	simm.s32 $0x20;
	s12 =	simm.s32 $0x100;
	[tilespmem:s16+$0x0] =	vst.add.f32.msk $0xffff, v1  }
0x50: {  	s17 =	sand.u32 $0x70, s11;
	s16 =	sand.u32 $0x1C00, s12;
	v1 =	vld [tilespmem:s8+$0x280]  }
0x51: {  	s9 =	sor.u32 s17, s16  }
0x52: {  	s18 =	sor.u32 $0xA100, s13;
	v2 =	vld [tilespmem:s9+$0x0]  }
0x53: {  	[tilespmem:s18+$0x0] =	vst.add.f32.msk $0xffff, v0  }
0x54: {  	s17 =	sor.u32 $0x8280, s8;
	v0 =	vld [tilespmem:s13+$0x2180]  }
0x55: {  	[tilespmem:s17+$0x0] =	vst.add.f32.msk $0xffff, v1  }
0x56: {  	s18 =	sor.u32 $0x8000, s9;
	v1 =	vld [tilespmem:s8+$0x300]  }
0x57: {  	[tilespmem:s18+$0x0] =	vst.add.f32.msk $0xffff, v2  }
0x58: {  	s17 =	sor.u32 $0xA180, s13;
	v2 =	vld [tilespmem:s9+$0x80]  }
0x59: {  	[tilespmem:s17+$0x0] =	vst.add.f32.msk $0xffff, v0  }
0x5a: {  	s10 =	sor.u32 s10, s15;
	s18 =	sor.u32 $0x8300, s8;
	v0 =	vld [tilespmem:s13+$0x2200]  }
0x5b: {  	s15 =	sor.u32 $0x380, s10;
	[tilespmem:s18+$0x0] =	vst.add.f32.msk $0xffff, v1  }
0x5c: {  	s17 =	sor.u32 $0x8080, s9;
	v1 =	vld [tilespmem:s15+$0x0]  }
0x5d: {  	[tilespmem:s17+$0x0] =	vst.add.f32.msk $0xffff, v2  }
0x5e: {  	s18 =	sor.u32 $0xA200, s13;
	v2 =	vld [tilespmem:s9+$0x100]  }
0x5f: {  	[tilespmem:s18+$0x0] =	vst.add.f32.msk $0xffff, v0  }
0x60: {  	v0 =	vld [tilespmem:s13+$0x2280]  }
0x61: {  	[tilespmem:s15+$0x8000] =	vst.add.f32.msk $0xffff, v1  }
0x62: {  	s17 =	sor.u32 $0x8100, s9;
	v1 =	vld [tilespmem:s8+$0x2000]  }
0x63: {  	[tilespmem:s17+$0x0] =	vst.add.f32.msk $0xffff, v2  }
0x64: {  	s18 =	sor.u32 $0xA280, s13;
	v2 =	vld [tilespmem:s9+$0x180]  }
0x65: {  	[tilespmem:s18+$0x0] =	vst.add.f32.msk $0xffff, v0  }
0x66: {  	s16 =	sor.u32 $0xA000, s8;
	v0 =	vld [tilespmem:s13+$0x2300]  }
0x67: {  	[tilespmem:s16+$0x0] =	vst.add.f32.msk $0xffff, v1  }
0x68: {  	s17 =	sor.u32 $0x8180, s9;
	v1 =	vld [tilespmem:s8+$0x2080]  }
0x69: {  	[tilespmem:s17+$0x0] =	vst.add.f32.msk $0xffff, v2  }
0x6a: {  	s13 =	sor.u32 $0xA300, s13;
	v2 =	vld [tilespmem:s9+$0x200]  }
0x6b: {  	s15 =	sor.u32 $0x2380, s14;
	[tilespmem:s13+$0x0] =	vst.add.f32.msk $0xffff, v0  }
0x6c: {  	s18 =	sor.u32 $0xA080, s8;
	v0 =	vld [tilespmem:s15+$0x0]  }
0x6d: {  	[tilespmem:s18+$0x0] =	vst.add.f32.msk $0xffff, v1  }
0x6e: {  	s14 =	simm.s32 $0x100;
	s16 =	sor.u32 $0x8200, s9;
	s13 =	simm.s32 $0x20;
	v1 =	vld [tilespmem:s8+$0x2100]  }
.LBB2_2:
0x6f: {  	s11 =	sadd.s32 $0x10, s11;
	[tilespmem:s16+$0x0] =	vst.add.f32.msk $0xffff, v2;
	s12 =	sadd.s32 $0x80, s12  }
0x70: {  	s16 =	sand.u32 $0x70, s11;
	s17 =	sand.u32 $0x1C00, s12;
	p0 =	slt.u32 s11, $0x3F0;
	v2 =	vld [tilespmem:s9+$0x280]  }
0x71: {  	s16 =	sor.u32 s16, s17;
	[tilespmem:s15+$0x8000] =	vst.add.f32.msk $0xffff, v0  }
0x72: {  	s15 =	sor.u32 $0xA100, s8;
	v0 =	vld [tilespmem:s16+$0x0]  }
0x73: {  	[tilespmem:s15+$0x0] =	vst.add.f32.msk $0xffff, v1  }
0x74: {  	s15 =	sor.u32 $0x8280, s9;
	v1 =	vld [tilespmem:s8+$0x2180]  }
0x75: {  	[tilespmem:s15+$0x0] =	vst.add.f32.msk $0xffff, v2  }
0x76: {  	s15 =	sor.u32 $0x8000, s16;
	v2 =	vld [tilespmem:s9+$0x300]  }
0x77: {  	[tilespmem:s15+$0x0] =	vst.add.f32.msk $0xffff, v0  }
0x78: {  	s15 =	sor.u32 $0xA180, s8;
	v0 =	vld [tilespmem:s16+$0x80]  }
0x79: {  	[tilespmem:s15+$0x0] =	vst.add.f32.msk $0xffff, v1  }
0x7a: {  	s17 =	sor.u32 s13, s14;
	s13 =	smov.u32 s11;
	s15 =	sor.u32 $0x8300, s9;
	v1 =	vld [tilespmem:s8+$0x2200]  }
0x7b: {  	s14 =	smov.u32 s12;
	[tilespmem:s15+$0x0] =	vst.add.f32.msk $0xffff, v2;
	s15 =	sor.u32 $0x380, s17  }
0x7c: {  	s18 =	sor.u32 $0x8080, s16;
	v2 =	vld [tilespmem:s15+$0x0]  }
0x7d: {  	[tilespmem:s18+$0x0] =	vst.add.f32.msk $0xffff, v0  }
0x7e: {  	s18 =	sor.u32 $0xA200, s8;
	v0 =	vld [tilespmem:s16+$0x100]  }
0x7f: {  	[tilespmem:s18+$0x0] =	vst.add.f32.msk $0xffff, v1  }
0x80: {  	v1 =	vld [tilespmem:s8+$0x2280]  }
0x81: {  	[tilespmem:s15+$0x8000] =	vst.add.f32.msk $0xffff, v2  }
0x82: {  	s15 =	sor.u32 $0x8100, s16;
	v2 =	vld [tilespmem:s9+$0x2000]  }
0x83: {  	[tilespmem:s15+$0x0] =	vst.add.f32.msk $0xffff, v0  }
0x84: {  	s15 =	sor.u32 $0xA280, s8;
	v0 =	vld [tilespmem:s16+$0x180]  }
0x85: {  	[tilespmem:s15+$0x0] =	vst.add.f32.msk $0xffff, v1  }
0x86: {  	s15 =	sor.u32 $0xA000, s9;
	v1 =	vld [tilespmem:s8+$0x2300]  }
0x87: {  	[tilespmem:s15+$0x0] =	vst.add.f32.msk $0xffff, v2  }
0x88: {  	s15 =	sor.u32 $0x8180, s16;
	v3 =	vld [tilespmem:s9+$0x2080]  }
0x89: {  	[tilespmem:s15+$0x0] =	vst.add.f32.msk $0xffff, v0  }
.Ltmp0:
0x8a: {  	s15 =	sor.u32 $0xA300, s8;
	s8 =	smov.u32 s9;
	v2 =	vld [tilespmem:s16+$0x200];
	(pc) =	sbr.rel @p0 .LBB2_2-.Ltmp0, $4  }
0x8b: {  	s9 =	smov.u32 s16;
	[tilespmem:s15+$0x0] =	vst.add.f32.msk $0xffff, v1;
	s15 =	sor.u32 $0x2380, s10;
	s10 =	smov.u32 s17  }
0x8c: {  	s16 =	sor.u32 $0xA080, s8;
	v0 =	vld [tilespmem:s15+$0x0]  }
0x8d: {  	[tilespmem:s16+$0x0] =	vst.add.f32.msk $0xffff, v3  }
0x8e: {  	s16 =	sor.u32 $0x8200, s9;
	v1 =	vld [tilespmem:s8+$0x2100]  }
0x8f: {  	[tilespmem:s16+$0x0] =	vst.add.f32.msk $0xffff, v2  }
0x90: {  	v2 =	vld [tilespmem:s9+$0x280];
	_ =	sdelay $0x3  }
0x91: {  	s11 =	sor.u32 $0x8280, s9  }
0x92: {  	[tilespmem:s11+$0x0] =	vst.add.f32.msk $0xffff, v2  }
0x93: {  	v2 =	vld [tilespmem:s9+$0x300];
	_ =	sdelay $0x3  }
0x94: {  	s18 =	sor.u32 $0x8300, s9;
	s12 =	sor.u32 s13, s14  }
0x95: {  	s16 =	sor.u32 $0x380, s12;
	[tilespmem:s18+$0x0] =	vst.add.f32.msk $0xffff, v2  }
0x96: {  	v2 =	vld [tilespmem:s16+$0x0];
	_ =	sdelay $0x4  }
0x97: {  	[tilespmem:s16+$0x8000] =	vst.add.f32.msk $0xffff, v2  }
0x98: {  	v2 =	vld [tilespmem:s9+$0x2000];
	_ =	sdelay $0x3  }
0x99: {  	s17 =	sor.u32 $0xA000, s9  }
0x9a: {  	[tilespmem:s17+$0x0] =	vst.add.f32.msk $0xffff, v2  }
0x9b: {  	v2 =	vld [tilespmem:s9+$0x2080];
	_ =	sdelay $0x3  }
0x9c: {  	s18 =	sor.u32 $0xA080, s9  }
0x9d: {  	[tilespmem:s18+$0x0] =	vst.add.f32.msk $0xffff, v2  }
0x9e: {  	v2 =	vld [tilespmem:s9+$0x2100];
	_ =	sdelay $0x1  }
0x9f: {  	s13 =	sor.u32 $0xA100, s8  }
0xa0: {  	[tilespmem:s13+$0x0] =	vst.add.f32.msk $0xffff, v1  }
0xa1: {  	s14 =	sor.u32 $0xA100, s9;
	v1 =	vld [tilespmem:s8+$0x2180]  }
0xa2: {  	[tilespmem:s14+$0x0] =	vst.add.f32.msk $0xffff, v2  }
0xa3: {  	v2 =	vld [tilespmem:s9+$0x2180];
	_ =	sdelay $0x1  }
0xa4: {  	s16 =	sor.u32 $0xA180, s8  }
0xa5: {  	[tilespmem:s16+$0x0] =	vst.add.f32.msk $0xffff, v1  }
0xa6: {  	v1 =	vld [tilespmem:s8+$0x2200];
	s17 =	sor.u32 $0xA180, s9  }
0xa7: {  	[tilespmem:s17+$0x0] =	vst.add.f32.msk $0xffff, v2  }
0xa8: {  	v2 =	vld [tilespmem:s9+$0x2200];
	_ =	sdelay $0x1  }
0xa9: {  	s18 =	sor.u32 $0xA200, s8  }
0xaa: {  	[tilespmem:s18+$0x0] =	vst.add.f32.msk $0xffff, v1  }
0xab: {  	s13 =	sor.u32 $0xA200, s9;
	v1 =	vld [tilespmem:s8+$0x2280]  }
0xac: {  	[tilespmem:s13+$0x0] =	vst.add.f32.msk $0xffff, v2  }
0xad: {  	v2 =	vld [tilespmem:s9+$0x2280];
	_ =	sdelay $0x1  }
0xae: {  	s14 =	sor.u32 $0xA280, s8  }
0xaf: {  	[tilespmem:s14+$0x0] =	vst.add.f32.msk $0xffff, v1  }
0xb0: {  	s16 =	sor.u32 $0xA280, s9;
	v1 =	vld [tilespmem:s8+$0x2300]  }
0xb1: {  	[tilespmem:s16+$0x0] =	vst.add.f32.msk $0xffff, v2  }
0xb2: {  	v2 =	vld [tilespmem:s9+$0x2300];
	_ =	sdelay $0x1  }
0xb3: {  	s17 =	sor.u32 $0xA300, s8  }
0xb4: {  	s18 =	sor.u32 $0x2380, s10;
	[tilespmem:s17+$0x0] =	vst.add.f32.msk $0xffff, v1  }
0xb5: {  	s10 =	sor.u32 $0xA300, s9;
	v1 =	vld [tilespmem:s18+$0x0]  }
0xb6: {  	s11 =	sor.u32 $0x2380, s12;
	[tilespmem:s10+$0x0] =	vst.add.f32.msk $0xffff, v2  }
0xb7: {  	v2 =	vld [tilespmem:s11+$0x0];
	_ =	sdelay $0x2  }
0xb8: {  	[tilespmem:s15+$0x8000] =	vst.add.f32.msk $0xffff, v0  }
0xb9: {  	[tilespmem:s18+$0x8000] =	vst.add.f32.msk $0xffff, v1  }
0xba: {  	s9 =	simm.s32 $0x0;
	[tilespmem:s11+$0x8000] =	vst.add.f32.msk $0xffff, v2  }
0xbb: {  	[hbm4b:s7+s9] =	stream.linear.scatter [tilespmem:s22], [sflag:$0x7], $0x4000, $0x38;
	[tilespmem:$0x18000] =	vst v63  }
0xbc: {  	s10 =	simm.s32 $0x0;
	_ =	swait.ge [sflag:s29], $0x4000  }
0xbd: {  	s14 =	sand.u32 $0x1C00, s9;
	s13 =	sand.u32 $0x70, s10;
	[sflag:s29] =	ssyncset.done $0x0  }
0xbe: {  	s13 =	sor.u32 s13, s14;
	s12 =	rddreg [dreg:$0x9];
	[sflag:s29] =	ssyncadd.s32 $0xFFFFC000  }
0xbf: {  	[tilespmem:s30], [sflag:$0x6] =	stream.linear.gather [hbm4b:s12+s9], $0x4000, $0x38;
	[tilespmem:$0x18000] =	vst v63  }
0xc0: {  	v0 =	vld [tilespmem:s13+$0x0];
	_ =	sdelay $0x3  }
0xc1: {  	s8 =	sor.u32 $0xC000, s13  }
0xc2: {  	[tilespmem:s8+$0x0] =	vst.add.f32.msk $0xffff, v0  }
0xc3: {  	v0 =	vld [tilespmem:s13+$0x80];
	_ =	sdelay $0x3  }
0xc4: {  	s15 =	sor.u32 $0xC080, s13  }
0xc5: {  	[tilespmem:s15+$0x0] =	vst.add.f32.msk $0xffff, v0  }
0xc6: {  	v0 =	vld [tilespmem:s13+$0x100];
	_ =	sdelay $0x3  }
0xc7: {  	s16 =	sor.u32 $0xC100, s13  }
0xc8: {  	[tilespmem:s16+$0x0] =	vst.add.f32.msk $0xffff, v0  }
0xc9: {  	v0 =	vld [tilespmem:s13+$0x180];
	_ =	sdelay $0x3  }
0xca: {  	s17 =	sor.u32 $0xC180, s13  }
0xcb: {  	[tilespmem:s17+$0x0] =	vst.add.f32.msk $0xffff, v0  }
0xcc: {  	v0 =	vld [tilespmem:s13+$0x200];
	_ =	sdelay $0x3  }
0xcd: {  	s18 =	sor.u32 $0xC200, s13  }
0xce: {  	s15 =	simm.s32 $0x10;
	s16 =	simm.s32 $0x80;
	[tilespmem:s18+$0x0] =	vst.add.f32.msk $0xffff, v0  }
0xcf: {  	s11 =	sand.u32 $0x70, s15;
	s12 =	sand.u32 $0x1C00, s16;
	v0 =	vld [tilespmem:s13+$0x280]  }
0xd0: {  	s8 =	sor.u32 s11, s12  }
0xd1: {  	v1 =	vld [tilespmem:s8+$0x0];
	_ =	sdelay $0x1  }
0xd2: {  	s14 =	sor.u32 $0xC280, s13  }
0xd3: {  	[tilespmem:s14+$0x0] =	vst.add.f32.msk $0xffff, v0  }
0xd4: {  	s17 =	sor.u32 $0xC000, s8;
	v0 =	vld [tilespmem:s13+$0x300]  }
0xd5: {  	[tilespmem:s17+$0x0] =	vst.add.f32.msk $0xffff, v1  }
0xd6: {  	v1 =	vld [tilespmem:s8+$0x80];
	_ =	sdelay $0x1  }
0xd7: {  	s18 =	sor.u32 $0xC300, s13;
	s14 =	sor.u32 s10, s9  }
0xd8: {  	s9 =	sor.u32 $0x380, s14;
	[tilespmem:s18+$0x0] =	vst.add.f32.msk $0xffff, v0  }
0xd9: {  	s12 =	sor.u32 $0xC080, s8;
	v0 =	vld [tilespmem:s9+$0x0]  }
0xda: {  	[tilespmem:s12+$0x0] =	vst.add.f32.msk $0xffff, v1  }
0xdb: {  	v1 =	vld [tilespmem:s8+$0x100];
	_ =	sdelay $0x2  }
0xdc: {  	[tilespmem:s9+$0xC000] =	vst.add.f32.msk $0xffff, v0  }
0xdd: {  	s17 =	sor.u32 $0xC100, s8;
	v0 =	vld [tilespmem:s13+$0x2000]  }
0xde: {  	[tilespmem:s17+$0x0] =	vst.add.f32.msk $0xffff, v1  }
0xdf: {  	v1 =	vld [tilespmem:s8+$0x180];
	_ =	sdelay $0x1  }
0xe0: {  	s18 =	sor.u32 $0xE000, s13  }
0xe1: {  	[tilespmem:s18+$0x0] =	vst.add.f32.msk $0xffff, v0  }
0xe2: {  	s10 =	sor.u32 $0xC180, s8;
	v0 =	vld [tilespmem:s13+$0x2080]  }
0xe3: {  	[tilespmem:s10+$0x0] =	vst.add.f32.msk $0xffff, v1  }
0xe4: {  	v1 =	vld [tilespmem:s8+$0x200];
	_ =	sdelay $0x1  }
0xe5: {  	s11 =	sor.u32 $0xE080, s13  }
0xe6: {  	[tilespmem:s11+$0x0] =	vst.add.f32.msk $0xffff, v0  }
0xe7: {  	s12 =	sor.u32 $0xC200, s8;
	v0 =	vld [tilespmem:s13+$0x2100]  }
0xe8: {  	[tilespmem:s12+$0x0] =	vst.add.f32.msk $0xffff, v1;
	s12 =	simm.s32 $0x100;
	s11 =	simm.s32 $0x20  }
0xe9: {  	v1 =	vld [tilespmem:s8+$0x280];
	s18 =	sand.u32 $0x1C00, s12;
	s17 =	sand.u32 $0x70, s11  }
0xea: {  	s9 =	sor.u32 s17, s18  }
0xeb: {  	s17 =	sor.u32 $0xE100, s13;
	v2 =	vld [tilespmem:s9+$0x0]  }
0xec: {  	[tilespmem:s17+$0x0] =	vst.add.f32.msk $0xffff, v0  }
0xed: {  	s18 =	sor.u32 $0xC280, s8;
	v0 =	vld [tilespmem:s13+$0x2180]  }
0xee: {  	[tilespmem:s18+$0x0] =	vst.add.f32.msk $0xffff, v1  }
0xef: {  	v1 =	vld [tilespmem:s8+$0x300];
	s17 =	sor.u32 $0xC000, s9  }
0xf0: {  	[tilespmem:s17+$0x0] =	vst.add.f32.msk $0xffff, v2  }
0xf1: {  	s18 =	sor.u32 $0xE180, s13;
	v2 =	vld [tilespmem:s9+$0x80]  }
0xf2: {  	[tilespmem:s18+$0x0] =	vst.add.f32.msk $0xffff, v0  }
0xf3: {  	s10 =	sor.u32 s15, s16;
	s17 =	sor.u32 $0xC300, s8;
	v0 =	vld [tilespmem:s13+$0x2200]  }
0xf4: {  	s15 =	sor.u32 $0x380, s10;
	[tilespmem:s17+$0x0] =	vst.add.f32.msk $0xffff, v1  }
0xf5: {  	s17 =	sor.u32 $0xC080, s9;
	v1 =	vld [tilespmem:s15+$0x0]  }
0xf6: {  	[tilespmem:s17+$0x0] =	vst.add.f32.msk $0xffff, v2  }
0xf7: {  	s18 =	sor.u32 $0xE200, s13;
	v2 =	vld [tilespmem:s9+$0x100]  }
0xf8: {  	[tilespmem:s18+$0x0] =	vst.add.f32.msk $0xffff, v0  }
0xf9: {  	v0 =	vld [tilespmem:s13+$0x2280]  }
0xfa: {  	[tilespmem:s15+$0xC000] =	vst.add.f32.msk $0xffff, v1  }
0xfb: {  	s17 =	sor.u32 $0xC100, s9;
	v1 =	vld [tilespmem:s8+$0x2000]  }
0xfc: {  	[tilespmem:s17+$0x0] =	vst.add.f32.msk $0xffff, v2  }
0xfd: {  	s18 =	sor.u32 $0xE280, s13;
	v2 =	vld [tilespmem:s9+$0x180]  }
0xfe: {  	[tilespmem:s18+$0x0] =	vst.add.f32.msk $0xffff, v0  }
0xff: {  	s16 =	sor.u32 $0xE000, s8;
	v0 =	vld [tilespmem:s13+$0x2300]  }
0x100: {  	[tilespmem:s16+$0x0] =	vst.add.f32.msk $0xffff, v1  }
0x101: {  	s17 =	sor.u32 $0xC180, s9;
	v1 =	vld [tilespmem:s8+$0x2080]  }
0x102: {  	[tilespmem:s17+$0x0] =	vst.add.f32.msk $0xffff, v2  }
0x103: {  	s13 =	sor.u32 $0xE300, s13;
	v2 =	vld [tilespmem:s9+$0x200]  }
0x104: {  	s15 =	sor.u32 $0x2380, s14;
	[tilespmem:s13+$0x0] =	vst.add.f32.msk $0xffff, v0  }
0x105: {  	s18 =	sor.u32 $0xE080, s8;
	v0 =	vld [tilespmem:s15+$0x0]  }
0x106: {  	[tilespmem:s18+$0x0] =	vst.add.f32.msk $0xffff, v1  }
0x107: {  	s14 =	simm.s32 $0x100;
	s16 =	sor.u32 $0xC200, s9;
	v1 =	vld [tilespmem:s8+$0x2100];
	s13 =	simm.s32 $0x20  }
.LBB2_4:
0x108: {  	s11 =	sadd.s32 $0x10, s11;
	[tilespmem:s16+$0x0] =	vst.add.f32.msk $0xffff, v2;
	s12 =	sadd.s32 $0x80, s12  }
0x109: {  	s16 =	sand.u32 $0x70, s11;
	s17 =	sand.u32 $0x1C00, s12;
	p0 =	slt.u32 s11, $0x3F0;
	v2 =	vld [tilespmem:s9+$0x280]  }
0x10a: {  	s16 =	sor.u32 s16, s17;
	[tilespmem:s15+$0xC000] =	vst.add.f32.msk $0xffff, v0  }
0x10b: {  	s15 =	sor.u32 $0xE100, s8;
	v0 =	vld [tilespmem:s16+$0x0]  }
0x10c: {  	[tilespmem:s15+$0x0] =	vst.add.f32.msk $0xffff, v1  }
0x10d: {  	s15 =	sor.u32 $0xC280, s9;
	v1 =	vld [tilespmem:s8+$0x2180]  }
0x10e: {  	[tilespmem:s15+$0x0] =	vst.add.f32.msk $0xffff, v2  }
0x10f: {  	s15 =	sor.u32 $0xC000, s16;
	v2 =	vld [tilespmem:s9+$0x300]  }
0x110: {  	[tilespmem:s15+$0x0] =	vst.add.f32.msk $0xffff, v0  }
0x111: {  	s15 =	sor.u32 $0xE180, s8;
	v0 =	vld [tilespmem:s16+$0x80]  }
0x112: {  	[tilespmem:s15+$0x0] =	vst.add.f32.msk $0xffff, v1  }
0x113: {  	s17 =	sor.u32 s13, s14;
	s13 =	smov.u32 s11;
	s15 =	sor.u32 $0xC300, s9;
	v1 =	vld [tilespmem:s8+$0x2200]  }
0x114: {  	s14 =	smov.u32 s12;
	[tilespmem:s15+$0x0] =	vst.add.f32.msk $0xffff, v2;
	s15 =	sor.u32 $0x380, s17  }
0x115: {  	s18 =	sor.u32 $0xC080, s16;
	v2 =	vld [tilespmem:s15+$0x0]  }
0x116: {  	[tilespmem:s18+$0x0] =	vst.add.f32.msk $0xffff, v0  }
0x117: {  	s18 =	sor.u32 $0xE200, s8;
	v0 =	vld [tilespmem:s16+$0x100]  }
0x118: {  	[tilespmem:s18+$0x0] =	vst.add.f32.msk $0xffff, v1  }
0x119: {  	v1 =	vld [tilespmem:s8+$0x2280]  }
0x11a: {  	[tilespmem:s15+$0xC000] =	vst.add.f32.msk $0xffff, v2  }
0x11b: {  	s15 =	sor.u32 $0xC100, s16;
	v2 =	vld [tilespmem:s9+$0x2000]  }
0x11c: {  	[tilespmem:s15+$0x0] =	vst.add.f32.msk $0xffff, v0  }
0x11d: {  	s15 =	sor.u32 $0xE280, s8;
	v0 =	vld [tilespmem:s16+$0x180]  }
0x11e: {  	[tilespmem:s15+$0x0] =	vst.add.f32.msk $0xffff, v1  }
0x11f: {  	s15 =	sor.u32 $0xE000, s9;
	v1 =	vld [tilespmem:s8+$0x2300]  }
0x120: {  	[tilespmem:s15+$0x0] =	vst.add.f32.msk $0xffff, v2  }
0x121: {  	s15 =	sor.u32 $0xC180, s16;
	v3 =	vld [tilespmem:s9+$0x2080]  }
0x122: {  	[tilespmem:s15+$0x0] =	vst.add.f32.msk $0xffff, v0  }
.Ltmp1:
0x123: {  	s15 =	sor.u32 $0xE300, s8;
	s8 =	smov.u32 s9;
	v2 =	vld [tilespmem:s16+$0x200];
	(pc) =	sbr.rel @p0 .LBB2_4-.Ltmp1, $4  }
0x124: {  	s9 =	smov.u32 s16;
	[tilespmem:s15+$0x0] =	vst.add.f32.msk $0xffff, v1;
	s15 =	sor.u32 $0x2380, s10;
	s10 =	smov.u32 s17  }
0x125: {  	s16 =	sor.u32 $0xE080, s8;
	v0 =	vld [tilespmem:s15+$0x0]  }
0x126: {  	[tilespmem:s16+$0x0] =	vst.add.f32.msk $0xffff, v3  }
0x127: {  	s16 =	sor.u32 $0xC200, s9;
	v1 =	vld [tilespmem:s8+$0x2100]  }
0x128: {  	[tilespmem:s16+$0x0] =	vst.add.f32.msk $0xffff, v2  }
0x129: {  	v2 =	vld [tilespmem:s9+$0x280];
	_ =	sdelay $0x3  }
0x12a: {  	s11 =	sor.u32 $0xC280, s9  }
0x12b: {  	[tilespmem:s11+$0x0] =	vst.add.f32.msk $0xffff, v2  }
0x12c: {  	v2 =	vld [tilespmem:s9+$0x300];
	_ =	sdelay $0x3  }
0x12d: {  	s18 =	sor.u32 $0xC300, s9;
	s12 =	sor.u32 s13, s14  }
0x12e: {  	s16 =	sor.u32 $0x380, s12;
	[tilespmem:s18+$0x0] =	vst.add.f32.msk $0xffff, v2  }
0x12f: {  	v2 =	vld [tilespmem:s16+$0x0];
	_ =	sdelay $0x4  }
0x130: {  	[tilespmem:s16+$0xC000] =	vst.add.f32.msk $0xffff, v2  }
0x131: {  	v2 =	vld [tilespmem:s9+$0x2000];
	_ =	sdelay $0x3  }
0x132: {  	s17 =	sor.u32 $0xE000, s9  }
0x133: {  	[tilespmem:s17+$0x0] =	vst.add.f32.msk $0xffff, v2  }
0x134: {  	v2 =	vld [tilespmem:s9+$0x2080];
	_ =	sdelay $0x3  }
0x135: {  	s18 =	sor.u32 $0xE080, s9  }
0x136: {  	[tilespmem:s18+$0x0] =	vst.add.f32.msk $0xffff, v2  }
0x137: {  	v2 =	vld [tilespmem:s9+$0x2100];
	_ =	sdelay $0x1  }
0x138: {  	s13 =	sor.u32 $0xE100, s8  }
0x139: {  	[tilespmem:s13+$0x0] =	vst.add.f32.msk $0xffff, v1  }
0x13a: {  	s14 =	sor.u32 $0xE100, s9;
	v1 =	vld [tilespmem:s8+$0x2180]  }
0x13b: {  	[tilespmem:s14+$0x0] =	vst.add.f32.msk $0xffff, v2  }
0x13c: {  	v2 =	vld [tilespmem:s9+$0x2180];
	_ =	sdelay $0x1  }
0x13d: {  	s16 =	sor.u32 $0xE180, s8  }
0x13e: {  	[tilespmem:s16+$0x0] =	vst.add.f32.msk $0xffff, v1  }
0x13f: {  	v1 =	vld [tilespmem:s8+$0x2200];
	s17 =	sor.u32 $0xE180, s9  }
0x140: {  	[tilespmem:s17+$0x0] =	vst.add.f32.msk $0xffff, v2  }
0x141: {  	v2 =	vld [tilespmem:s9+$0x2200];
	_ =	sdelay $0x1  }
0x142: {  	s18 =	sor.u32 $0xE200, s8  }
0x143: {  	[tilespmem:s18+$0x0] =	vst.add.f32.msk $0xffff, v1  }
0x144: {  	s13 =	sor.u32 $0xE200, s9;
	v1 =	vld [tilespmem:s8+$0x2280]  }
0x145: {  	[tilespmem:s13+$0x0] =	vst.add.f32.msk $0xffff, v2  }
0x146: {  	v2 =	vld [tilespmem:s9+$0x2280];
	_ =	sdelay $0x1  }
0x147: {  	s14 =	sor.u32 $0xE280, s8  }
0x148: {  	[tilespmem:s14+$0x0] =	vst.add.f32.msk $0xffff, v1  }
0x149: {  	s16 =	sor.u32 $0xE280, s9;
	v1 =	vld [tilespmem:s8+$0x2300]  }
0x14a: {  	[tilespmem:s16+$0x0] =	vst.add.f32.msk $0xffff, v2  }
0x14b: {  	v2 =	vld [tilespmem:s9+$0x2300];
	_ =	sdelay $0x1  }
0x14c: {  	s17 =	sor.u32 $0xE300, s8  }
0x14d: {  	s18 =	sor.u32 $0x2380, s10;
	[tilespmem:s17+$0x0] =	vst.add.f32.msk $0xffff, v1  }
0x14e: {  	s10 =	sor.u32 $0xE300, s9;
	v1 =	vld [tilespmem:s18+$0x0]  }
0x14f: {  	s11 =	sor.u32 $0x2380, s12;
	[tilespmem:s10+$0x0] =	vst.add.f32.msk $0xffff, v2  }
0x150: {  	v2 =	vld [tilespmem:s11+$0x0];
	_ =	sdelay $0x2  }
0x151: {  	[tilespmem:s15+$0xC000] =	vst.add.f32.msk $0xffff, v0  }
0x152: {  	[tilespmem:s18+$0xC000] =	vst.add.f32.msk $0xffff, v1  }
0x153: {  	[tilespmem:s11+$0xC000] =	vst.add.f32.msk $0xffff, v2  }
0x154: {  	s9 =	simm.s32 $0x0;
	s8 =	rddreg [dreg:$0xa]  }
0x155: {  	[hbm4b:s8+s9] =	stream.linear.scatter [tilespmem:s23], [sflag:$0x8], $0x4000, $0x38;
	[tilespmem:$0x18000] =	vst v63  }
0x156: {  	_ =	swait.ge [sflag:s31], $0x4000  }
0x157: {  	[sflag:s31] =	ssyncset.done $0x0  }
0x158: {  	[sflag:s31] =	ssyncadd.s32 $0xFFFFC000  }
0x159: {  	s10 =	simm.s32 $0x0;
	_ =	swait.ge [sflag:s0], $0x4000  }
0x15a: {  	s14 =	sand.u32 $0x1C00, s9;
	s13 =	sand.u32 $0x70, s10;
	[sflag:s0] =	ssyncset.done $0x0  }
0x15b: {  	s13 =	sor.u32 s13, s14;
	s12 =	rddreg [dreg:$0xb];
	[sflag:s0] =	ssyncadd.s32 $0xFFFFC000  }
0x15c: {  	[tilespmem:s22], [sflag:$0x3] =	stream.linear.gather [hbm4b:s12+s9], $0x4000, $0x38;
	[tilespmem:$0x18000] =	vst v63  }
0x15d: {  	v0 =	vld [tilespmem:s13+$0x0];
	_ =	sdelay $0x3  }
0x15e: {  	s8 =	sor.u32 $0x10000, s13  }
0x15f: {  	[tilespmem:s8+$0x0] =	vst.add.f32.msk $0xffff, v0  }
0x160: {  	v0 =	vld [tilespmem:s13+$0x80];
	_ =	sdelay $0x3  }
0x161: {  	s15 =	sor.u32 $0x10080, s13  }
0x162: {  	[tilespmem:s15+$0x0] =	vst.add.f32.msk $0xffff, v0  }
0x163: {  	v0 =	vld [tilespmem:s13+$0x100];
	_ =	sdelay $0x3  }
0x164: {  	s16 =	sor.u32 $0x10100, s13  }
0x165: {  	[tilespmem:s16+$0x0] =	vst.add.f32.msk $0xffff, v0  }
0x166: {  	v0 =	vld [tilespmem:s13+$0x180];
	_ =	sdelay $0x3  }
0x167: {  	s17 =	sor.u32 $0x10180, s13  }
0x168: {  	[tilespmem:s17+$0x0] =	vst.add.f32.msk $0xffff, v0  }
0x169: {  	v0 =	vld [tilespmem:s13+$0x200];
	_ =	sdelay $0x3  }
0x16a: {  	s18 =	sor.u32 $0x10200, s13  }
0x16b: {  	s15 =	simm.s32 $0x10;
	s16 =	simm.s32 $0x80;
	[tilespmem:s18+$0x0] =	vst.add.f32.msk $0xffff, v0  }
0x16c: {  	s11 =	sand.u32 $0x70, s15;
	s12 =	sand.u32 $0x1C00, s16;
	v0 =	vld [tilespmem:s13+$0x280]  }
0x16d: {  	s8 =	sor.u32 s11, s12  }
0x16e: {  	v1 =	vld [tilespmem:s8+$0x0];
	_ =	sdelay $0x1  }
0x16f: {  	s14 =	sor.u32 $0x10280, s13  }
0x170: {  	[tilespmem:s14+$0x0] =	vst.add.f32.msk $0xffff, v0  }
0x171: {  	s17 =	sor.u32 $0x10000, s8;
	v0 =	vld [tilespmem:s13+$0x300]  }
0x172: {  	[tilespmem:s17+$0x0] =	vst.add.f32.msk $0xffff, v1  }
0x173: {  	v1 =	vld [tilespmem:s8+$0x80];
	_ =	sdelay $0x1  }
0x174: {  	s18 =	sor.u32 $0x10300, s13;
	s14 =	sor.u32 s10, s9  }
0x175: {  	s9 =	sor.u32 $0x380, s14;
	[tilespmem:s18+$0x0] =	vst.add.f32.msk $0xffff, v0  }
0x176: {  	s12 =	sor.u32 $0x10080, s8;
	v0 =	vld [tilespmem:s9+$0x0]  }
0x177: {  	[tilespmem:s12+$0x0] =	vst.add.f32.msk $0xffff, v1  }
0x178: {  	v1 =	vld [tilespmem:s8+$0x100];
	_ =	sdelay $0x2  }
0x179: {  	[tilespmem:s9+$0x10000] =	vst.add.f32.msk $0xffff, v0  }
0x17a: {  	s17 =	sor.u32 $0x10100, s8;
	v0 =	vld [tilespmem:s13+$0x2000]  }
0x17b: {  	[tilespmem:s17+$0x0] =	vst.add.f32.msk $0xffff, v1  }
0x17c: {  	v1 =	vld [tilespmem:s8+$0x180];
	_ =	sdelay $0x1  }
0x17d: {  	s18 =	sor.u32 $0x12000, s13  }
0x17e: {  	[tilespmem:s18+$0x0] =	vst.add.f32.msk $0xffff, v0  }
0x17f: {  	s10 =	sor.u32 $0x10180, s8;
	v0 =	vld [tilespmem:s13+$0x2080]  }
0x180: {  	[tilespmem:s10+$0x0] =	vst.add.f32.msk $0xffff, v1  }
0x181: {  	v1 =	vld [tilespmem:s8+$0x200];
	_ =	sdelay $0x1  }
0x182: {  	s11 =	sor.u32 $0x12080, s13  }
0x183: {  	[tilespmem:s11+$0x0] =	vst.add.f32.msk $0xffff, v0  }
0x184: {  	s12 =	sor.u32 $0x10200, s8;
	v0 =	vld [tilespmem:s13+$0x2100]  }
0x185: {  	[tilespmem:s12+$0x0] =	vst.add.f32.msk $0xffff, v1;
	s12 =	simm.s32 $0x100;
	s11 =	simm.s32 $0x20  }
0x186: {  	v1 =	vld [tilespmem:s8+$0x280];
	s18 =	sand.u32 $0x1C00, s12;
	s17 =	sand.u32 $0x70, s11  }
0x187: {  	s9 =	sor.u32 s17, s18  }
0x188: {  	s17 =	sor.u32 $0x12100, s13;
	v2 =	vld [tilespmem:s9+$0x0]  }
0x189: {  	[tilespmem:s17+$0x0] =	vst.add.f32.msk $0xffff, v0  }
0x18a: {  	s18 =	sor.u32 $0x10280, s8;
	v0 =	vld [tilespmem:s13+$0x2180]  }
0x18b: {  	[tilespmem:s18+$0x0] =	vst.add.f32.msk $0xffff, v1  }
0x18c: {  	v1 =	vld [tilespmem:s8+$0x300];
	s17 =	sor.u32 $0x10000, s9  }
0x18d: {  	[tilespmem:s17+$0x0] =	vst.add.f32.msk $0xffff, v2  }
0x18e: {  	s18 =	sor.u32 $0x12180, s13;
	v2 =	vld [tilespmem:s9+$0x80]  }
0x18f: {  	[tilespmem:s18+$0x0] =	vst.add.f32.msk $0xffff, v0  }
0x190: {  	s10 =	sor.u32 s15, s16;
	s17 =	sor.u32 $0x10300, s8;
	v0 =	vld [tilespmem:s13+$0x2200]  }
0x191: {  	s15 =	sor.u32 $0x380, s10;
	[tilespmem:s17+$0x0] =	vst.add.f32.msk $0xffff, v1  }
0x192: {  	s17 =	sor.u32 $0x10080, s9;
	v1 =	vld [tilespmem:s15+$0x0]  }
0x193: {  	[tilespmem:s17+$0x0] =	vst.add.f32.msk $0xffff, v2  }
0x194: {  	s18 =	sor.u32 $0x12200, s13;
	v2 =	vld [tilespmem:s9+$0x100]  }
0x195: {  	[tilespmem:s18+$0x0] =	vst.add.f32.msk $0xffff, v0  }
0x196: {  	v0 =	vld [tilespmem:s13+$0x2280]  }
0x197: {  	[tilespmem:s15+$0x10000] =	vst.add.f32.msk $0xffff, v1  }
0x198: {  	s17 =	sor.u32 $0x10100, s9;
	v1 =	vld [tilespmem:s8+$0x2000]  }
0x199: {  	[tilespmem:s17+$0x0] =	vst.add.f32.msk $0xffff, v2  }
0x19a: {  	s18 =	sor.u32 $0x12280, s13;
	v2 =	vld [tilespmem:s9+$0x180]  }
0x19b: {  	[tilespmem:s18+$0x0] =	vst.add.f32.msk $0xffff, v0  }
0x19c: {  	s16 =	sor.u32 $0x12000, s8;
	v0 =	vld [tilespmem:s13+$0x2300]  }
0x19d: {  	[tilespmem:s16+$0x0] =	vst.add.f32.msk $0xffff, v1  }
0x19e: {  	s17 =	sor.u32 $0x10180, s9;
	v1 =	vld [tilespmem:s8+$0x2080]  }
0x19f: {  	[tilespmem:s17+$0x0] =	vst.add.f32.msk $0xffff, v2  }
0x1a0: {  	s13 =	sor.u32 $0x12300, s13;
	v2 =	vld [tilespmem:s9+$0x200]  }
0x1a1: {  	s15 =	sor.u32 $0x2380, s14;
	[tilespmem:s13+$0x0] =	vst.add.f32.msk $0xffff, v0  }
0x1a2: {  	s18 =	sor.u32 $0x12080, s8;
	v0 =	vld [tilespmem:s15+$0x0]  }
0x1a3: {  	[tilespmem:s18+$0x0] =	vst.add.f32.msk $0xffff, v1  }
0x1a4: {  	s14 =	simm.s32 $0x100;
	s16 =	sor.u32 $0x10200, s9;
	v1 =	vld [tilespmem:s8+$0x2100];
	s13 =	simm.s32 $0x20  }
.LBB2_6:
0x1a5: {  	s11 =	sadd.s32 $0x10, s11;
	[tilespmem:s16+$0x0] =	vst.add.f32.msk $0xffff, v2;
	s12 =	sadd.s32 $0x80, s12  }
0x1a6: {  	s16 =	sand.u32 $0x70, s11;
	s17 =	sand.u32 $0x1C00, s12;
	p0 =	slt.u32 s11, $0x3F0;
	v2 =	vld [tilespmem:s9+$0x280]  }
0x1a7: {  	s16 =	sor.u32 s16, s17;
	[tilespmem:s15+$0x10000] =	vst.add.f32.msk $0xffff, v0  }
0x1a8: {  	s15 =	sor.u32 $0x12100, s8;
	v0 =	vld [tilespmem:s16+$0x0]  }
0x1a9: {  	[tilespmem:s15+$0x0] =	vst.add.f32.msk $0xffff, v1  }
0x1aa: {  	s15 =	sor.u32 $0x10280, s9;
	v1 =	vld [tilespmem:s8+$0x2180]  }
0x1ab: {  	[tilespmem:s15+$0x0] =	vst.add.f32.msk $0xffff, v2  }
0x1ac: {  	s15 =	sor.u32 $0x10000, s16;
	v2 =	vld [tilespmem:s9+$0x300]  }
0x1ad: {  	[tilespmem:s15+$0x0] =	vst.add.f32.msk $0xffff, v0  }
0x1ae: {  	s15 =	sor.u32 $0x12180, s8;
	v0 =	vld [tilespmem:s16+$0x80]  }
0x1af: {  	[tilespmem:s15+$0x0] =	vst.add.f32.msk $0xffff, v1  }
0x1b0: {  	s17 =	sor.u32 s13, s14;
	s13 =	smov.u32 s11;
	s15 =	sor.u32 $0x10300, s9;
	v1 =	vld [tilespmem:s8+$0x2200]  }
0x1b1: {  	s14 =	smov.u32 s12;
	[tilespmem:s15+$0x0] =	vst.add.f32.msk $0xffff, v2;
	s15 =	sor.u32 $0x380, s17  }
0x1b2: {  	s18 =	sor.u32 $0x10080, s16;
	v2 =	vld [tilespmem:s15+$0x0]  }
0x1b3: {  	[tilespmem:s18+$0x0] =	vst.add.f32.msk $0xffff, v0  }
0x1b4: {  	s18 =	sor.u32 $0x12200, s8;
	v0 =	vld [tilespmem:s16+$0x100]  }
0x1b5: {  	[tilespmem:s18+$0x0] =	vst.add.f32.msk $0xffff, v1  }
0x1b6: {  	v1 =	vld [tilespmem:s8+$0x2280]  }
0x1b7: {  	[tilespmem:s15+$0x10000] =	vst.add.f32.msk $0xffff, v2  }
0x1b8: {  	s15 =	sor.u32 $0x10100, s16;
	v2 =	vld [tilespmem:s9+$0x2000]  }
0x1b9: {  	[tilespmem:s15+$0x0] =	vst.add.f32.msk $0xffff, v0  }
0x1ba: {  	s15 =	sor.u32 $0x12280, s8;
	v0 =	vld [tilespmem:s16+$0x180]  }
0x1bb: {  	[tilespmem:s15+$0x0] =	vst.add.f32.msk $0xffff, v1  }
0x1bc: {  	s15 =	sor.u32 $0x12000, s9;
	v1 =	vld [tilespmem:s8+$0x2300]  }
0x1bd: {  	[tilespmem:s15+$0x0] =	vst.add.f32.msk $0xffff, v2  }
0x1be: {  	s15 =	sor.u32 $0x10180, s16;
	v3 =	vld [tilespmem:s9+$0x2080]  }
0x1bf: {  	[tilespmem:s15+$0x0] =	vst.add.f32.msk $0xffff, v0  }
.Ltmp2:
0x1c0: {  	s15 =	sor.u32 $0x12300, s8;
	s8 =	smov.u32 s9;
	v2 =	vld [tilespmem:s16+$0x200];
	(pc) =	sbr.rel @p0 .LBB2_6-.Ltmp2, $4  }
0x1c1: {  	s9 =	smov.u32 s16;
	[tilespmem:s15+$0x0] =	vst.add.f32.msk $0xffff, v1;
	s15 =	sor.u32 $0x2380, s10;
	s10 =	smov.u32 s17  }
0x1c2: {  	s16 =	sor.u32 $0x12080, s8;
	v0 =	vld [tilespmem:s15+$0x0]  }
0x1c3: {  	[tilespmem:s16+$0x0] =	vst.add.f32.msk $0xffff, v3  }
0x1c4: {  	s16 =	sor.u32 $0x10200, s9;
	v1 =	vld [tilespmem:s8+$0x2100]  }
0x1c5: {  	[tilespmem:s16+$0x0] =	vst.add.f32.msk $0xffff, v2  }
0x1c6: {  	v2 =	vld [tilespmem:s9+$0x280];
	_ =	sdelay $0x3  }
0x1c7: {  	s11 =	sor.u32 $0x10280, s9  }
0x1c8: {  	[tilespmem:s11+$0x0] =	vst.add.f32.msk $0xffff, v2  }
0x1c9: {  	v2 =	vld [tilespmem:s9+$0x300];
	_ =	sdelay $0x3  }
0x1ca: {  	s18 =	sor.u32 $0x10300, s9;
	s12 =	sor.u32 s13, s14  }
0x1cb: {  	s16 =	sor.u32 $0x380, s12;
	[tilespmem:s18+$0x0] =	vst.add.f32.msk $0xffff, v2  }
0x1cc: {  	v2 =	vld [tilespmem:s16+$0x0];
	_ =	sdelay $0x4  }
0x1cd: {  	[tilespmem:s16+$0x10000] =	vst.add.f32.msk $0xffff, v2  }
0x1ce: {  	v2 =	vld [tilespmem:s9+$0x2000];
	_ =	sdelay $0x3  }
0x1cf: {  	s17 =	sor.u32 $0x12000, s9  }
0x1d0: {  	[tilespmem:s17+$0x0] =	vst.add.f32.msk $0xffff, v2  }
0x1d1: {  	v2 =	vld [tilespmem:s9+$0x2080];
	_ =	sdelay $0x3  }
0x1d2: {  	s18 =	sor.u32 $0x12080, s9  }
0x1d3: {  	[tilespmem:s18+$0x0] =	vst.add.f32.msk $0xffff, v2  }
0x1d4: {  	v2 =	vld [tilespmem:s9+$0x2100];
	_ =	sdelay $0x1  }
0x1d5: {  	s13 =	sor.u32 $0x12100, s8  }
0x1d6: {  	[tilespmem:s13+$0x0] =	vst.add.f32.msk $0xffff, v1  }
0x1d7: {  	s14 =	sor.u32 $0x12100, s9;
	v1 =	vld [tilespmem:s8+$0x2180]  }
0x1d8: {  	[tilespmem:s14+$0x0] =	vst.add.f32.msk $0xffff, v2  }
0x1d9: {  	v2 =	vld [tilespmem:s9+$0x2180];
	_ =	sdelay $0x1  }
0x1da: {  	s16 =	sor.u32 $0x12180, s8  }
0x1db: {  	[tilespmem:s16+$0x0] =	vst.add.f32.msk $0xffff, v1  }
0x1dc: {  	v1 =	vld [tilespmem:s8+$0x2200];
	s17 =	sor.u32 $0x12180, s9  }
0x1dd: {  	[tilespmem:s17+$0x0] =	vst.add.f32.msk $0xffff, v2  }
0x1de: {  	v2 =	vld [tilespmem:s9+$0x2200];
	_ =	sdelay $0x1  }
0x1df: {  	s18 =	sor.u32 $0x12200, s8  }
0x1e0: {  	[tilespmem:s18+$0x0] =	vst.add.f32.msk $0xffff, v1  }
0x1e1: {  	s13 =	sor.u32 $0x12200, s9;
	v1 =	vld [tilespmem:s8+$0x2280]  }
0x1e2: {  	[tilespmem:s13+$0x0] =	vst.add.f32.msk $0xffff, v2  }
0x1e3: {  	v2 =	vld [tilespmem:s9+$0x2280];
	_ =	sdelay $0x1  }
0x1e4: {  	s14 =	sor.u32 $0x12280, s8  }
0x1e5: {  	[tilespmem:s14+$0x0] =	vst.add.f32.msk $0xffff, v1  }
0x1e6: {  	s16 =	sor.u32 $0x12280, s9;
	v1 =	vld [tilespmem:s8+$0x2300]  }
0x1e7: {  	[tilespmem:s16+$0x0] =	vst.add.f32.msk $0xffff, v2  }
0x1e8: {  	v2 =	vld [tilespmem:s9+$0x2300];
	_ =	sdelay $0x1  }
0x1e9: {  	s17 =	sor.u32 $0x12300, s8  }
0x1ea: {  	s18 =	sor.u32 $0x2380, s10;
	[tilespmem:s17+$0x0] =	vst.add.f32.msk $0xffff, v1  }
0x1eb: {  	s10 =	sor.u32 $0x12300, s9;
	v1 =	vld [tilespmem:s18+$0x0]  }
0x1ec: {  	s11 =	sor.u32 $0x2380, s12;
	[tilespmem:s10+$0x0] =	vst.add.f32.msk $0xffff, v2  }
0x1ed: {  	v2 =	vld [tilespmem:s11+$0x0];
	_ =	sdelay $0x2  }
0x1ee: {  	[tilespmem:s15+$0x10000] =	vst.add.f32.msk $0xffff, v0  }
0x1ef: {  	[tilespmem:s18+$0x10000] =	vst.add.f32.msk $0xffff, v1  }
0x1f0: {  	[tilespmem:s11+$0x10000] =	vst.add.f32.msk $0xffff, v2  }
0x1f1: {  	s9 =	simm.s32 $0x0;
	s8 =	rddreg [dreg:$0xc]  }
0x1f2: {  	[hbm4b:s8+s9] =	stream.linear.scatter [tilespmem:s28], [sflag:$0x9], $0x4000, $0x38;
	[tilespmem:$0x18000] =	vst v63  }
0x1f3: {  	_ =	swait.ge [sflag:s1], $0x4000  }
0x1f4: {  	[sflag:s1] =	ssyncset.done $0x0  }
0x1f5: {  	[sflag:s1] =	ssyncadd.s32 $0xFFFFC000  }
0x1f6: {  	s10 =	simm.s32 $0x0;
	_ =	swait.ge [sflag:s25], $0x4000  }
0x1f7: {  	s14 =	sand.u32 $0x1C00, s9;
	s13 =	sand.u32 $0x70, s10;
	[sflag:s25] =	ssyncset.done $0x0  }
0x1f8: {  	s13 =	sor.u32 s13, s14;
	s12 =	rddreg [dreg:$0xd];
	[sflag:s25] =	ssyncadd.s32 $0xFFFFC000  }
0x1f9: {  	[tilespmem:s23], [sflag:$0x4] =	stream.linear.gather [hbm4b:s12+s9], $0x4000, $0x38;
	[tilespmem:$0x18000] =	vst v63  }
0x1fa: {  	v0 =	vld [tilespmem:s13+$0x0];
	_ =	sdelay $0x3  }
0x1fb: {  	s8 =	sor.u32 $0x14000, s13  }
0x1fc: {  	[tilespmem:s8+$0x0] =	vst.add.f32.msk $0xffff, v0  }
0x1fd: {  	v0 =	vld [tilespmem:s13+$0x80];
	_ =	sdelay $0x3  }
0x1fe: {  	s15 =	sor.u32 $0x14080, s13  }
0x1ff: {  	[tilespmem:s15+$0x0] =	vst.add.f32.msk $0xffff, v0  }
0x200: {  	v0 =	vld [tilespmem:s13+$0x100];
	_ =	sdelay $0x3  }
0x201: {  	s16 =	sor.u32 $0x14100, s13  }
0x202: {  	[tilespmem:s16+$0x0] =	vst.add.f32.msk $0xffff, v0  }
0x203: {  	v0 =	vld [tilespmem:s13+$0x180];
	_ =	sdelay $0x3  }
0x204: {  	s17 =	sor.u32 $0x14180, s13  }
0x205: {  	[tilespmem:s17+$0x0] =	vst.add.f32.msk $0xffff, v0  }
0x206: {  	v0 =	vld [tilespmem:s13+$0x200];
	_ =	sdelay $0x3  }
0x207: {  	s18 =	sor.u32 $0x14200, s13  }
0x208: {  	s15 =	simm.s32 $0x10;
	s16 =	simm.s32 $0x80;
	[tilespmem:s18+$0x0] =	vst.add.f32.msk $0xffff, v0  }
0x209: {  	s11 =	sand.u32 $0x70, s15;
	s12 =	sand.u32 $0x1C00, s16;
	v0 =	vld [tilespmem:s13+$0x280]  }
0x20a: {  	s8 =	sor.u32 s11, s12  }
0x20b: {  	v1 =	vld [tilespmem:s8+$0x0];
	_ =	sdelay $0x1  }
0x20c: {  	s14 =	sor.u32 $0x14280, s13  }
0x20d: {  	[tilespmem:s14+$0x0] =	vst.add.f32.msk $0xffff, v0  }
0x20e: {  	s17 =	sor.u32 $0x14000, s8;
	v0 =	vld [tilespmem:s13+$0x300]  }
0x20f: {  	[tilespmem:s17+$0x0] =	vst.add.f32.msk $0xffff, v1  }
0x210: {  	v1 =	vld [tilespmem:s8+$0x80];
	_ =	sdelay $0x1  }
0x211: {  	s18 =	sor.u32 $0x14300, s13;
	s14 =	sor.u32 s10, s9  }
0x212: {  	s9 =	sor.u32 $0x380, s14;
	[tilespmem:s18+$0x0] =	vst.add.f32.msk $0xffff, v0  }
0x213: {  	s12 =	sor.u32 $0x14080, s8;
	v0 =	vld [tilespmem:s9+$0x0]  }
0x214: {  	[tilespmem:s12+$0x0] =	vst.add.f32.msk $0xffff, v1  }
0x215: {  	v1 =	vld [tilespmem:s8+$0x100];
	_ =	sdelay $0x2  }
0x216: {  	[tilespmem:s9+$0x14000] =	vst.add.f32.msk $0xffff, v0  }
0x217: {  	s17 =	sor.u32 $0x14100, s8;
	v0 =	vld [tilespmem:s13+$0x2000]  }
0x218: {  	[tilespmem:s17+$0x0] =	vst.add.f32.msk $0xffff, v1  }
0x219: {  	v1 =	vld [tilespmem:s8+$0x180];
	_ =	sdelay $0x1  }
0x21a: {  	s18 =	sor.u32 $0x16000, s13  }
0x21b: {  	[tilespmem:s18+$0x0] =	vst.add.f32.msk $0xffff, v0  }
0x21c: {  	s10 =	sor.u32 $0x14180, s8;
	v0 =	vld [tilespmem:s13+$0x2080]  }
0x21d: {  	[tilespmem:s10+$0x0] =	vst.add.f32.msk $0xffff, v1  }
0x21e: {  	v1 =	vld [tilespmem:s8+$0x200];
	_ =	sdelay $0x1  }
0x21f: {  	s11 =	sor.u32 $0x16080, s13  }
0x220: {  	[tilespmem:s11+$0x0] =	vst.add.f32.msk $0xffff, v0  }
0x221: {  	s12 =	sor.u32 $0x14200, s8;
	v0 =	vld [tilespmem:s13+$0x2100]  }
0x222: {  	[tilespmem:s12+$0x0] =	vst.add.f32.msk $0xffff, v1;
	s12 =	simm.s32 $0x100;
	s11 =	simm.s32 $0x20  }
0x223: {  	v1 =	vld [tilespmem:s8+$0x280];
	s18 =	sand.u32 $0x1C00, s12;
	s17 =	sand.u32 $0x70, s11  }
0x224: {  	s9 =	sor.u32 s17, s18  }
0x225: {  	s17 =	sor.u32 $0x16100, s13;
	v2 =	vld [tilespmem:s9+$0x0]  }
0x226: {  	[tilespmem:s17+$0x0] =	vst.add.f32.msk $0xffff, v0  }
0x227: {  	s18 =	sor.u32 $0x14280, s8;
	v0 =	vld [tilespmem:s13+$0x2180]  }
0x228: {  	[tilespmem:s18+$0x0] =	vst.add.f32.msk $0xffff, v1  }
0x229: {  	v1 =	vld [tilespmem:s8+$0x300];
	s17 =	sor.u32 $0x14000, s9  }
0x22a: {  	[tilespmem:s17+$0x0] =	vst.add.f32.msk $0xffff, v2  }
0x22b: {  	s18 =	sor.u32 $0x16180, s13;
	v2 =	vld [tilespmem:s9+$0x80]  }
0x22c: {  	[tilespmem:s18+$0x0] =	vst.add.f32.msk $0xffff, v0  }
0x22d: {  	s10 =	sor.u32 s15, s16;
	s17 =	sor.u32 $0x14300, s8;
	v0 =	vld [tilespmem:s13+$0x2200]  }
0x22e: {  	s15 =	sor.u32 $0x380, s10;
	[tilespmem:s17+$0x0] =	vst.add.f32.msk $0xffff, v1  }
0x22f: {  	s17 =	sor.u32 $0x14080, s9;
	v1 =	vld [tilespmem:s15+$0x0]  }
0x230: {  	[tilespmem:s17+$0x0] =	vst.add.f32.msk $0xffff, v2  }
0x231: {  	s18 =	sor.u32 $0x16200, s13;
	v2 =	vld [tilespmem:s9+$0x100]  }
0x232: {  	[tilespmem:s18+$0x0] =	vst.add.f32.msk $0xffff, v0  }
0x233: {  	v0 =	vld [tilespmem:s13+$0x2280]  }
0x234: {  	[tilespmem:s15+$0x14000] =	vst.add.f32.msk $0xffff, v1  }
0x235: {  	s17 =	sor.u32 $0x14100, s9;
	v1 =	vld [tilespmem:s8+$0x2000]  }
0x236: {  	[tilespmem:s17+$0x0] =	vst.add.f32.msk $0xffff, v2  }
0x237: {  	s18 =	sor.u32 $0x16280, s13;
	v2 =	vld [tilespmem:s9+$0x180]  }
0x238: {  	[tilespmem:s18+$0x0] =	vst.add.f32.msk $0xffff, v0  }
0x239: {  	s16 =	sor.u32 $0x16000, s8;
	v0 =	vld [tilespmem:s13+$0x2300]  }
0x23a: {  	[tilespmem:s16+$0x0] =	vst.add.f32.msk $0xffff, v1  }
0x23b: {  	s17 =	sor.u32 $0x14180, s9;
	v1 =	vld [tilespmem:s8+$0x2080]  }
0x23c: {  	[tilespmem:s17+$0x0] =	vst.add.f32.msk $0xffff, v2  }
0x23d: {  	s13 =	sor.u32 $0x16300, s13;
	v2 =	vld [tilespmem:s9+$0x200]  }
0x23e: {  	s15 =	sor.u32 $0x2380, s14;
	[tilespmem:s13+$0x0] =	vst.add.f32.msk $0xffff, v0  }
0x23f: {  	s18 =	sor.u32 $0x16080, s8;
	v0 =	vld [tilespmem:s15+$0x0]  }
0x240: {  	[tilespmem:s18+$0x0] =	vst.add.f32.msk $0xffff, v1  }
0x241: {  	s14 =	simm.s32 $0x100;
	s16 =	sor.u32 $0x14200, s9;
	v1 =	vld [tilespmem:s8+$0x2100];
	s13 =	simm.s32 $0x20  }
.LBB2_8:
0x242: {  	s11 =	sadd.s32 $0x10, s11;
	[tilespmem:s16+$0x0] =	vst.add.f32.msk $0xffff, v2;
	s12 =	sadd.s32 $0x80, s12  }
0x243: {  	s16 =	sand.u32 $0x70, s11;
	s17 =	sand.u32 $0x1C00, s12;
	p0 =	slt.u32 s11, $0x3F0;
	v2 =	vld [tilespmem:s9+$0x280]  }
0x244: {  	s16 =	sor.u32 s16, s17;
	[tilespmem:s15+$0x14000] =	vst.add.f32.msk $0xffff, v0  }
0x245: {  	s15 =	sor.u32 $0x16100, s8;
	v0 =	vld [tilespmem:s16+$0x0]  }
0x246: {  	[tilespmem:s15+$0x0] =	vst.add.f32.msk $0xffff, v1  }
0x247: {  	s15 =	sor.u32 $0x14280, s9;
	v1 =	vld [tilespmem:s8+$0x2180]  }
0x248: {  	[tilespmem:s15+$0x0] =	vst.add.f32.msk $0xffff, v2  }
0x249: {  	s15 =	sor.u32 $0x14000, s16;
	v2 =	vld [tilespmem:s9+$0x300]  }
0x24a: {  	[tilespmem:s15+$0x0] =	vst.add.f32.msk $0xffff, v0  }
0x24b: {  	s15 =	sor.u32 $0x16180, s8;
	v0 =	vld [tilespmem:s16+$0x80]  }
0x24c: {  	[tilespmem:s15+$0x0] =	vst.add.f32.msk $0xffff, v1  }
0x24d: {  	s17 =	sor.u32 s13, s14;
	s13 =	smov.u32 s11;
	s15 =	sor.u32 $0x14300, s9;
	v1 =	vld [tilespmem:s8+$0x2200]  }
0x24e: {  	s14 =	smov.u32 s12;
	[tilespmem:s15+$0x0] =	vst.add.f32.msk $0xffff, v2;
	s15 =	sor.u32 $0x380, s17  }
0x24f: {  	s18 =	sor.u32 $0x14080, s16;
	v2 =	vld [tilespmem:s15+$0x0]  }
0x250: {  	[tilespmem:s18+$0x0] =	vst.add.f32.msk $0xffff, v0  }
0x251: {  	s18 =	sor.u32 $0x16200, s8;
	v0 =	vld [tilespmem:s16+$0x100]  }
0x252: {  	[tilespmem:s18+$0x0] =	vst.add.f32.msk $0xffff, v1  }
0x253: {  	v1 =	vld [tilespmem:s8+$0x2280]  }
0x254: {  	[tilespmem:s15+$0x14000] =	vst.add.f32.msk $0xffff, v2  }
0x255: {  	s15 =	sor.u32 $0x14100, s16;
	v2 =	vld [tilespmem:s9+$0x2000]  }
0x256: {  	[tilespmem:s15+$0x0] =	vst.add.f32.msk $0xffff, v0  }
0x257: {  	s15 =	sor.u32 $0x16280, s8;
	v0 =	vld [tilespmem:s16+$0x180]  }
0x258: {  	[tilespmem:s15+$0x0] =	vst.add.f32.msk $0xffff, v1  }
0x259: {  	s15 =	sor.u32 $0x16000, s9;
	v1 =	vld [tilespmem:s8+$0x2300]  }
0x25a: {  	[tilespmem:s15+$0x0] =	vst.add.f32.msk $0xffff, v2  }
0x25b: {  	s15 =	sor.u32 $0x14180, s16;
	v3 =	vld [tilespmem:s9+$0x2080]  }
0x25c: {  	[tilespmem:s15+$0x0] =	vst.add.f32.msk $0xffff, v0  }
.Ltmp3:
0x25d: {  	s15 =	sor.u32 $0x16300, s8;
	s8 =	smov.u32 s9;
	v2 =	vld [tilespmem:s16+$0x200];
	(pc) =	sbr.rel @p0 .LBB2_8-.Ltmp3, $4  }
0x25e: {  	s9 =	smov.u32 s16;
	[tilespmem:s15+$0x0] =	vst.add.f32.msk $0xffff, v1;
	s15 =	sor.u32 $0x2380, s10;
	s10 =	smov.u32 s17  }
0x25f: {  	s16 =	sor.u32 $0x16080, s8;
	v0 =	vld [tilespmem:s15+$0x0]  }
0x260: {  	[tilespmem:s16+$0x0] =	vst.add.f32.msk $0xffff, v3  }
0x261: {  	s16 =	sor.u32 $0x14200, s9;
	v1 =	vld [tilespmem:s8+$0x2100]  }
0x262: {  	[tilespmem:s16+$0x0] =	vst.add.f32.msk $0xffff, v2  }
0x263: {  	v2 =	vld [tilespmem:s9+$0x280];
	_ =	sdelay $0x3  }
0x264: {  	s11 =	sor.u32 $0x14280, s9  }
0x265: {  	[tilespmem:s11+$0x0] =	vst.add.f32.msk $0xffff, v2  }
0x266: {  	v2 =	vld [tilespmem:s9+$0x300];
	_ =	sdelay $0x3  }
0x267: {  	s18 =	sor.u32 $0x14300, s9;
	s12 =	sor.u32 s13, s14  }
0x268: {  	s16 =	sor.u32 $0x380, s12;
	[tilespmem:s18+$0x0] =	vst.add.f32.msk $0xffff, v2  }
0x269: {  	v2 =	vld [tilespmem:s16+$0x0];
	_ =	sdelay $0x4  }
0x26a: {  	[tilespmem:s16+$0x14000] =	vst.add.f32.msk $0xffff, v2  }
0x26b: {  	v2 =	vld [tilespmem:s9+$0x2000];
	_ =	sdelay $0x3  }
0x26c: {  	s17 =	sor.u32 $0x16000, s9  }
0x26d: {  	[tilespmem:s17+$0x0] =	vst.add.f32.msk $0xffff, v2  }
0x26e: {  	v2 =	vld [tilespmem:s9+$0x2080];
	_ =	sdelay $0x3  }
0x26f: {  	s18 =	sor.u32 $0x16080, s9  }
0x270: {  	[tilespmem:s18+$0x0] =	vst.add.f32.msk $0xffff, v2  }
0x271: {  	v2 =	vld [tilespmem:s9+$0x2100];
	_ =	sdelay $0x1  }
0x272: {  	s13 =	sor.u32 $0x16100, s8  }
0x273: {  	[tilespmem:s13+$0x0] =	vst.add.f32.msk $0xffff, v1  }
0x274: {  	s14 =	sor.u32 $0x16100, s9;
	v1 =	vld [tilespmem:s8+$0x2180]  }
0x275: {  	[tilespmem:s14+$0x0] =	vst.add.f32.msk $0xffff, v2  }
0x276: {  	v2 =	vld [tilespmem:s9+$0x2180];
	_ =	sdelay $0x1  }
0x277: {  	s16 =	sor.u32 $0x16180, s8  }
0x278: {  	[tilespmem:s16+$0x0] =	vst.add.f32.msk $0xffff, v1  }
0x279: {  	v1 =	vld [tilespmem:s8+$0x2200];
	s17 =	sor.u32 $0x16180, s9  }
0x27a: {  	[tilespmem:s17+$0x0] =	vst.add.f32.msk $0xffff, v2  }
0x27b: {  	v2 =	vld [tilespmem:s9+$0x2200];
	_ =	sdelay $0x1  }
0x27c: {  	s18 =	sor.u32 $0x16200, s8  }
0x27d: {  	[tilespmem:s18+$0x0] =	vst.add.f32.msk $0xffff, v1  }
0x27e: {  	s13 =	sor.u32 $0x16200, s9;
	v1 =	vld [tilespmem:s8+$0x2280]  }
0x27f: {  	[tilespmem:s13+$0x0] =	vst.add.f32.msk $0xffff, v2  }
0x280: {  	v2 =	vld [tilespmem:s9+$0x2280];
	_ =	sdelay $0x1  }
0x281: {  	s14 =	sor.u32 $0x16280, s8  }
0x282: {  	[tilespmem:s14+$0x0] =	vst.add.f32.msk $0xffff, v1  }
0x283: {  	s16 =	sor.u32 $0x16280, s9;
	v1 =	vld [tilespmem:s8+$0x2300]  }
0x284: {  	[tilespmem:s16+$0x0] =	vst.add.f32.msk $0xffff, v2  }
0x285: {  	v2 =	vld [tilespmem:s9+$0x2300];
	_ =	sdelay $0x1  }
0x286: {  	s17 =	sor.u32 $0x16300, s8  }
0x287: {  	s18 =	sor.u32 $0x2380, s10;
	[tilespmem:s17+$0x0] =	vst.add.f32.msk $0xffff, v1  }
0x288: {  	s10 =	sor.u32 $0x16300, s9;
	v1 =	vld [tilespmem:s18+$0x0]  }
0x289: {  	s11 =	sor.u32 $0x2380, s12;
	[tilespmem:s10+$0x0] =	vst.add.f32.msk $0xffff, v2  }
0x28a: {  	v2 =	vld [tilespmem:s11+$0x0];
	_ =	sdelay $0x2  }
0x28b: {  	[tilespmem:s15+$0x14000] =	vst.add.f32.msk $0xffff, v0  }
0x28c: {  	[tilespmem:s18+$0x14000] =	vst.add.f32.msk $0xffff, v1  }
0x28d: {  	[tilespmem:s11+$0x14000] =	vst.add.f32.msk $0xffff, v2  }
0x28e: {  	s9 =	simm.s32 $0x0;
	s8 =	rddreg [dreg:$0xe]  }
0x28f: {  	[hbm4b:s8+s9] =	stream.linear.scatter [tilespmem:s30], [sflag:$0xA], $0x4000, $0x38;
	[tilespmem:$0x18000] =	vst v63  }
0x290: {  	_ =	swait.ge [sflag:s3], $0x4000  }
0x291: {  	[sflag:s3] =	ssyncset.done $0x0  }
0x292: {  	[sflag:s3] =	ssyncadd.s32 $0xFFFFC000  }
0x293: {  	_ =	swait.ge [sflag:s26], $0x4000  }
0x294: {  	[sflag:s26] =	ssyncset.done $0x0  }
0x295: {  	[sflag:s26] =	ssyncadd.s32 $0xFFFFC000  }
0x296: {  	s10 =	simm.s32 $0x0;
	_ =	swait.ge [sflag:s4], $0x4000  }
0x297: {  	s14 =	sand.u32 $0x1C00, s9;
	s13 =	sand.u32 $0x70, s10;
	[sflag:s4] =	ssyncset.done $0x0  }
0x298: {  	s13 =	sor.u32 s13, s14;
	s12 =	rddreg [dreg:$0xf];
	[sflag:s4] =	ssyncadd.s32 $0xFFFFC000  }
0x299: {  	[tilespmem:s28], [sflag:$0x5] =	stream.linear.gather [hbm4b:s12+s9], $0x4000, $0x38;
	[tilespmem:$0x18000] =	vst v63  }
0x29a: {  	v0 =	vld [tilespmem:s13+$0x4000];
	_ =	sdelay $0x3  }
0x29b: {  	s8 =	sor.u32 $0x8000, s13  }
0x29c: {  	[tilespmem:s8+$0x0] =	vst.add.f32.msk $0xffff, v0  }
0x29d: {  	v0 =	vld [tilespmem:s13+$0x4080];
	_ =	sdelay $0x3  }
0x29e: {  	s15 =	sor.u32 $0x8080, s13  }
0x29f: {  	[tilespmem:s15+$0x0] =	vst.add.f32.msk $0xffff, v0  }
0x2a0: {  	v0 =	vld [tilespmem:s13+$0x4100];
	_ =	sdelay $0x3  }
0x2a1: {  	s16 =	sor.u32 $0x8100, s13  }
0x2a2: {  	[tilespmem:s16+$0x0] =	vst.add.f32.msk $0xffff, v0  }
0x2a3: {  	v0 =	vld [tilespmem:s13+$0x4180];
	_ =	sdelay $0x3  }
0x2a4: {  	s17 =	sor.u32 $0x8180, s13  }
0x2a5: {  	[tilespmem:s17+$0x0] =	vst.add.f32.msk $0xffff, v0  }
0x2a6: {  	v0 =	vld [tilespmem:s13+$0x4200];
	_ =	sdelay $0x3  }
0x2a7: {  	s18 =	sor.u32 $0x8200, s13  }
0x2a8: {  	s15 =	simm.s32 $0x10;
	s16 =	simm.s32 $0x80;
	[tilespmem:s18+$0x0] =	vst.add.f32.msk $0xffff, v0  }
0x2a9: {  	s11 =	sand.u32 $0x70, s15;
	s12 =	sand.u32 $0x1C00, s16;
	v0 =	vld [tilespmem:s13+$0x4280]  }
0x2aa: {  	s8 =	sor.u32 s11, s12  }
0x2ab: {  	v1 =	vld [tilespmem:s8+$0x4000];
	_ =	sdelay $0x1  }
0x2ac: {  	s14 =	sor.u32 $0x8280, s13  }
0x2ad: {  	[tilespmem:s14+$0x0] =	vst.add.f32.msk $0xffff, v0  }
0x2ae: {  	s17 =	sor.u32 $0x8000, s8;
	v0 =	vld [tilespmem:s13+$0x4300]  }
0x2af: {  	[tilespmem:s17+$0x0] =	vst.add.f32.msk $0xffff, v1  }
0x2b0: {  	v1 =	vld [tilespmem:s8+$0x4080];
	_ =	sdelay $0x1  }
0x2b1: {  	s18 =	sor.u32 $0x8300, s13;
	s14 =	sor.u32 s10, s9  }
0x2b2: {  	s9 =	sor.u32 $0x380, s14;
	[tilespmem:s18+$0x0] =	vst.add.f32.msk $0xffff, v0  }
0x2b3: {  	s12 =	sor.u32 $0x8080, s8;
	v0 =	vld [tilespmem:s9+$0x4000]  }
0x2b4: {  	[tilespmem:s12+$0x0] =	vst.add.f32.msk $0xffff, v1  }
0x2b5: {  	v1 =	vld [tilespmem:s8+$0x4100];
	_ =	sdelay $0x2  }
0x2b6: {  	[tilespmem:s9+$0x8000] =	vst.add.f32.msk $0xffff, v0  }
0x2b7: {  	s17 =	sor.u32 $0x8100, s8;
	v0 =	vld [tilespmem:s13+$0x6000]  }
0x2b8: {  	[tilespmem:s17+$0x0] =	vst.add.f32.msk $0xffff, v1  }
0x2b9: {  	v1 =	vld [tilespmem:s8+$0x4180];
	_ =	sdelay $0x1  }
0x2ba: {  	s18 =	sor.u32 $0xA000, s13  }
0x2bb: {  	[tilespmem:s18+$0x0] =	vst.add.f32.msk $0xffff, v0  }
0x2bc: {  	s10 =	sor.u32 $0x8180, s8;
	v0 =	vld [tilespmem:s13+$0x6080]  }
0x2bd: {  	[tilespmem:s10+$0x0] =	vst.add.f32.msk $0xffff, v1  }
0x2be: {  	v1 =	vld [tilespmem:s8+$0x4200];
	_ =	sdelay $0x1  }
0x2bf: {  	s11 =	sor.u32 $0xA080, s13  }
0x2c0: {  	[tilespmem:s11+$0x0] =	vst.add.f32.msk $0xffff, v0  }
0x2c1: {  	s12 =	sor.u32 $0x8200, s8;
	v0 =	vld [tilespmem:s13+$0x6100]  }
0x2c2: {  	[tilespmem:s12+$0x0] =	vst.add.f32.msk $0xffff, v1;
	s12 =	simm.s32 $0x100;
	s11 =	simm.s32 $0x20  }
0x2c3: {  	v1 =	vld [tilespmem:s8+$0x4280];
	s18 =	sand.u32 $0x1C00, s12;
	s17 =	sand.u32 $0x70, s11  }
0x2c4: {  	s9 =	sor.u32 s17, s18  }
0x2c5: {  	s17 =	sor.u32 $0xA100, s13;
	v2 =	vld [tilespmem:s9+$0x4000]  }
0x2c6: {  	[tilespmem:s17+$0x0] =	vst.add.f32.msk $0xffff, v0  }
0x2c7: {  	s18 =	sor.u32 $0x8280, s8;
	v0 =	vld [tilespmem:s13+$0x6180]  }
0x2c8: {  	[tilespmem:s18+$0x0] =	vst.add.f32.msk $0xffff, v1  }
0x2c9: {  	v1 =	vld [tilespmem:s8+$0x4300];
	s17 =	sor.u32 $0x8000, s9  }
0x2ca: {  	[tilespmem:s17+$0x0] =	vst.add.f32.msk $0xffff, v2  }
0x2cb: {  	s18 =	sor.u32 $0xA180, s13;
	v2 =	vld [tilespmem:s9+$0x4080]  }
0x2cc: {  	[tilespmem:s18+$0x0] =	vst.add.f32.msk $0xffff, v0  }
0x2cd: {  	s10 =	sor.u32 s15, s16;
	s17 =	sor.u32 $0x8300, s8;
	v0 =	vld [tilespmem:s13+$0x6200]  }
0x2ce: {  	s15 =	sor.u32 $0x380, s10;
	[tilespmem:s17+$0x0] =	vst.add.f32.msk $0xffff, v1  }
0x2cf: {  	s17 =	sor.u32 $0x8080, s9;
	v1 =	vld [tilespmem:s15+$0x4000]  }
0x2d0: {  	[tilespmem:s17+$0x0] =	vst.add.f32.msk $0xffff, v2  }
0x2d1: {  	s18 =	sor.u32 $0xA200, s13;
	v2 =	vld [tilespmem:s9+$0x4100]  }
0x2d2: {  	[tilespmem:s18+$0x0] =	vst.add.f32.msk $0xffff, v0  }
0x2d3: {  	v0 =	vld [tilespmem:s13+$0x6280]  }
0x2d4: {  	[tilespmem:s15+$0x8000] =	vst.add.f32.msk $0xffff, v1  }
0x2d5: {  	s17 =	sor.u32 $0x8100, s9;
	v1 =	vld [tilespmem:s8+$0x6000]  }
0x2d6: {  	[tilespmem:s17+$0x0] =	vst.add.f32.msk $0xffff, v2  }
0x2d7: {  	s18 =	sor.u32 $0xA280, s13;
	v2 =	vld [tilespmem:s9+$0x4180]  }
0x2d8: {  	[tilespmem:s18+$0x0] =	vst.add.f32.msk $0xffff, v0  }
0x2d9: {  	s16 =	sor.u32 $0xA000, s8;
	v0 =	vld [tilespmem:s13+$0x6300]  }
0x2da: {  	[tilespmem:s16+$0x0] =	vst.add.f32.msk $0xffff, v1  }
0x2db: {  	s17 =	sor.u32 $0x8180, s9;
	v1 =	vld [tilespmem:s8+$0x6080]  }
0x2dc: {  	[tilespmem:s17+$0x0] =	vst.add.f32.msk $0xffff, v2  }
0x2dd: {  	s13 =	sor.u32 $0xA300, s13;
	v2 =	vld [tilespmem:s9+$0x4200]  }
0x2de: {  	s15 =	sor.u32 $0x2380, s14;
	[tilespmem:s13+$0x0] =	vst.add.f32.msk $0xffff, v0  }
0x2df: {  	s18 =	sor.u32 $0xA080, s8;
	v0 =	vld [tilespmem:s15+$0x4000]  }
0x2e0: {  	[tilespmem:s18+$0x0] =	vst.add.f32.msk $0xffff, v1  }
0x2e1: {  	s14 =	simm.s32 $0x100;
	s16 =	sor.u32 $0x8200, s9;
	v1 =	vld [tilespmem:s8+$0x6100];
	s13 =	simm.s32 $0x20  }
.LBB2_10:
0x2e2: {  	s11 =	sadd.s32 $0x10, s11;
	[tilespmem:s16+$0x0] =	vst.add.f32.msk $0xffff, v2;
	s12 =	sadd.s32 $0x80, s12  }
0x2e3: {  	s16 =	sand.u32 $0x70, s11;
	s17 =	sand.u32 $0x1C00, s12;
	p0 =	slt.u32 s11, $0x3F0;
	v2 =	vld [tilespmem:s9+$0x4280]  }
0x2e4: {  	s16 =	sor.u32 s16, s17;
	[tilespmem:s15+$0x8000] =	vst.add.f32.msk $0xffff, v0  }
0x2e5: {  	s15 =	sor.u32 $0xA100, s8;
	v0 =	vld [tilespmem:s16+$0x4000]  }
0x2e6: {  	[tilespmem:s15+$0x0] =	vst.add.f32.msk $0xffff, v1  }
0x2e7: {  	s15 =	sor.u32 $0x8280, s9;
	v1 =	vld [tilespmem:s8+$0x6180]  }
0x2e8: {  	[tilespmem:s15+$0x0] =	vst.add.f32.msk $0xffff, v2  }
0x2e9: {  	s15 =	sor.u32 $0x8000, s16;
	v2 =	vld [tilespmem:s9+$0x4300]  }
0x2ea: {  	[tilespmem:s15+$0x0] =	vst.add.f32.msk $0xffff, v0  }
0x2eb: {  	s15 =	sor.u32 $0xA180, s8;
	v0 =	vld [tilespmem:s16+$0x4080]  }
0x2ec: {  	[tilespmem:s15+$0x0] =	vst.add.f32.msk $0xffff, v1  }
0x2ed: {  	s17 =	sor.u32 s13, s14;
	s13 =	smov.u32 s11;
	s15 =	sor.u32 $0x8300, s9;
	v1 =	vld [tilespmem:s8+$0x6200]  }
0x2ee: {  	s14 =	smov.u32 s12;
	[tilespmem:s15+$0x0] =	vst.add.f32.msk $0xffff, v2;
	s15 =	sor.u32 $0x380, s17  }
0x2ef: {  	s18 =	sor.u32 $0x8080, s16;
	v2 =	vld [tilespmem:s15+$0x4000]  }
0x2f0: {  	[tilespmem:s18+$0x0] =	vst.add.f32.msk $0xffff, v0  }
0x2f1: {  	s18 =	sor.u32 $0xA200, s8;
	v0 =	vld [tilespmem:s16+$0x4100]  }
0x2f2: {  	[tilespmem:s18+$0x0] =	vst.add.f32.msk $0xffff, v1  }
0x2f3: {  	v1 =	vld [tilespmem:s8+$0x6280]  }
0x2f4: {  	[tilespmem:s15+$0x8000] =	vst.add.f32.msk $0xffff, v2  }
0x2f5: {  	s15 =	sor.u32 $0x8100, s16;
	v2 =	vld [tilespmem:s9+$0x6000]  }
0x2f6: {  	[tilespmem:s15+$0x0] =	vst.add.f32.msk $0xffff, v0  }
0x2f7: {  	s15 =	sor.u32 $0xA280, s8;
	v0 =	vld [tilespmem:s16+$0x4180]  }
0x2f8: {  	[tilespmem:s15+$0x0] =	vst.add.f32.msk $0xffff, v1  }
0x2f9: {  	s15 =	sor.u32 $0xA000, s9;
	v1 =	vld [tilespmem:s8+$0x6300]  }
0x2fa: {  	[tilespmem:s15+$0x0] =	vst.add.f32.msk $0xffff, v2  }
0x2fb: {  	s15 =	sor.u32 $0x8180, s16;
	v3 =	vld [tilespmem:s9+$0x6080]  }
0x2fc: {  	[tilespmem:s15+$0x0] =	vst.add.f32.msk $0xffff, v0  }
.Ltmp4:
0x2fd: {  	s15 =	sor.u32 $0xA300, s8;
	s8 =	smov.u32 s9;
	v2 =	vld [tilespmem:s16+$0x4200];
	(pc) =	sbr.rel @p0 .LBB2_10-.Ltmp4, $4  }
0x2fe: {  	s9 =	smov.u32 s16;
	[tilespmem:s15+$0x0] =	vst.add.f32.msk $0xffff, v1;
	s15 =	sor.u32 $0x2380, s10;
	s10 =	smov.u32 s17  }
0x2ff: {  	s16 =	sor.u32 $0xA080, s8;
	v0 =	vld [tilespmem:s15+$0x4000]  }
0x300: {  	[tilespmem:s16+$0x0] =	vst.add.f32.msk $0xffff, v3  }
0x301: {  	s16 =	sor.u32 $0x8200, s9;
	v1 =	vld [tilespmem:s8+$0x6100]  }
0x302: {  	[tilespmem:s16+$0x0] =	vst.add.f32.msk $0xffff, v2  }
0x303: {  	v2 =	vld [tilespmem:s9+$0x4280];
	_ =	sdelay $0x3  }
0x304: {  	s11 =	sor.u32 $0x8280, s9  }
0x305: {  	[tilespmem:s11+$0x0] =	vst.add.f32.msk $0xffff, v2  }
0x306: {  	v2 =	vld [tilespmem:s9+$0x4300];
	_ =	sdelay $0x3  }
0x307: {  	s18 =	sor.u32 $0x8300, s9;
	s12 =	sor.u32 s13, s14  }
0x308: {  	s16 =	sor.u32 $0x380, s12;
	[tilespmem:s18+$0x0] =	vst.add.f32.msk $0xffff, v2  }
0x309: {  	v2 =	vld [tilespmem:s16+$0x4000];
	_ =	sdelay $0x4  }
0x30a: {  	[tilespmem:s16+$0x8000] =	vst.add.f32.msk $0xffff, v2  }
0x30b: {  	v2 =	vld [tilespmem:s9+$0x6000];
	_ =	sdelay $0x3  }
0x30c: {  	s17 =	sor.u32 $0xA000, s9  }
0x30d: {  	[tilespmem:s17+$0x0] =	vst.add.f32.msk $0xffff, v2  }
0x30e: {  	v2 =	vld [tilespmem:s9+$0x6080];
	_ =	sdelay $0x3  }
0x30f: {  	s18 =	sor.u32 $0xA080, s9  }
0x310: {  	[tilespmem:s18+$0x0] =	vst.add.f32.msk $0xffff, v2  }
0x311: {  	v2 =	vld [tilespmem:s9+$0x6100];
	_ =	sdelay $0x1  }
0x312: {  	s13 =	sor.u32 $0xA100, s8  }
0x313: {  	[tilespmem:s13+$0x0] =	vst.add.f32.msk $0xffff, v1  }
0x314: {  	s14 =	sor.u32 $0xA100, s9;
	v1 =	vld [tilespmem:s8+$0x6180]  }
0x315: {  	[tilespmem:s14+$0x0] =	vst.add.f32.msk $0xffff, v2  }
0x316: {  	v2 =	vld [tilespmem:s9+$0x6180];
	_ =	sdelay $0x1  }
0x317: {  	s16 =	sor.u32 $0xA180, s8  }
0x318: {  	[tilespmem:s16+$0x0] =	vst.add.f32.msk $0xffff, v1  }
0x319: {  	v1 =	vld [tilespmem:s8+$0x6200];
	s17 =	sor.u32 $0xA180, s9  }
0x31a: {  	[tilespmem:s17+$0x0] =	vst.add.f32.msk $0xffff, v2  }
0x31b: {  	v2 =	vld [tilespmem:s9+$0x6200];
	_ =	sdelay $0x1  }
0x31c: {  	s18 =	sor.u32 $0xA200, s8  }
0x31d: {  	[tilespmem:s18+$0x0] =	vst.add.f32.msk $0xffff, v1  }
0x31e: {  	s13 =	sor.u32 $0xA200, s9;
	v1 =	vld [tilespmem:s8+$0x6280]  }
0x31f: {  	[tilespmem:s13+$0x0] =	vst.add.f32.msk $0xffff, v2  }
0x320: {  	v2 =	vld [tilespmem:s9+$0x6280];
	_ =	sdelay $0x1  }
0x321: {  	s14 =	sor.u32 $0xA280, s8  }
0x322: {  	[tilespmem:s14+$0x0] =	vst.add.f32.msk $0xffff, v1  }
0x323: {  	s16 =	sor.u32 $0xA280, s9;
	v1 =	vld [tilespmem:s8+$0x6300]  }
0x324: {  	[tilespmem:s16+$0x0] =	vst.add.f32.msk $0xffff, v2  }
0x325: {  	v2 =	vld [tilespmem:s9+$0x6300];
	_ =	sdelay $0x1  }
0x326: {  	s17 =	sor.u32 $0xA300, s8  }
0x327: {  	s18 =	sor.u32 $0x2380, s10;
	[tilespmem:s17+$0x0] =	vst.add.f32.msk $0xffff, v1  }
0x328: {  	s10 =	sor.u32 $0xA300, s9;
	v1 =	vld [tilespmem:s18+$0x4000]  }
0x329: {  	s11 =	sor.u32 $0x2380, s12;
	[tilespmem:s10+$0x0] =	vst.add.f32.msk $0xffff, v2  }
0x32a: {  	v2 =	vld [tilespmem:s11+$0x4000];
	_ =	sdelay $0x2  }
0x32b: {  	[tilespmem:s15+$0x8000] =	vst.add.f32.msk $0xffff, v0  }
0x32c: {  	[tilespmem:s18+$0x8000] =	vst.add.f32.msk $0xffff, v1  }
0x32d: {  	[tilespmem:s11+$0x8000] =	vst.add.f32.msk $0xffff, v2  }
0x32e: {  	s9 =	simm.s32 $0x0;
	s8 =	rddreg [dreg:$0x10]  }
0x32f: {  	[hbm4b:s8+s9] =	stream.linear.scatter [tilespmem:s22], [sflag:$0x7], $0x4000, $0x38;
	[tilespmem:$0x18000] =	vst v63  }
0x330: {  	_ =	swait.ge [sflag:s29], $0x4000  }
0x331: {  	[sflag:s29] =	ssyncset.done $0x0  }
0x332: {  	[sflag:s29] =	ssyncadd.s32 $0xFFFFC000  }
0x333: {  	s10 =	simm.s32 $0x0;
	_ =	swait.ge [sflag:s5], $0x4000  }
0x334: {  	s14 =	sand.u32 $0x1C00, s9;
	s13 =	sand.u32 $0x70, s10;
	[sflag:s5] =	ssyncset.done $0x0  }
0x335: {  	s13 =	sor.u32 s13, s14;
	s12 =	rddreg [dreg:$0x11];
	[sflag:s5] =	ssyncadd.s32 $0xFFFFC000  }
0x336: {  	[tilespmem:s30], [sflag:$0x6] =	stream.linear.gather [hbm4b:s12+s9], $0x4000, $0x38;
	[tilespmem:$0x18000] =	vst v63  }
0x337: {  	v0 =	vld [tilespmem:s13+$0x4000];
	_ =	sdelay $0x3  }
0x338: {  	s8 =	sor.u32 $0xC000, s13  }
0x339: {  	[tilespmem:s8+$0x0] =	vst.add.f32.msk $0xffff, v0  }
0x33a: {  	v0 =	vld [tilespmem:s13+$0x4080];
	_ =	sdelay $0x3  }
0x33b: {  	s15 =	sor.u32 $0xC080, s13  }
0x33c: {  	[tilespmem:s15+$0x0] =	vst.add.f32.msk $0xffff, v0  }
0x33d: {  	v0 =	vld [tilespmem:s13+$0x4100];
	_ =	sdelay $0x3  }
0x33e: {  	s16 =	sor.u32 $0xC100, s13  }
0x33f: {  	[tilespmem:s16+$0x0] =	vst.add.f32.msk $0xffff, v0  }
0x340: {  	v0 =	vld [tilespmem:s13+$0x4180];
	_ =	sdelay $0x3  }
0x341: {  	s17 =	sor.u32 $0xC180, s13  }
0x342: {  	[tilespmem:s17+$0x0] =	vst.add.f32.msk $0xffff, v0  }
0x343: {  	v0 =	vld [tilespmem:s13+$0x4200];
	_ =	sdelay $0x3  }
0x344: {  	s18 =	sor.u32 $0xC200, s13  }
0x345: {  	s15 =	simm.s32 $0x10;
	s16 =	simm.s32 $0x80;
	[tilespmem:s18+$0x0] =	vst.add.f32.msk $0xffff, v0  }
0x346: {  	s11 =	sand.u32 $0x70, s15;
	s12 =	sand.u32 $0x1C00, s16;
	v0 =	vld [tilespmem:s13+$0x4280]  }
0x347: {  	s8 =	sor.u32 s11, s12  }
0x348: {  	v1 =	vld [tilespmem:s8+$0x4000];
	_ =	sdelay $0x1  }
0x349: {  	s14 =	sor.u32 $0xC280, s13  }
0x34a: {  	[tilespmem:s14+$0x0] =	vst.add.f32.msk $0xffff, v0  }
0x34b: {  	s17 =	sor.u32 $0xC000, s8;
	v0 =	vld [tilespmem:s13+$0x4300]  }
0x34c: {  	[tilespmem:s17+$0x0] =	vst.add.f32.msk $0xffff, v1  }
0x34d: {  	v1 =	vld [tilespmem:s8+$0x4080];
	_ =	sdelay $0x1  }
0x34e: {  	s18 =	sor.u32 $0xC300, s13;
	s14 =	sor.u32 s10, s9  }
0x34f: {  	s9 =	sor.u32 $0x380, s14;
	[tilespmem:s18+$0x0] =	vst.add.f32.msk $0xffff, v0  }
0x350: {  	s12 =	sor.u32 $0xC080, s8;
	v0 =	vld [tilespmem:s9+$0x4000]  }
0x351: {  	[tilespmem:s12+$0x0] =	vst.add.f32.msk $0xffff, v1  }
0x352: {  	v1 =	vld [tilespmem:s8+$0x4100];
	_ =	sdelay $0x2  }
0x353: {  	[tilespmem:s9+$0xC000] =	vst.add.f32.msk $0xffff, v0  }
0x354: {  	s17 =	sor.u32 $0xC100, s8;
	v0 =	vld [tilespmem:s13+$0x6000]  }
0x355: {  	[tilespmem:s17+$0x0] =	vst.add.f32.msk $0xffff, v1  }
0x356: {  	v1 =	vld [tilespmem:s8+$0x4180];
	_ =	sdelay $0x1  }
0x357: {  	s18 =	sor.u32 $0xE000, s13  }
0x358: {  	[tilespmem:s18+$0x0] =	vst.add.f32.msk $0xffff, v0  }
0x359: {  	s10 =	sor.u32 $0xC180, s8;
	v0 =	vld [tilespmem:s13+$0x6080]  }
0x35a: {  	[tilespmem:s10+$0x0] =	vst.add.f32.msk $0xffff, v1  }
0x35b: {  	v1 =	vld [tilespmem:s8+$0x4200];
	_ =	sdelay $0x1  }
0x35c: {  	s11 =	sor.u32 $0xE080, s13  }
0x35d: {  	[tilespmem:s11+$0x0] =	vst.add.f32.msk $0xffff, v0  }
0x35e: {  	s12 =	sor.u32 $0xC200, s8;
	v0 =	vld [tilespmem:s13+$0x6100]  }
0x35f: {  	[tilespmem:s12+$0x0] =	vst.add.f32.msk $0xffff, v1;
	s12 =	simm.s32 $0x100;
	s11 =	simm.s32 $0x20  }
0x360: {  	v1 =	vld [tilespmem:s8+$0x4280];
	s18 =	sand.u32 $0x1C00, s12;
	s17 =	sand.u32 $0x70, s11  }
0x361: {  	s9 =	sor.u32 s17, s18  }
0x362: {  	s17 =	sor.u32 $0xE100, s13;
	v2 =	vld [tilespmem:s9+$0x4000]  }
0x363: {  	[tilespmem:s17+$0x0] =	vst.add.f32.msk $0xffff, v0  }
0x364: {  	s18 =	sor.u32 $0xC280, s8;
	v0 =	vld [tilespmem:s13+$0x6180]  }
0x365: {  	[tilespmem:s18+$0x0] =	vst.add.f32.msk $0xffff, v1  }
0x366: {  	v1 =	vld [tilespmem:s8+$0x4300];
	s17 =	sor.u32 $0xC000, s9  }
0x367: {  	[tilespmem:s17+$0x0] =	vst.add.f32.msk $0xffff, v2  }
0x368: {  	s18 =	sor.u32 $0xE180, s13;
	v2 =	vld [tilespmem:s9+$0x4080]  }
0x369: {  	[tilespmem:s18+$0x0] =	vst.add.f32.msk $0xffff, v0  }
0x36a: {  	s10 =	sor.u32 s15, s16;
	s17 =	sor.u32 $0xC300, s8;
	v0 =	vld [tilespmem:s13+$0x6200]  }
0x36b: {  	s15 =	sor.u32 $0x380, s10;
	[tilespmem:s17+$0x0] =	vst.add.f32.msk $0xffff, v1  }
0x36c: {  	s17 =	sor.u32 $0xC080, s9;
	v1 =	vld [tilespmem:s15+$0x4000]  }
0x36d: {  	[tilespmem:s17+$0x0] =	vst.add.f32.msk $0xffff, v2  }
0x36e: {  	s18 =	sor.u32 $0xE200, s13;
	v2 =	vld [tilespmem:s9+$0x4100]  }
0x36f: {  	[tilespmem:s18+$0x0] =	vst.add.f32.msk $0xffff, v0  }
0x370: {  	v0 =	vld [tilespmem:s13+$0x6280]  }
0x371: {  	[tilespmem:s15+$0xC000] =	vst.add.f32.msk $0xffff, v1  }
0x372: {  	s17 =	sor.u32 $0xC100, s9;
	v1 =	vld [tilespmem:s8+$0x6000]  }
0x373: {  	[tilespmem:s17+$0x0] =	vst.add.f32.msk $0xffff, v2  }
0x374: {  	s18 =	sor.u32 $0xE280, s13;
	v2 =	vld [tilespmem:s9+$0x4180]  }
0x375: {  	[tilespmem:s18+$0x0] =	vst.add.f32.msk $0xffff, v0  }
0x376: {  	s16 =	sor.u32 $0xE000, s8;
	v0 =	vld [tilespmem:s13+$0x6300]  }
0x377: {  	[tilespmem:s16+$0x0] =	vst.add.f32.msk $0xffff, v1  }
0x378: {  	s17 =	sor.u32 $0xC180, s9;
	v1 =	vld [tilespmem:s8+$0x6080]  }
0x379: {  	[tilespmem:s17+$0x0] =	vst.add.f32.msk $0xffff, v2  }
0x37a: {  	s13 =	sor.u32 $0xE300, s13;
	v2 =	vld [tilespmem:s9+$0x4200]  }
0x37b: {  	s15 =	sor.u32 $0x2380, s14;
	[tilespmem:s13+$0x0] =	vst.add.f32.msk $0xffff, v0  }
0x37c: {  	s18 =	sor.u32 $0xE080, s8;
	v0 =	vld [tilespmem:s15+$0x4000]  }
0x37d: {  	[tilespmem:s18+$0x0] =	vst.add.f32.msk $0xffff, v1  }
0x37e: {  	s14 =	simm.s32 $0x100;
	s16 =	sor.u32 $0xC200, s9;
	v1 =	vld [tilespmem:s8+$0x6100];
	s13 =	simm.s32 $0x20  }
.LBB2_12:
0x37f: {  	s11 =	sadd.s32 $0x10, s11;
	[tilespmem:s16+$0x0] =	vst.add.f32.msk $0xffff, v2;
	s12 =	sadd.s32 $0x80, s12  }
0x380: {  	s16 =	sand.u32 $0x70, s11;
	s17 =	sand.u32 $0x1C00, s12;
	p0 =	slt.u32 s11, $0x3F0;
	v2 =	vld [tilespmem:s9+$0x4280]  }
0x381: {  	s16 =	sor.u32 s16, s17;
	[tilespmem:s15+$0xC000] =	vst.add.f32.msk $0xffff, v0  }
0x382: {  	s15 =	sor.u32 $0xE100, s8;
	v0 =	vld [tilespmem:s16+$0x4000]  }
0x383: {  	[tilespmem:s15+$0x0] =	vst.add.f32.msk $0xffff, v1  }
0x384: {  	s15 =	sor.u32 $0xC280, s9;
	v1 =	vld [tilespmem:s8+$0x6180]  }
0x385: {  	[tilespmem:s15+$0x0] =	vst.add.f32.msk $0xffff, v2  }
0x386: {  	s15 =	sor.u32 $0xC000, s16;
	v2 =	vld [tilespmem:s9+$0x4300]  }
0x387: {  	[tilespmem:s15+$0x0] =	vst.add.f32.msk $0xffff, v0  }
0x388: {  	s15 =	sor.u32 $0xE180, s8;
	v0 =	vld [tilespmem:s16+$0x4080]  }
0x389: {  	[tilespmem:s15+$0x0] =	vst.add.f32.msk $0xffff, v1  }
0x38a: {  	s17 =	sor.u32 s13, s14;
	s13 =	smov.u32 s11;
	s15 =	sor.u32 $0xC300, s9;
	v1 =	vld [tilespmem:s8+$0x6200]  }
0x38b: {  	s14 =	smov.u32 s12;
	[tilespmem:s15+$0x0] =	vst.add.f32.msk $0xffff, v2;
	s15 =	sor.u32 $0x380, s17  }
0x38c: {  	s18 =	sor.u32 $0xC080, s16;
	v2 =	vld [tilespmem:s15+$0x4000]  }
0x38d: {  	[tilespmem:s18+$0x0] =	vst.add.f32.msk $0xffff, v0  }
0x38e: {  	s18 =	sor.u32 $0xE200, s8;
	v0 =	vld [tilespmem:s16+$0x4100]  }
0x38f: {  	[tilespmem:s18+$0x0] =	vst.add.f32.msk $0xffff, v1  }
0x390: {  	v1 =	vld [tilespmem:s8+$0x6280]  }
0x391: {  	[tilespmem:s15+$0xC000] =	vst.add.f32.msk $0xffff, v2  }
0x392: {  	s15 =	sor.u32 $0xC100, s16;
	v2 =	vld [tilespmem:s9+$0x6000]  }
0x393: {  	[tilespmem:s15+$0x0] =	vst.add.f32.msk $0xffff, v0  }
0x394: {  	s15 =	sor.u32 $0xE280, s8;
	v0 =	vld [tilespmem:s16+$0x4180]  }
0x395: {  	[tilespmem:s15+$0x0] =	vst.add.f32.msk $0xffff, v1  }
0x396: {  	s15 =	sor.u32 $0xE000, s9;
	v1 =	vld [tilespmem:s8+$0x6300]  }
0x397: {  	[tilespmem:s15+$0x0] =	vst.add.f32.msk $0xffff, v2  }
0x398: {  	s15 =	sor.u32 $0xC180, s16;
	v3 =	vld [tilespmem:s9+$0x6080]  }
0x399: {  	[tilespmem:s15+$0x0] =	vst.add.f32.msk $0xffff, v0  }
.Ltmp5:
0x39a: {  	s15 =	sor.u32 $0xE300, s8;
	s8 =	smov.u32 s9;
	v2 =	vld [tilespmem:s16+$0x4200];
	(pc) =	sbr.rel @p0 .LBB2_12-.Ltmp5, $4  }
0x39b: {  	s9 =	smov.u32 s16;
	[tilespmem:s15+$0x0] =	vst.add.f32.msk $0xffff, v1;
	s15 =	sor.u32 $0x2380, s10;
	s10 =	smov.u32 s17  }
0x39c: {  	s16 =	sor.u32 $0xE080, s8;
	v0 =	vld [tilespmem:s15+$0x4000]  }
0x39d: {  	[tilespmem:s16+$0x0] =	vst.add.f32.msk $0xffff, v3  }
0x39e: {  	s16 =	sor.u32 $0xC200, s9;
	v1 =	vld [tilespmem:s8+$0x6100]  }
0x39f: {  	[tilespmem:s16+$0x0] =	vst.add.f32.msk $0xffff, v2  }
0x3a0: {  	v2 =	vld [tilespmem:s9+$0x4280];
	_ =	sdelay $0x3  }
0x3a1: {  	s11 =	sor.u32 $0xC280, s9  }
0x3a2: {  	[tilespmem:s11+$0x0] =	vst.add.f32.msk $0xffff, v2  }
0x3a3: {  	v2 =	vld [tilespmem:s9+$0x4300];
	_ =	sdelay $0x3  }
0x3a4: {  	s16 =	sor.u32 $0xC300, s9;
	s12 =	sor.u32 s13, s14  }
0x3a5: {  	s17 =	sor.u32 $0x380, s12;
	[tilespmem:s16+$0x0] =	vst.add.f32.msk $0xffff, v2  }
0x3a6: {  	v2 =	vld [tilespmem:s17+$0x4000];
	_ =	sdelay $0x4  }
0x3a7: {  	[tilespmem:s17+$0xC000] =	vst.add.f32.msk $0xffff, v2  }
0x3a8: {  	v2 =	vld [tilespmem:s9+$0x6000];
	_ =	sdelay $0x3  }
0x3a9: {  	s18 =	sor.u32 $0xE000, s9  }
0x3aa: {  	[tilespmem:s18+$0x0] =	vst.add.f32.msk $0xffff, v2  }
0x3ab: {  	v2 =	vld [tilespmem:s9+$0x6080];
	_ =	sdelay $0x3  }
0x3ac: {  	s13 =	sor.u32 $0xE080, s9  }
0x3ad: {  	[tilespmem:s13+$0x0] =	vst.add.f32.msk $0xffff, v2  }
0x3ae: {  	v2 =	vld [tilespmem:s9+$0x6100];
	_ =	sdelay $0x1  }
0x3af: {  	s14 =	sor.u32 $0xE100, s8  }
0x3b0: {  	[tilespmem:s14+$0x0] =	vst.add.f32.msk $0xffff, v1  }
0x3b1: {  	v1 =	vld [tilespmem:s8+$0x6180];
	s16 =	sor.u32 $0xE100, s9  }
0x3b2: {  	[tilespmem:s16+$0x0] =	vst.add.f32.msk $0xffff, v2  }
0x3b3: {  	v2 =	vld [tilespmem:s9+$0x6180];
	_ =	sdelay $0x1  }
0x3b4: {  	s17 =	sor.u32 $0xE180, s8  }
0x3b5: {  	[tilespmem:s17+$0x0] =	vst.add.f32.msk $0xffff, v1  }
0x3b6: {  	v1 =	vld [tilespmem:s8+$0x6200];
	s18 =	sor.u32 $0xE180, s9  }
0x3b7: {  	[tilespmem:s18+$0x0] =	vst.add.f32.msk $0xffff, v2  }
0x3b8: {  	v2 =	vld [tilespmem:s9+$0x6200];
	_ =	sdelay $0x1  }
0x3b9: {  	s13 =	sor.u32 $0xE200, s8  }
0x3ba: {  	[tilespmem:s13+$0x0] =	vst.add.f32.msk $0xffff, v1  }
0x3bb: {  	s14 =	sor.u32 $0xE200, s9;
	v1 =	vld [tilespmem:s8+$0x6280]  }
0x3bc: {  	[tilespmem:s14+$0x0] =	vst.add.f32.msk $0xffff, v2  }
0x3bd: {  	v2 =	vld [tilespmem:s9+$0x6280];
	_ =	sdelay $0x1  }
0x3be: {  	s16 =	sor.u32 $0xE280, s8  }
0x3bf: {  	[tilespmem:s16+$0x0] =	vst.add.f32.msk $0xffff, v1  }
0x3c0: {  	s17 =	sor.u32 $0xE280, s9;
	v1 =	vld [tilespmem:s8+$0x6300]  }
0x3c1: {  	[tilespmem:s17+$0x0] =	vst.add.f32.msk $0xffff, v2  }
0x3c2: {  	v2 =	vld [tilespmem:s9+$0x6300];
	_ =	sdelay $0x1  }
0x3c3: {  	s18 =	sor.u32 $0xE300, s8  }
0x3c4: {  	s10 =	sor.u32 $0x2380, s10;
	[tilespmem:s18+$0x0] =	vst.add.f32.msk $0xffff, v1  }
0x3c5: {  	s11 =	sor.u32 $0xE300, s9;
	v1 =	vld [tilespmem:s10+$0x4000]  }
0x3c6: {  	s12 =	sor.u32 $0x2380, s12;
	[tilespmem:s11+$0x0] =	vst.add.f32.msk $0xffff, v2  }
0x3c7: {  	v2 =	vld [tilespmem:s12+$0x4000];
	_ =	sdelay $0x2  }
0x3c8: {  	[tilespmem:s15+$0xC000] =	vst.add.f32.msk $0xffff, v0  }
0x3c9: {  	[tilespmem:s10+$0xC000] =	vst.add.f32.msk $0xffff, v1  }
0x3ca: {  	[tilespmem:s12+$0xC000] =	vst.add.f32.msk $0xffff, v2  }
0x3cb: {  	s9 =	simm.s32 $0x0;
	s8 =	rddreg [dreg:$0x12]  }
0x3cc: {  	[hbm4b:s8+s9] =	stream.linear.scatter [tilespmem:s23], [sflag:$0x8], $0x4000, $0x38;
	[tilespmem:$0x18000] =	vst v63  }
0x3cd: {  	s10 =	simm.s32 $0x0;
	_ =	swait.ge [sflag:s31], $0x4000  }
0x3ce: {  	s13 =	sand.u32 $0x70, s10;
	s14 =	sand.u32 $0x1C00, s9;
	[sflag:s31] =	ssyncset.done $0x0  }
0x3cf: {  	s13 =	sor.u32 s13, s14;
	[sflag:s31] =	ssyncadd.s32 $0xFFFFC000  }
0x3d0: {  	v0 =	vld [tilespmem:s13+$0x4000];
	_ =	sdelay $0x3  }
0x3d1: {  	s8 =	sor.u32 $0x10000, s13  }
0x3d2: {  	[tilespmem:s8+$0x0] =	vst.add.f32.msk $0xffff, v0  }
0x3d3: {  	v0 =	vld [tilespmem:s13+$0x4080];
	_ =	sdelay $0x3  }
0x3d4: {  	s15 =	sor.u32 $0x10080, s13  }
0x3d5: {  	[tilespmem:s15+$0x0] =	vst.add.f32.msk $0xffff, v0  }
0x3d6: {  	v0 =	vld [tilespmem:s13+$0x4100];
	_ =	sdelay $0x3  }
0x3d7: {  	s16 =	sor.u32 $0x10100, s13  }
0x3d8: {  	[tilespmem:s16+$0x0] =	vst.add.f32.msk $0xffff, v0  }
0x3d9: {  	v0 =	vld [tilespmem:s13+$0x4180];
	_ =	sdelay $0x3  }
0x3da: {  	s17 =	sor.u32 $0x10180, s13  }
0x3db: {  	[tilespmem:s17+$0x0] =	vst.add.f32.msk $0xffff, v0  }
0x3dc: {  	v0 =	vld [tilespmem:s13+$0x4200];
	_ =	sdelay $0x3  }
0x3dd: {  	s18 =	sor.u32 $0x10200, s13  }
0x3de: {  	s15 =	simm.s32 $0x10;
	s16 =	simm.s32 $0x80;
	[tilespmem:s18+$0x0] =	vst.add.f32.msk $0xffff, v0  }
0x3df: {  	s11 =	sand.u32 $0x70, s15;
	s12 =	sand.u32 $0x1C00, s16;
	v0 =	vld [tilespmem:s13+$0x4280]  }
0x3e0: {  	s8 =	sor.u32 s11, s12  }
0x3e1: {  	v1 =	vld [tilespmem:s8+$0x4000];
	_ =	sdelay $0x1  }
0x3e2: {  	s14 =	sor.u32 $0x10280, s13  }
0x3e3: {  	[tilespmem:s14+$0x0] =	vst.add.f32.msk $0xffff, v0  }
0x3e4: {  	s17 =	sor.u32 $0x10000, s8;
	v0 =	vld [tilespmem:s13+$0x4300]  }
0x3e5: {  	[tilespmem:s17+$0x0] =	vst.add.f32.msk $0xffff, v1  }
0x3e6: {  	v1 =	vld [tilespmem:s8+$0x4080];
	_ =	sdelay $0x1  }
0x3e7: {  	s18 =	sor.u32 $0x10300, s13;
	s14 =	sor.u32 s10, s9  }
0x3e8: {  	s9 =	sor.u32 $0x380, s14;
	[tilespmem:s18+$0x0] =	vst.add.f32.msk $0xffff, v0  }
0x3e9: {  	s12 =	sor.u32 $0x10080, s8;
	v0 =	vld [tilespmem:s9+$0x4000]  }
0x3ea: {  	[tilespmem:s12+$0x0] =	vst.add.f32.msk $0xffff, v1  }
0x3eb: {  	v1 =	vld [tilespmem:s8+$0x4100];
	_ =	sdelay $0x2  }
0x3ec: {  	[tilespmem:s9+$0x10000] =	vst.add.f32.msk $0xffff, v0  }
0x3ed: {  	s17 =	sor.u32 $0x10100, s8;
	v0 =	vld [tilespmem:s13+$0x6000]  }
0x3ee: {  	[tilespmem:s17+$0x0] =	vst.add.f32.msk $0xffff, v1  }
0x3ef: {  	v1 =	vld [tilespmem:s8+$0x4180];
	_ =	sdelay $0x1  }
0x3f0: {  	s18 =	sor.u32 $0x12000, s13  }
0x3f1: {  	[tilespmem:s18+$0x0] =	vst.add.f32.msk $0xffff, v0  }
0x3f2: {  	s10 =	sor.u32 $0x10180, s8;
	v0 =	vld [tilespmem:s13+$0x6080]  }
0x3f3: {  	[tilespmem:s10+$0x0] =	vst.add.f32.msk $0xffff, v1  }
0x3f4: {  	v1 =	vld [tilespmem:s8+$0x4200];
	_ =	sdelay $0x1  }
0x3f5: {  	s11 =	sor.u32 $0x12080, s13  }
0x3f6: {  	[tilespmem:s11+$0x0] =	vst.add.f32.msk $0xffff, v0  }
0x3f7: {  	s12 =	sor.u32 $0x10200, s8;
	v0 =	vld [tilespmem:s13+$0x6100]  }
0x3f8: {  	[tilespmem:s12+$0x0] =	vst.add.f32.msk $0xffff, v1;
	s12 =	simm.s32 $0x100;
	s11 =	simm.s32 $0x20  }
0x3f9: {  	v1 =	vld [tilespmem:s8+$0x4280];
	s18 =	sand.u32 $0x1C00, s12;
	s17 =	sand.u32 $0x70, s11  }
0x3fa: {  	s9 =	sor.u32 s17, s18  }
0x3fb: {  	s17 =	sor.u32 $0x12100, s13;
	v2 =	vld [tilespmem:s9+$0x4000]  }
0x3fc: {  	[tilespmem:s17+$0x0] =	vst.add.f32.msk $0xffff, v0  }
0x3fd: {  	s18 =	sor.u32 $0x10280, s8;
	v0 =	vld [tilespmem:s13+$0x6180]  }
0x3fe: {  	[tilespmem:s18+$0x0] =	vst.add.f32.msk $0xffff, v1  }
0x3ff: {  	v1 =	vld [tilespmem:s8+$0x4300];
	s17 =	sor.u32 $0x10000, s9  }
0x400: {  	[tilespmem:s17+$0x0] =	vst.add.f32.msk $0xffff, v2  }
0x401: {  	s18 =	sor.u32 $0x12180, s13;
	v2 =	vld [tilespmem:s9+$0x4080]  }
0x402: {  	[tilespmem:s18+$0x0] =	vst.add.f32.msk $0xffff, v0  }
0x403: {  	s10 =	sor.u32 s15, s16;
	s17 =	sor.u32 $0x10300, s8;
	v0 =	vld [tilespmem:s13+$0x6200]  }
0x404: {  	s15 =	sor.u32 $0x380, s10;
	[tilespmem:s17+$0x0] =	vst.add.f32.msk $0xffff, v1  }
0x405: {  	s17 =	sor.u32 $0x10080, s9;
	v1 =	vld [tilespmem:s15+$0x4000]  }
0x406: {  	[tilespmem:s17+$0x0] =	vst.add.f32.msk $0xffff, v2  }
0x407: {  	s18 =	sor.u32 $0x12200, s13;
	v2 =	vld [tilespmem:s9+$0x4100]  }
0x408: {  	[tilespmem:s18+$0x0] =	vst.add.f32.msk $0xffff, v0  }
0x409: {  	v0 =	vld [tilespmem:s13+$0x6280]  }
0x40a: {  	[tilespmem:s15+$0x10000] =	vst.add.f32.msk $0xffff, v1  }
0x40b: {  	s17 =	sor.u32 $0x10100, s9;
	v1 =	vld [tilespmem:s8+$0x6000]  }
0x40c: {  	[tilespmem:s17+$0x0] =	vst.add.f32.msk $0xffff, v2  }
0x40d: {  	s18 =	sor.u32 $0x12280, s13;
	v2 =	vld [tilespmem:s9+$0x4180]  }
0x40e: {  	[tilespmem:s18+$0x0] =	vst.add.f32.msk $0xffff, v0  }
0x40f: {  	s16 =	sor.u32 $0x12000, s8;
	v0 =	vld [tilespmem:s13+$0x6300]  }
0x410: {  	[tilespmem:s16+$0x0] =	vst.add.f32.msk $0xffff, v1  }
0x411: {  	s17 =	sor.u32 $0x10180, s9;
	v1 =	vld [tilespmem:s8+$0x6080]  }
0x412: {  	[tilespmem:s17+$0x0] =	vst.add.f32.msk $0xffff, v2  }
0x413: {  	s13 =	sor.u32 $0x12300, s13;
	v2 =	vld [tilespmem:s9+$0x4200]  }
0x414: {  	s15 =	sor.u32 $0x2380, s14;
	[tilespmem:s13+$0x0] =	vst.add.f32.msk $0xffff, v0  }
0x415: {  	s18 =	sor.u32 $0x12080, s8;
	v0 =	vld [tilespmem:s15+$0x4000]  }
0x416: {  	[tilespmem:s18+$0x0] =	vst.add.f32.msk $0xffff, v1  }
0x417: {  	s14 =	simm.s32 $0x100;
	s16 =	sor.u32 $0x10200, s9;
	v1 =	vld [tilespmem:s8+$0x6100];
	s13 =	simm.s32 $0x20  }
.LBB2_14:
0x418: {  	s11 =	sadd.s32 $0x10, s11;
	[tilespmem:s16+$0x0] =	vst.add.f32.msk $0xffff, v2;
	s12 =	sadd.s32 $0x80, s12  }
0x419: {  	s16 =	sand.u32 $0x70, s11;
	s17 =	sand.u32 $0x1C00, s12;
	p0 =	slt.u32 s11, $0x3F0;
	v2 =	vld [tilespmem:s9+$0x4280]  }
0x41a: {  	s16 =	sor.u32 s16, s17;
	[tilespmem:s15+$0x10000] =	vst.add.f32.msk $0xffff, v0  }
0x41b: {  	s15 =	sor.u32 $0x12100, s8;
	v0 =	vld [tilespmem:s16+$0x4000]  }
0x41c: {  	[tilespmem:s15+$0x0] =	vst.add.f32.msk $0xffff, v1  }
0x41d: {  	s15 =	sor.u32 $0x10280, s9;
	v1 =	vld [tilespmem:s8+$0x6180]  }
0x41e: {  	[tilespmem:s15+$0x0] =	vst.add.f32.msk $0xffff, v2  }
0x41f: {  	s15 =	sor.u32 $0x10000, s16;
	v2 =	vld [tilespmem:s9+$0x4300]  }
0x420: {  	[tilespmem:s15+$0x0] =	vst.add.f32.msk $0xffff, v0  }
0x421: {  	s15 =	sor.u32 $0x12180, s8;
	v0 =	vld [tilespmem:s16+$0x4080]  }
0x422: {  	[tilespmem:s15+$0x0] =	vst.add.f32.msk $0xffff, v1  }
0x423: {  	s17 =	sor.u32 s13, s14;
	s13 =	smov.u32 s11;
	s15 =	sor.u32 $0x10300, s9;
	v1 =	vld [tilespmem:s8+$0x6200]  }
0x424: {  	s14 =	smov.u32 s12;
	[tilespmem:s15+$0x0] =	vst.add.f32.msk $0xffff, v2;
	s15 =	sor.u32 $0x380, s17  }
0x425: {  	s18 =	sor.u32 $0x10080, s16;
	v2 =	vld [tilespmem:s15+$0x4000]  }
0x426: {  	[tilespmem:s18+$0x0] =	vst.add.f32.msk $0xffff, v0  }
0x427: {  	s18 =	sor.u32 $0x12200, s8;
	v0 =	vld [tilespmem:s16+$0x4100]  }
0x428: {  	[tilespmem:s18+$0x0] =	vst.add.f32.msk $0xffff, v1  }
0x429: {  	v1 =	vld [tilespmem:s8+$0x6280]  }
0x42a: {  	[tilespmem:s15+$0x10000] =	vst.add.f32.msk $0xffff, v2  }
0x42b: {  	s15 =	sor.u32 $0x10100, s16;
	v2 =	vld [tilespmem:s9+$0x6000]  }
0x42c: {  	[tilespmem:s15+$0x0] =	vst.add.f32.msk $0xffff, v0  }
0x42d: {  	s15 =	sor.u32 $0x12280, s8;
	v0 =	vld [tilespmem:s16+$0x4180]  }
0x42e: {  	[tilespmem:s15+$0x0] =	vst.add.f32.msk $0xffff, v1  }
0x42f: {  	s15 =	sor.u32 $0x12000, s9;
	v1 =	vld [tilespmem:s8+$0x6300]  }
0x430: {  	[tilespmem:s15+$0x0] =	vst.add.f32.msk $0xffff, v2  }
0x431: {  	s15 =	sor.u32 $0x10180, s16;
	v3 =	vld [tilespmem:s9+$0x6080]  }
0x432: {  	[tilespmem:s15+$0x0] =	vst.add.f32.msk $0xffff, v0  }
.Ltmp6:
0x433: {  	s15 =	sor.u32 $0x12300, s8;
	s8 =	smov.u32 s9;
	v2 =	vld [tilespmem:s16+$0x4200];
	(pc) =	sbr.rel @p0 .LBB2_14-.Ltmp6, $4  }
0x434: {  	s9 =	smov.u32 s16;
	[tilespmem:s15+$0x0] =	vst.add.f32.msk $0xffff, v1;
	s15 =	sor.u32 $0x2380, s10;
	s10 =	smov.u32 s17  }
0x435: {  	s16 =	sor.u32 $0x12080, s8;
	v0 =	vld [tilespmem:s15+$0x4000]  }
0x436: {  	[tilespmem:s16+$0x0] =	vst.add.f32.msk $0xffff, v3  }
0x437: {  	s16 =	sor.u32 $0x10200, s9;
	v1 =	vld [tilespmem:s8+$0x6100]  }
0x438: {  	[tilespmem:s16+$0x0] =	vst.add.f32.msk $0xffff, v2  }
0x439: {  	v2 =	vld [tilespmem:s9+$0x4280];
	_ =	sdelay $0x3  }
0x43a: {  	s11 =	sor.u32 $0x10280, s9  }
0x43b: {  	[tilespmem:s11+$0x0] =	vst.add.f32.msk $0xffff, v2  }
0x43c: {  	v2 =	vld [tilespmem:s9+$0x4300];
	_ =	sdelay $0x3  }
0x43d: {  	s16 =	sor.u32 $0x10300, s9;
	s12 =	sor.u32 s13, s14  }
0x43e: {  	s17 =	sor.u32 $0x380, s12;
	[tilespmem:s16+$0x0] =	vst.add.f32.msk $0xffff, v2  }
0x43f: {  	v2 =	vld [tilespmem:s17+$0x4000];
	_ =	sdelay $0x4  }
0x440: {  	[tilespmem:s17+$0x10000] =	vst.add.f32.msk $0xffff, v2  }
0x441: {  	v2 =	vld [tilespmem:s9+$0x6000];
	_ =	sdelay $0x3  }
0x442: {  	s18 =	sor.u32 $0x12000, s9  }
0x443: {  	[tilespmem:s18+$0x0] =	vst.add.f32.msk $0xffff, v2  }
0x444: {  	v2 =	vld [tilespmem:s9+$0x6080];
	_ =	sdelay $0x3  }
0x445: {  	s13 =	sor.u32 $0x12080, s9  }
0x446: {  	[tilespmem:s13+$0x0] =	vst.add.f32.msk $0xffff, v2  }
0x447: {  	v2 =	vld [tilespmem:s9+$0x6100];
	_ =	sdelay $0x1  }
0x448: {  	s14 =	sor.u32 $0x12100, s8  }
0x449: {  	[tilespmem:s14+$0x0] =	vst.add.f32.msk $0xffff, v1  }
0x44a: {  	v1 =	vld [tilespmem:s8+$0x6180];
	s16 =	sor.u32 $0x12100, s9  }
0x44b: {  	[tilespmem:s16+$0x0] =	vst.add.f32.msk $0xffff, v2  }
0x44c: {  	v2 =	vld [tilespmem:s9+$0x6180];
	_ =	sdelay $0x1  }
0x44d: {  	s17 =	sor.u32 $0x12180, s8  }
0x44e: {  	[tilespmem:s17+$0x0] =	vst.add.f32.msk $0xffff, v1  }
0x44f: {  	v1 =	vld [tilespmem:s8+$0x6200];
	s18 =	sor.u32 $0x12180, s9  }
0x450: {  	[tilespmem:s18+$0x0] =	vst.add.f32.msk $0xffff, v2  }
0x451: {  	v2 =	vld [tilespmem:s9+$0x6200];
	_ =	sdelay $0x1  }
0x452: {  	s13 =	sor.u32 $0x12200, s8  }
0x453: {  	[tilespmem:s13+$0x0] =	vst.add.f32.msk $0xffff, v1  }
0x454: {  	s14 =	sor.u32 $0x12200, s9;
	v1 =	vld [tilespmem:s8+$0x6280]  }
0x455: {  	[tilespmem:s14+$0x0] =	vst.add.f32.msk $0xffff, v2  }
0x456: {  	v2 =	vld [tilespmem:s9+$0x6280];
	_ =	sdelay $0x1  }
0x457: {  	s16 =	sor.u32 $0x12280, s8  }
0x458: {  	[tilespmem:s16+$0x0] =	vst.add.f32.msk $0xffff, v1  }
0x459: {  	s17 =	sor.u32 $0x12280, s9;
	v1 =	vld [tilespmem:s8+$0x6300]  }
0x45a: {  	[tilespmem:s17+$0x0] =	vst.add.f32.msk $0xffff, v2  }
0x45b: {  	v2 =	vld [tilespmem:s9+$0x6300];
	_ =	sdelay $0x1  }
0x45c: {  	s18 =	sor.u32 $0x12300, s8  }
0x45d: {  	s10 =	sor.u32 $0x2380, s10;
	[tilespmem:s18+$0x0] =	vst.add.f32.msk $0xffff, v1  }
0x45e: {  	s11 =	sor.u32 $0x12300, s9;
	v1 =	vld [tilespmem:s10+$0x4000]  }
0x45f: {  	s12 =	sor.u32 $0x2380, s12;
	[tilespmem:s11+$0x0] =	vst.add.f32.msk $0xffff, v2  }
0x460: {  	v2 =	vld [tilespmem:s12+$0x4000];
	_ =	sdelay $0x2  }
0x461: {  	[tilespmem:s15+$0x10000] =	vst.add.f32.msk $0xffff, v0  }
0x462: {  	[tilespmem:s10+$0x10000] =	vst.add.f32.msk $0xffff, v1  }
0x463: {  	s9 =	simm.s32 $0x0;
	[tilespmem:s12+$0x10000] =	vst.add.f32.msk $0xffff, v2  }
0x464: {  	[hbm4b:s19+s9] =	stream.linear.scatter [tilespmem:s28], [sflag:$0x9], $0x4000, $0x38;
	[tilespmem:$0x18000] =	vst v63  }
0x465: {  	s10 =	simm.s32 $0x0;
	_ =	swait.ge [sflag:s1], $0x4000  }
0x466: {  	s13 =	sand.u32 $0x70, s10;
	s14 =	sand.u32 $0x1C00, s9;
	[sflag:s1] =	ssyncset.done $0x0  }
0x467: {  	s13 =	sor.u32 s13, s14;
	[sflag:s1] =	ssyncadd.s32 $0xFFFFC000  }
0x468: {  	v0 =	vld [tilespmem:s13+$0x4000];
	_ =	sdelay $0x3  }
0x469: {  	s8 =	sor.u32 $0x14000, s13  }
0x46a: {  	[tilespmem:s8+$0x0] =	vst.add.f32.msk $0xffff, v0  }
0x46b: {  	v0 =	vld [tilespmem:s13+$0x4080];
	_ =	sdelay $0x3  }
0x46c: {  	s15 =	sor.u32 $0x14080, s13  }
0x46d: {  	[tilespmem:s15+$0x0] =	vst.add.f32.msk $0xffff, v0  }
0x46e: {  	v0 =	vld [tilespmem:s13+$0x4100];
	_ =	sdelay $0x3  }
0x46f: {  	s16 =	sor.u32 $0x14100, s13  }
0x470: {  	[tilespmem:s16+$0x0] =	vst.add.f32.msk $0xffff, v0  }
0x471: {  	v0 =	vld [tilespmem:s13+$0x4180];
	_ =	sdelay $0x3  }
0x472: {  	s17 =	sor.u32 $0x14180, s13  }
0x473: {  	[tilespmem:s17+$0x0] =	vst.add.f32.msk $0xffff, v0  }
0x474: {  	v0 =	vld [tilespmem:s13+$0x4200];
	_ =	sdelay $0x3  }
0x475: {  	s18 =	sor.u32 $0x14200, s13  }
0x476: {  	s15 =	simm.s32 $0x10;
	s16 =	simm.s32 $0x80;
	[tilespmem:s18+$0x0] =	vst.add.f32.msk $0xffff, v0  }
0x477: {  	s11 =	sand.u32 $0x70, s15;
	s12 =	sand.u32 $0x1C00, s16;
	v0 =	vld [tilespmem:s13+$0x4280]  }
0x478: {  	s8 =	sor.u32 s11, s12  }
0x479: {  	v1 =	vld [tilespmem:s8+$0x4000];
	_ =	sdelay $0x1  }
0x47a: {  	s14 =	sor.u32 $0x14280, s13  }
0x47b: {  	[tilespmem:s14+$0x0] =	vst.add.f32.msk $0xffff, v0  }
0x47c: {  	s17 =	sor.u32 $0x14000, s8;
	v0 =	vld [tilespmem:s13+$0x4300]  }
0x47d: {  	[tilespmem:s17+$0x0] =	vst.add.f32.msk $0xffff, v1  }
0x47e: {  	v1 =	vld [tilespmem:s8+$0x4080];
	_ =	sdelay $0x1  }
0x47f: {  	s18 =	sor.u32 $0x14300, s13;
	s14 =	sor.u32 s10, s9  }
0x480: {  	s9 =	sor.u32 $0x380, s14;
	[tilespmem:s18+$0x0] =	vst.add.f32.msk $0xffff, v0  }
0x481: {  	s12 =	sor.u32 $0x14080, s8;
	v0 =	vld [tilespmem:s9+$0x4000]  }
0x482: {  	[tilespmem:s12+$0x0] =	vst.add.f32.msk $0xffff, v1  }
0x483: {  	v1 =	vld [tilespmem:s8+$0x4100];
	_ =	sdelay $0x2  }
0x484: {  	[tilespmem:s9+$0x14000] =	vst.add.f32.msk $0xffff, v0  }
0x485: {  	s17 =	sor.u32 $0x14100, s8;
	v0 =	vld [tilespmem:s13+$0x6000]  }
0x486: {  	[tilespmem:s17+$0x0] =	vst.add.f32.msk $0xffff, v1  }
0x487: {  	v1 =	vld [tilespmem:s8+$0x4180];
	_ =	sdelay $0x1  }
0x488: {  	s18 =	sor.u32 $0x16000, s13  }
0x489: {  	[tilespmem:s18+$0x0] =	vst.add.f32.msk $0xffff, v0  }
0x48a: {  	s10 =	sor.u32 $0x14180, s8;
	v0 =	vld [tilespmem:s13+$0x6080]  }
0x48b: {  	[tilespmem:s10+$0x0] =	vst.add.f32.msk $0xffff, v1  }
0x48c: {  	v1 =	vld [tilespmem:s8+$0x4200];
	_ =	sdelay $0x1  }
0x48d: {  	s11 =	sor.u32 $0x16080, s13  }
0x48e: {  	[tilespmem:s11+$0x0] =	vst.add.f32.msk $0xffff, v0  }
0x48f: {  	s12 =	sor.u32 $0x14200, s8;
	v0 =	vld [tilespmem:s13+$0x6100]  }
0x490: {  	[tilespmem:s12+$0x0] =	vst.add.f32.msk $0xffff, v1;
	s12 =	simm.s32 $0x100;
	s11 =	simm.s32 $0x20  }
0x491: {  	v1 =	vld [tilespmem:s8+$0x4280];
	s18 =	sand.u32 $0x1C00, s12;
	s17 =	sand.u32 $0x70, s11  }
0x492: {  	s9 =	sor.u32 s17, s18  }
0x493: {  	s17 =	sor.u32 $0x16100, s13;
	v2 =	vld [tilespmem:s9+$0x4000]  }
0x494: {  	[tilespmem:s17+$0x0] =	vst.add.f32.msk $0xffff, v0  }
0x495: {  	s18 =	sor.u32 $0x14280, s8;
	v0 =	vld [tilespmem:s13+$0x6180]  }
0x496: {  	[tilespmem:s18+$0x0] =	vst.add.f32.msk $0xffff, v1  }
0x497: {  	v1 =	vld [tilespmem:s8+$0x4300];
	s17 =	sor.u32 $0x14000, s9  }
0x498: {  	[tilespmem:s17+$0x0] =	vst.add.f32.msk $0xffff, v2  }
0x499: {  	s18 =	sor.u32 $0x16180, s13;
	v2 =	vld [tilespmem:s9+$0x4080]  }
0x49a: {  	[tilespmem:s18+$0x0] =	vst.add.f32.msk $0xffff, v0  }
0x49b: {  	s10 =	sor.u32 s15, s16;
	s17 =	sor.u32 $0x14300, s8;
	v0 =	vld [tilespmem:s13+$0x6200]  }
0x49c: {  	s15 =	sor.u32 $0x380, s10;
	[tilespmem:s17+$0x0] =	vst.add.f32.msk $0xffff, v1  }
0x49d: {  	s17 =	sor.u32 $0x14080, s9;
	v1 =	vld [tilespmem:s15+$0x4000]  }
0x49e: {  	[tilespmem:s17+$0x0] =	vst.add.f32.msk $0xffff, v2  }
0x49f: {  	s18 =	sor.u32 $0x16200, s13;
	v2 =	vld [tilespmem:s9+$0x4100]  }
0x4a0: {  	[tilespmem:s18+$0x0] =	vst.add.f32.msk $0xffff, v0  }
0x4a1: {  	v0 =	vld [tilespmem:s13+$0x6280]  }
0x4a2: {  	[tilespmem:s15+$0x14000] =	vst.add.f32.msk $0xffff, v1  }
0x4a3: {  	s17 =	sor.u32 $0x14100, s9;
	v1 =	vld [tilespmem:s8+$0x6000]  }
0x4a4: {  	[tilespmem:s17+$0x0] =	vst.add.f32.msk $0xffff, v2  }
0x4a5: {  	s18 =	sor.u32 $0x16280, s13;
	v2 =	vld [tilespmem:s9+$0x4180]  }
0x4a6: {  	[tilespmem:s18+$0x0] =	vst.add.f32.msk $0xffff, v0  }
0x4a7: {  	s16 =	sor.u32 $0x16000, s8;
	v0 =	vld [tilespmem:s13+$0x6300]  }
0x4a8: {  	[tilespmem:s16+$0x0] =	vst.add.f32.msk $0xffff, v1  }
0x4a9: {  	s17 =	sor.u32 $0x14180, s9;
	v1 =	vld [tilespmem:s8+$0x6080]  }
0x4aa: {  	[tilespmem:s17+$0x0] =	vst.add.f32.msk $0xffff, v2  }
0x4ab: {  	s13 =	sor.u32 $0x16300, s13;
	v2 =	vld [tilespmem:s9+$0x4200]  }
0x4ac: {  	s15 =	sor.u32 $0x2380, s14;
	[tilespmem:s13+$0x0] =	vst.add.f32.msk $0xffff, v0  }
0x4ad: {  	s18 =	sor.u32 $0x16080, s8;
	v0 =	vld [tilespmem:s15+$0x4000]  }
0x4ae: {  	[tilespmem:s18+$0x0] =	vst.add.f32.msk $0xffff, v1  }
0x4af: {  	s14 =	simm.s32 $0x100;
	s16 =	sor.u32 $0x14200, s9;
	v1 =	vld [tilespmem:s8+$0x6100];
	s13 =	simm.s32 $0x20  }
.LBB2_16:
0x4b0: {  	s11 =	sadd.s32 $0x10, s11;
	[tilespmem:s16+$0x0] =	vst.add.f32.msk $0xffff, v2;
	s12 =	sadd.s32 $0x80, s12  }
0x4b1: {  	s16 =	sand.u32 $0x70, s11;
	s17 =	sand.u32 $0x1C00, s12;
	p0 =	slt.u32 s11, $0x3F0;
	v2 =	vld [tilespmem:s9+$0x4280]  }
0x4b2: {  	s16 =	sor.u32 s16, s17;
	[tilespmem:s15+$0x14000] =	vst.add.f32.msk $0xffff, v0  }
0x4b3: {  	s15 =	sor.u32 $0x16100, s8;
	v0 =	vld [tilespmem:s16+$0x4000]  }
0x4b4: {  	[tilespmem:s15+$0x0] =	vst.add.f32.msk $0xffff, v1  }
0x4b5: {  	s15 =	sor.u32 $0x14280, s9;
	v1 =	vld [tilespmem:s8+$0x6180]  }
0x4b6: {  	[tilespmem:s15+$0x0] =	vst.add.f32.msk $0xffff, v2  }
0x4b7: {  	s15 =	sor.u32 $0x14000, s16;
	v2 =	vld [tilespmem:s9+$0x4300]  }
0x4b8: {  	[tilespmem:s15+$0x0] =	vst.add.f32.msk $0xffff, v0  }
0x4b9: {  	s15 =	sor.u32 $0x16180, s8;
	v0 =	vld [tilespmem:s16+$0x4080]  }
0x4ba: {  	[tilespmem:s15+$0x0] =	vst.add.f32.msk $0xffff, v1  }
0x4bb: {  	s17 =	sor.u32 s13, s14;
	s13 =	smov.u32 s11;
	s15 =	sor.u32 $0x14300, s9;
	v1 =	vld [tilespmem:s8+$0x6200]  }
0x4bc: {  	s14 =	smov.u32 s12;
	[tilespmem:s15+$0x0] =	vst.add.f32.msk $0xffff, v2;
	s15 =	sor.u32 $0x380, s17  }
0x4bd: {  	s18 =	sor.u32 $0x14080, s16;
	v2 =	vld [tilespmem:s15+$0x4000]  }
0x4be: {  	[tilespmem:s18+$0x0] =	vst.add.f32.msk $0xffff, v0  }
0x4bf: {  	s18 =	sor.u32 $0x16200, s8;
	v0 =	vld [tilespmem:s16+$0x4100]  }
0x4c0: {  	[tilespmem:s18+$0x0] =	vst.add.f32.msk $0xffff, v1  }
0x4c1: {  	v1 =	vld [tilespmem:s8+$0x6280]  }
0x4c2: {  	[tilespmem:s15+$0x14000] =	vst.add.f32.msk $0xffff, v2  }
0x4c3: {  	s15 =	sor.u32 $0x14100, s16;
	v2 =	vld [tilespmem:s9+$0x6000]  }
0x4c4: {  	[tilespmem:s15+$0x0] =	vst.add.f32.msk $0xffff, v0  }
0x4c5: {  	s15 =	sor.u32 $0x16280, s8;
	v0 =	vld [tilespmem:s16+$0x4180]  }
0x4c6: {  	[tilespmem:s15+$0x0] =	vst.add.f32.msk $0xffff, v1  }
0x4c7: {  	s15 =	sor.u32 $0x16000, s9;
	v1 =	vld [tilespmem:s8+$0x6300]  }
0x4c8: {  	[tilespmem:s15+$0x0] =	vst.add.f32.msk $0xffff, v2  }
0x4c9: {  	s15 =	sor.u32 $0x14180, s16;
	v3 =	vld [tilespmem:s9+$0x6080]  }
0x4ca: {  	[tilespmem:s15+$0x0] =	vst.add.f32.msk $0xffff, v0  }
.Ltmp7:
0x4cb: {  	s15 =	sor.u32 $0x16300, s8;
	s8 =	smov.u32 s9;
	v2 =	vld [tilespmem:s16+$0x4200];
	(pc) =	sbr.rel @p0 .LBB2_16-.Ltmp7, $4  }
0x4cc: {  	s9 =	smov.u32 s16;
	[tilespmem:s15+$0x0] =	vst.add.f32.msk $0xffff, v1;
	s15 =	sor.u32 $0x2380, s10;
	s10 =	smov.u32 s17  }
0x4cd: {  	s16 =	sor.u32 $0x16080, s8;
	v0 =	vld [tilespmem:s15+$0x4000]  }
0x4ce: {  	[tilespmem:s16+$0x0] =	vst.add.f32.msk $0xffff, v3  }
0x4cf: {  	s16 =	sor.u32 $0x14200, s9;
	v1 =	vld [tilespmem:s8+$0x6100]  }
0x4d0: {  	[tilespmem:s16+$0x0] =	vst.add.f32.msk $0xffff, v2  }
0x4d1: {  	v2 =	vld [tilespmem:s9+$0x4280];
	_ =	sdelay $0x3  }
0x4d2: {  	s11 =	sor.u32 $0x14280, s9  }
0x4d3: {  	[tilespmem:s11+$0x0] =	vst.add.f32.msk $0xffff, v2  }
0x4d4: {  	v2 =	vld [tilespmem:s9+$0x4300];
	_ =	sdelay $0x3  }
0x4d5: {  	s18 =	sor.u32 $0x14300, s9;
	s12 =	sor.u32 s13, s14  }
0x4d6: {  	s13 =	sor.u32 $0x380, s12;
	[tilespmem:s18+$0x0] =	vst.add.f32.msk $0xffff, v2  }
0x4d7: {  	v2 =	vld [tilespmem:s13+$0x4000];
	_ =	sdelay $0x4  }
0x4d8: {  	[tilespmem:s13+$0x14000] =	vst.add.f32.msk $0xffff, v2  }
0x4d9: {  	v2 =	vld [tilespmem:s9+$0x6000];
	_ =	sdelay $0x3  }
0x4da: {  	s14 =	sor.u32 $0x16000, s9  }
0x4db: {  	[tilespmem:s14+$0x0] =	vst.add.f32.msk $0xffff, v2  }
0x4dc: {  	v2 =	vld [tilespmem:s9+$0x6080];
	_ =	sdelay $0x3  }
0x4dd: {  	s16 =	sor.u32 $0x16080, s9  }
0x4de: {  	[tilespmem:s16+$0x0] =	vst.add.f32.msk $0xffff, v2  }
0x4df: {  	v2 =	vld [tilespmem:s9+$0x6100];
	_ =	sdelay $0x1  }
0x4e0: {  	s17 =	sor.u32 $0x16100, s8  }
0x4e1: {  	[tilespmem:s17+$0x0] =	vst.add.f32.msk $0xffff, v1  }
0x4e2: {  	v1 =	vld [tilespmem:s8+$0x6180];
	s18 =	sor.u32 $0x16100, s9  }
0x4e3: {  	[tilespmem:s18+$0x0] =	vst.add.f32.msk $0xffff, v2  }
0x4e4: {  	v2 =	vld [tilespmem:s9+$0x6180];
	_ =	sdelay $0x1  }
0x4e5: {  	s13 =	sor.u32 $0x16180, s8  }
0x4e6: {  	[tilespmem:s13+$0x0] =	vst.add.f32.msk $0xffff, v1  }
0x4e7: {  	v1 =	vld [tilespmem:s8+$0x6200];
	s14 =	sor.u32 $0x16180, s9  }
0x4e8: {  	[tilespmem:s14+$0x0] =	vst.add.f32.msk $0xffff, v2  }
0x4e9: {  	v2 =	vld [tilespmem:s9+$0x6200];
	_ =	sdelay $0x1  }
0x4ea: {  	s16 =	sor.u32 $0x16200, s8  }
0x4eb: {  	[tilespmem:s16+$0x0] =	vst.add.f32.msk $0xffff, v1  }
0x4ec: {  	s17 =	sor.u32 $0x16200, s9;
	v1 =	vld [tilespmem:s8+$0x6280]  }
0x4ed: {  	[tilespmem:s17+$0x0] =	vst.add.f32.msk $0xffff, v2  }
0x4ee: {  	v2 =	vld [tilespmem:s9+$0x6280];
	_ =	sdelay $0x1  }
0x4ef: {  	s18 =	sor.u32 $0x16280, s8  }
0x4f0: {  	[tilespmem:s18+$0x0] =	vst.add.f32.msk $0xffff, v1  }
0x4f1: {  	s13 =	sor.u32 $0x16280, s9;
	v1 =	vld [tilespmem:s8+$0x6300]  }
0x4f2: {  	[tilespmem:s13+$0x0] =	vst.add.f32.msk $0xffff, v2  }
0x4f3: {  	v2 =	vld [tilespmem:s9+$0x6300];
	_ =	sdelay $0x1  }
0x4f4: {  	s14 =	sor.u32 $0x16300, s8  }
0x4f5: {  	s16 =	sor.u32 $0x2380, s10;
	[tilespmem:s14+$0x0] =	vst.add.f32.msk $0xffff, v1  }
0x4f6: {  	v1 =	vld [tilespmem:s16+$0x4000];
	s17 =	sor.u32 $0x16300, s9  }
0x4f7: {  	s18 =	sor.u32 $0x2380, s12;
	[tilespmem:s17+$0x0] =	vst.add.f32.msk $0xffff, v2  }
0x4f8: {  	v2 =	vld [tilespmem:s18+$0x4000];
	_ =	sdelay $0x2  }
0x4f9: {  	[tilespmem:s15+$0x14000] =	vst.add.f32.msk $0xffff, v0  }
0x4fa: {  	[tilespmem:s16+$0x14000] =	vst.add.f32.msk $0xffff, v1  }
0x4fb: {  	s6 =	sadd.s32 $0x1, s6;
	[tilespmem:s18+$0x14000] =	vst.add.f32.msk $0xffff, v2  }
0x4fc: {  	[hbm4b:s20+s2] =	stream.linear.scatter [tilespmem:s30], [sflag:$0xA], $0x4000, $0x38;
	[tilespmem:$0x18000] =	vst v63  }
0x4fd: {  	p0 =	sne.s32 s6, s21;
	_ =	swait.ge [sflag:s4], $0x4000  }
.Ltmp8:
0x4fe: {  	[sflag:s4] =	ssyncset.done $0x0;
	(pc) =	sbr.rel @p0 .LBB2_1-.Ltmp8, $4  }
0x4ff: {  	[sflag:s4] =	ssyncadd.s32 $0xFFFFC000  }
0x500: {  	_ =	swait.ge [sflag:s5], $0x4000  }
0x501: {  	[sflag:s5] =	ssyncset.done $0x0  }
0x502: {  	[sflag:s5] =	ssyncadd.s32 $0xFFFFC000  }
0x503: {  	_ =	sfence.sel $0x180000  }
0x504: {  	[bflag:$0x0] =	sbarrier.arrive $0xFFFF  }
0x505: {  	_ =	strace $0x90000047  }
0x506: {  	s0 =	stileid.u32;
	[bflag:$0x2] =	sbarrier.arrive $0xFFFF  }
0x507: {  	p0 =	sne.s32 s0, $0x0;
	s0 =	rddreg [dreg:$0x3]  }
0x508: {  	s0 =	sadd.s32 @!p0 $0x100000, s0  }
0x509: {  	[sflag:s0] =	ssyncadd.tile.s32 @!p0 $0x1;
	_ =	shalt  }
.Lfunc_end2:
_tile_overlayer_lowered:
.L_overlay_start_2:
0x50a: {  	(tag) =	ssettag $0x2  }
0x50b: {  	s0 =	rddreg [dreg:$0x0];
	s2 =	stileid.u32  }
0x50c: {  	s1 =	rddreg [dreg:$0x1];
	p0 =	sne.s32 s2, $0x0  }
0x50d: {  	s3 =	rddreg [dreg:$0x2];
	[bflag:$0x3] =	sbarrier.arrive $0xFFFF;
	s2 =	simm.s32 @!p0 $0x1C0B  }
0x50e: {  	[timem:s3], [sflag:s2] =	dma.local @!p0 [hbm:s0], s1  }
0x50f: {  	s0 =	simm.s32 @!p0 $0xB  }
0x510: {  	_ =	swait.ge @!p0 [sflag:s0], s1  }
0x511: {  	s1 =	ssub.s32 @!p0 $0x0, s1;
	[sflag:s0] =	ssyncset.done @!p0 $0x0  }
0x512: {  	[sflag:s0] =	ssyncadd.s32 @!p0 s1  }
0x513: {  	[bflag:$0x3] =	sbarrier.arrive $0xFFFF  }
0x514: {  	_ =	shalt  }

</sc_bundles>
